<compile_context>
chip_gen: v7x
topology: tpu7x:2x2x1
jax: 0.10.2.dev20260603
libtpu: 0.0.44.dev20260713+nightly
codegen_flags: <defaults>
</compile_context>

<pallas_src>
import functools

import jax
import jax.numpy as jnp
from jax import lax
from jax.experimental import pallas as pl
from jax.experimental.pallas import tpu as pltpu
from jax.experimental.pallas import tpu_sc as plsc

_EMB = 32
_NSH = 4
_NW = 32
_L = 16
_C2 = 256
_G = 16
_LCAP = _C2 + _NSH * _G
_GLEN = _C2 + _G


def _build(b_total):
    c = b_total // _NW
    nsub = c // _C2
    ngrp = _C2 // _L
    nk = _C2 // _G

    mesh = plsc.VectorSubcoreMesh(core_axis_name="c", subcore_axis_name="s")

    @functools.partial(
        pl.kernel,
        mesh=mesh,
        out_type=jax.ShapeDtypeStruct((b_total * _EMB,), jnp.float32),
        scratch_types=[
            pltpu.VMEM((c,), jnp.int32),
            pltpu.VMEM((_GLEN,), jnp.int32),
            pltpu.VMEM((_GLEN,), jnp.int32),
            pltpu.VMEM((_GLEN,), jnp.int32),
            pltpu.VMEM((_GLEN,), jnp.int32),
            pltpu.VMEM((_GLEN,), jnp.int32),
            pltpu.VMEM((_GLEN,), jnp.int32),
            pltpu.VMEM((_GLEN,), jnp.int32),
            pltpu.VMEM((_GLEN,), jnp.int32),
            pltpu.VMEM((_C2,), jnp.int32),
            pltpu.VMEM((_C2,), jnp.int32),
            pltpu.VMEM((_L,), jnp.int32),
            pltpu.VMEM((_L,), jnp.int32),
            pltpu.VMEM((_LCAP, 128), jnp.float32),
            pltpu.VMEM((_LCAP, 128), jnp.float32),
            pltpu.VMEM((_C2 * _EMB,), jnp.float32),
            pltpu.SemaphoreType.DMA,
            pltpu.SemaphoreType.DMA,
        ],
        compiler_params=pltpu.CompilerParams(needs_layout_passes=False),
    )
    def lookup(ids_h, t0, t1, t2, t3, out_h,
               ids_v, gl00, gl01, gl02, gl03, gl10, gl11, gl12, gl13,
               rel0, rel1, stv0, stv1, gbuf0, gbuf1, obuf, gs0, gs1):
        tbls = (t0, t1, t2, t3)
        glsA = ((gl00, gl01, gl02, gl03), (gl10, gl11, gl12, gl13))
        relA = (rel0, rel1)
        stvA = (stv0, stv1)
        gbufA = (gbuf0, gbuf1)
        gsA = (gs0, gs1)

        wid = lax.axis_index("s") * 2 + lax.axis_index("c")
        wbase = wid * c
        pltpu.sync_copy(ids_h.at[pl.ds(wbase, c)], ids_v)

        iota = lax.broadcasted_iota(jnp.int32, (_L,), 0)
        full = iota >= 0
        zero16 = jnp.zeros((_L,), jnp.int32)

        def compact(sbase, gls, rel_v, st_v):
            def cgroup(g, offs):
                v = ids_v[pl.ds(sbase + g * _L, _L)]
                sh = v & (_NSH - 1)
                line = lax.shift_right_logical(v, 4)
                rel = zero16
                new = []
                for t in range(_NSH):
                    m = sh == t
                    cs = plsc.cumsum(m.astype(jnp.int32))
                    pos = offs[t] + cs - 1
                    plsc.store_scatter(gls[t], [pos], line, mask=m)
                    rel = jnp.where(m, pos, rel)
                    new.append(offs[t] + cs[_L - 1])
                rel_v[pl.ds(g * _L, _L)] = rel
                return tuple(new)

            offs = lax.fori_loop(0, ngrp, cgroup, (jnp.int32(0),) * _NSH)
            for t in range(_NSH):
                plsc.store_scatter(gls[t], [offs[t] + iota], zero16, mask=full)
            starts = []
            acc = jnp.int32(0)
            for t in range(_NSH):
                starts.append(acc)
                acc = acc + ((offs[t] + (_G - 1)) & ~(_G - 1))
            sv = zero16
            for t in range(_NSH):
                sv = jnp.where(iota == t, starts[t], sv)
            st_v[pl.ds(0, _L)] = sv
            return offs, starts

        def dma_each(offs, starts, gls, gbuf, gsem, op):
            for t in range(_NSH):
                def body(k, _, t=t, n=offs[t], st=starts[t]):
                    @pl.when(k * _G < n)
                    def _():
                        cp = pltpu.make_async_copy(
                            tbls[t].at[gls[t].at[pl.ds(k * _G, _G)]],
                            gbuf.at[pl.ds(st + k * _G, _G)],
                            gsem,
                        )
                        cp.start() if op == "start" else cp.wait()
                    return 0
                lax.fori_loop(0, nk, body, 0)

        def extract(sbase, rel_v, st_v, gbuf):
            def egroup(g, _):
                v = ids_v[pl.ds(sbase + g * _L, _L)]
                sh = v & (_NSH - 1)
                sub = lax.shift_right_logical(v, 2) & (_NSH - 1)
                rel = rel_v[pl.ds(g * _L, _L)]
                slot = plsc.load_gather(st_v, [sh]) + rel
                slot = jnp.minimum(jnp.maximum(slot, 0), _LCAP - 1)
                col0 = sub * _EMB
                for l in range(_L):
                    r = slot[l]
                    cb = col0[l]
                    e = (g * _L + l) * _EMB
                    obuf[pl.ds(e, _L)] = gbuf[r, pl.ds(cb, _L)]
                    obuf[pl.ds(e + _L, _L)] = gbuf[r, pl.ds(cb + _L, _L)]
                return 0

            lax.fori_loop(0, ngrp, egroup, 0)

        def step(s, carry, par):
            n_prev = carry[:_NSH]
            st_prev = carry[_NSH:]
            s_eff = jnp.minimum(s, nsub - 1)
            offs, starts = compact(s_eff * _C2, glsA[par], relA[par], stvA[par])
            n_live = tuple(jnp.where(s < nsub, offs[t], 0) for t in range(_NSH))
            dma_each(n_live, starts, glsA[par], gbufA[par], gsA[par], "start")
            dma_each(n_prev, st_prev, glsA[1 - par], gbufA[1 - par],
                     gsA[1 - par], "wait")
            sp = jnp.maximum(s - 1, 0)
            extract(sp * _C2, relA[1 - par], stvA[1 - par], gbufA[1 - par])

            @pl.when(s >= 1)
            def _():
                pltpu.sync_copy(
                    obuf,
                    out_h.at[pl.ds((wbase + sp * _C2) * _EMB, _C2 * _EMB)])
            return n_live + tuple(starts)

        def dbody(i, carry):
            carry = step(2 * i, carry, 0)
            carry = step(2 * i + 1, carry, 1)
            return carry

        lax.fori_loop(0, (nsub + 2) // 2, dbody, (jnp.int32(0),) * (2 * _NSH))

    return lookup


def kernel(inputs, emb_0, emb_1, emb_2, emb_3):
    batch, steps = inputs.shape
    b_total = batch * steps
    ids = inputs.reshape(b_total)
    lines = emb_0.shape[0] // _NSH
    tbls = [e.reshape(lines, _NSH * _EMB) for e in (emb_0, emb_1, emb_2, emb_3)]
    out = _build(b_total)(ids, *tbls)
    return out.reshape(batch, steps, _EMB)

# --- scband reference (transcript-rebuilt; emitter-appended) ---
"""Pipeline reference for scband-embedding-inputlayer-9466107921079 (READ-ONLY COPY).

The authoritative reference and input builder live on the scoring server;
editing this copy changes nothing except your own understanding.
"""

import jax, jax.numpy as jnp
import numpy as np

VOCAB = 1000000
EMB = 32
NUM_SHARDS = 4
SHARD_SIZE = (VOCAB + NUM_SHARDS - 1) // NUM_SHARDS  # 250000
BATCH = 4096
NUM_STEPS = 50


def setup_inputs(seed: int = 0) -> dict:
    key = jax.random.key(seed)
    keys = jax.random.split(key, NUM_SHARDS + 1)
    inputs = jax.random.randint(keys[0], (BATCH, NUM_STEPS), 0, VOCAB, dtype=jnp.int32)
    out = {"inputs": inputs}
    # Embedding shards, mimicking tf.random_uniform_initializer(-0.1, 0.1)
    for i in range(NUM_SHARDS):
        out["emb_%d" % i] = jax.random.uniform(
            keys[i + 1], (SHARD_SIZE, EMB), minval=-0.1, maxval=0.1, dtype=jnp.float32
        )
    return out


def reference(inputs, emb_0, emb_1, emb_2, emb_3):
    # tf.nn.embedding_lookup with a list of shards uses the 'mod' partition
    # strategy by default: id -> shard (id % num_shards), row (id // num_shards).
    stacked = jnp.stack([emb_0, emb_1, emb_2, emb_3], axis=0)  # [num_shards, shard_size, emb]
    shard_ids = inputs % NUM_SHARDS
    row_ids = inputs // NUM_SHARDS
    embed = stacked[shard_ids, row_ids]  # gather -> [batch, num_steps, emb]
    return embed

if __name__ == "__main__":
    import jax
    _d = setup_inputs()
    print(jax.jit(kernel)(*tuple(_d.values())))

</pallas_src>

<mosaic_0001>
#map = affine_map<(d0, d1) -> (0)>
#map1 = affine_map<(d0, d1) -> (0, 0)>
module attributes {stable_mosaic.version = 14 : i64} {
  func.func @lookup(%arg0: i32, %arg1: i32, %arg2: memref<204800xi32, #tpu.memory_space<hbm>>, %arg3: memref<62500x128xf32, #tpu.memory_space<hbm>>, %arg4: memref<62500x128xf32, #tpu.memory_space<hbm>>, %arg5: memref<62500x128xf32, #tpu.memory_space<hbm>>, %arg6: memref<62500x128xf32, #tpu.memory_space<hbm>>, %arg7: memref<6553600xf32, #tpu.memory_space<hbm>>, %arg8: memref<6400xi32, #tpu.memory_space<vmem>>, %arg9: memref<272xi32, #tpu.memory_space<vmem>>, %arg10: memref<272xi32, #tpu.memory_space<vmem>>, %arg11: memref<272xi32, #tpu.memory_space<vmem>>, %arg12: memref<272xi32, #tpu.memory_space<vmem>>, %arg13: memref<272xi32, #tpu.memory_space<vmem>>, %arg14: memref<272xi32, #tpu.memory_space<vmem>>, %arg15: memref<272xi32, #tpu.memory_space<vmem>>, %arg16: memref<272xi32, #tpu.memory_space<vmem>>, %arg17: memref<256xi32, #tpu.memory_space<vmem>>, %arg18: memref<256xi32, #tpu.memory_space<vmem>>, %arg19: memref<16xi32, #tpu.memory_space<vmem>>, %arg20: memref<16xi32, #tpu.memory_space<vmem>>, %arg21: memref<320x128xf32, #tpu.memory_space<vmem>>, %arg22: memref<320x128xf32, #tpu.memory_space<vmem>>, %arg23: memref<8192xf32, #tpu.memory_space<vmem>>, %arg24: memref<!tpu.dma_semaphore, #tpu.memory_space<semaphore_mem>>, %arg25: memref<!tpu.dma_semaphore, #tpu.memory_space<semaphore_mem>>) attributes {dimension_semantics = [#tpu.dimension_semantics<core_parallel>, #tpu.dimension_semantics<subcore_parallel>], iteration_bounds = array<i64: 2, 16>, scalar_prefetch = 0 : i64, scratch_operands = 18 : i64, tpu.core_type = #tpu.core_type<sc_vector_subcore>, window_params = [{transform_indices = #map}, {transform_indices = #map1}, {transform_indices = #map1}, {transform_indices = #map1}, {transform_indices = #map1}, {transform_indices = #map}]} {
    %mul3A = arith.constant 2 : i32
    %mul3A_0 = arith.muli %arg1, %mul3A : i32
    %add3A = arith.addi %mul3A_0, %arg0 : i32
    %mul3A_1 = arith.constant 6400 : i32
    %mul3A_2 = arith.muli %add3A, %mul3A_1 : i32
    "tpu.region"() ({
      %run_scoped3A = tpu.sem_alloc : memref<!tpu.dma_semaphore, #tpu.memory_space<semaphore_mem>>
      %dma_start3A = tpu.memref_slice %arg2[%mul3A_2] : memref<204800xi32, #tpu.memory_space<hbm>> -> memref<6400xi32, #tpu.memory_space<hbm>>
      %dma_start3A_19 = tpu.memref_slice %arg2[%mul3A_2] : memref<204800xi32, #tpu.memory_space<hbm>> -> memref<6400xi32, #tpu.memory_space<hbm>>
      tpu.enqueue_dma source(%dma_start3A_19 : memref<6400xi32, #tpu.memory_space<hbm>>) target(%arg8 : memref<6400xi32, #tpu.memory_space<vmem>>) target_semaphore(%run_scoped3A : memref<!tpu.dma_semaphore, #tpu.memory_space<semaphore_mem>>)
      %dma_wait3A = tpu.memref_slice %arg2[%mul3A_2] : memref<204800xi32, #tpu.memory_space<hbm>> -> memref<6400xi32, #tpu.memory_space<hbm>>
      %dma_wait3A_20 = tpu.memref_slice %arg2[%mul3A_2] : memref<204800xi32, #tpu.memory_space<hbm>> -> memref<6400xi32, #tpu.memory_space<hbm>>
      tpu.wait_dma2 semaphore(%run_scoped3A : memref<!tpu.dma_semaphore, #tpu.memory_space<semaphore_mem>>) src(%dma_wait3A_20 : memref<6400xi32, #tpu.memory_space<hbm>>) dst(%arg8 : memref<6400xi32, #tpu.memory_space<vmem>>)
      tpu.yield
    }) : () -> ()
    %iota3A = tpu.iota {dimensions = array<i32: 0>} : vector<16xi32>
    %ge3A = arith.constant 0 : i32
    %ge3A_3 = vector.broadcast %ge3A : i32 to vector<16xi32>
    %ge3A_4 = arith.cmpi sge, %iota3A, %ge3A_3 : vector<16xi32>
    %broadcast_in_dim3A = arith.constant 0 : i32
    %broadcast_in_dim3A_5 = vector.broadcast %broadcast_in_dim3A : i32 to vector<16xi32>
    %scan3A = arith.constant 0 : i32
    %scan3A_6 = arith.constant 0 : i32
    %scan3A_7 = arith.constant 0 : i32
    %scan3A_8 = arith.constant 0 : i32
    %scan3A_9 = arith.constant 0 : i32
    %scan3A_10 = arith.constant 0 : i32
    %scan3A_11 = arith.constant 0 : i32
    %scan3A_12 = arith.constant 0 : i32
    %scan3A_13 = arith.constant 0 : i32
    %scan3A_14 = arith.constant 13 : i32
    %scan3A_15 = arith.addi %scan3A_13, %scan3A_14 : i32
    %scan3A_16 = arith.constant 1 : i32
    %scan3A_17:8 = scf.for %scan3A_19 = %scan3A_13 to %scan3A_15 step %scan3A_16 iter_args(%scan3A_20 = %scan3A, %scan3A_21 = %scan3A_6, %scan3A_22 = %scan3A_7, %scan3A_23 = %scan3A_8, %scan3A_24 = %scan3A_9, %scan3A_25 = %scan3A_10, %scan3A_26 = %scan3A_11, %scan3A_27 = %scan3A_12) -> (i32, i32, i32, i32, i32, i32, i32, i32)  : i32 {
      %mul3A_28 = arith.constant 2 : i32
      %mul3A_29 = arith.muli %mul3A_28, %scan3A_19 : i32
      %min3A = arith.constant 24 : i32
      %min3A_30 = arith.minsi %mul3A_29, %min3A : i32
      %mul3A_31 = arith.constant 256 : i32
      %mul3A_32 = arith.muli %min3A_30, %mul3A_31 : i32
      %scan3A_33 = arith.constant 0 : i32
      %scan3A_34 = arith.constant 0 : i32
      %scan3A_35 = arith.constant 0 : i32
      %scan3A_36 = arith.constant 0 : i32
      %scan3A_37 = arith.constant 0 : i32
      %scan3A_38 = arith.constant 16 : i32
      %scan3A_39 = arith.addi %scan3A_37, %scan3A_38 : i32
      %scan3A_40 = arith.constant 1 : i32
      %scan3A_41:4 = scf.for %scan3A_339 = %scan3A_37 to %scan3A_39 step %scan3A_40 iter_args(%scan3A_340 = %scan3A_33, %scan3A_341 = %scan3A_34, %scan3A_342 = %scan3A_35, %scan3A_343 = %scan3A_36) -> (i32, i32, i32, i32)  : i32 {
        %mul3A_344 = arith.constant 16 : i32
        %mul3A_345 = arith.muli %scan3A_339, %mul3A_344 : i32
        %add3A_346 = arith.addi %mul3A_32, %mul3A_345 : i32
        %get3A = arith.index_cast %add3A_346 : i32 to index
        %get3A_347 = tpu.vector_load %arg8[%get3A] {strides = array<i32>} : memref<6400xi32, #tpu.memory_space<vmem>>, vector<16xi32>,
        %and3A_348 = arith.constant 3 : i32
        %and3A_349 = vector.broadcast %and3A_348 : i32 to vector<16xi32>
        %and3A_350 = arith.andi %get3A_347, %and3A_349 : vector<16xi32>
        %shift_right_logical3A = arith.constant 4 : i32
        %shift_right_logical3A_351 = vector.broadcast %shift_right_logical3A : i32 to vector<16xi32>
        %shift_right_logical3A_352 = arith.shrui %get3A_347, %shift_right_logical3A_351 : vector<16xi32>
        %eq3A_353 = arith.constant 0 : i32
        %eq3A_354 = vector.broadcast %eq3A_353 : i32 to vector<16xi32>
        %eq3A_355 = arith.cmpi eq, %and3A_350, %eq3A_354 : vector<16xi32>
        %convert_element_type3A_356 = arith.extui %eq3A_355 : vector<16xi1> to vector<16xi32>
        %broadcast_in_dim3A_357 = arith.constant true
        %broadcast_in_dim3A_358 = vector.broadcast %broadcast_in_dim3A_357 : i1 to vector<16xi1>
        %masked_cumsum3A = tpu.scan <sum>, %convert_element_type3A_356 masked %broadcast_in_dim3A_358 : vector<16xi32>, vector<16xi1> -> vector<16xi32>
        %add3A_359 = vector.broadcast %scan3A_340 : i32 to vector<16xi32>
        %add3A_360 = arith.addi %add3A_359, %masked_cumsum3A : vector<16xi32>
        %sub3A_361 = arith.constant 1 : i32
        %sub3A_362 = vector.broadcast %sub3A_361 : i32 to vector<16xi32>
        %sub3A_363 = arith.subi %add3A_360, %sub3A_362 : vector<16xi32>
        tpu.vector_store_idx %arg9[%sub3A_363], %shift_right_logical3A_352 masked %eq3A_355 : memref<272xi32, #tpu.memory_space<vmem>>[vector<16xi32>], vector<16xi32>, vector<16xi1>
        %select_n3A_364 = arith.select %eq3A_355, %sub3A_363, %broadcast_in_dim3A_5 : vector<16xi1>, vector<16xi32>
        %slice3A = vector.extract_strided_slice %masked_cumsum3A {offsets = [15], sizes = [1], strides = [1]} : vector<16xi32> to vector<1xi32>
        %squeeze3A = vector.extract %slice3A[0] : i32 from vector<1xi32>
        %add3A_365 = arith.addi %scan3A_340, %squeeze3A : i32
        %eq3A_366 = arith.constant 1 : i32
        %eq3A_367 = vector.broadcast %eq3A_366 : i32 to vector<16xi32>
        %eq3A_368 = arith.cmpi eq, %and3A_350, %eq3A_367 : vector<16xi32>
        %convert_element_type3A_369 = arith.extui %eq3A_368 : vector<16xi1> to vector<16xi32>
        %broadcast_in_dim3A_370 = arith.constant true
        %broadcast_in_dim3A_371 = vector.broadcast %broadcast_in_dim3A_370 : i1 to vector<16xi1>
        %masked_cumsum3A_372 = tpu.scan <sum>, %convert_element_type3A_369 masked %broadcast_in_dim3A_371 : vector<16xi32>, vector<16xi1> -> vector<16xi32>
        %add3A_373 = vector.broadcast %scan3A_341 : i32 to vector<16xi32>
        %add3A_374 = arith.addi %add3A_373, %masked_cumsum3A_372 : vector<16xi32>
        %sub3A_375 = arith.constant 1 : i32
        %sub3A_376 = vector.broadcast %sub3A_375 : i32 to vector<16xi32>
        %sub3A_377 = arith.subi %add3A_374, %sub3A_376 : vector<16xi32>
        tpu.vector_store_idx %arg10[%sub3A_377], %shift_right_logical3A_352 masked %eq3A_368 : memref<272xi32, #tpu.memory_space<vmem>>[vector<16xi32>], vector<16xi32>, vector<16xi1>
        %select_n3A_378 = arith.select %eq3A_368, %sub3A_377, %select_n3A_364 : vector<16xi1>, vector<16xi32>
        %slice3A_379 = vector.extract_strided_slice %masked_cumsum3A_372 {offsets = [15], sizes = [1], strides = [1]} : vector<16xi32> to vector<1xi32>
        %squeeze3A_380 = vector.extract %slice3A_379[0] : i32 from vector<1xi32>
        %add3A_381 = arith.addi %scan3A_341, %squeeze3A_380 : i32
        %eq3A_382 = arith.constant 2 : i32
        %eq3A_383 = vector.broadcast %eq3A_382 : i32 to vector<16xi32>
        %eq3A_384 = arith.cmpi eq, %and3A_350, %eq3A_383 : vector<16xi32>
        %convert_element_type3A_385 = arith.extui %eq3A_384 : vector<16xi1> to vector<16xi32>
        %broadcast_in_dim3A_386 = arith.constant true
        %broadcast_in_dim3A_387 = vector.broadcast %broadcast_in_dim3A_386 : i1 to vector<16xi1>
        %masked_cumsum3A_388 = tpu.scan <sum>, %convert_element_type3A_385 masked %broadcast_in_dim3A_387 : vector<16xi32>, vector<16xi1> -> vector<16xi32>
        %add3A_389 = vector.broadcast %scan3A_342 : i32 to vector<16xi32>
        %add3A_390 = arith.addi %add3A_389, %masked_cumsum3A_388 : vector<16xi32>
        %sub3A_391 = arith.constant 1 : i32
        %sub3A_392 = vector.broadcast %sub3A_391 : i32 to vector<16xi32>
        %sub3A_393 = arith.subi %add3A_390, %sub3A_392 : vector<16xi32>
        tpu.vector_store_idx %arg11[%sub3A_393], %shift_right_logical3A_352 masked %eq3A_384 : memref<272xi32, #tpu.memory_space<vmem>>[vector<16xi32>], vector<16xi32>, vector<16xi1>
        %select_n3A_394 = arith.select %eq3A_384, %sub3A_393, %select_n3A_378 : vector<16xi1>, vector<16xi32>
        %slice3A_395 = vector.extract_strided_slice %masked_cumsum3A_388 {offsets = [15], sizes = [1], strides = [1]} : vector<16xi32> to vector<1xi32>
        %squeeze3A_396 = vector.extract %slice3A_395[0] : i32 from vector<1xi32>
        %add3A_397 = arith.addi %scan3A_342, %squeeze3A_396 : i32
        %eq3A_398 = arith.constant 3 : i32
        %eq3A_399 = vector.broadcast %eq3A_398 : i32 to vector<16xi32>
        %eq3A_400 = arith.cmpi eq, %and3A_350, %eq3A_399 : vector<16xi32>
        %convert_element_type3A_401 = arith.extui %eq3A_400 : vector<16xi1> to vector<16xi32>
        %broadcast_in_dim3A_402 = arith.constant true
        %broadcast_in_dim3A_403 = vector.broadcast %broadcast_in_dim3A_402 : i1 to vector<16xi1>
        %masked_cumsum3A_404 = tpu.scan <sum>, %convert_element_type3A_401 masked %broadcast_in_dim3A_403 : vector<16xi32>, vector<16xi1> -> vector<16xi32>
        %add3A_405 = vector.broadcast %scan3A_343 : i32 to vector<16xi32>
        %add3A_406 = arith.addi %add3A_405, %masked_cumsum3A_404 : vector<16xi32>
        %sub3A_407 = arith.constant 1 : i32
        %sub3A_408 = vector.broadcast %sub3A_407 : i32 to vector<16xi32>
        %sub3A_409 = arith.subi %add3A_406, %sub3A_408 : vector<16xi32>
        tpu.vector_store_idx %arg12[%sub3A_409], %shift_right_logical3A_352 masked %eq3A_400 : memref<272xi32, #tpu.memory_space<vmem>>[vector<16xi32>], vector<16xi32>, vector<16xi1>
        %select_n3A_410 = arith.select %eq3A_400, %sub3A_409, %select_n3A_394 : vector<16xi1>, vector<16xi32>
        %slice3A_411 = vector.extract_strided_slice %masked_cumsum3A_404 {offsets = [15], sizes = [1], strides = [1]} : vector<16xi32> to vector<1xi32>
        %squeeze3A_412 = vector.extract %slice3A_411[0] : i32 from vector<1xi32>
        %add3A_413 = arith.addi %scan3A_343, %squeeze3A_412 : i32
        %mul3A_414 = arith.constant 16 : i32
        %mul3A_415 = arith.muli %scan3A_339, %mul3A_414 : i32
        %swap3A_416 = arith.index_cast %mul3A_415 : i32 to index
        %swap3A_417 = tpu.vector_load %arg17[%swap3A_416] {strides = array<i32>} : memref<256xi32, #tpu.memory_space<vmem>>, vector<16xi32>,
        tpu.vector_store %arg17[%swap3A_416], %select_n3A_410 {strides = array<i32>} : memref<256xi32, #tpu.memory_space<vmem>>, vector<16xi32>,
        scf.yield %add3A_365, %add3A_381, %add3A_397, %add3A_413 : i32, i32, i32, i32
      }
      %scan3A_42 = arith.constant 16 : i32
      %add3A_43 = vector.broadcast %scan3A_41#0 : i32 to vector<16xi32>
      %add3A_44 = arith.addi %add3A_43, %iota3A : vector<16xi32>
      tpu.vector_store_idx %arg9[%add3A_44], %broadcast_in_dim3A_5 masked %ge3A_4 : memref<272xi32, #tpu.memory_space<vmem>>[vector<16xi32>], vector<16xi32>, vector<16xi1>
      %add3A_45 = vector.broadcast %scan3A_41#1 : i32 to vector<16xi32>
      %add3A_46 = arith.addi %add3A_45, %iota3A : vector<16xi32>
      tpu.vector_store_idx %arg10[%add3A_46], %broadcast_in_dim3A_5 masked %ge3A_4 : memref<272xi32, #tpu.memory_space<vmem>>[vector<16xi32>], vector<16xi32>, vector<16xi1>
      %add3A_47 = vector.broadcast %scan3A_41#2 : i32 to vector<16xi32>
      %add3A_48 = arith.addi %add3A_47, %iota3A : vector<16xi32>
      tpu.vector_store_idx %arg11[%add3A_48], %broadcast_in_dim3A_5 masked %ge3A_4 : memref<272xi32, #tpu.memory_space<vmem>>[vector<16xi32>], vector<16xi32>, vector<16xi1>
      %add3A_49 = vector.broadcast %scan3A_41#3 : i32 to vector<16xi32>
      %add3A_50 = arith.addi %add3A_49, %iota3A : vector<16xi32>
      tpu.vector_store_idx %arg12[%add3A_50], %broadcast_in_dim3A_5 masked %ge3A_4 : memref<272xi32, #tpu.memory_space<vmem>>[vector<16xi32>], vector<16xi32>, vector<16xi1>
      %add3A_51 = arith.constant 15 : i32
      %add3A_52 = arith.addi %scan3A_41#0, %add3A_51 : i32
      %and3A = arith.constant -16 : i32
      %and3A_53 = arith.andi %add3A_52, %and3A : i32
      %add3A_54 = arith.constant 0 : i32
      %add3A_55 = arith.addi %add3A_54, %and3A_53 : i32
      %add3A_56 = arith.constant 15 : i32
      %add3A_57 = arith.addi %scan3A_41#1, %add3A_56 : i32
      %and3A_58 = arith.constant -16 : i32
      %and3A_59 = arith.andi %add3A_57, %and3A_58 : i32
      %add3A_60 = arith.addi %add3A_55, %and3A_59 : i32
      %add3A_61 = arith.constant 15 : i32
      %add3A_62 = arith.addi %scan3A_41#2, %add3A_61 : i32
      %and3A_63 = arith.constant -16 : i32
      %and3A_64 = arith.andi %add3A_62, %and3A_63 : i32
      %add3A_65 = arith.addi %add3A_60, %and3A_64 : i32
      %add3A_66 = arith.constant 15 : i32
      %add3A_67 = arith.addi %scan3A_41#3, %add3A_66 : i32
      %and3A_68 = arith.constant -16 : i32
      %and3A_69 = arith.andi %add3A_67, %and3A_68 : i32
      %add3A_70 = arith.addi %add3A_65, %and3A_69 : i32
      %eq3A = arith.constant 0 : i32
      %eq3A_71 = vector.broadcast %eq3A : i32 to vector<16xi32>
      %eq3A_72 = arith.cmpi eq, %iota3A, %eq3A_71 : vector<16xi32>
      %jit3A = arith.constant 0 : i32
      %broadcast_in_dim3A_73 = vector.broadcast %jit3A : i32 to vector<16xi32>
      %select_n3A = arith.select %eq3A_72, %broadcast_in_dim3A_73, %broadcast_in_dim3A_5 : vector<16xi1>, vector<16xi32>
      %eq3A_74 = arith.constant 1 : i32
      %eq3A_75 = vector.broadcast %eq3A_74 : i32 to vector<16xi32>
      %eq3A_76 = arith.cmpi eq, %iota3A, %eq3A_75 : vector<16xi32>
      %broadcast_in_dim3A_77 = vector.broadcast %add3A_55 : i32 to vector<16xi32>
      %select_n3A_78 = arith.select %eq3A_76, %broadcast_in_dim3A_77, %select_n3A : vector<16xi1>, vector<16xi32>
      %eq3A_79 = arith.constant 2 : i32
      %eq3A_80 = vector.broadcast %eq3A_79 : i32 to vector<16xi32>
      %eq3A_81 = arith.cmpi eq, %iota3A, %eq3A_80 : vector<16xi32>
      %broadcast_in_dim3A_82 = vector.broadcast %add3A_60 : i32 to vector<16xi32>
      %select_n3A_83 = arith.select %eq3A_81, %broadcast_in_dim3A_82, %select_n3A_78 : vector<16xi1>, vector<16xi32>
      %eq3A_84 = arith.constant 3 : i32
      %eq3A_85 = vector.broadcast %eq3A_84 : i32 to vector<16xi32>
      %eq3A_86 = arith.cmpi eq, %iota3A, %eq3A_85 : vector<16xi32>
      %broadcast_in_dim3A_87 = vector.broadcast %add3A_65 : i32 to vector<16xi32>
      %select_n3A_88 = arith.select %eq3A_86, %broadcast_in_dim3A_87, %select_n3A_83 : vector<16xi1>, vector<16xi32>
      %swap3A = arith.constant 0 : index
      %swap3A_89 = tpu.vector_load %arg19[%swap3A] {strides = array<i32>} : memref<16xi32, #tpu.memory_space<vmem>>, vector<16xi32>,
      tpu.vector_store %arg19[%swap3A], %select_n3A_88 {strides = array<i32>} : memref<16xi32, #tpu.memory_space<vmem>>, vector<16xi32>,
      %lt3A = arith.constant 25 : i32
      %lt3A_90 = arith.cmpi slt, %mul3A_29, %lt3A : i32
      %jit3A_91 = arith.constant 0 : i32
      %select_n3A_92 = arith.select %lt3A_90, %scan3A_41#0, %jit3A_91 : i32
      %lt3A_93 = arith.constant 25 : i32
      %lt3A_94 = arith.cmpi slt, %mul3A_29, %lt3A_93 : i32
      %jit3A_95 = arith.constant 0 : i32
      %select_n3A_96 = arith.select %lt3A_94, %scan3A_41#1, %jit3A_95 : i32
      %lt3A_97 = arith.constant 25 : i32
      %lt3A_98 = arith.cmpi slt, %mul3A_29, %lt3A_97 : i32
      %jit3A_99 = arith.constant 0 : i32
      %select_n3A_100 = arith.select %lt3A_98, %scan3A_41#2, %jit3A_99 : i32
      %lt3A_101 = arith.constant 25 : i32
      %lt3A_102 = arith.cmpi slt, %mul3A_29, %lt3A_101 : i32
      %jit3A_103 = arith.constant 0 : i32
      %select_n3A_104 = arith.select %lt3A_102, %scan3A_41#3, %jit3A_103 : i32
      %scan3A_105 = arith.constant 0 : i32
      %scan3A_106 = arith.constant 0 : i32
      %scan3A_107 = arith.constant 0 : i32
      %scan3A_108 = arith.constant 16 : i32
      %scan3A_109 = arith.addi %scan3A_107, %scan3A_108 : i32
      %scan3A_110 = arith.constant 1 : i32
      %scan3A_111 = scf.for %scan3A_339 = %scan3A_107 to %scan3A_109 step %scan3A_110 iter_args(%scan3A_340 = %scan3A_106) -> (i32)  : i32 {
        %mul3A_341 = arith.constant 16 : i32
        %mul3A_342 = arith.muli %scan3A_339, %mul3A_341 : i32
        %lt3A_343 = arith.cmpi slt, %mul3A_342, %select_n3A_92 : i32
        %convert_element_type3A_344 = arith.extui %lt3A_343 : i1 to i32
        %cond3A_345 = arith.constant 0 : i32
        %cond3A_346 = arith.cmpi ne, %convert_element_type3A_344, %cond3A_345 : i32
        scf.if %cond3A_346 {
          %mul3A_348 = arith.constant 16 : i32
          %mul3A_349 = arith.muli %scan3A_339, %mul3A_348 : i32
          %mul3A_350 = arith.constant 16 : i32
          %mul3A_351 = arith.muli %scan3A_339, %mul3A_350 : i32
          %add3A_352 = arith.addi %scan3A_105, %mul3A_351 : i32
          %dma_start3A = arith.constant 0 : i32
          %dma_start3A_353 = tpu.memref_slice %arg21[%add3A_352, %dma_start3A] : memref<320x128xf32, #tpu.memory_space<vmem>> -> memref<16x128xf32, #tpu.memory_space<vmem>>
          %dma_start3A_354 = tpu.memref_slice %arg9[%mul3A_349] : memref<272xi32, #tpu.memory_space<vmem>> -> memref<16xi32, #tpu.memory_space<vmem>>
          %dma_start3A_355 = arith.constant 0 : i32
          %dma_start3A_356 = arith.constant 0 : i32
          %dma_start3A_357 = tpu.memref_slice %arg3[%dma_start3A_355, %dma_start3A_356] : memref<62500x128xf32, #tpu.memory_space<hbm>> -> memref<62500x128xf32, #tpu.memory_space<hbm>>
          tpu.enqueue_indirect_dma source(%dma_start3A_357 : memref<62500x128xf32, #tpu.memory_space<hbm>>) target(%dma_start3A_353 : memref<16x128xf32, #tpu.memory_space<vmem>>) offsets(%dma_start3A_354 : memref<16xi32, #tpu.memory_space<vmem>>) semaphore(%arg24 : memref<!tpu.dma_semaphore, #tpu.memory_space<semaphore_mem>>)
        } else {
        }
        %scan3A_347 = arith.constant 0 : i32
        scf.yield %scan3A_347 : i32
      }
      %scan3A_112 = arith.constant 16 : i32
      %scan3A_113 = arith.constant 0 : i32
      %scan3A_114 = arith.constant 0 : i32
      %scan3A_115 = arith.constant 16 : i32
      %scan3A_116 = arith.addi %scan3A_114, %scan3A_115 : i32
      %scan3A_117 = arith.constant 1 : i32
      %scan3A_118 = scf.for %scan3A_339 = %scan3A_114 to %scan3A_116 step %scan3A_117 iter_args(%scan3A_340 = %scan3A_113) -> (i32)  : i32 {
        %mul3A_341 = arith.constant 16 : i32
        %mul3A_342 = arith.muli %scan3A_339, %mul3A_341 : i32
        %lt3A_343 = arith.cmpi slt, %mul3A_342, %select_n3A_96 : i32
        %convert_element_type3A_344 = arith.extui %lt3A_343 : i1 to i32
        %cond3A_345 = arith.constant 0 : i32
        %cond3A_346 = arith.cmpi ne, %convert_element_type3A_344, %cond3A_345 : i32
        scf.if %cond3A_346 {
          %mul3A_348 = arith.constant 16 : i32
          %mul3A_349 = arith.muli %scan3A_339, %mul3A_348 : i32
          %mul3A_350 = arith.constant 16 : i32
          %mul3A_351 = arith.muli %scan3A_339, %mul3A_350 : i32
          %add3A_352 = arith.addi %add3A_55, %mul3A_351 : i32
          %dma_start3A = arith.constant 0 : i32
          %dma_start3A_353 = tpu.memref_slice %arg21[%add3A_352, %dma_start3A] : memref<320x128xf32, #tpu.memory_space<vmem>> -> memref<16x128xf32, #tpu.memory_space<vmem>>
          %dma_start3A_354 = tpu.memref_slice %arg10[%mul3A_349] : memref<272xi32, #tpu.memory_space<vmem>> -> memref<16xi32, #tpu.memory_space<vmem>>
          %dma_start3A_355 = arith.constant 0 : i32
          %dma_start3A_356 = arith.constant 0 : i32
          %dma_start3A_357 = tpu.memref_slice %arg4[%dma_start3A_355, %dma_start3A_356] : memref<62500x128xf32, #tpu.memory_space<hbm>> -> memref<62500x128xf32, #tpu.memory_space<hbm>>
          tpu.enqueue_indirect_dma source(%dma_start3A_357 : memref<62500x128xf32, #tpu.memory_space<hbm>>) target(%dma_start3A_353 : memref<16x128xf32, #tpu.memory_space<vmem>>) offsets(%dma_start3A_354 : memref<16xi32, #tpu.memory_space<vmem>>) semaphore(%arg24 : memref<!tpu.dma_semaphore, #tpu.memory_space<semaphore_mem>>)
        } else {
        }
        %scan3A_347 = arith.constant 0 : i32
        scf.yield %scan3A_347 : i32
      }
      %scan3A_119 = arith.constant 16 : i32
      %scan3A_120 = arith.constant 0 : i32
      %scan3A_121 = arith.constant 0 : i32
      %scan3A_122 = arith.constant 16 : i32
      %scan3A_123 = arith.addi %scan3A_121, %scan3A_122 : i32
      %scan3A_124 = arith.constant 1 : i32
      %scan3A_125 = scf.for %scan3A_339 = %scan3A_121 to %scan3A_123 step %scan3A_124 iter_args(%scan3A_340 = %scan3A_120) -> (i32)  : i32 {
        %mul3A_341 = arith.constant 16 : i32
        %mul3A_342 = arith.muli %scan3A_339, %mul3A_341 : i32
        %lt3A_343 = arith.cmpi slt, %mul3A_342, %select_n3A_100 : i32
        %convert_element_type3A_344 = arith.extui %lt3A_343 : i1 to i32
        %cond3A_345 = arith.constant 0 : i32
        %cond3A_346 = arith.cmpi ne, %convert_element_type3A_344, %cond3A_345 : i32
        scf.if %cond3A_346 {
          %mul3A_348 = arith.constant 16 : i32
          %mul3A_349 = arith.muli %scan3A_339, %mul3A_348 : i32
          %mul3A_350 = arith.constant 16 : i32
          %mul3A_351 = arith.muli %scan3A_339, %mul3A_350 : i32
          %add3A_352 = arith.addi %add3A_60, %mul3A_351 : i32
          %dma_start3A = arith.constant 0 : i32
          %dma_start3A_353 = tpu.memref_slice %arg21[%add3A_352, %dma_start3A] : memref<320x128xf32, #tpu.memory_space<vmem>> -> memref<16x128xf32, #tpu.memory_space<vmem>>
          %dma_start3A_354 = tpu.memref_slice %arg11[%mul3A_349] : memref<272xi32, #tpu.memory_space<vmem>> -> memref<16xi32, #tpu.memory_space<vmem>>
          %dma_start3A_355 = arith.constant 0 : i32
          %dma_start3A_356 = arith.constant 0 : i32
          %dma_start3A_357 = tpu.memref_slice %arg5[%dma_start3A_355, %dma_start3A_356] : memref<62500x128xf32, #tpu.memory_space<hbm>> -> memref<62500x128xf32, #tpu.memory_space<hbm>>
          tpu.enqueue_indirect_dma source(%dma_start3A_357 : memref<62500x128xf32, #tpu.memory_space<hbm>>) target(%dma_start3A_353 : memref<16x128xf32, #tpu.memory_space<vmem>>) offsets(%dma_start3A_354 : memref<16xi32, #tpu.memory_space<vmem>>) semaphore(%arg24 : memref<!tpu.dma_semaphore, #tpu.memory_space<semaphore_mem>>)
        } else {
        }
        %scan3A_347 = arith.constant 0 : i32
        scf.yield %scan3A_347 : i32
      }
      %scan3A_126 = arith.constant 16 : i32
      %scan3A_127 = arith.constant 0 : i32
      %scan3A_128 = arith.constant 0 : i32
      %scan3A_129 = arith.constant 16 : i32
      %scan3A_130 = arith.addi %scan3A_128, %scan3A_129 : i32
      %scan3A_131 = arith.constant 1 : i32
      %scan3A_132 = scf.for %scan3A_339 = %scan3A_128 to %scan3A_130 step %scan3A_131 iter_args(%scan3A_340 = %scan3A_127) -> (i32)  : i32 {
        %mul3A_341 = arith.constant 16 : i32
        %mul3A_342 = arith.muli %scan3A_339, %mul3A_341 : i32
        %lt3A_343 = arith.cmpi slt, %mul3A_342, %select_n3A_104 : i32
        %convert_element_type3A_344 = arith.extui %lt3A_343 : i1 to i32
        %cond3A_345 = arith.constant 0 : i32
        %cond3A_346 = arith.cmpi ne, %convert_element_type3A_344, %cond3A_345 : i32
        scf.if %cond3A_346 {
          %mul3A_348 = arith.constant 16 : i32
          %mul3A_349 = arith.muli %scan3A_339, %mul3A_348 : i32
          %mul3A_350 = arith.constant 16 : i32
          %mul3A_351 = arith.muli %scan3A_339, %mul3A_350 : i32
          %add3A_352 = arith.addi %add3A_65, %mul3A_351 : i32
          %dma_start3A = arith.constant 0 : i32
          %dma_start3A_353 = tpu.memref_slice %arg21[%add3A_352, %dma_start3A] : memref<320x128xf32, #tpu.memory_space<vmem>> -> memref<16x128xf32, #tpu.memory_space<vmem>>
          %dma_start3A_354 = tpu.memref_slice %arg12[%mul3A_349] : memref<272xi32, #tpu.memory_space<vmem>> -> memref<16xi32, #tpu.memory_space<vmem>>
          %dma_start3A_355 = arith.constant 0 : i32
          %dma_start3A_356 = arith.constant 0 : i32
          %dma_start3A_357 = tpu.memref_slice %arg6[%dma_start3A_355, %dma_start3A_356] : memref<62500x128xf32, #tpu.memory_space<hbm>> -> memref<62500x128xf32, #tpu.memory_space<hbm>>
          tpu.enqueue_indirect_dma source(%dma_start3A_357 : memref<62500x128xf32, #tpu.memory_space<hbm>>) target(%dma_start3A_353 : memref<16x128xf32, #tpu.memory_space<vmem>>) offsets(%dma_start3A_354 : memref<16xi32, #tpu.memory_space<vmem>>) semaphore(%arg24 : memref<!tpu.dma_semaphore, #tpu.memory_space<semaphore_mem>>)
        } else {
        }
        %scan3A_347 = arith.constant 0 : i32
        scf.yield %scan3A_347 : i32
      }
      %scan3A_133 = arith.constant 16 : i32
      %scan3A_134 = arith.constant 0 : i32
      %scan3A_135 = arith.constant 0 : i32
      %scan3A_136 = arith.constant 16 : i32
      %scan3A_137 = arith.addi %scan3A_135, %scan3A_136 : i32
      %scan3A_138 = arith.constant 1 : i32
      %scan3A_139 = scf.for %scan3A_339 = %scan3A_135 to %scan3A_137 step %scan3A_138 iter_args(%scan3A_340 = %scan3A_134) -> (i32)  : i32 {
        %mul3A_341 = arith.constant 16 : i32
        %mul3A_342 = arith.muli %scan3A_339, %mul3A_341 : i32
        %lt3A_343 = arith.cmpi slt, %mul3A_342, %scan3A_20 : i32
        %convert_element_type3A_344 = arith.extui %lt3A_343 : i1 to i32
        %cond3A_345 = arith.constant 0 : i32
        %cond3A_346 = arith.cmpi ne, %convert_element_type3A_344, %cond3A_345 : i32
        scf.if %cond3A_346 {
          %mul3A_348 = arith.constant 16 : i32
          %mul3A_349 = arith.muli %scan3A_339, %mul3A_348 : i32
          %mul3A_350 = arith.constant 16 : i32
          %mul3A_351 = arith.muli %scan3A_339, %mul3A_350 : i32
          %add3A_352 = arith.addi %scan3A_24, %mul3A_351 : i32
          %dma_wait3A = arith.constant 0 : i32
          %dma_wait3A_353 = tpu.memref_slice %arg22[%add3A_352, %dma_wait3A] : memref<320x128xf32, #tpu.memory_space<vmem>> -> memref<16x128xf32, #tpu.memory_space<vmem>>
          %dma_wait3A_354 = tpu.memref_slice %arg13[%mul3A_349] : memref<272xi32, #tpu.memory_space<vmem>> -> memref<16xi32, #tpu.memory_space<vmem>>
          %dma_wait3A_355 = arith.constant 0 : i32
          %dma_wait3A_356 = arith.constant 0 : i32
          %dma_wait3A_357 = tpu.memref_slice %arg3[%dma_wait3A_355, %dma_wait3A_356] : memref<62500x128xf32, #tpu.memory_space<hbm>> -> memref<62500x128xf32, #tpu.memory_space<hbm>>
          tpu.wait_indirect_dma semaphore(%arg25 : memref<!tpu.dma_semaphore, #tpu.memory_space<semaphore_mem>>) src(%dma_wait3A_357 : memref<62500x128xf32, #tpu.memory_space<hbm>>) dst(%dma_wait3A_353 : memref<16x128xf32, #tpu.memory_space<vmem>>)
        } else {
        }
        %scan3A_347 = arith.constant 0 : i32
        scf.yield %scan3A_347 : i32
      }
      %scan3A_140 = arith.constant 16 : i32
      %scan3A_141 = arith.constant 0 : i32
      %scan3A_142 = arith.constant 0 : i32
      %scan3A_143 = arith.constant 16 : i32
      %scan3A_144 = arith.addi %scan3A_142, %scan3A_143 : i32
      %scan3A_145 = arith.constant 1 : i32
      %scan3A_146 = scf.for %scan3A_339 = %scan3A_142 to %scan3A_144 step %scan3A_145 iter_args(%scan3A_340 = %scan3A_141) -> (i32)  : i32 {
        %mul3A_341 = arith.constant 16 : i32
        %mul3A_342 = arith.muli %scan3A_339, %mul3A_341 : i32
        %lt3A_343 = arith.cmpi slt, %mul3A_342, %scan3A_21 : i32
        %convert_element_type3A_344 = arith.extui %lt3A_343 : i1 to i32
        %cond3A_345 = arith.constant 0 : i32
        %cond3A_346 = arith.cmpi ne, %convert_element_type3A_344, %cond3A_345 : i32
        scf.if %cond3A_346 {
          %mul3A_348 = arith.constant 16 : i32
          %mul3A_349 = arith.muli %scan3A_339, %mul3A_348 : i32
          %mul3A_350 = arith.constant 16 : i32
          %mul3A_351 = arith.muli %scan3A_339, %mul3A_350 : i32
          %add3A_352 = arith.addi %scan3A_25, %mul3A_351 : i32
          %dma_wait3A = arith.constant 0 : i32
          %dma_wait3A_353 = tpu.memref_slice %arg22[%add3A_352, %dma_wait3A] : memref<320x128xf32, #tpu.memory_space<vmem>> -> memref<16x128xf32, #tpu.memory_space<vmem>>
          %dma_wait3A_354 = tpu.memref_slice %arg14[%mul3A_349] : memref<272xi32, #tpu.memory_space<vmem>> -> memref<16xi32, #tpu.memory_space<vmem>>
          %dma_wait3A_355 = arith.constant 0 : i32
          %dma_wait3A_356 = arith.constant 0 : i32
          %dma_wait3A_357 = tpu.memref_slice %arg4[%dma_wait3A_355, %dma_wait3A_356] : memref<62500x128xf32, #tpu.memory_space<hbm>> -> memref<62500x128xf32, #tpu.memory_space<hbm>>
          tpu.wait_indirect_dma semaphore(%arg25 : memref<!tpu.dma_semaphore, #tpu.memory_space<semaphore_mem>>) src(%dma_wait3A_357 : memref<62500x128xf32, #tpu.memory_space<hbm>>) dst(%dma_wait3A_353 : memref<16x128xf32, #tpu.memory_space<vmem>>)
        } else {
        }
        %scan3A_347 = arith.constant 0 : i32
        scf.yield %scan3A_347 : i32
      }
      %scan3A_147 = arith.constant 16 : i32
      %scan3A_148 = arith.constant 0 : i32
      %scan3A_149 = arith.constant 0 : i32
      %scan3A_150 = arith.constant 16 : i32
      %scan3A_151 = arith.addi %scan3A_149, %scan3A_150 : i32
      %scan3A_152 = arith.constant 1 : i32
      %scan3A_153 = scf.for %scan3A_339 = %scan3A_149 to %scan3A_151 step %scan3A_152 iter_args(%scan3A_340 = %scan3A_148) -> (i32)  : i32 {
        %mul3A_341 = arith.constant 16 : i32
        %mul3A_342 = arith.muli %scan3A_339, %mul3A_341 : i32
        %lt3A_343 = arith.cmpi slt, %mul3A_342, %scan3A_22 : i32
        %convert_element_type3A_344 = arith.extui %lt3A_343 : i1 to i32
        %cond3A_345 = arith.constant 0 : i32
        %cond3A_346 = arith.cmpi ne, %convert_element_type3A_344, %cond3A_345 : i32
        scf.if %cond3A_346 {
          %mul3A_348 = arith.constant 16 : i32
          %mul3A_349 = arith.muli %scan3A_339, %mul3A_348 : i32
          %mul3A_350 = arith.constant 16 : i32
          %mul3A_351 = arith.muli %scan3A_339, %mul3A_350 : i32
          %add3A_352 = arith.addi %scan3A_26, %mul3A_351 : i32
          %dma_wait3A = arith.constant 0 : i32
          %dma_wait3A_353 = tpu.memref_slice %arg22[%add3A_352, %dma_wait3A] : memref<320x128xf32, #tpu.memory_space<vmem>> -> memref<16x128xf32, #tpu.memory_space<vmem>>
          %dma_wait3A_354 = tpu.memref_slice %arg15[%mul3A_349] : memref<272xi32, #tpu.memory_space<vmem>> -> memref<16xi32, #tpu.memory_space<vmem>>
          %dma_wait3A_355 = arith.constant 0 : i32
          %dma_wait3A_356 = arith.constant 0 : i32
          %dma_wait3A_357 = tpu.memref_slice %arg5[%dma_wait3A_355, %dma_wait3A_356] : memref<62500x128xf32, #tpu.memory_space<hbm>> -> memref<62500x128xf32, #tpu.memory_space<hbm>>
          tpu.wait_indirect_dma semaphore(%arg25 : memref<!tpu.dma_semaphore, #tpu.memory_space<semaphore_mem>>) src(%dma_wait3A_357 : memref<62500x128xf32, #tpu.memory_space<hbm>>) dst(%dma_wait3A_353 : memref<16x128xf32, #tpu.memory_space<vmem>>)
        } else {
        }
        %scan3A_347 = arith.constant 0 : i32
        scf.yield %scan3A_347 : i32
      }
      %scan3A_154 = arith.constant 16 : i32
      %scan3A_155 = arith.constant 0 : i32
      %scan3A_156 = arith.constant 0 : i32
      %scan3A_157 = arith.constant 16 : i32
      %scan3A_158 = arith.addi %scan3A_156, %scan3A_157 : i32
      %scan3A_159 = arith.constant 1 : i32
      %scan3A_160 = scf.for %scan3A_339 = %scan3A_156 to %scan3A_158 step %scan3A_159 iter_args(%scan3A_340 = %scan3A_155) -> (i32)  : i32 {
        %mul3A_341 = arith.constant 16 : i32
        %mul3A_342 = arith.muli %scan3A_339, %mul3A_341 : i32
        %lt3A_343 = arith.cmpi slt, %mul3A_342, %scan3A_23 : i32
        %convert_element_type3A_344 = arith.extui %lt3A_343 : i1 to i32
        %cond3A_345 = arith.constant 0 : i32
        %cond3A_346 = arith.cmpi ne, %convert_element_type3A_344, %cond3A_345 : i32
        scf.if %cond3A_346 {
          %mul3A_348 = arith.constant 16 : i32
          %mul3A_349 = arith.muli %scan3A_339, %mul3A_348 : i32
          %mul3A_350 = arith.constant 16 : i32
          %mul3A_351 = arith.muli %scan3A_339, %mul3A_350 : i32
          %add3A_352 = arith.addi %scan3A_27, %mul3A_351 : i32
          %dma_wait3A = arith.constant 0 : i32
          %dma_wait3A_353 = tpu.memref_slice %arg22[%add3A_352, %dma_wait3A] : memref<320x128xf32, #tpu.memory_space<vmem>> -> memref<16x128xf32, #tpu.memory_space<vmem>>
          %dma_wait3A_354 = tpu.memref_slice %arg16[%mul3A_349] : memref<272xi32, #tpu.memory_space<vmem>> -> memref<16xi32, #tpu.memory_space<vmem>>
          %dma_wait3A_355 = arith.constant 0 : i32
          %dma_wait3A_356 = arith.constant 0 : i32
          %dma_wait3A_357 = tpu.memref_slice %arg6[%dma_wait3A_355, %dma_wait3A_356] : memref<62500x128xf32, #tpu.memory_space<hbm>> -> memref<62500x128xf32, #tpu.memory_space<hbm>>
          tpu.wait_indirect_dma semaphore(%arg25 : memref<!tpu.dma_semaphore, #tpu.memory_space<semaphore_mem>>) src(%dma_wait3A_357 : memref<62500x128xf32, #tpu.memory_space<hbm>>) dst(%dma_wait3A_353 : memref<16x128xf32, #tpu.memory_space<vmem>>)
        } else {
        }
        %scan3A_347 = arith.constant 0 : i32
        scf.yield %scan3A_347 : i32
      }
      %scan3A_161 = arith.constant 16 : i32
      %sub3A = arith.constant 1 : i32
      %sub3A_162 = arith.subi %mul3A_29, %sub3A : i32
      %max3A = arith.constant 0 : i32
      %max3A_163 = arith.maxsi %sub3A_162, %max3A : i32
      %mul3A_164 = arith.constant 256 : i32
      %mul3A_165 = arith.muli %max3A_163, %mul3A_164 : i32
      %scan3A_166 = arith.constant 0 : i32
      %scan3A_167 = arith.constant 0 : i32
      %scan3A_168 = arith.constant 16 : i32
      %scan3A_169 = arith.addi %scan3A_167, %scan3A_168 : i32
      %scan3A_170 = arith.constant 1 : i32
      %scan3A_171 = scf.for %scan3A_339 = %scan3A_167 to %scan3A_169 step %scan3A_170 iter_args(%scan3A_340 = %scan3A_166) -> (i32)  : i32 {
        %mul3A_341 = arith.constant 16 : i32
        %mul3A_342 = arith.muli %scan3A_339, %mul3A_341 : i32
        %add3A_343 = arith.addi %mul3A_165, %mul3A_342 : i32
        %get3A = arith.index_cast %add3A_343 : i32 to index
        %get3A_344 = tpu.vector_load %arg8[%get3A] {strides = array<i32>} : memref<6400xi32, #tpu.memory_space<vmem>>, vector<16xi32>,
        %and3A_345 = arith.constant 3 : i32
        %and3A_346 = vector.broadcast %and3A_345 : i32 to vector<16xi32>
        %and3A_347 = arith.andi %get3A_344, %and3A_346 : vector<16xi32>
        %shift_right_logical3A = arith.constant 2 : i32
        %shift_right_logical3A_348 = vector.broadcast %shift_right_logical3A : i32 to vector<16xi32>
        %shift_right_logical3A_349 = arith.shrui %get3A_344, %shift_right_logical3A_348 : vector<16xi32>
        %and3A_350 = arith.constant 3 : i32
        %and3A_351 = vector.broadcast %and3A_350 : i32 to vector<16xi32>
        %and3A_352 = arith.andi %shift_right_logical3A_349, %and3A_351 : vector<16xi32>
        %mul3A_353 = arith.constant 16 : i32
        %mul3A_354 = arith.muli %scan3A_339, %mul3A_353 : i32
        %get3A_355 = arith.index_cast %mul3A_354 : i32 to index
        %get3A_356 = tpu.vector_load %arg18[%get3A_355] {strides = array<i32>} : memref<256xi32, #tpu.memory_space<vmem>>, vector<16xi32>,
        %gather3A = tpu.vector_load_idx %arg20[%and3A_347] : memref<16xi32, #tpu.memory_space<vmem>>[vector<16xi32>], vector<16xi32>,
        %add3A_357 = arith.addi %gather3A, %get3A_356 : vector<16xi32>
        %max3A_358 = arith.constant 0 : i32
        %max3A_359 = vector.broadcast %max3A_358 : i32 to vector<16xi32>
        %max3A_360 = arith.maxsi %add3A_357, %max3A_359 : vector<16xi32>
        %min3A_361 = arith.constant 319 : i32
        %min3A_362 = vector.broadcast %min3A_361 : i32 to vector<16xi32>
        %min3A_363 = arith.minsi %max3A_360, %min3A_362 : vector<16xi32>
        %mul3A_364 = arith.constant 32 : i32
        %mul3A_365 = vector.broadcast %mul3A_364 : i32 to vector<16xi32>
        %mul3A_366 = arith.muli %and3A_352, %mul3A_365 : vector<16xi32>
        %slice3A = vector.extract_strided_slice %min3A_363 {offsets = [0], sizes = [1], strides = [1]} : vector<16xi32> to vector<1xi32>
        %squeeze3A = vector.extract %slice3A[0] : i32 from vector<1xi32>
        %slice3A_367 = vector.extract_strided_slice %mul3A_366 {offsets = [0], sizes = [1], strides = [1]} : vector<16xi32> to vector<1xi32>
        %squeeze3A_368 = vector.extract %slice3A_367[0] : i32 from vector<1xi32>
        %mul3A_369 = arith.constant 16 : i32
        %mul3A_370 = arith.muli %scan3A_339, %mul3A_369 : i32
        %add3A_371 = arith.constant 0 : i32
        %add3A_372 = arith.addi %mul3A_370, %add3A_371 : i32
        %mul3A_373 = arith.constant 32 : i32
        %mul3A_374 = arith.muli %add3A_372, %mul3A_373 : i32
        %get3A_375 = arith.index_cast %squeeze3A : i32 to index
        %get3A_376 = arith.index_cast %squeeze3A_368 : i32 to index
        %get3A_377 = tpu.vector_load %arg22[%get3A_375, %get3A_376] {strides = array<i32>} : memref<320x128xf32, #tpu.memory_space<vmem>>, vector<16xf32>,
        %swap3A_378 = arith.index_cast %mul3A_374 : i32 to index
        %swap3A_379 = tpu.vector_load %arg23[%swap3A_378] {strides = array<i32>} : memref<8192xf32, #tpu.memory_space<vmem>>, vector<16xf32>,
        tpu.vector_store %arg23[%swap3A_378], %get3A_377 {strides = array<i32>} : memref<8192xf32, #tpu.memory_space<vmem>>, vector<16xf32>,
        %add3A_380 = arith.constant 16 : i32
        %add3A_381 = arith.addi %squeeze3A_368, %add3A_380 : i32
        %get3A_382 = arith.index_cast %squeeze3A : i32 to index
        %get3A_383 = arith.index_cast %add3A_381 : i32 to index
        %get3A_384 = tpu.vector_load %arg22[%get3A_382, %get3A_383] {strides = array<i32>} : memref<320x128xf32, #tpu.memory_space<vmem>>, vector<16xf32>,
        %add3A_385 = arith.constant 16 : i32
        %add3A_386 = arith.addi %mul3A_374, %add3A_385 : i32
        %swap3A_387 = arith.index_cast %add3A_386 : i32 to index
        %swap3A_388 = tpu.vector_load %arg23[%swap3A_387] {strides = array<i32>} : memref<8192xf32, #tpu.memory_space<vmem>>, vector<16xf32>,
        tpu.vector_store %arg23[%swap3A_387], %get3A_384 {strides = array<i32>} : memref<8192xf32, #tpu.memory_space<vmem>>, vector<16xf32>,
        %slice3A_389 = vector.extract_strided_slice %min3A_363 {offsets = [1], sizes = [1], strides = [1]} : vector<16xi32> to vector<1xi32>
        %squeeze3A_390 = vector.extract %slice3A_389[0] : i32 from vector<1xi32>
        %slice3A_391 = vector.extract_strided_slice %mul3A_366 {offsets = [1], sizes = [1], strides = [1]} : vector<16xi32> to vector<1xi32>
        %squeeze3A_392 = vector.extract %slice3A_391[0] : i32 from vector<1xi32>
        %mul3A_393 = arith.constant 16 : i32
        %mul3A_394 = arith.muli %scan3A_339, %mul3A_393 : i32
        %add3A_395 = arith.constant 1 : i32
        %add3A_396 = arith.addi %mul3A_394, %add3A_395 : i32
        %mul3A_397 = arith.constant 32 : i32
        %mul3A_398 = arith.muli %add3A_396, %mul3A_397 : i32
        %get3A_399 = arith.index_cast %squeeze3A_390 : i32 to index
        %get3A_400 = arith.index_cast %squeeze3A_392 : i32 to index
        %get3A_401 = tpu.vector_load %arg22[%get3A_399, %get3A_400] {strides = array<i32>} : memref<320x128xf32, #tpu.memory_space<vmem>>, vector<16xf32>,
        %swap3A_402 = arith.index_cast %mul3A_398 : i32 to index
        %swap3A_403 = tpu.vector_load %arg23[%swap3A_402] {strides = array<i32>} : memref<8192xf32, #tpu.memory_space<vmem>>, vector<16xf32>,
        tpu.vector_store %arg23[%swap3A_402], %get3A_401 {strides = array<i32>} : memref<8192xf32, #tpu.memory_space<vmem>>, vector<16xf32>,
        %add3A_404 = arith.constant 16 : i32
        %add3A_405 = arith.addi %squeeze3A_392, %add3A_404 : i32
        %get3A_406 = arith.index_cast %squeeze3A_390 : i32 to index
        %get3A_407 = arith.index_cast %add3A_405 : i32 to index
        %get3A_408 = tpu.vector_load %arg22[%get3A_406, %get3A_407] {strides = array<i32>} : memref<320x128xf32, #tpu.memory_space<vmem>>, vector<16xf32>,
        %add3A_409 = arith.constant 16 : i32
        %add3A_410 = arith.addi %mul3A_398, %add3A_409 : i32
        %swap3A_411 = arith.index_cast %add3A_410 : i32 to index
        %swap3A_412 = tpu.vector_load %arg23[%swap3A_411] {strides = array<i32>} : memref<8192xf32, #tpu.memory_space<vmem>>, vector<16xf32>,
        tpu.vector_store %arg23[%swap3A_411], %get3A_408 {strides = array<i32>} : memref<8192xf32, #tpu.memory_space<vmem>>, vector<16xf32>,
        %slice3A_413 = vector.extract_strided_slice %min3A_363 {offsets = [2], sizes = [1], strides = [1]} : vector<16xi32> to vector<1xi32>
        %squeeze3A_414 = vector.extract %slice3A_413[0] : i32 from vector<1xi32>
        %slice3A_415 = vector.extract_strided_slice %mul3A_366 {offsets = [2], sizes = [1], strides = [1]} : vector<16xi32> to vector<1xi32>
        %squeeze3A_416 = vector.extract %slice3A_415[0] : i32 from vector<1xi32>
        %mul3A_417 = arith.constant 16 : i32
        %mul3A_418 = arith.muli %scan3A_339, %mul3A_417 : i32
        %add3A_419 = arith.constant 2 : i32
        %add3A_420 = arith.addi %mul3A_418, %add3A_419 : i32
        %mul3A_421 = arith.constant 32 : i32
        %mul3A_422 = arith.muli %add3A_420, %mul3A_421 : i32
        %get3A_423 = arith.index_cast %squeeze3A_414 : i32 to index
        %get3A_424 = arith.index_cast %squeeze3A_416 : i32 to index
        %get3A_425 = tpu.vector_load %arg22[%get3A_423, %get3A_424] {strides = array<i32>} : memref<320x128xf32, #tpu.memory_space<vmem>>, vector<16xf32>,
        %swap3A_426 = arith.index_cast %mul3A_422 : i32 to index
        %swap3A_427 = tpu.vector_load %arg23[%swap3A_426] {strides = array<i32>} : memref<8192xf32, #tpu.memory_space<vmem>>, vector<16xf32>,
        tpu.vector_store %arg23[%swap3A_426], %get3A_425 {strides = array<i32>} : memref<8192xf32, #tpu.memory_space<vmem>>, vector<16xf32>,
        %add3A_428 = arith.constant 16 : i32
        %add3A_429 = arith.addi %squeeze3A_416, %add3A_428 : i32
        %get3A_430 = arith.index_cast %squeeze3A_414 : i32 to index
        %get3A_431 = arith.index_cast %add3A_429 : i32 to index
        %get3A_432 = tpu.vector_load %arg22[%get3A_430, %get3A_431] {strides = array<i32>} : memref<320x128xf32, #tpu.memory_space<vmem>>, vector<16xf32>,
        %add3A_433 = arith.constant 16 : i32
        %add3A_434 = arith.addi %mul3A_422, %add3A_433 : i32
        %swap3A_435 = arith.index_cast %add3A_434 : i32 to index
        %swap3A_436 = tpu.vector_load %arg23[%swap3A_435] {strides = array<i32>} : memref<8192xf32, #tpu.memory_space<vmem>>, vector<16xf32>,
        tpu.vector_store %arg23[%swap3A_435], %get3A_432 {strides = array<i32>} : memref<8192xf32, #tpu.memory_space<vmem>>, vector<16xf32>,
        %slice3A_437 = vector.extract_strided_slice %min3A_363 {offsets = [3], sizes = [1], strides = [1]} : vector<16xi32> to vector<1xi32>
        %squeeze3A_438 = vector.extract %slice3A_437[0] : i32 from vector<1xi32>
        %slice3A_439 = vector.extract_strided_slice %mul3A_366 {offsets = [3], sizes = [1], strides = [1]} : vector<16xi32> to vector<1xi32>
        %squeeze3A_440 = vector.extract %slice3A_439[0] : i32 from vector<1xi32>
        %mul3A_441 = arith.constant 16 : i32
        %mul3A_442 = arith.muli %scan3A_339, %mul3A_441 : i32
        %add3A_443 = arith.constant 3 : i32
        %add3A_444 = arith.addi %mul3A_442, %add3A_443 : i32
        %mul3A_445 = arith.constant 32 : i32
        %mul3A_446 = arith.muli %add3A_444, %mul3A_445 : i32
        %get3A_447 = arith.index_cast %squeeze3A_438 : i32 to index
        %get3A_448 = arith.index_cast %squeeze3A_440 : i32 to index
        %get3A_449 = tpu.vector_load %arg22[%get3A_447, %get3A_448] {strides = array<i32>} : memref<320x128xf32, #tpu.memory_space<vmem>>, vector<16xf32>,
        %swap3A_450 = arith.index_cast %mul3A_446 : i32 to index
        %swap3A_451 = tpu.vector_load %arg23[%swap3A_450] {strides = array<i32>} : memref<8192xf32, #tpu.memory_space<vmem>>, vector<16xf32>,
        tpu.vector_store %arg23[%swap3A_450], %get3A_449 {strides = array<i32>} : memref<8192xf32, #tpu.memory_space<vmem>>, vector<16xf32>,
        %add3A_452 = arith.constant 16 : i32
        %add3A_453 = arith.addi %squeeze3A_440, %add3A_452 : i32
        %get3A_454 = arith.index_cast %squeeze3A_438 : i32 to index
        %get3A_455 = arith.index_cast %add3A_453 : i32 to index
        %get3A_456 = tpu.vector_load %arg22[%get3A_454, %get3A_455] {strides = array<i32>} : memref<320x128xf32, #tpu.memory_space<vmem>>, vector<16xf32>,
        %add3A_457 = arith.constant 16 : i32
        %add3A_458 = arith.addi %mul3A_446, %add3A_457 : i32
        %swap3A_459 = arith.index_cast %add3A_458 : i32 to index
        %swap3A_460 = tpu.vector_load %arg23[%swap3A_459] {strides = array<i32>} : memref<8192xf32, #tpu.memory_space<vmem>>, vector<16xf32>,
        tpu.vector_store %arg23[%swap3A_459], %get3A_456 {strides = array<i32>} : memref<8192xf32, #tpu.memory_space<vmem>>, vector<16xf32>,
        %slice3A_461 = vector.extract_strided_slice %min3A_363 {offsets = [4], sizes = [1], strides = [1]} : vector<16xi32> to vector<1xi32>
        %squeeze3A_462 = vector.extract %slice3A_461[0] : i32 from vector<1xi32>
        %slice3A_463 = vector.extract_strided_slice %mul3A_366 {offsets = [4], sizes = [1], strides = [1]} : vector<16xi32> to vector<1xi32>
        %squeeze3A_464 = vector.extract %slice3A_463[0] : i32 from vector<1xi32>
        %mul3A_465 = arith.constant 16 : i32
        %mul3A_466 = arith.muli %scan3A_339, %mul3A_465 : i32
        %add3A_467 = arith.constant 4 : i32
        %add3A_468 = arith.addi %mul3A_466, %add3A_467 : i32
        %mul3A_469 = arith.constant 32 : i32
        %mul3A_470 = arith.muli %add3A_468, %mul3A_469 : i32
        %get3A_471 = arith.index_cast %squeeze3A_462 : i32 to index
        %get3A_472 = arith.index_cast %squeeze3A_464 : i32 to index
        %get3A_473 = tpu.vector_load %arg22[%get3A_471, %get3A_472] {strides = array<i32>} : memref<320x128xf32, #tpu.memory_space<vmem>>, vector<16xf32>,
        %swap3A_474 = arith.index_cast %mul3A_470 : i32 to index
        %swap3A_475 = tpu.vector_load %arg23[%swap3A_474] {strides = array<i32>} : memref<8192xf32, #tpu.memory_space<vmem>>, vector<16xf32>,
        tpu.vector_store %arg23[%swap3A_474], %get3A_473 {strides = array<i32>} : memref<8192xf32, #tpu.memory_space<vmem>>, vector<16xf32>,
        %add3A_476 = arith.constant 16 : i32
        %add3A_477 = arith.addi %squeeze3A_464, %add3A_476 : i32
        %get3A_478 = arith.index_cast %squeeze3A_462 : i32 to index
        %get3A_479 = arith.index_cast %add3A_477 : i32 to index
        %get3A_480 = tpu.vector_load %arg22[%get3A_478, %get3A_479] {strides = array<i32>} : memref<320x128xf32, #tpu.memory_space<vmem>>, vector<16xf32>,
        %add3A_481 = arith.constant 16 : i32
        %add3A_482 = arith.addi %mul3A_470, %add3A_481 : i32
        %swap3A_483 = arith.index_cast %add3A_482 : i32 to index
        %swap3A_484 = tpu.vector_load %arg23[%swap3A_483] {strides = array<i32>} : memref<8192xf32, #tpu.memory_space<vmem>>, vector<16xf32>,
        tpu.vector_store %arg23[%swap3A_483], %get3A_480 {strides = array<i32>} : memref<8192xf32, #tpu.memory_space<vmem>>, vector<16xf32>,
        %slice3A_485 = vector.extract_strided_slice %min3A_363 {offsets = [5], sizes = [1], strides = [1]} : vector<16xi32> to vector<1xi32>
        %squeeze3A_486 = vector.extract %slice3A_485[0] : i32 from vector<1xi32>
        %slice3A_487 = vector.extract_strided_slice %mul3A_366 {offsets = [5], sizes = [1], strides = [1]} : vector<16xi32> to vector<1xi32>
        %squeeze3A_488 = vector.extract %slice3A_487[0] : i32 from vector<1xi32>
        %mul3A_489 = arith.constant 16 : i32
        %mul3A_490 = arith.muli %scan3A_339, %mul3A_489 : i32
        %add3A_491 = arith.constant 5 : i32
        %add3A_492 = arith.addi %mul3A_490, %add3A_491 : i32
        %mul3A_493 = arith.constant 32 : i32
        %mul3A_494 = arith.muli %add3A_492, %mul3A_493 : i32
        %get3A_495 = arith.index_cast %squeeze3A_486 : i32 to index
        %get3A_496 = arith.index_cast %squeeze3A_488 : i32 to index
        %get3A_497 = tpu.vector_load %arg22[%get3A_495, %get3A_496] {strides = array<i32>} : memref<320x128xf32, #tpu.memory_space<vmem>>, vector<16xf32>,
        %swap3A_498 = arith.index_cast %mul3A_494 : i32 to index
        %swap3A_499 = tpu.vector_load %arg23[%swap3A_498] {strides = array<i32>} : memref<8192xf32, #tpu.memory_space<vmem>>, vector<16xf32>,
        tpu.vector_store %arg23[%swap3A_498], %get3A_497 {strides = array<i32>} : memref<8192xf32, #tpu.memory_space<vmem>>, vector<16xf32>,
        %add3A_500 = arith.constant 16 : i32
        %add3A_501 = arith.addi %squeeze3A_488, %add3A_500 : i32
        %get3A_502 = arith.index_cast %squeeze3A_486 : i32 to index
        %get3A_503 = arith.index_cast %add3A_501 : i32 to index
        %get3A_504 = tpu.vector_load %arg22[%get3A_502, %get3A_503] {strides = array<i32>} : memref<320x128xf32, #tpu.memory_space<vmem>>, vector<16xf32>,
        %add3A_505 = arith.constant 16 : i32
        %add3A_506 = arith.addi %mul3A_494, %add3A_505 : i32
        %swap3A_507 = arith.index_cast %add3A_506 : i32 to index
        %swap3A_508 = tpu.vector_load %arg23[%swap3A_507] {strides = array<i32>} : memref<8192xf32, #tpu.memory_space<vmem>>, vector<16xf32>,
        tpu.vector_store %arg23[%swap3A_507], %get3A_504 {strides = array<i32>} : memref<8192xf32, #tpu.memory_space<vmem>>, vector<16xf32>,
        %slice3A_509 = vector.extract_strided_slice %min3A_363 {offsets = [6], sizes = [1], strides = [1]} : vector<16xi32> to vector<1xi32>
        %squeeze3A_510 = vector.extract %slice3A_509[0] : i32 from vector<1xi32>
        %slice3A_511 = vector.extract_strided_slice %mul3A_366 {offsets = [6], sizes = [1], strides = [1]} : vector<16xi32> to vector<1xi32>
        %squeeze3A_512 = vector.extract %slice3A_511[0] : i32 from vector<1xi32>
        %mul3A_513 = arith.constant 16 : i32
        %mul3A_514 = arith.muli %scan3A_339, %mul3A_513 : i32
        %add3A_515 = arith.constant 6 : i32
        %add3A_516 = arith.addi %mul3A_514, %add3A_515 : i32
        %mul3A_517 = arith.constant 32 : i32
        %mul3A_518 = arith.muli %add3A_516, %mul3A_517 : i32
        %get3A_519 = arith.index_cast %squeeze3A_510 : i32 to index
        %get3A_520 = arith.index_cast %squeeze3A_512 : i32 to index
        %get3A_521 = tpu.vector_load %arg22[%get3A_519, %get3A_520] {strides = array<i32>} : memref<320x128xf32, #tpu.memory_space<vmem>>, vector<16xf32>,
        %swap3A_522 = arith.index_cast %mul3A_518 : i32 to index
        %swap3A_523 = tpu.vector_load %arg23[%swap3A_522] {strides = array<i32>} : memref<8192xf32, #tpu.memory_space<vmem>>, vector<16xf32>,
        tpu.vector_store %arg23[%swap3A_522], %get3A_521 {strides = array<i32>} : memref<8192xf32, #tpu.memory_space<vmem>>, vector<16xf32>,
        %add3A_524 = arith.constant 16 : i32
        %add3A_525 = arith.addi %squeeze3A_512, %add3A_524 : i32
        %get3A_526 = arith.index_cast %squeeze3A_510 : i32 to index
        %get3A_527 = arith.index_cast %add3A_525 : i32 to index
        %get3A_528 = tpu.vector_load %arg22[%get3A_526, %get3A_527] {strides = array<i32>} : memref<320x128xf32, #tpu.memory_space<vmem>>, vector<16xf32>,
        %add3A_529 = arith.constant 16 : i32
        %add3A_530 = arith.addi %mul3A_518, %add3A_529 : i32
        %swap3A_531 = arith.index_cast %add3A_530 : i32 to index
        %swap3A_532 = tpu.vector_load %arg23[%swap3A_531] {strides = array<i32>} : memref<8192xf32, #tpu.memory_space<vmem>>, vector<16xf32>,
        tpu.vector_store %arg23[%swap3A_531], %get3A_528 {strides = array<i32>} : memref<8192xf32, #tpu.memory_space<vmem>>, vector<16xf32>,
        %slice3A_533 = vector.extract_strided_slice %min3A_363 {offsets = [7], sizes = [1], strides = [1]} : vector<16xi32> to vector<1xi32>
        %squeeze3A_534 = vector.extract %slice3A_533[0] : i32 from vector<1xi32>
        %slice3A_535 = vector.extract_strided_slice %mul3A_366 {offsets = [7], sizes = [1], strides = [1]} : vector<16xi32> to vector<1xi32>
        %squeeze3A_536 = vector.extract %slice3A_535[0] : i32 from vector<1xi32>
        %mul3A_537 = arith.constant 16 : i32
        %mul3A_538 = arith.muli %scan3A_339, %mul3A_537 : i32
        %add3A_539 = arith.constant 7 : i32
        %add3A_540 = arith.addi %mul3A_538, %add3A_539 : i32
        %mul3A_541 = arith.constant 32 : i32
        %mul3A_542 = arith.muli %add3A_540, %mul3A_541 : i32
        %get3A_543 = arith.index_cast %squeeze3A_534 : i32 to index
        %get3A_544 = arith.index_cast %squeeze3A_536 : i32 to index
        %get3A_545 = tpu.vector_load %arg22[%get3A_543, %get3A_544] {strides = array<i32>} : memref<320x128xf32, #tpu.memory_space<vmem>>, vector<16xf32>,
        %swap3A_546 = arith.index_cast %mul3A_542 : i32 to index
        %swap3A_547 = tpu.vector_load %arg23[%swap3A_546] {strides = array<i32>} : memref<8192xf32, #tpu.memory_space<vmem>>, vector<16xf32>,
        tpu.vector_store %arg23[%swap3A_546], %get3A_545 {strides = array<i32>} : memref<8192xf32, #tpu.memory_space<vmem>>, vector<16xf32>,
        %add3A_548 = arith.constant 16 : i32
        %add3A_549 = arith.addi %squeeze3A_536, %add3A_548 : i32
        %get3A_550 = arith.index_cast %squeeze3A_534 : i32 to index
        %get3A_551 = arith.index_cast %add3A_549 : i32 to index
        %get3A_552 = tpu.vector_load %arg22[%get3A_550, %get3A_551] {strides = array<i32>} : memref<320x128xf32, #tpu.memory_space<vmem>>, vector<16xf32>,
        %add3A_553 = arith.constant 16 : i32
        %add3A_554 = arith.addi %mul3A_542, %add3A_553 : i32
        %swap3A_555 = arith.index_cast %add3A_554 : i32 to index
        %swap3A_556 = tpu.vector_load %arg23[%swap3A_555] {strides = array<i32>} : memref<8192xf32, #tpu.memory_space<vmem>>, vector<16xf32>,
        tpu.vector_store %arg23[%swap3A_555], %get3A_552 {strides = array<i32>} : memref<8192xf32, #tpu.memory_space<vmem>>, vector<16xf32>,
        %slice3A_557 = vector.extract_strided_slice %min3A_363 {offsets = [8], sizes = [1], strides = [1]} : vector<16xi32> to vector<1xi32>
        %squeeze3A_558 = vector.extract %slice3A_557[0] : i32 from vector<1xi32>
        %slice3A_559 = vector.extract_strided_slice %mul3A_366 {offsets = [8], sizes = [1], strides = [1]} : vector<16xi32> to vector<1xi32>
        %squeeze3A_560 = vector.extract %slice3A_559[0] : i32 from vector<1xi32>
        %mul3A_561 = arith.constant 16 : i32
        %mul3A_562 = arith.muli %scan3A_339, %mul3A_561 : i32
        %add3A_563 = arith.constant 8 : i32
        %add3A_564 = arith.addi %mul3A_562, %add3A_563 : i32
        %mul3A_565 = arith.constant 32 : i32
        %mul3A_566 = arith.muli %add3A_564, %mul3A_565 : i32
        %get3A_567 = arith.index_cast %squeeze3A_558 : i32 to index
        %get3A_568 = arith.index_cast %squeeze3A_560 : i32 to index
        %get3A_569 = tpu.vector_load %arg22[%get3A_567, %get3A_568] {strides = array<i32>} : memref<320x128xf32, #tpu.memory_space<vmem>>, vector<16xf32>,
        %swap3A_570 = arith.index_cast %mul3A_566 : i32 to index
        %swap3A_571 = tpu.vector_load %arg23[%swap3A_570] {strides = array<i32>} : memref<8192xf32, #tpu.memory_space<vmem>>, vector<16xf32>,
        tpu.vector_store %arg23[%swap3A_570], %get3A_569 {strides = array<i32>} : memref<8192xf32, #tpu.memory_space<vmem>>, vector<16xf32>,
        %add3A_572 = arith.constant 16 : i32
        %add3A_573 = arith.addi %squeeze3A_560, %add3A_572 : i32
        %get3A_574 = arith.index_cast %squeeze3A_558 : i32 to index
        %get3A_575 = arith.index_cast %add3A_573 : i32 to index
        %get3A_576 = tpu.vector_load %arg22[%get3A_574, %get3A_575] {strides = array<i32>} : memref<320x128xf32, #tpu.memory_space<vmem>>, vector<16xf32>,
        %add3A_577 = arith.constant 16 : i32
        %add3A_578 = arith.addi %mul3A_566, %add3A_577 : i32
        %swap3A_579 = arith.index_cast %add3A_578 : i32 to index
        %swap3A_580 = tpu.vector_load %arg23[%swap3A_579] {strides = array<i32>} : memref<8192xf32, #tpu.memory_space<vmem>>, vector<16xf32>,
        tpu.vector_store %arg23[%swap3A_579], %get3A_576 {strides = array<i32>} : memref<8192xf32, #tpu.memory_space<vmem>>, vector<16xf32>,
        %slice3A_581 = vector.extract_strided_slice %min3A_363 {offsets = [9], sizes = [1], strides = [1]} : vector<16xi32> to vector<1xi32>
        %squeeze3A_582 = vector.extract %slice3A_581[0] : i32 from vector<1xi32>
        %slice3A_583 = vector.extract_strided_slice %mul3A_366 {offsets = [9], sizes = [1], strides = [1]} : vector<16xi32> to vector<1xi32>
        %squeeze3A_584 = vector.extract %slice3A_583[0] : i32 from vector<1xi32>
        %mul3A_585 = arith.constant 16 : i32
        %mul3A_586 = arith.muli %scan3A_339, %mul3A_585 : i32
        %add3A_587 = arith.constant 9 : i32
        %add3A_588 = arith.addi %mul3A_586, %add3A_587 : i32
        %mul3A_589 = arith.constant 32 : i32
        %mul3A_590 = arith.muli %add3A_588, %mul3A_589 : i32
        %get3A_591 = arith.index_cast %squeeze3A_582 : i32 to index
        %get3A_592 = arith.index_cast %squeeze3A_584 : i32 to index
        %get3A_593 = tpu.vector_load %arg22[%get3A_591, %get3A_592] {strides = array<i32>} : memref<320x128xf32, #tpu.memory_space<vmem>>, vector<16xf32>,
        %swap3A_594 = arith.index_cast %mul3A_590 : i32 to index
        %swap3A_595 = tpu.vector_load %arg23[%swap3A_594] {strides = array<i32>} : memref<8192xf32, #tpu.memory_space<vmem>>, vector<16xf32>,
        tpu.vector_store %arg23[%swap3A_594], %get3A_593 {strides = array<i32>} : memref<8192xf32, #tpu.memory_space<vmem>>, vector<16xf32>,
        %add3A_596 = arith.constant 16 : i32
        %add3A_597 = arith.addi %squeeze3A_584, %add3A_596 : i32
        %get3A_598 = arith.index_cast %squeeze3A_582 : i32 to index
        %get3A_599 = arith.index_cast %add3A_597 : i32 to index
        %get3A_600 = tpu.vector_load %arg22[%get3A_598, %get3A_599] {strides = array<i32>} : memref<320x128xf32, #tpu.memory_space<vmem>>, vector<16xf32>,
        %add3A_601 = arith.constant 16 : i32
        %add3A_602 = arith.addi %mul3A_590, %add3A_601 : i32
        %swap3A_603 = arith.index_cast %add3A_602 : i32 to index
        %swap3A_604 = tpu.vector_load %arg23[%swap3A_603] {strides = array<i32>} : memref<8192xf32, #tpu.memory_space<vmem>>, vector<16xf32>,
        tpu.vector_store %arg23[%swap3A_603], %get3A_600 {strides = array<i32>} : memref<8192xf32, #tpu.memory_space<vmem>>, vector<16xf32>,
        %slice3A_605 = vector.extract_strided_slice %min3A_363 {offsets = [10], sizes = [1], strides = [1]} : vector<16xi32> to vector<1xi32>
        %squeeze3A_606 = vector.extract %slice3A_605[0] : i32 from vector<1xi32>
        %slice3A_607 = vector.extract_strided_slice %mul3A_366 {offsets = [10], sizes = [1], strides = [1]} : vector<16xi32> to vector<1xi32>
        %squeeze3A_608 = vector.extract %slice3A_607[0] : i32 from vector<1xi32>
        %mul3A_609 = arith.constant 16 : i32
        %mul3A_610 = arith.muli %scan3A_339, %mul3A_609 : i32
        %add3A_611 = arith.constant 10 : i32
        %add3A_612 = arith.addi %mul3A_610, %add3A_611 : i32
        %mul3A_613 = arith.constant 32 : i32
        %mul3A_614 = arith.muli %add3A_612, %mul3A_613 : i32
        %get3A_615 = arith.index_cast %squeeze3A_606 : i32 to index
        %get3A_616 = arith.index_cast %squeeze3A_608 : i32 to index
        %get3A_617 = tpu.vector_load %arg22[%get3A_615, %get3A_616] {strides = array<i32>} : memref<320x128xf32, #tpu.memory_space<vmem>>, vector<16xf32>,
        %swap3A_618 = arith.index_cast %mul3A_614 : i32 to index
        %swap3A_619 = tpu.vector_load %arg23[%swap3A_618] {strides = array<i32>} : memref<8192xf32, #tpu.memory_space<vmem>>, vector<16xf32>,
        tpu.vector_store %arg23[%swap3A_618], %get3A_617 {strides = array<i32>} : memref<8192xf32, #tpu.memory_space<vmem>>, vector<16xf32>,
        %add3A_620 = arith.constant 16 : i32
        %add3A_621 = arith.addi %squeeze3A_608, %add3A_620 : i32
        %get3A_622 = arith.index_cast %squeeze3A_606 : i32 to index
        %get3A_623 = arith.index_cast %add3A_621 : i32 to index
        %get3A_624 = tpu.vector_load %arg22[%get3A_622, %get3A_623] {strides = array<i32>} : memref<320x128xf32, #tpu.memory_space<vmem>>, vector<16xf32>,
        %add3A_625 = arith.constant 16 : i32
        %add3A_626 = arith.addi %mul3A_614, %add3A_625 : i32
        %swap3A_627 = arith.index_cast %add3A_626 : i32 to index
        %swap3A_628 = tpu.vector_load %arg23[%swap3A_627] {strides = array<i32>} : memref<8192xf32, #tpu.memory_space<vmem>>, vector<16xf32>,
        tpu.vector_store %arg23[%swap3A_627], %get3A_624 {strides = array<i32>} : memref<8192xf32, #tpu.memory_space<vmem>>, vector<16xf32>,
        %slice3A_629 = vector.extract_strided_slice %min3A_363 {offsets = [11], sizes = [1], strides = [1]} : vector<16xi32> to vector<1xi32>
        %squeeze3A_630 = vector.extract %slice3A_629[0] : i32 from vector<1xi32>
        %slice3A_631 = vector.extract_strided_slice %mul3A_366 {offsets = [11], sizes = [1], strides = [1]} : vector<16xi32> to vector<1xi32>
        %squeeze3A_632 = vector.extract %slice3A_631[0] : i32 from vector<1xi32>
        %mul3A_633 = arith.constant 16 : i32
        %mul3A_634 = arith.muli %scan3A_339, %mul3A_633 : i32
        %add3A_635 = arith.constant 11 : i32
        %add3A_636 = arith.addi %mul3A_634, %add3A_635 : i32
        %mul3A_637 = arith.constant 32 : i32
        %mul3A_638 = arith.muli %add3A_636, %mul3A_637 : i32
        %get3A_639 = arith.index_cast %squeeze3A_630 : i32 to index
        %get3A_640 = arith.index_cast %squeeze3A_632 : i32 to index
        %get3A_641 = tpu.vector_load %arg22[%get3A_639, %get3A_640] {strides = array<i32>} : memref<320x128xf32, #tpu.memory_space<vmem>>, vector<16xf32>,
        %swap3A_642 = arith.index_cast %mul3A_638 : i32 to index
        %swap3A_643 = tpu.vector_load %arg23[%swap3A_642] {strides = array<i32>} : memref<8192xf32, #tpu.memory_space<vmem>>, vector<16xf32>,
        tpu.vector_store %arg23[%swap3A_642], %get3A_641 {strides = array<i32>} : memref<8192xf32, #tpu.memory_space<vmem>>, vector<16xf32>,
        %add3A_644 = arith.constant 16 : i32
        %add3A_645 = arith.addi %squeeze3A_632, %add3A_644 : i32
        %get3A_646 = arith.index_cast %squeeze3A_630 : i32 to index
        %get3A_647 = arith.index_cast %add3A_645 : i32 to index
        %get3A_648 = tpu.vector_load %arg22[%get3A_646, %get3A_647] {strides = array<i32>} : memref<320x128xf32, #tpu.memory_space<vmem>>, vector<16xf32>,
        %add3A_649 = arith.constant 16 : i32
        %add3A_650 = arith.addi %mul3A_638, %add3A_649 : i32
        %swap3A_651 = arith.index_cast %add3A_650 : i32 to index
        %swap3A_652 = tpu.vector_load %arg23[%swap3A_651] {strides = array<i32>} : memref<8192xf32, #tpu.memory_space<vmem>>, vector<16xf32>,
        tpu.vector_store %arg23[%swap3A_651], %get3A_648 {strides = array<i32>} : memref<8192xf32, #tpu.memory_space<vmem>>, vector<16xf32>,
        %slice3A_653 = vector.extract_strided_slice %min3A_363 {offsets = [12], sizes = [1], strides = [1]} : vector<16xi32> to vector<1xi32>
        %squeeze3A_654 = vector.extract %slice3A_653[0] : i32 from vector<1xi32>
        %slice3A_655 = vector.extract_strided_slice %mul3A_366 {offsets = [12], sizes = [1], strides = [1]} : vector<16xi32> to vector<1xi32>
        %squeeze3A_656 = vector.extract %slice3A_655[0] : i32 from vector<1xi32>
        %mul3A_657 = arith.constant 16 : i32
        %mul3A_658 = arith.muli %scan3A_339, %mul3A_657 : i32
        %add3A_659 = arith.constant 12 : i32
        %add3A_660 = arith.addi %mul3A_658, %add3A_659 : i32
        %mul3A_661 = arith.constant 32 : i32
        %mul3A_662 = arith.muli %add3A_660, %mul3A_661 : i32
        %get3A_663 = arith.index_cast %squeeze3A_654 : i32 to index
        %get3A_664 = arith.index_cast %squeeze3A_656 : i32 to index
        %get3A_665 = tpu.vector_load %arg22[%get3A_663, %get3A_664] {strides = array<i32>} : memref<320x128xf32, #tpu.memory_space<vmem>>, vector<16xf32>,
        %swap3A_666 = arith.index_cast %mul3A_662 : i32 to index
        %swap3A_667 = tpu.vector_load %arg23[%swap3A_666] {strides = array<i32>} : memref<8192xf32, #tpu.memory_space<vmem>>, vector<16xf32>,
        tpu.vector_store %arg23[%swap3A_666], %get3A_665 {strides = array<i32>} : memref<8192xf32, #tpu.memory_space<vmem>>, vector<16xf32>,
        %add3A_668 = arith.constant 16 : i32
        %add3A_669 = arith.addi %squeeze3A_656, %add3A_668 : i32
        %get3A_670 = arith.index_cast %squeeze3A_654 : i32 to index
        %get3A_671 = arith.index_cast %add3A_669 : i32 to index
        %get3A_672 = tpu.vector_load %arg22[%get3A_670, %get3A_671] {strides = array<i32>} : memref<320x128xf32, #tpu.memory_space<vmem>>, vector<16xf32>,
        %add3A_673 = arith.constant 16 : i32
        %add3A_674 = arith.addi %mul3A_662, %add3A_673 : i32
        %swap3A_675 = arith.index_cast %add3A_674 : i32 to index
        %swap3A_676 = tpu.vector_load %arg23[%swap3A_675] {strides = array<i32>} : memref<8192xf32, #tpu.memory_space<vmem>>, vector<16xf32>,
        tpu.vector_store %arg23[%swap3A_675], %get3A_672 {strides = array<i32>} : memref<8192xf32, #tpu.memory_space<vmem>>, vector<16xf32>,
        %slice3A_677 = vector.extract_strided_slice %min3A_363 {offsets = [13], sizes = [1], strides = [1]} : vector<16xi32> to vector<1xi32>
        %squeeze3A_678 = vector.extract %slice3A_677[0] : i32 from vector<1xi32>
        %slice3A_679 = vector.extract_strided_slice %mul3A_366 {offsets = [13], sizes = [1], strides = [1]} : vector<16xi32> to vector<1xi32>
        %squeeze3A_680 = vector.extract %slice3A_679[0] : i32 from vector<1xi32>
        %mul3A_681 = arith.constant 16 : i32
        %mul3A_682 = arith.muli %scan3A_339, %mul3A_681 : i32
        %add3A_683 = arith.constant 13 : i32
        %add3A_684 = arith.addi %mul3A_682, %add3A_683 : i32
        %mul3A_685 = arith.constant 32 : i32
        %mul3A_686 = arith.muli %add3A_684, %mul3A_685 : i32
        %get3A_687 = arith.index_cast %squeeze3A_678 : i32 to index
        %get3A_688 = arith.index_cast %squeeze3A_680 : i32 to index
        %get3A_689 = tpu.vector_load %arg22[%get3A_687, %get3A_688] {strides = array<i32>} : memref<320x128xf32, #tpu.memory_space<vmem>>, vector<16xf32>,
        %swap3A_690 = arith.index_cast %mul3A_686 : i32 to index
        %swap3A_691 = tpu.vector_load %arg23[%swap3A_690] {strides = array<i32>} : memref<8192xf32, #tpu.memory_space<vmem>>, vector<16xf32>,
        tpu.vector_store %arg23[%swap3A_690], %get3A_689 {strides = array<i32>} : memref<8192xf32, #tpu.memory_space<vmem>>, vector<16xf32>,
        %add3A_692 = arith.constant 16 : i32
        %add3A_693 = arith.addi %squeeze3A_680, %add3A_692 : i32
        %get3A_694 = arith.index_cast %squeeze3A_678 : i32 to index
        %get3A_695 = arith.index_cast %add3A_693 : i32 to index
        %get3A_696 = tpu.vector_load %arg22[%get3A_694, %get3A_695] {strides = array<i32>} : memref<320x128xf32, #tpu.memory_space<vmem>>, vector<16xf32>,
        %add3A_697 = arith.constant 16 : i32
        %add3A_698 = arith.addi %mul3A_686, %add3A_697 : i32
        %swap3A_699 = arith.index_cast %add3A_698 : i32 to index
        %swap3A_700 = tpu.vector_load %arg23[%swap3A_699] {strides = array<i32>} : memref<8192xf32, #tpu.memory_space<vmem>>, vector<16xf32>,
        tpu.vector_store %arg23[%swap3A_699], %get3A_696 {strides = array<i32>} : memref<8192xf32, #tpu.memory_space<vmem>>, vector<16xf32>,
        %slice3A_701 = vector.extract_strided_slice %min3A_363 {offsets = [14], sizes = [1], strides = [1]} : vector<16xi32> to vector<1xi32>
        %squeeze3A_702 = vector.extract %slice3A_701[0] : i32 from vector<1xi32>
        %slice3A_703 = vector.extract_strided_slice %mul3A_366 {offsets = [14], sizes = [1], strides = [1]} : vector<16xi32> to vector<1xi32>
        %squeeze3A_704 = vector.extract %slice3A_703[0] : i32 from vector<1xi32>
        %mul3A_705 = arith.constant 16 : i32
        %mul3A_706 = arith.muli %scan3A_339, %mul3A_705 : i32
        %add3A_707 = arith.constant 14 : i32
        %add3A_708 = arith.addi %mul3A_706, %add3A_707 : i32
        %mul3A_709 = arith.constant 32 : i32
        %mul3A_710 = arith.muli %add3A_708, %mul3A_709 : i32
        %get3A_711 = arith.index_cast %squeeze3A_702 : i32 to index
        %get3A_712 = arith.index_cast %squeeze3A_704 : i32 to index
        %get3A_713 = tpu.vector_load %arg22[%get3A_711, %get3A_712] {strides = array<i32>} : memref<320x128xf32, #tpu.memory_space<vmem>>, vector<16xf32>,
        %swap3A_714 = arith.index_cast %mul3A_710 : i32 to index
        %swap3A_715 = tpu.vector_load %arg23[%swap3A_714] {strides = array<i32>} : memref<8192xf32, #tpu.memory_space<vmem>>, vector<16xf32>,
        tpu.vector_store %arg23[%swap3A_714], %get3A_713 {strides = array<i32>} : memref<8192xf32, #tpu.memory_space<vmem>>, vector<16xf32>,
        %add3A_716 = arith.constant 16 : i32
        %add3A_717 = arith.addi %squeeze3A_704, %add3A_716 : i32
        %get3A_718 = arith.index_cast %squeeze3A_702 : i32 to index
        %get3A_719 = arith.index_cast %add3A_717 : i32 to index
        %get3A_720 = tpu.vector_load %arg22[%get3A_718, %get3A_719] {strides = array<i32>} : memref<320x128xf32, #tpu.memory_space<vmem>>, vector<16xf32>,
        %add3A_721 = arith.constant 16 : i32
        %add3A_722 = arith.addi %mul3A_710, %add3A_721 : i32
        %swap3A_723 = arith.index_cast %add3A_722 : i32 to index
        %swap3A_724 = tpu.vector_load %arg23[%swap3A_723] {strides = array<i32>} : memref<8192xf32, #tpu.memory_space<vmem>>, vector<16xf32>,
        tpu.vector_store %arg23[%swap3A_723], %get3A_720 {strides = array<i32>} : memref<8192xf32, #tpu.memory_space<vmem>>, vector<16xf32>,
        %slice3A_725 = vector.extract_strided_slice %min3A_363 {offsets = [15], sizes = [1], strides = [1]} : vector<16xi32> to vector<1xi32>
        %squeeze3A_726 = vector.extract %slice3A_725[0] : i32 from vector<1xi32>
        %slice3A_727 = vector.extract_strided_slice %mul3A_366 {offsets = [15], sizes = [1], strides = [1]} : vector<16xi32> to vector<1xi32>
        %squeeze3A_728 = vector.extract %slice3A_727[0] : i32 from vector<1xi32>
        %mul3A_729 = arith.constant 16 : i32
        %mul3A_730 = arith.muli %scan3A_339, %mul3A_729 : i32
        %add3A_731 = arith.constant 15 : i32
        %add3A_732 = arith.addi %mul3A_730, %add3A_731 : i32
        %mul3A_733 = arith.constant 32 : i32
        %mul3A_734 = arith.muli %add3A_732, %mul3A_733 : i32
        %get3A_735 = arith.index_cast %squeeze3A_726 : i32 to index
        %get3A_736 = arith.index_cast %squeeze3A_728 : i32 to index
        %get3A_737 = tpu.vector_load %arg22[%get3A_735, %get3A_736] {strides = array<i32>} : memref<320x128xf32, #tpu.memory_space<vmem>>, vector<16xf32>,
        %swap3A_738 = arith.index_cast %mul3A_734 : i32 to index
        %swap3A_739 = tpu.vector_load %arg23[%swap3A_738] {strides = array<i32>} : memref<8192xf32, #tpu.memory_space<vmem>>, vector<16xf32>,
        tpu.vector_store %arg23[%swap3A_738], %get3A_737 {strides = array<i32>} : memref<8192xf32, #tpu.memory_space<vmem>>, vector<16xf32>,
        %add3A_740 = arith.constant 16 : i32
        %add3A_741 = arith.addi %squeeze3A_728, %add3A_740 : i32
        %get3A_742 = arith.index_cast %squeeze3A_726 : i32 to index
        %get3A_743 = arith.index_cast %add3A_741 : i32 to index
        %get3A_744 = tpu.vector_load %arg22[%get3A_742, %get3A_743] {strides = array<i32>} : memref<320x128xf32, #tpu.memory_space<vmem>>, vector<16xf32>,
        %add3A_745 = arith.constant 16 : i32
        %add3A_746 = arith.addi %mul3A_734, %add3A_745 : i32
        %swap3A_747 = arith.index_cast %add3A_746 : i32 to index
        %swap3A_748 = tpu.vector_load %arg23[%swap3A_747] {strides = array<i32>} : memref<8192xf32, #tpu.memory_space<vmem>>, vector<16xf32>,
        tpu.vector_store %arg23[%swap3A_747], %get3A_744 {strides = array<i32>} : memref<8192xf32, #tpu.memory_space<vmem>>, vector<16xf32>,
        %scan3A_749 = arith.constant 0 : i32
        scf.yield %scan3A_749 : i32
      }
      %scan3A_172 = arith.constant 16 : i32
      %ge3A_173 = arith.constant 1 : i32
      %ge3A_174 = arith.cmpi sge, %mul3A_29, %ge3A_173 : i32
      %convert_element_type3A = arith.extui %ge3A_174 : i1 to i32
      %cond3A = arith.constant 0 : i32
      %cond3A_175 = arith.cmpi ne, %convert_element_type3A, %cond3A : i32
      scf.if %cond3A_175 {
        %mul3A_339 = arith.constant 256 : i32
        %mul3A_340 = arith.muli %max3A_163, %mul3A_339 : i32
        %add3A_341 = arith.addi %mul3A_2, %mul3A_340 : i32
        %mul3A_342 = arith.constant 32 : i32
        %mul3A_343 = arith.muli %add3A_341, %mul3A_342 : i32
        "tpu.region"() ({
          %run_scoped3A = tpu.sem_alloc : memref<!tpu.dma_semaphore, #tpu.memory_space<semaphore_mem>>
          %dma_start3A = tpu.memref_slice %arg7[%mul3A_343] : memref<6553600xf32, #tpu.memory_space<hbm>> -> memref<8192xf32, #tpu.memory_space<hbm>>
          %dma_start3A_344 = tpu.memref_slice %arg7[%mul3A_343] : memref<6553600xf32, #tpu.memory_space<hbm>> -> memref<8192xf32, #tpu.memory_space<hbm>>
          tpu.enqueue_dma source(%arg23 : memref<8192xf32, #tpu.memory_space<vmem>>) target(%dma_start3A_344 : memref<8192xf32, #tpu.memory_space<hbm>>) target_semaphore(%run_scoped3A : memref<!tpu.dma_semaphore, #tpu.memory_space<semaphore_mem>>)
          %dma_wait3A = tpu.memref_slice %arg7[%mul3A_343] : memref<6553600xf32, #tpu.memory_space<hbm>> -> memref<8192xf32, #tpu.memory_space<hbm>>
          %dma_wait3A_345 = tpu.memref_slice %arg7[%mul3A_343] : memref<6553600xf32, #tpu.memory_space<hbm>> -> memref<8192xf32, #tpu.memory_space<hbm>>
          tpu.wait_dma2 semaphore(%run_scoped3A : memref<!tpu.dma_semaphore, #tpu.memory_space<semaphore_mem>>) src(%arg23 : memref<8192xf32, #tpu.memory_space<vmem>>) dst(%dma_wait3A_345 : memref<8192xf32, #tpu.memory_space<hbm>>)
          tpu.yield
        }) : () -> ()
      } else {
      }
      %mul3A_176 = arith.constant 2 : i32
      %mul3A_177 = arith.muli %mul3A_176, %scan3A_19 : i32
      %add3A_178 = arith.constant 1 : i32
      %add3A_179 = arith.addi %mul3A_177, %add3A_178 : i32
      %min3A_180 = arith.constant 24 : i32
      %min3A_181 = arith.minsi %add3A_179, %min3A_180 : i32
      %mul3A_182 = arith.constant 256 : i32
      %mul3A_183 = arith.muli %min3A_181, %mul3A_182 : i32
      %scan3A_184 = arith.constant 0 : i32
      %scan3A_185 = arith.constant 0 : i32
      %scan3A_186 = arith.constant 0 : i32
      %scan3A_187 = arith.constant 0 : i32
      %scan3A_188 = arith.constant 0 : i32
      %scan3A_189 = arith.constant 16 : i32
      %scan3A_190 = arith.addi %scan3A_188, %scan3A_189 : i32
      %scan3A_191 = arith.constant 1 : i32
      %scan3A_192:4 = scf.for %scan3A_339 = %scan3A_188 to %scan3A_190 step %scan3A_191 iter_args(%scan3A_340 = %scan3A_184, %scan3A_341 = %scan3A_185, %scan3A_342 = %scan3A_186, %scan3A_343 = %scan3A_187) -> (i32, i32, i32, i32)  : i32 {
        %mul3A_344 = arith.constant 16 : i32
        %mul3A_345 = arith.muli %scan3A_339, %mul3A_344 : i32
        %add3A_346 = arith.addi %mul3A_183, %mul3A_345 : i32
        %get3A = arith.index_cast %add3A_346 : i32 to index
        %get3A_347 = tpu.vector_load %arg8[%get3A] {strides = array<i32>} : memref<6400xi32, #tpu.memory_space<vmem>>, vector<16xi32>,
        %and3A_348 = arith.constant 3 : i32
        %and3A_349 = vector.broadcast %and3A_348 : i32 to vector<16xi32>
        %and3A_350 = arith.andi %get3A_347, %and3A_349 : vector<16xi32>
        %shift_right_logical3A = arith.constant 4 : i32
        %shift_right_logical3A_351 = vector.broadcast %shift_right_logical3A : i32 to vector<16xi32>
        %shift_right_logical3A_352 = arith.shrui %get3A_347, %shift_right_logical3A_351 : vector<16xi32>
        %eq3A_353 = arith.constant 0 : i32
        %eq3A_354 = vector.broadcast %eq3A_353 : i32 to vector<16xi32>
        %eq3A_355 = arith.cmpi eq, %and3A_350, %eq3A_354 : vector<16xi32>
        %convert_element_type3A_356 = arith.extui %eq3A_355 : vector<16xi1> to vector<16xi32>
        %broadcast_in_dim3A_357 = arith.constant true
        %broadcast_in_dim3A_358 = vector.broadcast %broadcast_in_dim3A_357 : i1 to vector<16xi1>
        %masked_cumsum3A = tpu.scan <sum>, %convert_element_type3A_356 masked %broadcast_in_dim3A_358 : vector<16xi32>, vector<16xi1> -> vector<16xi32>
        %add3A_359 = vector.broadcast %scan3A_340 : i32 to vector<16xi32>
        %add3A_360 = arith.addi %add3A_359, %masked_cumsum3A : vector<16xi32>
        %sub3A_361 = arith.constant 1 : i32
        %sub3A_362 = vector.broadcast %sub3A_361 : i32 to vector<16xi32>
        %sub3A_363 = arith.subi %add3A_360, %sub3A_362 : vector<16xi32>
        tpu.vector_store_idx %arg13[%sub3A_363], %shift_right_logical3A_352 masked %eq3A_355 : memref<272xi32, #tpu.memory_space<vmem>>[vector<16xi32>], vector<16xi32>, vector<16xi1>
        %select_n3A_364 = arith.select %eq3A_355, %sub3A_363, %broadcast_in_dim3A_5 : vector<16xi1>, vector<16xi32>
        %slice3A = vector.extract_strided_slice %masked_cumsum3A {offsets = [15], sizes = [1], strides = [1]} : vector<16xi32> to vector<1xi32>
        %squeeze3A = vector.extract %slice3A[0] : i32 from vector<1xi32>
        %add3A_365 = arith.addi %scan3A_340, %squeeze3A : i32
        %eq3A_366 = arith.constant 1 : i32
        %eq3A_367 = vector.broadcast %eq3A_366 : i32 to vector<16xi32>
        %eq3A_368 = arith.cmpi eq, %and3A_350, %eq3A_367 : vector<16xi32>
        %convert_element_type3A_369 = arith.extui %eq3A_368 : vector<16xi1> to vector<16xi32>
        %broadcast_in_dim3A_370 = arith.constant true
        %broadcast_in_dim3A_371 = vector.broadcast %broadcast_in_dim3A_370 : i1 to vector<16xi1>
        %masked_cumsum3A_372 = tpu.scan <sum>, %convert_element_type3A_369 masked %broadcast_in_dim3A_371 : vector<16xi32>, vector<16xi1> -> vector<16xi32>
        %add3A_373 = vector.broadcast %scan3A_341 : i32 to vector<16xi32>
        %add3A_374 = arith.addi %add3A_373, %masked_cumsum3A_372 : vector<16xi32>
        %sub3A_375 = arith.constant 1 : i32
        %sub3A_376 = vector.broadcast %sub3A_375 : i32 to vector<16xi32>
        %sub3A_377 = arith.subi %add3A_374, %sub3A_376 : vector<16xi32>
        tpu.vector_store_idx %arg14[%sub3A_377], %shift_right_logical3A_352 masked %eq3A_368 : memref<272xi32, #tpu.memory_space<vmem>>[vector<16xi32>], vector<16xi32>, vector<16xi1>
        %select_n3A_378 = arith.select %eq3A_368, %sub3A_377, %select_n3A_364 : vector<16xi1>, vector<16xi32>
        %slice3A_379 = vector.extract_strided_slice %masked_cumsum3A_372 {offsets = [15], sizes = [1], strides = [1]} : vector<16xi32> to vector<1xi32>
        %squeeze3A_380 = vector.extract %slice3A_379[0] : i32 from vector<1xi32>
        %add3A_381 = arith.addi %scan3A_341, %squeeze3A_380 : i32
        %eq3A_382 = arith.constant 2 : i32
        %eq3A_383 = vector.broadcast %eq3A_382 : i32 to vector<16xi32>
        %eq3A_384 = arith.cmpi eq, %and3A_350, %eq3A_383 : vector<16xi32>
        %convert_element_type3A_385 = arith.extui %eq3A_384 : vector<16xi1> to vector<16xi32>
        %broadcast_in_dim3A_386 = arith.constant true
        %broadcast_in_dim3A_387 = vector.broadcast %broadcast_in_dim3A_386 : i1 to vector<16xi1>
        %masked_cumsum3A_388 = tpu.scan <sum>, %convert_element_type3A_385 masked %broadcast_in_dim3A_387 : vector<16xi32>, vector<16xi1> -> vector<16xi32>
        %add3A_389 = vector.broadcast %scan3A_342 : i32 to vector<16xi32>
        %add3A_390 = arith.addi %add3A_389, %masked_cumsum3A_388 : vector<16xi32>
        %sub3A_391 = arith.constant 1 : i32
        %sub3A_392 = vector.broadcast %sub3A_391 : i32 to vector<16xi32>
        %sub3A_393 = arith.subi %add3A_390, %sub3A_392 : vector<16xi32>
        tpu.vector_store_idx %arg15[%sub3A_393], %shift_right_logical3A_352 masked %eq3A_384 : memref<272xi32, #tpu.memory_space<vmem>>[vector<16xi32>], vector<16xi32>, vector<16xi1>
        %select_n3A_394 = arith.select %eq3A_384, %sub3A_393, %select_n3A_378 : vector<16xi1>, vector<16xi32>
        %slice3A_395 = vector.extract_strided_slice %masked_cumsum3A_388 {offsets = [15], sizes = [1], strides = [1]} : vector<16xi32> to vector<1xi32>
        %squeeze3A_396 = vector.extract %slice3A_395[0] : i32 from vector<1xi32>
        %add3A_397 = arith.addi %scan3A_342, %squeeze3A_396 : i32
        %eq3A_398 = arith.constant 3 : i32
        %eq3A_399 = vector.broadcast %eq3A_398 : i32 to vector<16xi32>
        %eq3A_400 = arith.cmpi eq, %and3A_350, %eq3A_399 : vector<16xi32>
        %convert_element_type3A_401 = arith.extui %eq3A_400 : vector<16xi1> to vector<16xi32>
        %broadcast_in_dim3A_402 = arith.constant true
        %broadcast_in_dim3A_403 = vector.broadcast %broadcast_in_dim3A_402 : i1 to vector<16xi1>
        %masked_cumsum3A_404 = tpu.scan <sum>, %convert_element_type3A_401 masked %broadcast_in_dim3A_403 : vector<16xi32>, vector<16xi1> -> vector<16xi32>
        %add3A_405 = vector.broadcast %scan3A_343 : i32 to vector<16xi32>
        %add3A_406 = arith.addi %add3A_405, %masked_cumsum3A_404 : vector<16xi32>
        %sub3A_407 = arith.constant 1 : i32
        %sub3A_408 = vector.broadcast %sub3A_407 : i32 to vector<16xi32>
        %sub3A_409 = arith.subi %add3A_406, %sub3A_408 : vector<16xi32>
        tpu.vector_store_idx %arg16[%sub3A_409], %shift_right_logical3A_352 masked %eq3A_400 : memref<272xi32, #tpu.memory_space<vmem>>[vector<16xi32>], vector<16xi32>, vector<16xi1>
        %select_n3A_410 = arith.select %eq3A_400, %sub3A_409, %select_n3A_394 : vector<16xi1>, vector<16xi32>
        %slice3A_411 = vector.extract_strided_slice %masked_cumsum3A_404 {offsets = [15], sizes = [1], strides = [1]} : vector<16xi32> to vector<1xi32>
        %squeeze3A_412 = vector.extract %slice3A_411[0] : i32 from vector<1xi32>
        %add3A_413 = arith.addi %scan3A_343, %squeeze3A_412 : i32
        %mul3A_414 = arith.constant 16 : i32
        %mul3A_415 = arith.muli %scan3A_339, %mul3A_414 : i32
        %swap3A_416 = arith.index_cast %mul3A_415 : i32 to index
        %swap3A_417 = tpu.vector_load %arg18[%swap3A_416] {strides = array<i32>} : memref<256xi32, #tpu.memory_space<vmem>>, vector<16xi32>,
        tpu.vector_store %arg18[%swap3A_416], %select_n3A_410 {strides = array<i32>} : memref<256xi32, #tpu.memory_space<vmem>>, vector<16xi32>,
        scf.yield %add3A_365, %add3A_381, %add3A_397, %add3A_413 : i32, i32, i32, i32
      }
      %scan3A_193 = arith.constant 16 : i32
      %add3A_194 = vector.broadcast %scan3A_192#0 : i32 to vector<16xi32>
      %add3A_195 = arith.addi %add3A_194, %iota3A : vector<16xi32>
      tpu.vector_store_idx %arg13[%add3A_195], %broadcast_in_dim3A_5 masked %ge3A_4 : memref<272xi32, #tpu.memory_space<vmem>>[vector<16xi32>], vector<16xi32>, vector<16xi1>
      %add3A_196 = vector.broadcast %scan3A_192#1 : i32 to vector<16xi32>
      %add3A_197 = arith.addi %add3A_196, %iota3A : vector<16xi32>
      tpu.vector_store_idx %arg14[%add3A_197], %broadcast_in_dim3A_5 masked %ge3A_4 : memref<272xi32, #tpu.memory_space<vmem>>[vector<16xi32>], vector<16xi32>, vector<16xi1>
      %add3A_198 = vector.broadcast %scan3A_192#2 : i32 to vector<16xi32>
      %add3A_199 = arith.addi %add3A_198, %iota3A : vector<16xi32>
      tpu.vector_store_idx %arg15[%add3A_199], %broadcast_in_dim3A_5 masked %ge3A_4 : memref<272xi32, #tpu.memory_space<vmem>>[vector<16xi32>], vector<16xi32>, vector<16xi1>
      %add3A_200 = vector.broadcast %scan3A_192#3 : i32 to vector<16xi32>
      %add3A_201 = arith.addi %add3A_200, %iota3A : vector<16xi32>
      tpu.vector_store_idx %arg16[%add3A_201], %broadcast_in_dim3A_5 masked %ge3A_4 : memref<272xi32, #tpu.memory_space<vmem>>[vector<16xi32>], vector<16xi32>, vector<16xi1>
      %add3A_202 = arith.constant 15 : i32
      %add3A_203 = arith.addi %scan3A_192#0, %add3A_202 : i32
      %and3A_204 = arith.constant -16 : i32
      %and3A_205 = arith.andi %add3A_203, %and3A_204 : i32
      %add3A_206 = arith.constant 0 : i32
      %add3A_207 = arith.addi %add3A_206, %and3A_205 : i32
      %add3A_208 = arith.constant 15 : i32
      %add3A_209 = arith.addi %scan3A_192#1, %add3A_208 : i32
      %and3A_210 = arith.constant -16 : i32
      %and3A_211 = arith.andi %add3A_209, %and3A_210 : i32
      %add3A_212 = arith.addi %add3A_207, %and3A_211 : i32
      %add3A_213 = arith.constant 15 : i32
      %add3A_214 = arith.addi %scan3A_192#2, %add3A_213 : i32
      %and3A_215 = arith.constant -16 : i32
      %and3A_216 = arith.andi %add3A_214, %and3A_215 : i32
      %add3A_217 = arith.addi %add3A_212, %and3A_216 : i32
      %add3A_218 = arith.constant 15 : i32
      %add3A_219 = arith.addi %scan3A_192#3, %add3A_218 : i32
      %and3A_220 = arith.constant -16 : i32
      %and3A_221 = arith.andi %add3A_219, %and3A_220 : i32
      %add3A_222 = arith.addi %add3A_217, %and3A_221 : i32
      %eq3A_223 = arith.constant 0 : i32
      %eq3A_224 = vector.broadcast %eq3A_223 : i32 to vector<16xi32>
      %eq3A_225 = arith.cmpi eq, %iota3A, %eq3A_224 : vector<16xi32>
      %jit3A_226 = arith.constant 0 : i32
      %broadcast_in_dim3A_227 = vector.broadcast %jit3A_226 : i32 to vector<16xi32>
      %select_n3A_228 = arith.select %eq3A_225, %broadcast_in_dim3A_227, %broadcast_in_dim3A_5 : vector<16xi1>, vector<16xi32>
      %eq3A_229 = arith.constant 1 : i32
      %eq3A_230 = vector.broadcast %eq3A_229 : i32 to vector<16xi32>
      %eq3A_231 = arith.cmpi eq, %iota3A, %eq3A_230 : vector<16xi32>
      %broadcast_in_dim3A_232 = vector.broadcast %add3A_207 : i32 to vector<16xi32>
      %select_n3A_233 = arith.select %eq3A_231, %broadcast_in_dim3A_232, %select_n3A_228 : vector<16xi1>, vector<16xi32>
      %eq3A_234 = arith.constant 2 : i32
      %eq3A_235 = vector.broadcast %eq3A_234 : i32 to vector<16xi32>
      %eq3A_236 = arith.cmpi eq, %iota3A, %eq3A_235 : vector<16xi32>
      %broadcast_in_dim3A_237 = vector.broadcast %add3A_212 : i32 to vector<16xi32>
      %select_n3A_238 = arith.select %eq3A_236, %broadcast_in_dim3A_237, %select_n3A_233 : vector<16xi1>, vector<16xi32>
      %eq3A_239 = arith.constant 3 : i32
      %eq3A_240 = vector.broadcast %eq3A_239 : i32 to vector<16xi32>
      %eq3A_241 = arith.cmpi eq, %iota3A, %eq3A_240 : vector<16xi32>
      %broadcast_in_dim3A_242 = vector.broadcast %add3A_217 : i32 to vector<16xi32>
      %select_n3A_243 = arith.select %eq3A_241, %broadcast_in_dim3A_242, %select_n3A_238 : vector<16xi1>, vector<16xi32>
      %swap3A_244 = arith.constant 0 : index
      %swap3A_245 = tpu.vector_load %arg20[%swap3A_244] {strides = array<i32>} : memref<16xi32, #tpu.memory_space<vmem>>, vector<16xi32>,
      tpu.vector_store %arg20[%swap3A_244], %select_n3A_243 {strides = array<i32>} : memref<16xi32, #tpu.memory_space<vmem>>, vector<16xi32>,
      %lt3A_246 = arith.constant 25 : i32
      %lt3A_247 = arith.cmpi slt, %add3A_179, %lt3A_246 : i32
      %jit3A_248 = arith.constant 0 : i32
      %select_n3A_249 = arith.select %lt3A_247, %scan3A_192#0, %jit3A_248 : i32
      %lt3A_250 = arith.constant 25 : i32
      %lt3A_251 = arith.cmpi slt, %add3A_179, %lt3A_250 : i32
      %jit3A_252 = arith.constant 0 : i32
      %select_n3A_253 = arith.select %lt3A_251, %scan3A_192#1, %jit3A_252 : i32
      %lt3A_254 = arith.constant 25 : i32
      %lt3A_255 = arith.cmpi slt, %add3A_179, %lt3A_254 : i32
      %jit3A_256 = arith.constant 0 : i32
      %select_n3A_257 = arith.select %lt3A_255, %scan3A_192#2, %jit3A_256 : i32
      %lt3A_258 = arith.constant 25 : i32
      %lt3A_259 = arith.cmpi slt, %add3A_179, %lt3A_258 : i32
      %jit3A_260 = arith.constant 0 : i32
      %select_n3A_261 = arith.select %lt3A_259, %scan3A_192#3, %jit3A_260 : i32
      %scan3A_262 = arith.constant 0 : i32
      %scan3A_263 = arith.constant 0 : i32
      %scan3A_264 = arith.constant 0 : i32
      %scan3A_265 = arith.constant 16 : i32
      %scan3A_266 = arith.addi %scan3A_264, %scan3A_265 : i32
      %scan3A_267 = arith.constant 1 : i32
      %scan3A_268 = scf.for %scan3A_339 = %scan3A_264 to %scan3A_266 step %scan3A_267 iter_args(%scan3A_340 = %scan3A_263) -> (i32)  : i32 {
        %mul3A_341 = arith.constant 16 : i32
        %mul3A_342 = arith.muli %scan3A_339, %mul3A_341 : i32
        %lt3A_343 = arith.cmpi slt, %mul3A_342, %select_n3A_249 : i32
        %convert_element_type3A_344 = arith.extui %lt3A_343 : i1 to i32
        %cond3A_345 = arith.constant 0 : i32
        %cond3A_346 = arith.cmpi ne, %convert_element_type3A_344, %cond3A_345 : i32
        scf.if %cond3A_346 {
          %mul3A_348 = arith.constant 16 : i32
          %mul3A_349 = arith.muli %scan3A_339, %mul3A_348 : i32
          %mul3A_350 = arith.constant 16 : i32
          %mul3A_351 = arith.muli %scan3A_339, %mul3A_350 : i32
          %add3A_352 = arith.addi %scan3A_262, %mul3A_351 : i32
          %dma_start3A = arith.constant 0 : i32
          %dma_start3A_353 = tpu.memref_slice %arg22[%add3A_352, %dma_start3A] : memref<320x128xf32, #tpu.memory_space<vmem>> -> memref<16x128xf32, #tpu.memory_space<vmem>>
          %dma_start3A_354 = tpu.memref_slice %arg13[%mul3A_349] : memref<272xi32, #tpu.memory_space<vmem>> -> memref<16xi32, #tpu.memory_space<vmem>>
          %dma_start3A_355 = arith.constant 0 : i32
          %dma_start3A_356 = arith.constant 0 : i32
          %dma_start3A_357 = tpu.memref_slice %arg3[%dma_start3A_355, %dma_start3A_356] : memref<62500x128xf32, #tpu.memory_space<hbm>> -> memref<62500x128xf32, #tpu.memory_space<hbm>>
          tpu.enqueue_indirect_dma source(%dma_start3A_357 : memref<62500x128xf32, #tpu.memory_space<hbm>>) target(%dma_start3A_353 : memref<16x128xf32, #tpu.memory_space<vmem>>) offsets(%dma_start3A_354 : memref<16xi32, #tpu.memory_space<vmem>>) semaphore(%arg25 : memref<!tpu.dma_semaphore, #tpu.memory_space<semaphore_mem>>)
        } else {
        }
        %scan3A_347 = arith.constant 0 : i32
        scf.yield %scan3A_347 : i32
      }
      %scan3A_269 = arith.constant 16 : i32
      %scan3A_270 = arith.constant 0 : i32
      %scan3A_271 = arith.constant 0 : i32
      %scan3A_272 = arith.constant 16 : i32
      %scan3A_273 = arith.addi %scan3A_271, %scan3A_272 : i32
      %scan3A_274 = arith.constant 1 : i32
      %scan3A_275 = scf.for %scan3A_339 = %scan3A_271 to %scan3A_273 step %scan3A_274 iter_args(%scan3A_340 = %scan3A_270) -> (i32)  : i32 {
        %mul3A_341 = arith.constant 16 : i32
        %mul3A_342 = arith.muli %scan3A_339, %mul3A_341 : i32
        %lt3A_343 = arith.cmpi slt, %mul3A_342, %select_n3A_253 : i32
        %convert_element_type3A_344 = arith.extui %lt3A_343 : i1 to i32
        %cond3A_345 = arith.constant 0 : i32
        %cond3A_346 = arith.cmpi ne, %convert_element_type3A_344, %cond3A_345 : i32
        scf.if %cond3A_346 {
          %mul3A_348 = arith.constant 16 : i32
          %mul3A_349 = arith.muli %scan3A_339, %mul3A_348 : i32
          %mul3A_350 = arith.constant 16 : i32
          %mul3A_351 = arith.muli %scan3A_339, %mul3A_350 : i32
          %add3A_352 = arith.addi %add3A_207, %mul3A_351 : i32
          %dma_start3A = arith.constant 0 : i32
          %dma_start3A_353 = tpu.memref_slice %arg22[%add3A_352, %dma_start3A] : memref<320x128xf32, #tpu.memory_space<vmem>> -> memref<16x128xf32, #tpu.memory_space<vmem>>
          %dma_start3A_354 = tpu.memref_slice %arg14[%mul3A_349] : memref<272xi32, #tpu.memory_space<vmem>> -> memref<16xi32, #tpu.memory_space<vmem>>
          %dma_start3A_355 = arith.constant 0 : i32
          %dma_start3A_356 = arith.constant 0 : i32
          %dma_start3A_357 = tpu.memref_slice %arg4[%dma_start3A_355, %dma_start3A_356] : memref<62500x128xf32, #tpu.memory_space<hbm>> -> memref<62500x128xf32, #tpu.memory_space<hbm>>
          tpu.enqueue_indirect_dma source(%dma_start3A_357 : memref<62500x128xf32, #tpu.memory_space<hbm>>) target(%dma_start3A_353 : memref<16x128xf32, #tpu.memory_space<vmem>>) offsets(%dma_start3A_354 : memref<16xi32, #tpu.memory_space<vmem>>) semaphore(%arg25 : memref<!tpu.dma_semaphore, #tpu.memory_space<semaphore_mem>>)
        } else {
        }
        %scan3A_347 = arith.constant 0 : i32
        scf.yield %scan3A_347 : i32
      }
      %scan3A_276 = arith.constant 16 : i32
      %scan3A_277 = arith.constant 0 : i32
      %scan3A_278 = arith.constant 0 : i32
      %scan3A_279 = arith.constant 16 : i32
      %scan3A_280 = arith.addi %scan3A_278, %scan3A_279 : i32
      %scan3A_281 = arith.constant 1 : i32
      %scan3A_282 = scf.for %scan3A_339 = %scan3A_278 to %scan3A_280 step %scan3A_281 iter_args(%scan3A_340 = %scan3A_277) -> (i32)  : i32 {
        %mul3A_341 = arith.constant 16 : i32
        %mul3A_342 = arith.muli %scan3A_339, %mul3A_341 : i32
        %lt3A_343 = arith.cmpi slt, %mul3A_342, %select_n3A_257 : i32
        %convert_element_type3A_344 = arith.extui %lt3A_343 : i1 to i32
        %cond3A_345 = arith.constant 0 : i32
        %cond3A_346 = arith.cmpi ne, %convert_element_type3A_344, %cond3A_345 : i32
        scf.if %cond3A_346 {
          %mul3A_348 = arith.constant 16 : i32
          %mul3A_349 = arith.muli %scan3A_339, %mul3A_348 : i32
          %mul3A_350 = arith.constant 16 : i32
          %mul3A_351 = arith.muli %scan3A_339, %mul3A_350 : i32
          %add3A_352 = arith.addi %add3A_212, %mul3A_351 : i32
          %dma_start3A = arith.constant 0 : i32
          %dma_start3A_353 = tpu.memref_slice %arg22[%add3A_352, %dma_start3A] : memref<320x128xf32, #tpu.memory_space<vmem>> -> memref<16x128xf32, #tpu.memory_space<vmem>>
          %dma_start3A_354 = tpu.memref_slice %arg15[%mul3A_349] : memref<272xi32, #tpu.memory_space<vmem>> -> memref<16xi32, #tpu.memory_space<vmem>>
          %dma_start3A_355 = arith.constant 0 : i32
          %dma_start3A_356 = arith.constant 0 : i32
          %dma_start3A_357 = tpu.memref_slice %arg5[%dma_start3A_355, %dma_start3A_356] : memref<62500x128xf32, #tpu.memory_space<hbm>> -> memref<62500x128xf32, #tpu.memory_space<hbm>>
          tpu.enqueue_indirect_dma source(%dma_start3A_357 : memref<62500x128xf32, #tpu.memory_space<hbm>>) target(%dma_start3A_353 : memref<16x128xf32, #tpu.memory_space<vmem>>) offsets(%dma_start3A_354 : memref<16xi32, #tpu.memory_space<vmem>>) semaphore(%arg25 : memref<!tpu.dma_semaphore, #tpu.memory_space<semaphore_mem>>)
        } else {
        }
        %scan3A_347 = arith.constant 0 : i32
        scf.yield %scan3A_347 : i32
      }
      %scan3A_283 = arith.constant 16 : i32
      %scan3A_284 = arith.constant 0 : i32
      %scan3A_285 = arith.constant 0 : i32
      %scan3A_286 = arith.constant 16 : i32
      %scan3A_287 = arith.addi %scan3A_285, %scan3A_286 : i32
      %scan3A_288 = arith.constant 1 : i32
      %scan3A_289 = scf.for %scan3A_339 = %scan3A_285 to %scan3A_287 step %scan3A_288 iter_args(%scan3A_340 = %scan3A_284) -> (i32)  : i32 {
        %mul3A_341 = arith.constant 16 : i32
        %mul3A_342 = arith.muli %scan3A_339, %mul3A_341 : i32
        %lt3A_343 = arith.cmpi slt, %mul3A_342, %select_n3A_261 : i32
        %convert_element_type3A_344 = arith.extui %lt3A_343 : i1 to i32
        %cond3A_345 = arith.constant 0 : i32
        %cond3A_346 = arith.cmpi ne, %convert_element_type3A_344, %cond3A_345 : i32
        scf.if %cond3A_346 {
          %mul3A_348 = arith.constant 16 : i32
          %mul3A_349 = arith.muli %scan3A_339, %mul3A_348 : i32
          %mul3A_350 = arith.constant 16 : i32
          %mul3A_351 = arith.muli %scan3A_339, %mul3A_350 : i32
          %add3A_352 = arith.addi %add3A_217, %mul3A_351 : i32
          %dma_start3A = arith.constant 0 : i32
          %dma_start3A_353 = tpu.memref_slice %arg22[%add3A_352, %dma_start3A] : memref<320x128xf32, #tpu.memory_space<vmem>> -> memref<16x128xf32, #tpu.memory_space<vmem>>
          %dma_start3A_354 = tpu.memref_slice %arg16[%mul3A_349] : memref<272xi32, #tpu.memory_space<vmem>> -> memref<16xi32, #tpu.memory_space<vmem>>
          %dma_start3A_355 = arith.constant 0 : i32
          %dma_start3A_356 = arith.constant 0 : i32
          %dma_start3A_357 = tpu.memref_slice %arg6[%dma_start3A_355, %dma_start3A_356] : memref<62500x128xf32, #tpu.memory_space<hbm>> -> memref<62500x128xf32, #tpu.memory_space<hbm>>
          tpu.enqueue_indirect_dma source(%dma_start3A_357 : memref<62500x128xf32, #tpu.memory_space<hbm>>) target(%dma_start3A_353 : memref<16x128xf32, #tpu.memory_space<vmem>>) offsets(%dma_start3A_354 : memref<16xi32, #tpu.memory_space<vmem>>) semaphore(%arg25 : memref<!tpu.dma_semaphore, #tpu.memory_space<semaphore_mem>>)
        } else {
        }
        %scan3A_347 = arith.constant 0 : i32
        scf.yield %scan3A_347 : i32
      }
      %scan3A_290 = arith.constant 16 : i32
      %scan3A_291 = arith.constant 0 : i32
      %scan3A_292 = arith.constant 0 : i32
      %scan3A_293 = arith.constant 0 : i32
      %scan3A_294 = arith.constant 16 : i32
      %scan3A_295 = arith.addi %scan3A_293, %scan3A_294 : i32
      %scan3A_296 = arith.constant 1 : i32
      %scan3A_297 = scf.for %scan3A_339 = %scan3A_293 to %scan3A_295 step %scan3A_296 iter_args(%scan3A_340 = %scan3A_292) -> (i32)  : i32 {
        %mul3A_341 = arith.constant 16 : i32
        %mul3A_342 = arith.muli %scan3A_339, %mul3A_341 : i32
        %lt3A_343 = arith.cmpi slt, %mul3A_342, %select_n3A_92 : i32
        %convert_element_type3A_344 = arith.extui %lt3A_343 : i1 to i32
        %cond3A_345 = arith.constant 0 : i32
        %cond3A_346 = arith.cmpi ne, %convert_element_type3A_344, %cond3A_345 : i32
        scf.if %cond3A_346 {
          %mul3A_348 = arith.constant 16 : i32
          %mul3A_349 = arith.muli %scan3A_339, %mul3A_348 : i32
          %mul3A_350 = arith.constant 16 : i32
          %mul3A_351 = arith.muli %scan3A_339, %mul3A_350 : i32
          %add3A_352 = arith.addi %scan3A_291, %mul3A_351 : i32
          %dma_wait3A = arith.constant 0 : i32
          %dma_wait3A_353 = tpu.memref_slice %arg21[%add3A_352, %dma_wait3A] : memref<320x128xf32, #tpu.memory_space<vmem>> -> memref<16x128xf32, #tpu.memory_space<vmem>>
          %dma_wait3A_354 = tpu.memref_slice %arg9[%mul3A_349] : memref<272xi32, #tpu.memory_space<vmem>> -> memref<16xi32, #tpu.memory_space<vmem>>
          %dma_wait3A_355 = arith.constant 0 : i32
          %dma_wait3A_356 = arith.constant 0 : i32
          %dma_wait3A_357 = tpu.memref_slice %arg3[%dma_wait3A_355, %dma_wait3A_356] : memref<62500x128xf32, #tpu.memory_space<hbm>> -> memref<62500x128xf32, #tpu.memory_space<hbm>>
          tpu.wait_indirect_dma semaphore(%arg24 : memref<!tpu.dma_semaphore, #tpu.memory_space<semaphore_mem>>) src(%dma_wait3A_357 : memref<62500x128xf32, #tpu.memory_space<hbm>>) dst(%dma_wait3A_353 : memref<16x128xf32, #tpu.memory_space<vmem>>)
        } else {
        }
        %scan3A_347 = arith.constant 0 : i32
        scf.yield %scan3A_347 : i32
      }
      %scan3A_298 = arith.constant 16 : i32
      %scan3A_299 = arith.constant 0 : i32
      %scan3A_300 = arith.constant 0 : i32
      %scan3A_301 = arith.constant 16 : i32
      %scan3A_302 = arith.addi %scan3A_300, %scan3A_301 : i32
      %scan3A_303 = arith.constant 1 : i32
      %scan3A_304 = scf.for %scan3A_339 = %scan3A_300 to %scan3A_302 step %scan3A_303 iter_args(%scan3A_340 = %scan3A_299) -> (i32)  : i32 {
        %mul3A_341 = arith.constant 16 : i32
        %mul3A_342 = arith.muli %scan3A_339, %mul3A_341 : i32
        %lt3A_343 = arith.cmpi slt, %mul3A_342, %select_n3A_96 : i32
        %convert_element_type3A_344 = arith.extui %lt3A_343 : i1 to i32
        %cond3A_345 = arith.constant 0 : i32
        %cond3A_346 = arith.cmpi ne, %convert_element_type3A_344, %cond3A_345 : i32
        scf.if %cond3A_346 {
          %mul3A_348 = arith.constant 16 : i32
          %mul3A_349 = arith.muli %scan3A_339, %mul3A_348 : i32
          %mul3A_350 = arith.constant 16 : i32
          %mul3A_351 = arith.muli %scan3A_339, %mul3A_350 : i32
          %add3A_352 = arith.addi %add3A_55, %mul3A_351 : i32
          %dma_wait3A = arith.constant 0 : i32
          %dma_wait3A_353 = tpu.memref_slice %arg21[%add3A_352, %dma_wait3A] : memref<320x128xf32, #tpu.memory_space<vmem>> -> memref<16x128xf32, #tpu.memory_space<vmem>>
          %dma_wait3A_354 = tpu.memref_slice %arg10[%mul3A_349] : memref<272xi32, #tpu.memory_space<vmem>> -> memref<16xi32, #tpu.memory_space<vmem>>
          %dma_wait3A_355 = arith.constant 0 : i32
          %dma_wait3A_356 = arith.constant 0 : i32
          %dma_wait3A_357 = tpu.memref_slice %arg4[%dma_wait3A_355, %dma_wait3A_356] : memref<62500x128xf32, #tpu.memory_space<hbm>> -> memref<62500x128xf32, #tpu.memory_space<hbm>>
          tpu.wait_indirect_dma semaphore(%arg24 : memref<!tpu.dma_semaphore, #tpu.memory_space<semaphore_mem>>) src(%dma_wait3A_357 : memref<62500x128xf32, #tpu.memory_space<hbm>>) dst(%dma_wait3A_353 : memref<16x128xf32, #tpu.memory_space<vmem>>)
        } else {
        }
        %scan3A_347 = arith.constant 0 : i32
        scf.yield %scan3A_347 : i32
      }
      %scan3A_305 = arith.constant 16 : i32
      %scan3A_306 = arith.constant 0 : i32
      %scan3A_307 = arith.constant 0 : i32
      %scan3A_308 = arith.constant 16 : i32
      %scan3A_309 = arith.addi %scan3A_307, %scan3A_308 : i32
      %scan3A_310 = arith.constant 1 : i32
      %scan3A_311 = scf.for %scan3A_339 = %scan3A_307 to %scan3A_309 step %scan3A_310 iter_args(%scan3A_340 = %scan3A_306) -> (i32)  : i32 {
        %mul3A_341 = arith.constant 16 : i32
        %mul3A_342 = arith.muli %scan3A_339, %mul3A_341 : i32
        %lt3A_343 = arith.cmpi slt, %mul3A_342, %select_n3A_100 : i32
        %convert_element_type3A_344 = arith.extui %lt3A_343 : i1 to i32
        %cond3A_345 = arith.constant 0 : i32
        %cond3A_346 = arith.cmpi ne, %convert_element_type3A_344, %cond3A_345 : i32
        scf.if %cond3A_346 {
          %mul3A_348 = arith.constant 16 : i32
          %mul3A_349 = arith.muli %scan3A_339, %mul3A_348 : i32
          %mul3A_350 = arith.constant 16 : i32
          %mul3A_351 = arith.muli %scan3A_339, %mul3A_350 : i32
          %add3A_352 = arith.addi %add3A_60, %mul3A_351 : i32
          %dma_wait3A = arith.constant 0 : i32
          %dma_wait3A_353 = tpu.memref_slice %arg21[%add3A_352, %dma_wait3A] : memref<320x128xf32, #tpu.memory_space<vmem>> -> memref<16x128xf32, #tpu.memory_space<vmem>>
          %dma_wait3A_354 = tpu.memref_slice %arg11[%mul3A_349] : memref<272xi32, #tpu.memory_space<vmem>> -> memref<16xi32, #tpu.memory_space<vmem>>
          %dma_wait3A_355 = arith.constant 0 : i32
          %dma_wait3A_356 = arith.constant 0 : i32
          %dma_wait3A_357 = tpu.memref_slice %arg5[%dma_wait3A_355, %dma_wait3A_356] : memref<62500x128xf32, #tpu.memory_space<hbm>> -> memref<62500x128xf32, #tpu.memory_space<hbm>>
          tpu.wait_indirect_dma semaphore(%arg24 : memref<!tpu.dma_semaphore, #tpu.memory_space<semaphore_mem>>) src(%dma_wait3A_357 : memref<62500x128xf32, #tpu.memory_space<hbm>>) dst(%dma_wait3A_353 : memref<16x128xf32, #tpu.memory_space<vmem>>)
        } else {
        }
        %scan3A_347 = arith.constant 0 : i32
        scf.yield %scan3A_347 : i32
      }
      %scan3A_312 = arith.constant 16 : i32
      %scan3A_313 = arith.constant 0 : i32
      %scan3A_314 = arith.constant 0 : i32
      %scan3A_315 = arith.constant 16 : i32
      %scan3A_316 = arith.addi %scan3A_314, %scan3A_315 : i32
      %scan3A_317 = arith.constant 1 : i32
      %scan3A_318 = scf.for %scan3A_339 = %scan3A_314 to %scan3A_316 step %scan3A_317 iter_args(%scan3A_340 = %scan3A_313) -> (i32)  : i32 {
        %mul3A_341 = arith.constant 16 : i32
        %mul3A_342 = arith.muli %scan3A_339, %mul3A_341 : i32
        %lt3A_343 = arith.cmpi slt, %mul3A_342, %select_n3A_104 : i32
        %convert_element_type3A_344 = arith.extui %lt3A_343 : i1 to i32
        %cond3A_345 = arith.constant 0 : i32
        %cond3A_346 = arith.cmpi ne, %convert_element_type3A_344, %cond3A_345 : i32
        scf.if %cond3A_346 {
          %mul3A_348 = arith.constant 16 : i32
          %mul3A_349 = arith.muli %scan3A_339, %mul3A_348 : i32
          %mul3A_350 = arith.constant 16 : i32
          %mul3A_351 = arith.muli %scan3A_339, %mul3A_350 : i32
          %add3A_352 = arith.addi %add3A_65, %mul3A_351 : i32
          %dma_wait3A = arith.constant 0 : i32
          %dma_wait3A_353 = tpu.memref_slice %arg21[%add3A_352, %dma_wait3A] : memref<320x128xf32, #tpu.memory_space<vmem>> -> memref<16x128xf32, #tpu.memory_space<vmem>>
          %dma_wait3A_354 = tpu.memref_slice %arg12[%mul3A_349] : memref<272xi32, #tpu.memory_space<vmem>> -> memref<16xi32, #tpu.memory_space<vmem>>
          %dma_wait3A_355 = arith.constant 0 : i32
          %dma_wait3A_356 = arith.constant 0 : i32
          %dma_wait3A_357 = tpu.memref_slice %arg6[%dma_wait3A_355, %dma_wait3A_356] : memref<62500x128xf32, #tpu.memory_space<hbm>> -> memref<62500x128xf32, #tpu.memory_space<hbm>>
          tpu.wait_indirect_dma semaphore(%arg24 : memref<!tpu.dma_semaphore, #tpu.memory_space<semaphore_mem>>) src(%dma_wait3A_357 : memref<62500x128xf32, #tpu.memory_space<hbm>>) dst(%dma_wait3A_353 : memref<16x128xf32, #tpu.memory_space<vmem>>)
        } else {
        }
        %scan3A_347 = arith.constant 0 : i32
        scf.yield %scan3A_347 : i32
      }
      %scan3A_319 = arith.constant 16 : i32
      %sub3A_320 = arith.constant 1 : i32
      %sub3A_321 = arith.subi %add3A_179, %sub3A_320 : i32
      %max3A_322 = arith.constant 0 : i32
      %max3A_323 = arith.maxsi %sub3A_321, %max3A_322 : i32
      %mul3A_324 = arith.constant 256 : i32
      %mul3A_325 = arith.muli %max3A_323, %mul3A_324 : i32
      %scan3A_326 = arith.constant 0 : i32
      %scan3A_327 = arith.constant 0 : i32
      %scan3A_328 = arith.constant 16 : i32
      %scan3A_329 = arith.addi %scan3A_327, %scan3A_328 : i32
      %scan3A_330 = arith.constant 1 : i32
      %scan3A_331 = scf.for %scan3A_339 = %scan3A_327 to %scan3A_329 step %scan3A_330 iter_args(%scan3A_340 = %scan3A_326) -> (i32)  : i32 {
        %mul3A_341 = arith.constant 16 : i32
        %mul3A_342 = arith.muli %scan3A_339, %mul3A_341 : i32
        %add3A_343 = arith.addi %mul3A_325, %mul3A_342 : i32
        %get3A = arith.index_cast %add3A_343 : i32 to index
        %get3A_344 = tpu.vector_load %arg8[%get3A] {strides = array<i32>} : memref<6400xi32, #tpu.memory_space<vmem>>, vector<16xi32>,
        %and3A_345 = arith.constant 3 : i32
        %and3A_346 = vector.broadcast %and3A_345 : i32 to vector<16xi32>
        %and3A_347 = arith.andi %get3A_344, %and3A_346 : vector<16xi32>
        %shift_right_logical3A = arith.constant 2 : i32
        %shift_right_logical3A_348 = vector.broadcast %shift_right_logical3A : i32 to vector<16xi32>
        %shift_right_logical3A_349 = arith.shrui %get3A_344, %shift_right_logical3A_348 : vector<16xi32>
        %and3A_350 = arith.constant 3 : i32
        %and3A_351 = vector.broadcast %and3A_350 : i32 to vector<16xi32>
        %and3A_352 = arith.andi %shift_right_logical3A_349, %and3A_351 : vector<16xi32>
        %mul3A_353 = arith.constant 16 : i32
        %mul3A_354 = arith.muli %scan3A_339, %mul3A_353 : i32
        %get3A_355 = arith.index_cast %mul3A_354 : i32 to index
        %get3A_356 = tpu.vector_load %arg17[%get3A_355] {strides = array<i32>} : memref<256xi32, #tpu.memory_space<vmem>>, vector<16xi32>,
        %gather3A = tpu.vector_load_idx %arg19[%and3A_347] : memref<16xi32, #tpu.memory_space<vmem>>[vector<16xi32>], vector<16xi32>,
        %add3A_357 = arith.addi %gather3A, %get3A_356 : vector<16xi32>
        %max3A_358 = arith.constant 0 : i32
        %max3A_359 = vector.broadcast %max3A_358 : i32 to vector<16xi32>
        %max3A_360 = arith.maxsi %add3A_357, %max3A_359 : vector<16xi32>
        %min3A_361 = arith.constant 319 : i32
        %min3A_362 = vector.broadcast %min3A_361 : i32 to vector<16xi32>
        %min3A_363 = arith.minsi %max3A_360, %min3A_362 : vector<16xi32>
        %mul3A_364 = arith.constant 32 : i32
        %mul3A_365 = vector.broadcast %mul3A_364 : i32 to vector<16xi32>
        %mul3A_366 = arith.muli %and3A_352, %mul3A_365 : vector<16xi32>
        %slice3A = vector.extract_strided_slice %min3A_363 {offsets = [0], sizes = [1], strides = [1]} : vector<16xi32> to vector<1xi32>
        %squeeze3A = vector.extract %slice3A[0] : i32 from vector<1xi32>
        %slice3A_367 = vector.extract_strided_slice %mul3A_366 {offsets = [0], sizes = [1], strides = [1]} : vector<16xi32> to vector<1xi32>
        %squeeze3A_368 = vector.extract %slice3A_367[0] : i32 from vector<1xi32>
        %mul3A_369 = arith.constant 16 : i32
        %mul3A_370 = arith.muli %scan3A_339, %mul3A_369 : i32
        %add3A_371 = arith.constant 0 : i32
        %add3A_372 = arith.addi %mul3A_370, %add3A_371 : i32
        %mul3A_373 = arith.constant 32 : i32
        %mul3A_374 = arith.muli %add3A_372, %mul3A_373 : i32
        %get3A_375 = arith.index_cast %squeeze3A : i32 to index
        %get3A_376 = arith.index_cast %squeeze3A_368 : i32 to index
        %get3A_377 = tpu.vector_load %arg21[%get3A_375, %get3A_376] {strides = array<i32>} : memref<320x128xf32, #tpu.memory_space<vmem>>, vector<16xf32>,
        %swap3A_378 = arith.index_cast %mul3A_374 : i32 to index
        %swap3A_379 = tpu.vector_load %arg23[%swap3A_378] {strides = array<i32>} : memref<8192xf32, #tpu.memory_space<vmem>>, vector<16xf32>,
        tpu.vector_store %arg23[%swap3A_378], %get3A_377 {strides = array<i32>} : memref<8192xf32, #tpu.memory_space<vmem>>, vector<16xf32>,
        %add3A_380 = arith.constant 16 : i32
        %add3A_381 = arith.addi %squeeze3A_368, %add3A_380 : i32
        %get3A_382 = arith.index_cast %squeeze3A : i32 to index
        %get3A_383 = arith.index_cast %add3A_381 : i32 to index
        %get3A_384 = tpu.vector_load %arg21[%get3A_382, %get3A_383] {strides = array<i32>} : memref<320x128xf32, #tpu.memory_space<vmem>>, vector<16xf32>,
        %add3A_385 = arith.constant 16 : i32
        %add3A_386 = arith.addi %mul3A_374, %add3A_385 : i32
        %swap3A_387 = arith.index_cast %add3A_386 : i32 to index
        %swap3A_388 = tpu.vector_load %arg23[%swap3A_387] {strides = array<i32>} : memref<8192xf32, #tpu.memory_space<vmem>>, vector<16xf32>,
        tpu.vector_store %arg23[%swap3A_387], %get3A_384 {strides = array<i32>} : memref<8192xf32, #tpu.memory_space<vmem>>, vector<16xf32>,
        %slice3A_389 = vector.extract_strided_slice %min3A_363 {offsets = [1], sizes = [1], strides = [1]} : vector<16xi32> to vector<1xi32>
        %squeeze3A_390 = vector.extract %slice3A_389[0] : i32 from vector<1xi32>
        %slice3A_391 = vector.extract_strided_slice %mul3A_366 {offsets = [1], sizes = [1], strides = [1]} : vector<16xi32> to vector<1xi32>
        %squeeze3A_392 = vector.extract %slice3A_391[0] : i32 from vector<1xi32>
        %mul3A_393 = arith.constant 16 : i32
        %mul3A_394 = arith.muli %scan3A_339, %mul3A_393 : i32
        %add3A_395 = arith.constant 1 : i32
        %add3A_396 = arith.addi %mul3A_394, %add3A_395 : i32
        %mul3A_397 = arith.constant 32 : i32
        %mul3A_398 = arith.muli %add3A_396, %mul3A_397 : i32
        %get3A_399 = arith.index_cast %squeeze3A_390 : i32 to index
        %get3A_400 = arith.index_cast %squeeze3A_392 : i32 to index
        %get3A_401 = tpu.vector_load %arg21[%get3A_399, %get3A_400] {strides = array<i32>} : memref<320x128xf32, #tpu.memory_space<vmem>>, vector<16xf32>,
        %swap3A_402 = arith.index_cast %mul3A_398 : i32 to index
        %swap3A_403 = tpu.vector_load %arg23[%swap3A_402] {strides = array<i32>} : memref<8192xf32, #tpu.memory_space<vmem>>, vector<16xf32>,
        tpu.vector_store %arg23[%swap3A_402], %get3A_401 {strides = array<i32>} : memref<8192xf32, #tpu.memory_space<vmem>>, vector<16xf32>,
        %add3A_404 = arith.constant 16 : i32
        %add3A_405 = arith.addi %squeeze3A_392, %add3A_404 : i32
        %get3A_406 = arith.index_cast %squeeze3A_390 : i32 to index
        %get3A_407 = arith.index_cast %add3A_405 : i32 to index
        %get3A_408 = tpu.vector_load %arg21[%get3A_406, %get3A_407] {strides = array<i32>} : memref<320x128xf32, #tpu.memory_space<vmem>>, vector<16xf32>,
        %add3A_409 = arith.constant 16 : i32
        %add3A_410 = arith.addi %mul3A_398, %add3A_409 : i32
        %swap3A_411 = arith.index_cast %add3A_410 : i32 to index
        %swap3A_412 = tpu.vector_load %arg23[%swap3A_411] {strides = array<i32>} : memref<8192xf32, #tpu.memory_space<vmem>>, vector<16xf32>,
        tpu.vector_store %arg23[%swap3A_411], %get3A_408 {strides = array<i32>} : memref<8192xf32, #tpu.memory_space<vmem>>, vector<16xf32>,
        %slice3A_413 = vector.extract_strided_slice %min3A_363 {offsets = [2], sizes = [1], strides = [1]} : vector<16xi32> to vector<1xi32>
        %squeeze3A_414 = vector.extract %slice3A_413[0] : i32 from vector<1xi32>
        %slice3A_415 = vector.extract_strided_slice %mul3A_366 {offsets = [2], sizes = [1], strides = [1]} : vector<16xi32> to vector<1xi32>
        %squeeze3A_416 = vector.extract %slice3A_415[0] : i32 from vector<1xi32>
        %mul3A_417 = arith.constant 16 : i32
        %mul3A_418 = arith.muli %scan3A_339, %mul3A_417 : i32
        %add3A_419 = arith.constant 2 : i32
        %add3A_420 = arith.addi %mul3A_418, %add3A_419 : i32
        %mul3A_421 = arith.constant 32 : i32
        %mul3A_422 = arith.muli %add3A_420, %mul3A_421 : i32
        %get3A_423 = arith.index_cast %squeeze3A_414 : i32 to index
        %get3A_424 = arith.index_cast %squeeze3A_416 : i32 to index
        %get3A_425 = tpu.vector_load %arg21[%get3A_423, %get3A_424] {strides = array<i32>} : memref<320x128xf32, #tpu.memory_space<vmem>>, vector<16xf32>,
        %swap3A_426 = arith.index_cast %mul3A_422 : i32 to index
        %swap3A_427 = tpu.vector_load %arg23[%swap3A_426] {strides = array<i32>} : memref<8192xf32, #tpu.memory_space<vmem>>, vector<16xf32>,
        tpu.vector_store %arg23[%swap3A_426], %get3A_425 {strides = array<i32>} : memref<8192xf32, #tpu.memory_space<vmem>>, vector<16xf32>,
        %add3A_428 = arith.constant 16 : i32
        %add3A_429 = arith.addi %squeeze3A_416, %add3A_428 : i32
        %get3A_430 = arith.index_cast %squeeze3A_414 : i32 to index
        %get3A_431 = arith.index_cast %add3A_429 : i32 to index
        %get3A_432 = tpu.vector_load %arg21[%get3A_430, %get3A_431] {strides = array<i32>} : memref<320x128xf32, #tpu.memory_space<vmem>>, vector<16xf32>,
        %add3A_433 = arith.constant 16 : i32
        %add3A_434 = arith.addi %mul3A_422, %add3A_433 : i32
        %swap3A_435 = arith.index_cast %add3A_434 : i32 to index
        %swap3A_436 = tpu.vector_load %arg23[%swap3A_435] {strides = array<i32>} : memref<8192xf32, #tpu.memory_space<vmem>>, vector<16xf32>,
        tpu.vector_store %arg23[%swap3A_435], %get3A_432 {strides = array<i32>} : memref<8192xf32, #tpu.memory_space<vmem>>, vector<16xf32>,
        %slice3A_437 = vector.extract_strided_slice %min3A_363 {offsets = [3], sizes = [1], strides = [1]} : vector<16xi32> to vector<1xi32>
        %squeeze3A_438 = vector.extract %slice3A_437[0] : i32 from vector<1xi32>
        %slice3A_439 = vector.extract_strided_slice %mul3A_366 {offsets = [3], sizes = [1], strides = [1]} : vector<16xi32> to vector<1xi32>
        %squeeze3A_440 = vector.extract %slice3A_439[0] : i32 from vector<1xi32>
        %mul3A_441 = arith.constant 16 : i32
        %mul3A_442 = arith.muli %scan3A_339, %mul3A_441 : i32
        %add3A_443 = arith.constant 3 : i32
        %add3A_444 = arith.addi %mul3A_442, %add3A_443 : i32
        %mul3A_445 = arith.constant 32 : i32
        %mul3A_446 = arith.muli %add3A_444, %mul3A_445 : i32
        %get3A_447 = arith.index_cast %squeeze3A_438 : i32 to index
        %get3A_448 = arith.index_cast %squeeze3A_440 : i32 to index
        %get3A_449 = tpu.vector_load %arg21[%get3A_447, %get3A_448] {strides = array<i32>} : memref<320x128xf32, #tpu.memory_space<vmem>>, vector<16xf32>,
        %swap3A_450 = arith.index_cast %mul3A_446 : i32 to index
        %swap3A_451 = tpu.vector_load %arg23[%swap3A_450] {strides = array<i32>} : memref<8192xf32, #tpu.memory_space<vmem>>, vector<16xf32>,
        tpu.vector_store %arg23[%swap3A_450], %get3A_449 {strides = array<i32>} : memref<8192xf32, #tpu.memory_space<vmem>>, vector<16xf32>,
        %add3A_452 = arith.constant 16 : i32
        %add3A_453 = arith.addi %squeeze3A_440, %add3A_452 : i32
        %get3A_454 = arith.index_cast %squeeze3A_438 : i32 to index
        %get3A_455 = arith.index_cast %add3A_453 : i32 to index
        %get3A_456 = tpu.vector_load %arg21[%get3A_454, %get3A_455] {strides = array<i32>} : memref<320x128xf32, #tpu.memory_space<vmem>>, vector<16xf32>,
        %add3A_457 = arith.constant 16 : i32
        %add3A_458 = arith.addi %mul3A_446, %add3A_457 : i32
        %swap3A_459 = arith.index_cast %add3A_458 : i32 to index
        %swap3A_460 = tpu.vector_load %arg23[%swap3A_459] {strides = array<i32>} : memref<8192xf32, #tpu.memory_space<vmem>>, vector<16xf32>,
        tpu.vector_store %arg23[%swap3A_459], %get3A_456 {strides = array<i32>} : memref<8192xf32, #tpu.memory_space<vmem>>, vector<16xf32>,
        %slice3A_461 = vector.extract_strided_slice %min3A_363 {offsets = [4], sizes = [1], strides = [1]} : vector<16xi32> to vector<1xi32>
        %squeeze3A_462 = vector.extract %slice3A_461[0] : i32 from vector<1xi32>
        %slice3A_463 = vector.extract_strided_slice %mul3A_366 {offsets = [4], sizes = [1], strides = [1]} : vector<16xi32> to vector<1xi32>
        %squeeze3A_464 = vector.extract %slice3A_463[0] : i32 from vector<1xi32>
        %mul3A_465 = arith.constant 16 : i32
        %mul3A_466 = arith.muli %scan3A_339, %mul3A_465 : i32
        %add3A_467 = arith.constant 4 : i32
        %add3A_468 = arith.addi %mul3A_466, %add3A_467 : i32
        %mul3A_469 = arith.constant 32 : i32
        %mul3A_470 = arith.muli %add3A_468, %mul3A_469 : i32
        %get3A_471 = arith.index_cast %squeeze3A_462 : i32 to index
        %get3A_472 = arith.index_cast %squeeze3A_464 : i32 to index
        %get3A_473 = tpu.vector_load %arg21[%get3A_471, %get3A_472] {strides = array<i32>} : memref<320x128xf32, #tpu.memory_space<vmem>>, vector<16xf32>,
        %swap3A_474 = arith.index_cast %mul3A_470 : i32 to index
        %swap3A_475 = tpu.vector_load %arg23[%swap3A_474] {strides = array<i32>} : memref<8192xf32, #tpu.memory_space<vmem>>, vector<16xf32>,
        tpu.vector_store %arg23[%swap3A_474], %get3A_473 {strides = array<i32>} : memref<8192xf32, #tpu.memory_space<vmem>>, vector<16xf32>,
        %add3A_476 = arith.constant 16 : i32
        %add3A_477 = arith.addi %squeeze3A_464, %add3A_476 : i32
        %get3A_478 = arith.index_cast %squeeze3A_462 : i32 to index
        %get3A_479 = arith.index_cast %add3A_477 : i32 to index
        %get3A_480 = tpu.vector_load %arg21[%get3A_478, %get3A_479] {strides = array<i32>} : memref<320x128xf32, #tpu.memory_space<vmem>>, vector<16xf32>,
        %add3A_481 = arith.constant 16 : i32
        %add3A_482 = arith.addi %mul3A_470, %add3A_481 : i32
        %swap3A_483 = arith.index_cast %add3A_482 : i32 to index
        %swap3A_484 = tpu.vector_load %arg23[%swap3A_483] {strides = array<i32>} : memref<8192xf32, #tpu.memory_space<vmem>>, vector<16xf32>,
        tpu.vector_store %arg23[%swap3A_483], %get3A_480 {strides = array<i32>} : memref<8192xf32, #tpu.memory_space<vmem>>, vector<16xf32>,
        %slice3A_485 = vector.extract_strided_slice %min3A_363 {offsets = [5], sizes = [1], strides = [1]} : vector<16xi32> to vector<1xi32>
        %squeeze3A_486 = vector.extract %slice3A_485[0] : i32 from vector<1xi32>
        %slice3A_487 = vector.extract_strided_slice %mul3A_366 {offsets = [5], sizes = [1], strides = [1]} : vector<16xi32> to vector<1xi32>
        %squeeze3A_488 = vector.extract %slice3A_487[0] : i32 from vector<1xi32>
        %mul3A_489 = arith.constant 16 : i32
        %mul3A_490 = arith.muli %scan3A_339, %mul3A_489 : i32
        %add3A_491 = arith.constant 5 : i32
        %add3A_492 = arith.addi %mul3A_490, %add3A_491 : i32
        %mul3A_493 = arith.constant 32 : i32
        %mul3A_494 = arith.muli %add3A_492, %mul3A_493 : i32
        %get3A_495 = arith.index_cast %squeeze3A_486 : i32 to index
        %get3A_496 = arith.index_cast %squeeze3A_488 : i32 to index
        %get3A_497 = tpu.vector_load %arg21[%get3A_495, %get3A_496] {strides = array<i32>} : memref<320x128xf32, #tpu.memory_space<vmem>>, vector<16xf32>,
        %swap3A_498 = arith.index_cast %mul3A_494 : i32 to index
        %swap3A_499 = tpu.vector_load %arg23[%swap3A_498] {strides = array<i32>} : memref<8192xf32, #tpu.memory_space<vmem>>, vector<16xf32>,
        tpu.vector_store %arg23[%swap3A_498], %get3A_497 {strides = array<i32>} : memref<8192xf32, #tpu.memory_space<vmem>>, vector<16xf32>,
        %add3A_500 = arith.constant 16 : i32
        %add3A_501 = arith.addi %squeeze3A_488, %add3A_500 : i32
        %get3A_502 = arith.index_cast %squeeze3A_486 : i32 to index
        %get3A_503 = arith.index_cast %add3A_501 : i32 to index
        %get3A_504 = tpu.vector_load %arg21[%get3A_502, %get3A_503] {strides = array<i32>} : memref<320x128xf32, #tpu.memory_space<vmem>>, vector<16xf32>,
        %add3A_505 = arith.constant 16 : i32
        %add3A_506 = arith.addi %mul3A_494, %add3A_505 : i32
        %swap3A_507 = arith.index_cast %add3A_506 : i32 to index
        %swap3A_508 = tpu.vector_load %arg23[%swap3A_507] {strides = array<i32>} : memref<8192xf32, #tpu.memory_space<vmem>>, vector<16xf32>,
        tpu.vector_store %arg23[%swap3A_507], %get3A_504 {strides = array<i32>} : memref<8192xf32, #tpu.memory_space<vmem>>, vector<16xf32>,
        %slice3A_509 = vector.extract_strided_slice %min3A_363 {offsets = [6], sizes = [1], strides = [1]} : vector<16xi32> to vector<1xi32>
        %squeeze3A_510 = vector.extract %slice3A_509[0] : i32 from vector<1xi32>
        %slice3A_511 = vector.extract_strided_slice %mul3A_366 {offsets = [6], sizes = [1], strides = [1]} : vector<16xi32> to vector<1xi32>
        %squeeze3A_512 = vector.extract %slice3A_511[0] : i32 from vector<1xi32>
        %mul3A_513 = arith.constant 16 : i32
        %mul3A_514 = arith.muli %scan3A_339, %mul3A_513 : i32
        %add3A_515 = arith.constant 6 : i32
        %add3A_516 = arith.addi %mul3A_514, %add3A_515 : i32
        %mul3A_517 = arith.constant 32 : i32
        %mul3A_518 = arith.muli %add3A_516, %mul3A_517 : i32
        %get3A_519 = arith.index_cast %squeeze3A_510 : i32 to index
        %get3A_520 = arith.index_cast %squeeze3A_512 : i32 to index
        %get3A_521 = tpu.vector_load %arg21[%get3A_519, %get3A_520] {strides = array<i32>} : memref<320x128xf32, #tpu.memory_space<vmem>>, vector<16xf32>,
        %swap3A_522 = arith.index_cast %mul3A_518 : i32 to index
        %swap3A_523 = tpu.vector_load %arg23[%swap3A_522] {strides = array<i32>} : memref<8192xf32, #tpu.memory_space<vmem>>, vector<16xf32>,
        tpu.vector_store %arg23[%swap3A_522], %get3A_521 {strides = array<i32>} : memref<8192xf32, #tpu.memory_space<vmem>>, vector<16xf32>,
        %add3A_524 = arith.constant 16 : i32
        %add3A_525 = arith.addi %squeeze3A_512, %add3A_524 : i32
        %get3A_526 = arith.index_cast %squeeze3A_510 : i32 to index
        %get3A_527 = arith.index_cast %add3A_525 : i32 to index
        %get3A_528 = tpu.vector_load %arg21[%get3A_526, %get3A_527] {strides = array<i32>} : memref<320x128xf32, #tpu.memory_space<vmem>>, vector<16xf32>,
        %add3A_529 = arith.constant 16 : i32
        %add3A_530 = arith.addi %mul3A_518, %add3A_529 : i32
        %swap3A_531 = arith.index_cast %add3A_530 : i32 to index
        %swap3A_532 = tpu.vector_load %arg23[%swap3A_531] {strides = array<i32>} : memref<8192xf32, #tpu.memory_space<vmem>>, vector<16xf32>,
        tpu.vector_store %arg23[%swap3A_531], %get3A_528 {strides = array<i32>} : memref<8192xf32, #tpu.memory_space<vmem>>, vector<16xf32>,
        %slice3A_533 = vector.extract_strided_slice %min3A_363 {offsets = [7], sizes = [1], strides = [1]} : vector<16xi32> to vector<1xi32>
        %squeeze3A_534 = vector.extract %slice3A_533[0] : i32 from vector<1xi32>
        %slice3A_535 = vector.extract_strided_slice %mul3A_366 {offsets = [7], sizes = [1], strides = [1]} : vector<16xi32> to vector<1xi32>
        %squeeze3A_536 = vector.extract %slice3A_535[0] : i32 from vector<1xi32>
        %mul3A_537 = arith.constant 16 : i32
        %mul3A_538 = arith.muli %scan3A_339, %mul3A_537 : i32
        %add3A_539 = arith.constant 7 : i32
        %add3A_540 = arith.addi %mul3A_538, %add3A_539 : i32
        %mul3A_541 = arith.constant 32 : i32
        %mul3A_542 = arith.muli %add3A_540, %mul3A_541 : i32
        %get3A_543 = arith.index_cast %squeeze3A_534 : i32 to index
        %get3A_544 = arith.index_cast %squeeze3A_536 : i32 to index
        %get3A_545 = tpu.vector_load %arg21[%get3A_543, %get3A_544] {strides = array<i32>} : memref<320x128xf32, #tpu.memory_space<vmem>>, vector<16xf32>,
        %swap3A_546 = arith.index_cast %mul3A_542 : i32 to index
        %swap3A_547 = tpu.vector_load %arg23[%swap3A_546] {strides = array<i32>} : memref<8192xf32, #tpu.memory_space<vmem>>, vector<16xf32>,
        tpu.vector_store %arg23[%swap3A_546], %get3A_545 {strides = array<i32>} : memref<8192xf32, #tpu.memory_space<vmem>>, vector<16xf32>,
        %add3A_548 = arith.constant 16 : i32
        %add3A_549 = arith.addi %squeeze3A_536, %add3A_548 : i32
        %get3A_550 = arith.index_cast %squeeze3A_534 : i32 to index
        %get3A_551 = arith.index_cast %add3A_549 : i32 to index
        %get3A_552 = tpu.vector_load %arg21[%get3A_550, %get3A_551] {strides = array<i32>} : memref<320x128xf32, #tpu.memory_space<vmem>>, vector<16xf32>,
        %add3A_553 = arith.constant 16 : i32
        %add3A_554 = arith.addi %mul3A_542, %add3A_553 : i32
        %swap3A_555 = arith.index_cast %add3A_554 : i32 to index
        %swap3A_556 = tpu.vector_load %arg23[%swap3A_555] {strides = array<i32>} : memref<8192xf32, #tpu.memory_space<vmem>>, vector<16xf32>,
        tpu.vector_store %arg23[%swap3A_555], %get3A_552 {strides = array<i32>} : memref<8192xf32, #tpu.memory_space<vmem>>, vector<16xf32>,
        %slice3A_557 = vector.extract_strided_slice %min3A_363 {offsets = [8], sizes = [1], strides = [1]} : vector<16xi32> to vector<1xi32>
        %squeeze3A_558 = vector.extract %slice3A_557[0] : i32 from vector<1xi32>
        %slice3A_559 = vector.extract_strided_slice %mul3A_366 {offsets = [8], sizes = [1], strides = [1]} : vector<16xi32> to vector<1xi32>
        %squeeze3A_560 = vector.extract %slice3A_559[0] : i32 from vector<1xi32>
        %mul3A_561 = arith.constant 16 : i32
        %mul3A_562 = arith.muli %scan3A_339, %mul3A_561 : i32
        %add3A_563 = arith.constant 8 : i32
        %add3A_564 = arith.addi %mul3A_562, %add3A_563 : i32
        %mul3A_565 = arith.constant 32 : i32
        %mul3A_566 = arith.muli %add3A_564, %mul3A_565 : i32
        %get3A_567 = arith.index_cast %squeeze3A_558 : i32 to index
        %get3A_568 = arith.index_cast %squeeze3A_560 : i32 to index
        %get3A_569 = tpu.vector_load %arg21[%get3A_567, %get3A_568] {strides = array<i32>} : memref<320x128xf32, #tpu.memory_space<vmem>>, vector<16xf32>,
        %swap3A_570 = arith.index_cast %mul3A_566 : i32 to index
        %swap3A_571 = tpu.vector_load %arg23[%swap3A_570] {strides = array<i32>} : memref<8192xf32, #tpu.memory_space<vmem>>, vector<16xf32>,
        tpu.vector_store %arg23[%swap3A_570], %get3A_569 {strides = array<i32>} : memref<8192xf32, #tpu.memory_space<vmem>>, vector<16xf32>,
        %add3A_572 = arith.constant 16 : i32
        %add3A_573 = arith.addi %squeeze3A_560, %add3A_572 : i32
        %get3A_574 = arith.index_cast %squeeze3A_558 : i32 to index
        %get3A_575 = arith.index_cast %add3A_573 : i32 to index
        %get3A_576 = tpu.vector_load %arg21[%get3A_574, %get3A_575] {strides = array<i32>} : memref<320x128xf32, #tpu.memory_space<vmem>>, vector<16xf32>,
        %add3A_577 = arith.constant 16 : i32
        %add3A_578 = arith.addi %mul3A_566, %add3A_577 : i32
        %swap3A_579 = arith.index_cast %add3A_578 : i32 to index
        %swap3A_580 = tpu.vector_load %arg23[%swap3A_579] {strides = array<i32>} : memref<8192xf32, #tpu.memory_space<vmem>>, vector<16xf32>,
        tpu.vector_store %arg23[%swap3A_579], %get3A_576 {strides = array<i32>} : memref<8192xf32, #tpu.memory_space<vmem>>, vector<16xf32>,
        %slice3A_581 = vector.extract_strided_slice %min3A_363 {offsets = [9], sizes = [1], strides = [1]} : vector<16xi32> to vector<1xi32>
        %squeeze3A_582 = vector.extract %slice3A_581[0] : i32 from vector<1xi32>
        %slice3A_583 = vector.extract_strided_slice %mul3A_366 {offsets = [9], sizes = [1], strides = [1]} : vector<16xi32> to vector<1xi32>
        %squeeze3A_584 = vector.extract %slice3A_583[0] : i32 from vector<1xi32>
        %mul3A_585 = arith.constant 16 : i32
        %mul3A_586 = arith.muli %scan3A_339, %mul3A_585 : i32
        %add3A_587 = arith.constant 9 : i32
        %add3A_588 = arith.addi %mul3A_586, %add3A_587 : i32
        %mul3A_589 = arith.constant 32 : i32
        %mul3A_590 = arith.muli %add3A_588, %mul3A_589 : i32
        %get3A_591 = arith.index_cast %squeeze3A_582 : i32 to index
        %get3A_592 = arith.index_cast %squeeze3A_584 : i32 to index
        %get3A_593 = tpu.vector_load %arg21[%get3A_591, %get3A_592] {strides = array<i32>} : memref<320x128xf32, #tpu.memory_space<vmem>>, vector<16xf32>,
        %swap3A_594 = arith.index_cast %mul3A_590 : i32 to index
        %swap3A_595 = tpu.vector_load %arg23[%swap3A_594] {strides = array<i32>} : memref<8192xf32, #tpu.memory_space<vmem>>, vector<16xf32>,
        tpu.vector_store %arg23[%swap3A_594], %get3A_593 {strides = array<i32>} : memref<8192xf32, #tpu.memory_space<vmem>>, vector<16xf32>,
        %add3A_596 = arith.constant 16 : i32
        %add3A_597 = arith.addi %squeeze3A_584, %add3A_596 : i32
        %get3A_598 = arith.index_cast %squeeze3A_582 : i32 to index
        %get3A_599 = arith.index_cast %add3A_597 : i32 to index
        %get3A_600 = tpu.vector_load %arg21[%get3A_598, %get3A_599] {strides = array<i32>} : memref<320x128xf32, #tpu.memory_space<vmem>>, vector<16xf32>,
        %add3A_601 = arith.constant 16 : i32
        %add3A_602 = arith.addi %mul3A_590, %add3A_601 : i32
        %swap3A_603 = arith.index_cast %add3A_602 : i32 to index
        %swap3A_604 = tpu.vector_load %arg23[%swap3A_603] {strides = array<i32>} : memref<8192xf32, #tpu.memory_space<vmem>>, vector<16xf32>,
        tpu.vector_store %arg23[%swap3A_603], %get3A_600 {strides = array<i32>} : memref<8192xf32, #tpu.memory_space<vmem>>, vector<16xf32>,
        %slice3A_605 = vector.extract_strided_slice %min3A_363 {offsets = [10], sizes = [1], strides = [1]} : vector<16xi32> to vector<1xi32>
        %squeeze3A_606 = vector.extract %slice3A_605[0] : i32 from vector<1xi32>
        %slice3A_607 = vector.extract_strided_slice %mul3A_366 {offsets = [10], sizes = [1], strides = [1]} : vector<16xi32> to vector<1xi32>
        %squeeze3A_608 = vector.extract %slice3A_607[0] : i32 from vector<1xi32>
        %mul3A_609 = arith.constant 16 : i32
        %mul3A_610 = arith.muli %scan3A_339, %mul3A_609 : i32
        %add3A_611 = arith.constant 10 : i32
        %add3A_612 = arith.addi %mul3A_610, %add3A_611 : i32
        %mul3A_613 = arith.constant 32 : i32
        %mul3A_614 = arith.muli %add3A_612, %mul3A_613 : i32
        %get3A_615 = arith.index_cast %squeeze3A_606 : i32 to index
        %get3A_616 = arith.index_cast %squeeze3A_608 : i32 to index
        %get3A_617 = tpu.vector_load %arg21[%get3A_615, %get3A_616] {strides = array<i32>} : memref<320x128xf32, #tpu.memory_space<vmem>>, vector<16xf32>,
        %swap3A_618 = arith.index_cast %mul3A_614 : i32 to index
        %swap3A_619 = tpu.vector_load %arg23[%swap3A_618] {strides = array<i32>} : memref<8192xf32, #tpu.memory_space<vmem>>, vector<16xf32>,
        tpu.vector_store %arg23[%swap3A_618], %get3A_617 {strides = array<i32>} : memref<8192xf32, #tpu.memory_space<vmem>>, vector<16xf32>,
        %add3A_620 = arith.constant 16 : i32
        %add3A_621 = arith.addi %squeeze3A_608, %add3A_620 : i32
        %get3A_622 = arith.index_cast %squeeze3A_606 : i32 to index
        %get3A_623 = arith.index_cast %add3A_621 : i32 to index
        %get3A_624 = tpu.vector_load %arg21[%get3A_622, %get3A_623] {strides = array<i32>} : memref<320x128xf32, #tpu.memory_space<vmem>>, vector<16xf32>,
        %add3A_625 = arith.constant 16 : i32
        %add3A_626 = arith.addi %mul3A_614, %add3A_625 : i32
        %swap3A_627 = arith.index_cast %add3A_626 : i32 to index
        %swap3A_628 = tpu.vector_load %arg23[%swap3A_627] {strides = array<i32>} : memref<8192xf32, #tpu.memory_space<vmem>>, vector<16xf32>,
        tpu.vector_store %arg23[%swap3A_627], %get3A_624 {strides = array<i32>} : memref<8192xf32, #tpu.memory_space<vmem>>, vector<16xf32>,
        %slice3A_629 = vector.extract_strided_slice %min3A_363 {offsets = [11], sizes = [1], strides = [1]} : vector<16xi32> to vector<1xi32>
        %squeeze3A_630 = vector.extract %slice3A_629[0] : i32 from vector<1xi32>
        %slice3A_631 = vector.extract_strided_slice %mul3A_366 {offsets = [11], sizes = [1], strides = [1]} : vector<16xi32> to vector<1xi32>
        %squeeze3A_632 = vector.extract %slice3A_631[0] : i32 from vector<1xi32>
        %mul3A_633 = arith.constant 16 : i32
        %mul3A_634 = arith.muli %scan3A_339, %mul3A_633 : i32
        %add3A_635 = arith.constant 11 : i32
        %add3A_636 = arith.addi %mul3A_634, %add3A_635 : i32
        %mul3A_637 = arith.constant 32 : i32
        %mul3A_638 = arith.muli %add3A_636, %mul3A_637 : i32
        %get3A_639 = arith.index_cast %squeeze3A_630 : i32 to index
        %get3A_640 = arith.index_cast %squeeze3A_632 : i32 to index
        %get3A_641 = tpu.vector_load %arg21[%get3A_639, %get3A_640] {strides = array<i32>} : memref<320x128xf32, #tpu.memory_space<vmem>>, vector<16xf32>,
        %swap3A_642 = arith.index_cast %mul3A_638 : i32 to index
        %swap3A_643 = tpu.vector_load %arg23[%swap3A_642] {strides = array<i32>} : memref<8192xf32, #tpu.memory_space<vmem>>, vector<16xf32>,
        tpu.vector_store %arg23[%swap3A_642], %get3A_641 {strides = array<i32>} : memref<8192xf32, #tpu.memory_space<vmem>>, vector<16xf32>,
        %add3A_644 = arith.constant 16 : i32
        %add3A_645 = arith.addi %squeeze3A_632, %add3A_644 : i32
        %get3A_646 = arith.index_cast %squeeze3A_630 : i32 to index
        %get3A_647 = arith.index_cast %add3A_645 : i32 to index
        %get3A_648 = tpu.vector_load %arg21[%get3A_646, %get3A_647] {strides = array<i32>} : memref<320x128xf32, #tpu.memory_space<vmem>>, vector<16xf32>,
        %add3A_649 = arith.constant 16 : i32
        %add3A_650 = arith.addi %mul3A_638, %add3A_649 : i32
        %swap3A_651 = arith.index_cast %add3A_650 : i32 to index
        %swap3A_652 = tpu.vector_load %arg23[%swap3A_651] {strides = array<i32>} : memref<8192xf32, #tpu.memory_space<vmem>>, vector<16xf32>,
        tpu.vector_store %arg23[%swap3A_651], %get3A_648 {strides = array<i32>} : memref<8192xf32, #tpu.memory_space<vmem>>, vector<16xf32>,
        %slice3A_653 = vector.extract_strided_slice %min3A_363 {offsets = [12], sizes = [1], strides = [1]} : vector<16xi32> to vector<1xi32>
        %squeeze3A_654 = vector.extract %slice3A_653[0] : i32 from vector<1xi32>
        %slice3A_655 = vector.extract_strided_slice %mul3A_366 {offsets = [12], sizes = [1], strides = [1]} : vector<16xi32> to vector<1xi32>
        %squeeze3A_656 = vector.extract %slice3A_655[0] : i32 from vector<1xi32>
        %mul3A_657 = arith.constant 16 : i32
        %mul3A_658 = arith.muli %scan3A_339, %mul3A_657 : i32
        %add3A_659 = arith.constant 12 : i32
        %add3A_660 = arith.addi %mul3A_658, %add3A_659 : i32
        %mul3A_661 = arith.constant 32 : i32
        %mul3A_662 = arith.muli %add3A_660, %mul3A_661 : i32
        %get3A_663 = arith.index_cast %squeeze3A_654 : i32 to index
        %get3A_664 = arith.index_cast %squeeze3A_656 : i32 to index
        %get3A_665 = tpu.vector_load %arg21[%get3A_663, %get3A_664] {strides = array<i32>} : memref<320x128xf32, #tpu.memory_space<vmem>>, vector<16xf32>,
        %swap3A_666 = arith.index_cast %mul3A_662 : i32 to index
        %swap3A_667 = tpu.vector_load %arg23[%swap3A_666] {strides = array<i32>} : memref<8192xf32, #tpu.memory_space<vmem>>, vector<16xf32>,
        tpu.vector_store %arg23[%swap3A_666], %get3A_665 {strides = array<i32>} : memref<8192xf32, #tpu.memory_space<vmem>>, vector<16xf32>,
        %add3A_668 = arith.constant 16 : i32
        %add3A_669 = arith.addi %squeeze3A_656, %add3A_668 : i32
        %get3A_670 = arith.index_cast %squeeze3A_654 : i32 to index
        %get3A_671 = arith.index_cast %add3A_669 : i32 to index
        %get3A_672 = tpu.vector_load %arg21[%get3A_670, %get3A_671] {strides = array<i32>} : memref<320x128xf32, #tpu.memory_space<vmem>>, vector<16xf32>,
        %add3A_673 = arith.constant 16 : i32
        %add3A_674 = arith.addi %mul3A_662, %add3A_673 : i32
        %swap3A_675 = arith.index_cast %add3A_674 : i32 to index
        %swap3A_676 = tpu.vector_load %arg23[%swap3A_675] {strides = array<i32>} : memref<8192xf32, #tpu.memory_space<vmem>>, vector<16xf32>,
        tpu.vector_store %arg23[%swap3A_675], %get3A_672 {strides = array<i32>} : memref<8192xf32, #tpu.memory_space<vmem>>, vector<16xf32>,
        %slice3A_677 = vector.extract_strided_slice %min3A_363 {offsets = [13], sizes = [1], strides = [1]} : vector<16xi32> to vector<1xi32>
        %squeeze3A_678 = vector.extract %slice3A_677[0] : i32 from vector<1xi32>
        %slice3A_679 = vector.extract_strided_slice %mul3A_366 {offsets = [13], sizes = [1], strides = [1]} : vector<16xi32> to vector<1xi32>
        %squeeze3A_680 = vector.extract %slice3A_679[0] : i32 from vector<1xi32>
        %mul3A_681 = arith.constant 16 : i32
        %mul3A_682 = arith.muli %scan3A_339, %mul3A_681 : i32
        %add3A_683 = arith.constant 13 : i32
        %add3A_684 = arith.addi %mul3A_682, %add3A_683 : i32
        %mul3A_685 = arith.constant 32 : i32
        %mul3A_686 = arith.muli %add3A_684, %mul3A_685 : i32
        %get3A_687 = arith.index_cast %squeeze3A_678 : i32 to index
        %get3A_688 = arith.index_cast %squeeze3A_680 : i32 to index
        %get3A_689 = tpu.vector_load %arg21[%get3A_687, %get3A_688] {strides = array<i32>} : memref<320x128xf32, #tpu.memory_space<vmem>>, vector<16xf32>,
        %swap3A_690 = arith.index_cast %mul3A_686 : i32 to index
        %swap3A_691 = tpu.vector_load %arg23[%swap3A_690] {strides = array<i32>} : memref<8192xf32, #tpu.memory_space<vmem>>, vector<16xf32>,
        tpu.vector_store %arg23[%swap3A_690], %get3A_689 {strides = array<i32>} : memref<8192xf32, #tpu.memory_space<vmem>>, vector<16xf32>,
        %add3A_692 = arith.constant 16 : i32
        %add3A_693 = arith.addi %squeeze3A_680, %add3A_692 : i32
        %get3A_694 = arith.index_cast %squeeze3A_678 : i32 to index
        %get3A_695 = arith.index_cast %add3A_693 : i32 to index
        %get3A_696 = tpu.vector_load %arg21[%get3A_694, %get3A_695] {strides = array<i32>} : memref<320x128xf32, #tpu.memory_space<vmem>>, vector<16xf32>,
        %add3A_697 = arith.constant 16 : i32
        %add3A_698 = arith.addi %mul3A_686, %add3A_697 : i32
        %swap3A_699 = arith.index_cast %add3A_698 : i32 to index
        %swap3A_700 = tpu.vector_load %arg23[%swap3A_699] {strides = array<i32>} : memref<8192xf32, #tpu.memory_space<vmem>>, vector<16xf32>,
        tpu.vector_store %arg23[%swap3A_699], %get3A_696 {strides = array<i32>} : memref<8192xf32, #tpu.memory_space<vmem>>, vector<16xf32>,
        %slice3A_701 = vector.extract_strided_slice %min3A_363 {offsets = [14], sizes = [1], strides = [1]} : vector<16xi32> to vector<1xi32>
        %squeeze3A_702 = vector.extract %slice3A_701[0] : i32 from vector<1xi32>
        %slice3A_703 = vector.extract_strided_slice %mul3A_366 {offsets = [14], sizes = [1], strides = [1]} : vector<16xi32> to vector<1xi32>
        %squeeze3A_704 = vector.extract %slice3A_703[0] : i32 from vector<1xi32>
        %mul3A_705 = arith.constant 16 : i32
        %mul3A_706 = arith.muli %scan3A_339, %mul3A_705 : i32
        %add3A_707 = arith.constant 14 : i32
        %add3A_708 = arith.addi %mul3A_706, %add3A_707 : i32
        %mul3A_709 = arith.constant 32 : i32
        %mul3A_710 = arith.muli %add3A_708, %mul3A_709 : i32
        %get3A_711 = arith.index_cast %squeeze3A_702 : i32 to index
        %get3A_712 = arith.index_cast %squeeze3A_704 : i32 to index
        %get3A_713 = tpu.vector_load %arg21[%get3A_711, %get3A_712] {strides = array<i32>} : memref<320x128xf32, #tpu.memory_space<vmem>>, vector<16xf32>,
        %swap3A_714 = arith.index_cast %mul3A_710 : i32 to index
        %swap3A_715 = tpu.vector_load %arg23[%swap3A_714] {strides = array<i32>} : memref<8192xf32, #tpu.memory_space<vmem>>, vector<16xf32>,
        tpu.vector_store %arg23[%swap3A_714], %get3A_713 {strides = array<i32>} : memref<8192xf32, #tpu.memory_space<vmem>>, vector<16xf32>,
        %add3A_716 = arith.constant 16 : i32
        %add3A_717 = arith.addi %squeeze3A_704, %add3A_716 : i32
        %get3A_718 = arith.index_cast %squeeze3A_702 : i32 to index
        %get3A_719 = arith.index_cast %add3A_717 : i32 to index
        %get3A_720 = tpu.vector_load %arg21[%get3A_718, %get3A_719] {strides = array<i32>} : memref<320x128xf32, #tpu.memory_space<vmem>>, vector<16xf32>,
        %add3A_721 = arith.constant 16 : i32
        %add3A_722 = arith.addi %mul3A_710, %add3A_721 : i32
        %swap3A_723 = arith.index_cast %add3A_722 : i32 to index
        %swap3A_724 = tpu.vector_load %arg23[%swap3A_723] {strides = array<i32>} : memref<8192xf32, #tpu.memory_space<vmem>>, vector<16xf32>,
        tpu.vector_store %arg23[%swap3A_723], %get3A_720 {strides = array<i32>} : memref<8192xf32, #tpu.memory_space<vmem>>, vector<16xf32>,
        %slice3A_725 = vector.extract_strided_slice %min3A_363 {offsets = [15], sizes = [1], strides = [1]} : vector<16xi32> to vector<1xi32>
        %squeeze3A_726 = vector.extract %slice3A_725[0] : i32 from vector<1xi32>
        %slice3A_727 = vector.extract_strided_slice %mul3A_366 {offsets = [15], sizes = [1], strides = [1]} : vector<16xi32> to vector<1xi32>
        %squeeze3A_728 = vector.extract %slice3A_727[0] : i32 from vector<1xi32>
        %mul3A_729 = arith.constant 16 : i32
        %mul3A_730 = arith.muli %scan3A_339, %mul3A_729 : i32
        %add3A_731 = arith.constant 15 : i32
        %add3A_732 = arith.addi %mul3A_730, %add3A_731 : i32
        %mul3A_733 = arith.constant 32 : i32
        %mul3A_734 = arith.muli %add3A_732, %mul3A_733 : i32
        %get3A_735 = arith.index_cast %squeeze3A_726 : i32 to index
        %get3A_736 = arith.index_cast %squeeze3A_728 : i32 to index
        %get3A_737 = tpu.vector_load %arg21[%get3A_735, %get3A_736] {strides = array<i32>} : memref<320x128xf32, #tpu.memory_space<vmem>>, vector<16xf32>,
        %swap3A_738 = arith.index_cast %mul3A_734 : i32 to index
        %swap3A_739 = tpu.vector_load %arg23[%swap3A_738] {strides = array<i32>} : memref<8192xf32, #tpu.memory_space<vmem>>, vector<16xf32>,
        tpu.vector_store %arg23[%swap3A_738], %get3A_737 {strides = array<i32>} : memref<8192xf32, #tpu.memory_space<vmem>>, vector<16xf32>,
        %add3A_740 = arith.constant 16 : i32
        %add3A_741 = arith.addi %squeeze3A_728, %add3A_740 : i32
        %get3A_742 = arith.index_cast %squeeze3A_726 : i32 to index
        %get3A_743 = arith.index_cast %add3A_741 : i32 to index
        %get3A_744 = tpu.vector_load %arg21[%get3A_742, %get3A_743] {strides = array<i32>} : memref<320x128xf32, #tpu.memory_space<vmem>>, vector<16xf32>,
        %add3A_745 = arith.constant 16 : i32
        %add3A_746 = arith.addi %mul3A_734, %add3A_745 : i32
        %swap3A_747 = arith.index_cast %add3A_746 : i32 to index
        %swap3A_748 = tpu.vector_load %arg23[%swap3A_747] {strides = array<i32>} : memref<8192xf32, #tpu.memory_space<vmem>>, vector<16xf32>,
        tpu.vector_store %arg23[%swap3A_747], %get3A_744 {strides = array<i32>} : memref<8192xf32, #tpu.memory_space<vmem>>, vector<16xf32>,
        %scan3A_749 = arith.constant 0 : i32
        scf.yield %scan3A_749 : i32
      }
      %scan3A_332 = arith.constant 16 : i32
      %ge3A_333 = arith.constant 1 : i32
      %ge3A_334 = arith.cmpi sge, %add3A_179, %ge3A_333 : i32
      %convert_element_type3A_335 = arith.extui %ge3A_334 : i1 to i32
      %cond3A_336 = arith.constant 0 : i32
      %cond3A_337 = arith.cmpi ne, %convert_element_type3A_335, %cond3A_336 : i32
      scf.if %cond3A_337 {
        %mul3A_339 = arith.constant 256 : i32
        %mul3A_340 = arith.muli %max3A_323, %mul3A_339 : i32
        %add3A_341 = arith.addi %mul3A_2, %mul3A_340 : i32
        %mul3A_342 = arith.constant 32 : i32
        %mul3A_343 = arith.muli %add3A_341, %mul3A_342 : i32
        "tpu.region"() ({
          %run_scoped3A = tpu.sem_alloc : memref<!tpu.dma_semaphore, #tpu.memory_space<semaphore_mem>>
          %dma_start3A = tpu.memref_slice %arg7[%mul3A_343] : memref<6553600xf32, #tpu.memory_space<hbm>> -> memref<8192xf32, #tpu.memory_space<hbm>>
          %dma_start3A_344 = tpu.memref_slice %arg7[%mul3A_343] : memref<6553600xf32, #tpu.memory_space<hbm>> -> memref<8192xf32, #tpu.memory_space<hbm>>
          tpu.enqueue_dma source(%arg23 : memref<8192xf32, #tpu.memory_space<vmem>>) target(%dma_start3A_344 : memref<8192xf32, #tpu.memory_space<hbm>>) target_semaphore(%run_scoped3A : memref<!tpu.dma_semaphore, #tpu.memory_space<semaphore_mem>>)
          %dma_wait3A = tpu.memref_slice %arg7[%mul3A_343] : memref<6553600xf32, #tpu.memory_space<hbm>> -> memref<8192xf32, #tpu.memory_space<hbm>>
          %dma_wait3A_345 = tpu.memref_slice %arg7[%mul3A_343] : memref<6553600xf32, #tpu.memory_space<hbm>> -> memref<8192xf32, #tpu.memory_space<hbm>>
          tpu.wait_dma2 semaphore(%run_scoped3A : memref<!tpu.dma_semaphore, #tpu.memory_space<semaphore_mem>>) src(%arg23 : memref<8192xf32, #tpu.memory_space<vmem>>) dst(%dma_wait3A_345 : memref<8192xf32, #tpu.memory_space<hbm>>)
          tpu.yield
        }) : () -> ()
      } else {
      }
      %scan3A_338 = arith.constant 0 : i32
      scf.yield %select_n3A_249, %select_n3A_253, %select_n3A_257, %select_n3A_261, %scan3A_338, %add3A_207, %add3A_212, %add3A_217 : i32, i32, i32, i32, i32, i32, i32, i32
    }
    %scan3A_18 = arith.constant 13 : i32
    return
  }
}

</mosaic_0001>

<sc_bundles>
// kernel: kernel.3.cloned.1.call-start
scs
__scs_entry_jumppad:
0x0: {  	(pc) =	sbr.rel $0x88, $3  }
0x1: {  	(tag) =	ssettag $0x0;
	lr =	simm.s32 $0x1  }
0x2: {  	[smem:$0x3F9C] =	sst lr;
	_ =	strace $0xD0000000  }
0x3: {  	_ = 	snop  }
0x4: {  	_ = 	snop  }
0x5: {  	_ = 	snop  }
0x6: {  	_ = 	snop  }
0x7: {  	_ = 	snop  }
__scs_overlays_trampoline_lowered:
0x8: {  	[smem:$0x3FAB] =	sst s0  }
0x9: {  	[smem:$0x3FAC] =	sst s1  }
0xa: {  	[smem:$0x3FAD] =	sst s2  }
0xb: {  	[smem:$0x3FAE] =	sst s3  }
0xc: {  	[smem:$0x3FAF] =	sst s4  }
0xd: {  	[smem:$0x3FB0] =	sst s5  }
0xe: {  	[smem:$0x3FB1] =	sst s6  }
0xf: {  	[smem:$0x3FB2] =	sst s7  }
0x10: {  	[smem:$0x3FB3] =	sst s8  }
0x11: {  	[smem:$0x3FB4] =	sst s9;
	s0 =	simm.s32 @!p0 $0x0  }
0x12: {  	s1 =	sld [smem:$0x3F9A];
	s0 =	simm.s32 @p0 $0x1  }
0x13: {  	[smem:$0x3FB5] =	sst s0;
	s0 =	simm.s32 @!p1 $0x0  }
0x14: {  	s2 =	sld [smem:$0x3F99];
	s0 =	simm.s32 @p1 $0x1  }
0x15: {  	[smem:$0x3FB6] =	sst s0;
	s0 =	simm.s32 @!p2 $0x0  }
0x16: {  	s3 =	sld [smem:$0x3FDB];
	s0 =	simm.s32 @p2 $0x1  }
0x17: {  	s4 =	simm.s32 $0x1BF5;
	[smem:$0x3FB8] =	sst s0  }
0x18: {  	s0 =	sld [smem:$0x3F9B];
	_ =	swait.ge [sflag:s4], $0x0  }
0x19: {  	s7 =	sld [smem:$0x3F9C]  }
0x1a: {  	s8 =	sadd.s32 $0xFFFFE003, lr  }
0x1b: {  	s9 =	sadd.s32 $0xFFFFFEF7, lr;
	s5 =	simm.s32 $0xFFFFFFFF;
	p2 =	slt.u32 s8, $0xFFFFF086  }
0x1c: {  	p1 =	slt.u32 s9, $0xF7A;
	s5 =	simm.s32 @!p2 $0x0  }
0x1d: {  	s5 =	simm.s32 @p1 $0x1;
	p0 =	seq.s32 s7, s2  }
0x1e: {  	s7 =	smul.u32 @!p0 $0xF7A, s2;
	p2 =	seq.s32 @!p0 s5, $0x0  }
0x1f: {  	s9 =	smul.u32 $0xF7A, s1;
	s8 =	simm.s32 @!p0 $0x1BF5;
	p2 =	por !p2, p0  }
0x20: {  	[sflag:s8] =	ssyncset.s32 @!p0 $0xFFFFF086;
	s6 =	sadd.s32 @!p0 s3, s7;
	s7 =	simm.s32 @!p0 $0x108  }
0x21: {  	s3 =	sadd.s32 s3, s9;
	s6 =	sadd.s32 @!p0 $0x88, s6;
	s7 =	simm.s32 @p2 $0x1082  }
0x22: {  	[simem:s7], [sflag:s8] =	dma.local @!p0 [hbm:s6], $0xF7A  }
0x23: {  	s9 =	sor.u32 $0xD0000000, s2;
	s6 =	simm.s32 $0x108;
	_ =	swait.ge @!p0 [sflag:s8], $0x0  }
0x24: {  	s3 =	sadd.s32 $0x88, s3;
	s6 =	simm.s32 @!p1 $0x1082;
	[sflag:s4] =	ssyncset.s32 $0xFFFFF086  }
0x25: {  	[simem:s6], [sflag:s4] =	dma.local [hbm:s3], $0xF7A  }
0x26: {  	[smem:$0x3F9C] =	sst s1;
	(tag) =	ssettag s2;
	_ =	strace s9  }
0x27: {  	s1 =	sld [smem:$0x3FAC]  }
0x28: {  	s2 =	sld [smem:$0x3FAD]  }
0x29: {  	s4 =	sld [smem:$0x3FAF]  }
0x2a: {  	p0 =	seq.s32 s5, $0x0;
	s5 =	sld [smem:$0x3FB0]  }
0x2b: {  	s6 =	sld [smem:$0x3FB1]  }
0x2c: {  	s7 =	sld [smem:$0x3FB2]  }
0x2d: {  	s3 =	simm.s32 $0x108;
	s8 =	sld [smem:$0x3FB3]  }
0x2e: {  	s3 =	simm.s32 @!p0 $0x1082;
	s9 =	sld [smem:$0x3FB4]  }
0x2f: {  	lr =	sadd.s32 s0, s3;
	s0 =	sld [smem:$0x3FAB]  }
0x30: {  	s3 =	sld [smem:$0x3FAE]  }
0x31: {  	[smem:$0x3FB7] =	sst s10  }
0x32: {  	s10 =	sld [smem:$0x3FB5];
	_ =	sdelay $0x3  }
0x33: {  	p0 =	seq.s32 s10, $0x1;
	s10 =	sld [smem:$0x3FB7];
	_ =	sdelay $0x3  }
0x34: {  	[smem:$0x3FB7] =	sst s10  }
0x35: {  	s10 =	sld [smem:$0x3FB6];
	_ =	sdelay $0x3  }
0x36: {  	p1 =	seq.s32 s10, $0x1;
	s10 =	sld [smem:$0x3FB7];
	_ =	sdelay $0x3  }
0x37: {  	[smem:$0x3FB7] =	sst s10  }
0x38: {  	s10 =	sld [smem:$0x3FB8]  }
0x39: {  	_ = 	snop;
	(pc) =	sbr.ind lr, $3  }
0x3a: {  	_ = 	snop  }
0x3b: {  	_ = 	snop  }
0x3c: {  	p2 =	seq.s32 s10, $0x1;
	s10 =	sld [smem:$0x3FB7]  }
0x3d: {  	_ =	shalt  }
0x3e: {  	_ =	shalt  }
0x3f: {  	_ =	shalt  }
0x40: {  	_ =	shalt  }
0x41: {  	_ =	shalt  }
0x42: {  	_ =	shalt  }
0x43: {  	_ =	shalt  }
0x44: {  	_ =	shalt  }
0x45: {  	_ =	shalt  }
0x46: {  	_ =	shalt  }
0x47: {  	_ =	shalt  }
0x48: {  	_ =	shalt  }
0x49: {  	_ =	shalt  }
0x4a: {  	_ =	shalt  }
0x4b: {  	_ =	shalt  }
0x4c: {  	_ =	shalt  }
0x4d: {  	_ =	shalt  }
0x4e: {  	_ =	shalt  }
0x4f: {  	_ =	shalt  }
0x50: {  	_ =	shalt  }
0x51: {  	_ =	shalt  }
0x52: {  	_ =	shalt  }
0x53: {  	_ =	shalt  }
0x54: {  	_ =	shalt  }
0x55: {  	_ =	shalt  }
0x56: {  	_ =	shalt  }
0x57: {  	_ =	shalt  }
0x58: {  	_ =	shalt  }
0x59: {  	_ =	shalt  }
0x5a: {  	_ =	shalt  }
0x5b: {  	_ =	shalt  }
0x5c: {  	_ =	shalt  }
0x5d: {  	_ =	shalt  }
0x5e: {  	_ =	shalt  }
0x5f: {  	_ =	shalt  }
0x60: {  	_ =	shalt  }
0x61: {  	_ =	shalt  }
0x62: {  	_ =	shalt  }
0x63: {  	_ =	shalt  }
0x64: {  	_ =	shalt  }
0x65: {  	_ =	shalt  }
0x66: {  	_ =	shalt  }
0x67: {  	_ =	shalt  }
0x68: {  	_ =	shalt  }
0x69: {  	_ =	shalt  }
0x6a: {  	_ =	shalt  }
0x6b: {  	_ =	shalt  }
0x6c: {  	_ =	shalt  }
0x6d: {  	_ =	shalt  }
0x6e: {  	_ =	shalt  }
0x6f: {  	_ =	shalt  }
0x70: {  	_ =	shalt  }
0x71: {  	_ =	shalt  }
0x72: {  	_ =	shalt  }
0x73: {  	_ =	shalt  }
0x74: {  	_ =	shalt  }
0x75: {  	_ =	shalt  }
0x76: {  	_ =	shalt  }
0x77: {  	_ =	shalt  }
0x78: {  	_ =	shalt  }
0x79: {  	_ =	shalt  }
0x7a: {  	_ =	shalt  }
0x7b: {  	_ =	shalt  }
0x7c: {  	_ =	shalt  }
0x7d: {  	_ =	shalt  }
0x7e: {  	_ =	shalt  }
0x7f: {  	_ =	shalt  }
0x80: {  	_ =	shalt  }
0x81: {  	_ =	shalt  }
0x82: {  	_ =	shalt  }
0x83: {  	_ =	shalt  }
0x84: {  	_ =	shalt  }
0x85: {  	_ =	shalt  }
0x86: {  	_ =	shalt  }
0x87: {  	_ =	shalt  }
.Lfunc_end0:
.L_simem_size_0:
called_computation_lowered:
.L_overlay_start_0:
0x88: {  	s2 =	sld [smem:$0x3FD9]  }
0x89: {  	s3 =	sld [smem:$0x3FFE];
	_ =	sdelay $0x1  }
0x8a: {  	s1 =	srdreg.scid  }
0x8b: {  	s0 =	sand.u32 $0x1, s1  }
0x8c: {  	s17 =	sshll.u32 s0, $0xA;
	s2 =	sadd.s32 s3, s2  }
0x8d: {  	s2 =	sadd.s32 s2, s17  }
0x8e: {  	[smem:$0x3FC3] =	sst s2  }
0x8f: {  	_ = 	snop  }
0x90: {  	s2 =	sld [smem:$0x3FD0];
	(tm) =	ssettm $0x1  }
0x91: {  	s18 =	sld [smem:$0x3FFB];
	_ =	sdelay $0x3  }
0x92: {  	_ =	strace s18  }
0x93: {  	s3 =	sld [smem:$0x3FFC];
	_ =	sdelay $0x3  }
0x94: {  	_ =	strace s3  }
0x95: {  	s3 =	sld [smem:$0x3FFD];
	_ =	sdelay $0x3  }
0x96: {  	_ =	strace s3  }
0x97: {  	_ =	strace $0x8FFFFFFF  }
0x98: {  	s19 =	sld [smem:$0x3FDB];
	_ =	sdelay $0x1  }
0x99: {  	s4 =	simm.s32 $_scs_section_size  }
0x9a: {  	s5 =	simm.s32 $_size__tile_overlayer_lowered;
	s6 =	simm.s32 $_tile_overlayer_lowered  }
0x9b: {  	s22 =	simm.s32 $0x1BFF;
	s21 =	sshll.u32 s6, $0x1;
	s3 =	sadd.s32 s4, s19  }
0x9c: {  	s7 =	simm.s32 $0x0;
	s20 =	sshll.u32 s5, $0x1;
	s5 =	sadd.s32 s21, s3  }
0x9d: {  	[timem:s7], [sflag:s22] =	dma.local [hbm:s5], s20  }
0x9e: {  	_ =	swait.ge [sflag:s22], s20  }
0x9f: {  	s4 =	ssub.s32 $0x0, s20;
	[sflag:s22] =	ssyncset.done $0x0  }
0xa0: {  	[sflag:s22] =	ssyncadd.s32 s4;
	_ =	sdelay $0x1  }
0xa1: {  	s23 =	simm.s32 $0x1B8B  }
0xa2: {  	_ =	swait.ge [sflag:s23], $0x1  }
0xa3: {  	[sflag:s23] =	ssyncset.done $0x0  }
0xa4: {  	s25 =	simm.s32 $0x1B8E;
	s24 =	sld [smem:$0x3FFE];
	[sflag:s23] =	ssyncadd.s32 $0xFFFFFFFF  }
0xa5: {  	s26 =	simm.s32 $execute0_lowered;
	[smem:$0x3FD2] =	sst s25  }
0xa6: {  	s5 =	sshll.u32 s26, $0x1;
	_ =	strace $0x80000046;
	[dreg:$0x1] =	wrdreg $0xFFFFFFFF  }
0xa7: {  	s28 =	simm.s32 $_size_execute0_lowered;
	s3 =	sadd.s32 s3, s5;
	[dreg:$0x0] =	wrdreg $0x0  }
0xa8: {  	s5 =	sshll.u32 s28, $0x1;
	[dreg:$0x2] =	wrdreg s3  }
0xa9: {  	[dreg:$0x3] =	wrdreg s5  }
0xaa: {  	[dreg:$0x4] =	wrdreg $0xC0  }
0xab: {  	_ =	task [dreg:s7], $0x5FFFF  }
0xac: {  	[dreg:$0x1] =	wrdreg $0xFFFFFFFF  }
0xad: {  	[dreg:$0x0] =	wrdreg $0x60  }
0xae: {  	[dreg:$0x2] =	wrdreg s24  }
0xaf: {  	[dreg:$0x3] =	wrdreg s2  }
0xb0: {  	[dreg:$0x4] =	wrdreg $0x9  }
0xb1: {  	_ =	task.clear_ibuf [dreg:s7], $0x5FFFF;
	_ =	strace $0x90000046  }
0xb2: {  	s29 =	simm.s32 $0x9;
	_ =	strace $0x80000048  }
0xb3: {  	_ =	swait.ge [sflag:s29], $0x1  }
0xb4: {  	[sflag:s29] =	ssyncadd.s32 $0xFFFFFFFF  }
0xb5: {  	_ =	strace $0x90000048  }
0xb6: {  	_ =	sfence  }
0xb7: {  	s30 =	sld [smem:$0x0];
	_ =	sdelay $0x2  }
0xb8: {  	s31 =	sshll.u32 s1, $0xD;
	s1 =	sshrl.u32 s1, $0x2  }
0xb9: {  	s3 =	sand.u32 $0x4000, s31;
	s1 =	sadd.s32 s1, s30  }
0xba: {  	s0 =	sor.u32 s3, s0;
	s1 =	sshll.u32 s1, $0x11  }
0xbb: {  	s0 =	sor.u32 s1, s0  }
0xbc: {  	s0 =	sadd.s32 $0x8F2B, s0  }
0xbd: {  	[sflag:s0] =	ssyncadd.remote.s32 $0x1  }
0xbe: {  	_ =	sfence.sel $0xFFFF  }
0xbf: {  	[dreg:$0x0] =	wrdreg $0xFFFFFFFF;
	(pc) =	sbr.abs _section_cstart, $3  }
0xc0: {  	[dreg:$0x1] =	wrdreg $0xFFFFFFFF  }
0xc1: {  	_ =	task.clear_ibuf [dreg:s7], $0x2FFFF;
	_ =	strace $0x9FFFFFFF  }
0xc2: {  	(tm) =	ssettm $0x7FFFFFFF  }
0xc3: {  	_ =	shalt  }
tec
execute0_lowered:
.L_overlay_start_1:
0x0: {  	(tag) =	ssettag $0x1  }
0x1: {  	s0 =	srdreg.scid;
	s2 =	stileid.u32  }
0x2: {  	s1 =	rddreg [dreg:$0x0];
	s3 =	simm.s32 $0x0;
	s12 =	simm.s32 $0x1900  }
0x3: {  	s13 =	simm.s32 $0x1A80;
	s14 =	simm.s32 $0x1C00;
	s15 =	simm.s32 $0x1D80  }
0x4: {  	s30 =	simm.s32 $0x2780;
	s31 =	simm.s32 $0x2700;
	s23 =	simm.s32 $0x1F00  }
0x5: {  	s24 =	simm.s32 $0x2080;
	s0 =	sand.u32 $0x1, s0;
	[smem:$0x7FF] =	sst s3  }
0x6: {  	s2 =	sshll.u32 s2, $0x1;
	_ =	strace $0x80000047;
	[dreg:$0x3] =	wrdreg s30  }
0x7: {  	s16 =	sadd.s32 $0x4C9400, s1;
	s17 =	sadd.s32 $0x5BD800, s1;
	[dreg:$0x4] =	wrdreg s31  }
0x8: {  	s18 =	sadd.s32 $0x6B1C00, s1;
	s2 =	sor.u32 s0, s2;
	[dreg:$0x6] =	wrdreg s16  }
0x9: {  	s0 =	ssub.s32 $0x2, s0;
	[dreg:$0x7] =	wrdreg s17;
	s2 =	smul.u32 $0x1900, s2  }
0xa: {  	s22 =	sadd.s32 $0x3D5000, s1;
	[dreg:$0x8] =	wrdreg s18;
	s28 =	sshrl.u32 s0, $0x1  }
0xb: {  	s0 =	ssub.s32 s0, s28;
	[dreg:$0x5] =	wrdreg s2;
	s2 =	sshrl.u32 s2, $0x3  }
0xc: {  	[dreg:$0x9] =	wrdreg s22;
	s0 =	smax.u32 s0, $0x1;
	s2 =	sadd.s32 s2, s1  }
0xd: {  	s25 =	simm.s32 $0x2200;
	v0 =	vimm.s32 $0x0;
	v1 =	vlaneseq.u32;
	[dreg:$0xb] =	wrdreg s0;
	s29 =	sadd.s32 $0x4600, s2  }
0xe: {  	s26 =	simm.s32 $0x2380;
	vm0 =	vcmask $0x704;
	vm1 =	vcmask $0xB08;
	vm2 =	vcmask $0xF0C;
	s1 =	simm.s32 $0x0;
	[dreg:$0xa] =	wrdreg s29  }
.LBB2_1:
0xf: {  	[dreg:$0xc] =	wrdreg s1;
	s0 =	simm.s32 $0x0  }
0x10: {  	s28 =	rddreg [dreg:$0xa];
	s29 =	simm.s32 $0x3;
	s30 =	simm.s32 $0x0  }
0x11: {  	[tilespmem:s0], [sflag:$0x3] =	stream.linear.gather [hbm4b:s28+s0], $0x1900, $0x38;
	[tilespmem:$0x18800] =	vst v63  }
0x12: {  	s31 =	simm.s32 $0x0;
	s19 =	simm.s32 $0x0;
	_ =	swait.ge [sflag:s29], $0x1900  }
0x13: {  	s20 =	simm.s32 $0x0;
	[dreg:$0xe] =	wrdreg s30;
	[sflag:s29] =	ssyncset.done $0x0  }
0x14: {  	s1 =	simm.s32 $0x0;
	[dreg:$0xf] =	wrdreg s31;
	[sflag:s29] =	ssyncadd.s32 $0xFFFFE700  }
.LBB2_2:
0x15: {  	s9 =	sshll.u32 s1, $0x9;
	s0 =	simm.s32 $0x0  }
0x16: {  	s2 =	sand.u32 $0x3FFFFE00, s9;
	s30 =	sand.u32 $0x80, s0  }
0x17: {  	[dreg:$0xd] =	wrdreg s1;
	s3 =	sand.u32 $0x70, s0;
	s1 =	sadd.s32 s30, s2  }
0x18: {  	s1 =	sadd.s32 s3, s1  }
0x19: {  	v2 =	vld [tilespmem:s1+$0x0];
	_ =	sdelay $0x4  }
0x1a: {  	v3 =	vand.u32 $0x3, v2  }
0x1b: {  	vm3 =	veq.s32 v3, $0x0  }
0x1c: {  	v4 =	vsel vm3, $0x1, v0  }
0x1d: {  	(xrf0) =	vadd.scan.msk.s32 $0xffff, v4  }
0x1e: {  	vm4 =	veq.s32 v3, $0x1  }
0x1f: {  	vm6 =	veq.s32 v3, $0x3;
	v4 =	vsel vm4, $0x1, v0  }
0x20: {  	vm5 =	veq.s32 v3, $0x2;
	(xrf0) =	vadd.scan.msk.s32 $0xffff, v4;
	v4 =	vsel vm6, $0x1, v0  }
0x21: {  	v3 =	vsel vm5, $0x1, v0  }
0x22: {  	(xrf0) =	vadd.scan.msk.s32 $0xffff, v3  }
0x23: {  	(xrf0) =	vadd.scan.msk.s32 $0xffff, v4;
	v4, _, _ =	vpop (xrf0)  }
0x24: {  	(v2sf) =	vpush v4, $0xF;
	_ =	sdelay $0x6  }
0x25: {  	v3 =	vmov s0  }
0x26: {  	v3 =	vadd.s32 $0xFFFFFFFF, v3  }
0x27: {  	v3 =	vbroadcast v3, $0x0;
	_ =	sdelay $0x1  }
0x28: {  	v4 =	vadd.s32 v4, v3;
	v5, _, _ =	vpop (xrf0)  }
0x29: {  	v6 =	vadd.s32 v5, v3;
	v7, _, _ =	vpop (xrf0)  }
0x2a: {  	(v2sf) =	vpush v5, $0xF;
	v8 =	vadd.s32 v7, v3;
	v9, _, _ =	vpop (xrf0)  }
0x2b: {  	(v2sf) =	vpush v7, $0xF;
	v3 =	vadd.s32 v9, v3  }
0x2c: {  	v2 =	vshrl.u32 v2, $0x4;
	s7 =	spop (v2sf);
	(v2sf) =	vpush v9, $0xF  }
0x2d: {  	[tilespmem:v4+s12+$0x0] =	vst.idx.msk vm3, v2;
	v4 =	vnsel vm3, $0x0, v4  }
0x2e: {  	s31 =	simm.s32 $0x10;
	v4 =	vsel vm4, v6, v4;
	[tilespmem:v6+s13+$0x0] =	vst.idx.msk vm4, v2  }
0x2f: {  	s4 =	sand.u32 $0x80, s31;
	v4 =	vsel vm5, v8, v4;
	[tilespmem:v8+s14+$0x0] =	vst.idx.msk vm5, v2  }
0x30: {  	s4 =	sadd.s32 s4, s2;
	s3 =	sand.u32 $0x70, s31;
	s1 =	simm.s32 $0x2500;
	v4 =	vsel vm6, v3, v4;
	[tilespmem:v3+s15+$0x0] =	vst.idx.msk vm6, v2  }
0x31: {  	s3 =	sadd.s32 s3, s4;
	[tilespmem:s1+$0x0] =	vst v4  }
0x32: {  	v2 =	vld [tilespmem:s3+$0x0];
	_ =	sdelay $0x3  }
0x33: {  	s8 =	simm.s32 $0x20  }
0x34: {  	s10 =	simm.s32 $0x0;
	s4 =	simm.s32 $0x0;
	s3 =	simm.s32 $0x0;
	v3 =	vand.u32 $0x3, v2  }
.LBB2_3:
0x35: {  	s1 =	sadd.s32 $0x10, s1  }
0x36: {  	vm5 =	veq.s32 v3, $0x0;
	vm4 =	veq.s32 v3, $0x1;
	vm3 =	veq.s32 v3, $0x2;
	s11 =	spop (v2sf);
	s6 =	smov.u32 s8;
	s5 =	sadd.s32 $0x10, s8  }
0x37: {  	p0 =	sne.s32 s8, $0xF0;
	vm6 =	veq.s32 v3, $0x3;
	v4 =	vsel vm5, $0x1, v0;
	v5 =	vsel vm4, $0x1, v0;
	s0 =	sadd.s32 s0, s11;
	s8 =	spop (v2sf)  }
0x38: {  	s10 =	sadd.s32 s10, s7;
	v6 =	vsel vm3, $0x1, v0;
	v7 =	vsel vm6, $0x1, v0;
	v3 =	vmov s0;
	(xrf0) =	vadd.scan.msk.s32 $0xffff, v4;
	s4 =	sadd.s32 s4, s8;
	s7 =	spop (v2sf)  }
0x39: {  	v4 =	vmov s10;
	v3 =	vadd.s32 $0xFFFFFFFF, v3;
	v8 =	vmov s4;
	(xrf0) =	vadd.scan.msk.s32 $0xffff, v5;
	s3 =	sadd.s32 s3, s7  }
0x3a: {  	v4 =	vadd.s32 $0xFFFFFFFF, v4;
	v5 =	vadd.s32 $0xFFFFFFFF, v8;
	v8 =	vmov s3;
	(xrf0) =	vadd.scan.msk.s32 $0xffff, v6  }
0x3b: {  	v6 =	vadd.s32 $0xFFFFFFFF, v8;
	(xrf0) =	vadd.scan.msk.s32 $0xffff, v7;
	_ =	sdelay $0x1  }
0x3c: {  	v4 =	vbroadcast v4, $0x0  }
0x3d: {  	v3 =	vbroadcast v3, $0x0;
	v7, _, _ =	vpop (xrf0)  }
0x3e: {  	v5 =	vbroadcast v5, $0x0;
	v4 =	vadd.s32 v7, v4;
	(v2sf) =	vpush v7, $0xF;
	v7, _, _ =	vpop (xrf0)  }
0x3f: {  	v6 =	vbroadcast v6, $0x0;
	v3 =	vadd.s32 v7, v3;
	(v2sf) =	vpush v7, $0xF;
	v7, _, _ =	vpop (xrf0)  }
0x40: {  	v8 =	vnsel vm5, $0x0, v4;
	v5 =	vadd.s32 v7, v5;
	(v2sf) =	vpush v7, $0xF;
	v7, _, _ =	vpop (xrf0)  }
0x41: {  	v8 =	vsel vm4, v3, v8;
	v6 =	vadd.s32 v7, v6;
	(v2sf) =	vpush v7, $0xF  }
0x42: {  	v2 =	vshrl.u32 v2, $0x4;
	v7 =	vsel vm3, v5, v8  }
0x43: {  	[tilespmem:v4+s12+$0x0] =	vst.idx.msk vm5, v2;
	v4 =	vsel vm6, v6, v7  }
0x44: {  	[tilespmem:v3+s13+$0x0] =	vst.idx.msk vm4, v2  }
0x45: {  	s7 =	sand.u32 $0x80, s6;
	[tilespmem:v5+s14+$0x0] =	vst.idx.msk vm3, v2  }
0x46: {  	s6 =	sand.u32 $0x70, s6;
	s7 =	sadd.s32 s7, s2;
	[tilespmem:v6+s15+$0x0] =	vst.idx.msk vm6, v2  }
0x47: {  	s6 =	sadd.s32 s6, s7;
	[tilespmem:s1+$0x0] =	vst v4  }
0x48: {  	v2 =	vld [tilespmem:s6+$0x0]  }
.Ltmp0:
0x49: {  	(pc) =	sbr.rel @p0 .LBB2_3-.Ltmp0, $2  }
0x4a: {  	_ =	sdelay $0x2  }
0x4b: {  	s8 =	smov.u32 s5;
	v3 =	vand.u32 $0x3, v2;
	s7 =	spop (v2sf)  }
0x4c: {  	vm6 =	veq.s32 v3, $0x0  }
0x4d: {  	vm5 =	veq.s32 v3, $0x1;
	v4 =	vsel vm6, $0x1, v0  }
0x4e: {  	vm4 =	veq.s32 v3, $0x2;
	v5 =	vsel vm5, $0x1, v0;
	(xrf0) =	vadd.scan.msk.s32 $0xffff, v4  }
0x4f: {  	vm3 =	veq.s32 v3, $0x3;
	v3 =	vsel vm4, $0x1, v0;
	(xrf0) =	vadd.scan.msk.s32 $0xffff, v5  }
0x50: {  	v57 =	vsel vm3, $0x1, v0;
	(xrf0) =	vadd.scan.msk.s32 $0xffff, v3  }
0x51: {  	(xrf0) =	vadd.scan.msk.s32 $0xffff, v57;
	_ =	sdelay $0x2  }
0x52: {  	v3, _, _ =	vpop (xrf0)  }
0x53: {  	(v2sf) =	vpush v3, $0xF;
	v58, _, _ =	vpop (xrf0)  }
0x54: {  	(v2sf) =	vpush v58, $0xF;
	v59, _, _ =	vpop (xrf0)  }
0x55: {  	(v2sf) =	vpush v59, $0xF;
	v6, _, _ =	vpop (xrf0)  }
0x56: {  	(v2sf) =	vpush v6, $0xF;
	_ =	sdelay $0x3  }
0x57: {  	s2 =	spop (v2sf);
	s5 =	sadd.s32 s10, s7  }
0x58: {  	s6 =	spop (v2sf);
	s2 =	sadd.s32 s0, s2;
	v7 =	vmov s5  }
0x59: {  	s10 =	spop (v2sf);
	v8 =	vmov s2;
	s4 =	sadd.s32 s4, s6;
	v7 =	vadd.s32 $0xFFFFFFFF, v7  }
0x5a: {  	v8 =	vadd.s32 $0xFFFFFFFF, v8;
	v9 =	vmov s4;
	s3 =	sadd.s32 s3, s10;
	v7 =	vbroadcast v7, $0x0  }
0x5b: {  	v9 =	vadd.s32 $0xFFFFFFFF, v9;
	v10 =	vmov s3;
	v8 =	vbroadcast v8, $0x0  }
0x5c: {  	v60 =	vadd.s32 $0xFFFFFFFF, v10;
	v9 =	vbroadcast v9, $0x0;
	v3 =	vadd.s32 v3, v7  }
0x5d: {  	v7 =	vbroadcast v60, $0x0;
	v4 =	vadd.s32 v58, v8  }
0x5e: {  	v5 =	vadd.s32 v59, v9  }
0x5f: {  	v6 =	vadd.s32 v6, v7;
	s11 =	spop (v2sf)  }
0x60: {  	v2 =	vshrl.u32 v2, $0x4;
	s21 =	spop (v2sf);
	s0 =	sadd.s32 s5, s11  }
0x61: {  	v61 =	vnsel vm6, $0x0, v3;
	[tilespmem:v3+s12+$0x0] =	vst.idx.msk vm6, v2;
	s31 =	sadd.s32 s2, s21;
	s5 =	spop (v2sf);
	v3 =	vadd.s32 s0, v1  }
0x62: {  	v7 =	vsel vm5, v4, v61;
	[tilespmem:v4+s13+$0x0] =	vst.idx.msk vm5, v2;
	s29 =	sadd.s32 s4, s5;
	s6 =	spop (v2sf);
	v62 =	vadd.s32 s31, v1  }
0x63: {  	v7 =	vsel vm4, v5, v7;
	[tilespmem:v5+s14+$0x0] =	vst.idx.msk vm4, v2;
	s21 =	sadd.s32 s3, s6;
	v63 =	vadd.s32 s29, v1  }
0x64: {  	s1 =	sadd.s32 $0x10, s1;
	v7 =	vsel vm3, v6, v7;
	[tilespmem:v6+s15+$0x0] =	vst.idx.msk vm3, v2;
	s7 =	sadd.s32 $0xF, s0;
	v2 =	vadd.s32 s21, v1  }
0x65: {  	[tilespmem:s1+$0x0] =	vst v7;
	s1 =	sand.u32 $0xFFFFFFF0, s7;
	s8 =	sadd.s32 $0xF, s31  }
0x66: {  	s2 =	sand.u32 $0xFFFFFFF0, s8;
	s10 =	sadd.s32 $0xF, s29;
	[tilespmem:v3+s12+$0x0] =	vst.idx.msk $0xffff, v0;
	v3 =	vmov s1  }
0x67: {  	s30 =	sadd.s32 s1, s2;
	s11 =	sand.u32 $0xFFFFFFF0, s10;
	[tilespmem:v62+s13+$0x0] =	vst.idx.msk $0xffff, v0;
	v3 =	vnsel vm0, $0x0, v3  }
0x68: {  	p3 =	slt.s32 s0, $0x1;
	s28 =	sadd.s32 s11, s30;
	[tilespmem:v63+s14+$0x0] =	vst.idx.msk $0xffff, v0;
	v3 =	vsel vm1, s30, v3  }
0x69: {  	s4 =	simm.s32 @!p3 $0x2800;
	p0 =	slt.u32 @!p3 s0, $0x11;
	[tilespmem:v2+s15+$0x0] =	vst.idx.msk $0xffff, v0;
	v2 =	vsel vm2, s28, v3  }
0x6a: {  	s3 =	simm.s32 @!p3 $0x1900;
	p1 =	por p3, p0;
	s2 =	simm.s32 @!p3 $0x10;
	[tilespmem:$0x2700] =	vst v2  }
0x6b: {  	[tilespmem:s4], [sflag:$0x1] =	stream.indirect.gather @!p3 [hbm4b:s16+s2], $0x80, s3, s2, $0xb8;
	[tilespmem:$0x18800] =	vst v63  }
0x6c: {  	s2 =	simm.s32 @!p1 $0x10;
	s3 =	simm.s32 @!p1 $0x1910;
	s4 =	simm.s32 @!p1 $0x3000  }
0x6d: {  	[tilespmem:s4], [sflag:$0x1] =	stream.indirect.gather @!p1 [hbm4b:s16+s2], $0x80, s3, s2, $0xb8;
	[tilespmem:$0x18800] =	vst v63  }
0x6e: {  	s2 =	simm.s32 @!p1 $0x0  }
0x6f: {  	p0 =	slt.u32 @!p1 s0, $0x21;
	s2 =	simm.s32 @p1 $0x1  }
0x70: {  	p1 =	por p1, p0;
	[smem:$0x7F4] =	sst s2  }
0x71: {  	s2 =	simm.s32 @!p1 $0x10;
	s3 =	simm.s32 @!p1 $0x1920;
	s4 =	simm.s32 @!p1 $0x3800  }
0x72: {  	[tilespmem:s4], [sflag:$0x1] =	stream.indirect.gather @!p1 [hbm4b:s16+s2], $0x80, s3, s2, $0xb8;
	[tilespmem:$0x18800] =	vst v63  }
0x73: {  	s2 =	simm.s32 @!p1 $0x0  }
0x74: {  	p0 =	slt.u32 @!p1 s0, $0x31;
	s2 =	simm.s32 @p1 $0x1  }
0x75: {  	p1 =	por p1, p0;
	[smem:$0x7F5] =	sst s2  }
0x76: {  	s2 =	simm.s32 @!p1 $0x10;
	s3 =	simm.s32 @!p1 $0x1930;
	s4 =	simm.s32 @!p1 $0x4000  }
0x77: {  	[tilespmem:s4], [sflag:$0x1] =	stream.indirect.gather @!p1 [hbm4b:s16+s2], $0x80, s3, s2, $0xb8;
	[tilespmem:$0x18800] =	vst v63  }
0x78: {  	s2 =	simm.s32 @!p1 $0x0  }
0x79: {  	p0 =	slt.u32 @!p1 s0, $0x41;
	s2 =	simm.s32 @p1 $0x1  }
0x7a: {  	p1 =	por p1, p0;
	[smem:$0x7F6] =	sst s2  }
0x7b: {  	s2 =	simm.s32 @!p1 $0x10;
	s3 =	simm.s32 @!p1 $0x1940;
	s4 =	simm.s32 @!p1 $0x4800  }
0x7c: {  	[tilespmem:s4], [sflag:$0x1] =	stream.indirect.gather @!p1 [hbm4b:s16+s2], $0x80, s3, s2, $0xb8;
	[tilespmem:$0x18800] =	vst v63  }
0x7d: {  	s2 =	simm.s32 @!p1 $0x0  }
0x7e: {  	p0 =	slt.u32 @!p1 s0, $0x51;
	s2 =	simm.s32 @p1 $0x1  }
0x7f: {  	p1 =	por p1, p0;
	[smem:$0x7F7] =	sst s2  }
0x80: {  	s2 =	simm.s32 @!p1 $0x10;
	s3 =	simm.s32 @!p1 $0x1950;
	s4 =	simm.s32 @!p1 $0x5000  }
0x81: {  	[tilespmem:s4], [sflag:$0x1] =	stream.indirect.gather @!p1 [hbm4b:s16+s2], $0x80, s3, s2, $0xb8;
	[tilespmem:$0x18800] =	vst v63  }
0x82: {  	p0 =	slt.u32 @!p1 s0, $0x61;
	s2 =	simm.s32 @!p1 $0x0  }
0x83: {  	p2 =	por p1, p0;
	s2 =	simm.s32 @p1 $0x1  }
0x84: {  	s3 =	simm.s32 @!p2 $0x1960;
	s4 =	simm.s32 @!p2 $0x5800;
	p0 =	slt.u32 @!p2 s0, $0x71  }
0x85: {  	[smem:$0x7F8] =	sst s2;
	s2 =	simm.s32 @!p2 $0x10;
	p5 =	por p2, p0  }
0x86: {  	[tilespmem:s4], [sflag:$0x1] =	stream.indirect.gather @!p2 [hbm4b:s16+s2], $0x80, s3, s2, $0xb8;
	[tilespmem:$0x18800] =	vst v63  }
0x87: {  	s2 =	simm.s32 @!p2 $0x0;
	s3 =	simm.s32 @!p5 $0x1970  }
0x88: {  	s4 =	simm.s32 @!p5 $0x6000;
	p0 =	slt.u32 @!p5 s0, $0x81;
	s2 =	simm.s32 @p2 $0x1  }
0x89: {  	p2 =	por p5, p0;
	[smem:$0x7F9] =	sst s2;
	s2 =	simm.s32 @!p5 $0x10  }
0x8a: {  	[tilespmem:s4], [sflag:$0x1] =	stream.indirect.gather @!p5 [hbm4b:s16+s2], $0x80, s3, s2, $0xb8;
	[tilespmem:$0x18800] =	vst v63  }
0x8b: {  	s2 =	simm.s32 @!p2 $0x10;
	s3 =	simm.s32 @!p2 $0x1980;
	s4 =	simm.s32 @!p2 $0x6800  }
0x8c: {  	[tilespmem:s4], [sflag:$0x1] =	stream.indirect.gather @!p2 [hbm4b:s16+s2], $0x80, s3, s2, $0xb8;
	[tilespmem:$0x18800] =	vst v63  }
0x8d: {  	s2 =	simm.s32 @!p2 $0x0  }
0x8e: {  	p0 =	slt.u32 @!p2 s0, $0x91;
	s2 =	simm.s32 @p2 $0x1  }
0x8f: {  	p2 =	por p2, p0;
	[smem:$0x7FA] =	sst s2  }
0x90: {  	s2 =	simm.s32 @!p2 $0x10;
	s3 =	simm.s32 @!p2 $0x1990;
	s4 =	simm.s32 @!p2 $0x7000  }
0x91: {  	[tilespmem:s4], [sflag:$0x1] =	stream.indirect.gather @!p2 [hbm4b:s16+s2], $0x80, s3, s2, $0xb8;
	[tilespmem:$0x18800] =	vst v63  }
0x92: {  	s2 =	simm.s32 @!p2 $0x0  }
0x93: {  	p0 =	slt.u32 @!p2 s0, $0xA1;
	s2 =	simm.s32 @p2 $0x1  }
0x94: {  	p2 =	por p2, p0;
	[smem:$0x7FB] =	sst s2  }
0x95: {  	s2 =	simm.s32 @!p2 $0x10;
	s3 =	simm.s32 @!p2 $0x19A0;
	s4 =	simm.s32 @!p2 $0x7800  }
0x96: {  	[tilespmem:s4], [sflag:$0x1] =	stream.indirect.gather @!p2 [hbm4b:s16+s2], $0x80, s3, s2, $0xb8;
	[tilespmem:$0x18800] =	vst v63  }
0x97: {  	p0 =	slt.u32 @!p2 s0, $0xB1;
	s2 =	simm.s32 @!p2 $0x0  }
0x98: {  	p4 =	por p2, p0;
	s2 =	simm.s32 @p2 $0x1  }
0x99: {  	s3 =	simm.s32 @!p4 $0x19B0;
	s4 =	simm.s32 @!p4 $0x8000;
	p0 =	slt.u32 @!p4 s0, $0xC1  }
0x9a: {  	[smem:$0x7FC] =	sst s2;
	s2 =	simm.s32 @!p4 $0x10;
	p2 =	por p4, p0  }
0x9b: {  	[tilespmem:s4], [sflag:$0x1] =	stream.indirect.gather @!p4 [hbm4b:s16+s2], $0x80, s3, s2, $0xb8;
	[tilespmem:$0x18800] =	vst v63  }
0x9c: {  	p0 =	slt.u32 @!p2 s0, $0xD1  }
0x9d: {  	s2 =	simm.s32 @!p2 $0x10;
	p0 =	por p2, p0  }
.Ltmp1:
0x9e: {  	s3 =	simm.s32 @!p2 $0x19C0;
	s4 =	simm.s32 @!p2 $0x8800;
	(pc) =	sbr.rel @p0 .LBB2_5-.Ltmp1, $4  }
0x9f: {  	[tilespmem:s4], [sflag:$0x1] =	stream.indirect.gather @!p2 [hbm4b:s16+s2], $0x80, s3, s2, $0xb8;
	[tilespmem:$0x18800] =	vst v63  }
0xa0: {  	s2 =	simm.s32 @!p3 $0x0  }
0xa1: {  	s2 =	simm.s32 @p3 $0x1  }
0xa2: {  	[smem:$0x7FD] =	sst s2  }
0xa3: {  	s2 =	simm.s32 $0x10  }
0xa4: {  	s3 =	simm.s32 $0x19D0;
	s4 =	simm.s32 $0x9000;
	p0 =	slt.u32 s0, $0xE1  }
0xa5: {  	[tilespmem:s4], [sflag:$0x1] =	stream.indirect.gather [hbm4b:s16+s2], $0x80, s3, s2, $0xb8;
	[tilespmem:$0x18800] =	vst v63  }
0xa6: {  	s2 =	simm.s32 @!p0 $0x10;
	p2 =	slt.u32 @!p0 s0, $0xF1  }
0xa7: {  	s3 =	simm.s32 @!p0 $0x19E0;
	s4 =	simm.s32 @!p0 $0x9800;
	p1 =	por p2, p0  }
0xa8: {  	[tilespmem:s4], [sflag:$0x1] =	stream.indirect.gather @!p0 [hbm4b:s16+s2], $0x80, s3, s2, $0xb8;
	[tilespmem:$0x18800] =	vst v63  }
0xa9: {  	s0 =	simm.s32 @!p1 $0x10;
	s2 =	simm.s32 @!p1 $0x19F0;
	s3 =	simm.s32 @!p1 $0xA000  }
0xaa: {  	[tilespmem:s3], [sflag:$0x1] =	stream.indirect.gather @!p1 [hbm4b:s16+s0], $0x80, s2, s0, $0xb8;
	[tilespmem:$0x18800] =	vst v63  }
0xab: {  	p3 =	por @!p0 $0x1, $0x1;
	p1 =	por @!p1 $0x1, $0x1  }
0xac: {  	p4 =	por @!p0 $0x0, $0x0;
	p2 =	por !p2, p0;
	p5 =	por p1, p1  }
0xad: {  	p1 =	por @!p2 p3, p3;
	p5 =	por @!p2 p4, p4;
	p2 =	por $0x0, $0x0  }
0xae: {  	p2 =	por @!p0 p5, p5  }
0xaf: {  	p3 =	por $0x1, $0x1;
	s0 =	simm.s32 @!p2 $0x0  }
0xb0: {  	p3 =	por @!p0 p1, p1;
	s0 =	simm.s32 @p2 $0x1  }
0xb1: {  	p2 =	por $0x1, $0x1;
	[smem:$0x7F1] =	sst s0;
	s0 =	simm.s32 @!p3 $0x0  }
0xb2: {  	p2 =	por @!p0 p1, p1;
	s0 =	simm.s32 @p3 $0x1  }
0xb3: {  	[smem:$0x7F2] =	sst s0;
	s0 =	simm.s32 @!p2 $0x0  }
0xb4: {  	s0 =	simm.s32 @p2 $0x1;
	p2 =	por $0x1, $0x1  }
0xb5: {  	p2 =	por @!p0 p1, p1  }
0xb6: {  	p3 =	por $0x1, $0x1;
	[smem:$0x7E5] =	sst s0;
	s0 =	simm.s32 @!p2 $0x0  }
0xb7: {  	p3 =	por @!p0 p1, p1;
	s0 =	simm.s32 @p2 $0x1  }
0xb8: {  	p2 =	por $0x1, $0x1;
	[smem:$0x7E6] =	sst s0;
	s0 =	simm.s32 @!p3 $0x0  }
0xb9: {  	p2 =	por @!p0 p1, p1;
	s0 =	simm.s32 @p3 $0x1  }
0xba: {  	[smem:$0x7E7] =	sst s0;
	s0 =	simm.s32 @!p2 $0x0  }
0xbb: {  	s0 =	simm.s32 @p2 $0x1;
	p2 =	por $0x1, $0x1  }
0xbc: {  	p2 =	por @!p0 p1, p1  }
0xbd: {  	[smem:$0x7E8] =	sst s0;
	s0 =	simm.s32 @!p2 $0x0  }
0xbe: {  	s0 =	simm.s32 @p2 $0x1;
	p2 =	por $0x1, $0x1  }
0xbf: {  	p2 =	por @!p0 p1, p1  }
0xc0: {  	p3 =	por $0x1, $0x1;
	[smem:$0x7E9] =	sst s0;
	s0 =	simm.s32 @!p2 $0x0  }
0xc1: {  	p3 =	por @!p0 p1, p1;
	s0 =	simm.s32 @p2 $0x1  }
0xc2: {  	p2 =	por $0x1, $0x1;
	[smem:$0x7EA] =	sst s0;
	s0 =	simm.s32 @!p3 $0x0  }
0xc3: {  	p2 =	por @!p0 p1, p1;
	s0 =	simm.s32 @p3 $0x1  }
0xc4: {  	[smem:$0x7EB] =	sst s0;
	s0 =	simm.s32 @!p2 $0x0  }
0xc5: {  	s0 =	simm.s32 @p2 $0x1;
	p2 =	por $0x1, $0x1  }
0xc6: {  	p2 =	por @!p0 p1, p1  }
0xc7: {  	p3 =	por $0x1, $0x1;
	[smem:$0x7EC] =	sst s0;
	s0 =	simm.s32 @!p2 $0x0  }
0xc8: {  	p3 =	por @!p0 p1, p1;
	s0 =	simm.s32 @p2 $0x1  }
0xc9: {  	p2 =	por $0x1, $0x1;
	[smem:$0x7ED] =	sst s0;
	s0 =	simm.s32 @!p3 $0x0  }
0xca: {  	p2 =	por @!p0 p1, p1;
	s0 =	simm.s32 @p3 $0x1  }
0xcb: {  	p3 =	por $0x1, $0x1;
	[smem:$0x7EE] =	sst s0;
	s0 =	simm.s32 @!p2 $0x0  }
0xcc: {  	p3 =	por @!p0 p1, p1;
	s0 =	simm.s32 @p2 $0x1;
	p2 =	por $0x0, $0x0  }
.Ltmp2:
0xcd: {  	[smem:$0x7EF] =	sst s0;
	s0 =	simm.s32 @!p3 $0x0;
	(pc) =	sbr.rel .LBB2_7-.Ltmp2, $4  }
0xce: {  	p2 =	por @!p0 p1, p1;
	s0 =	simm.s32 @p3 $0x1  }
0xcf: {  	[smem:$0x7F0] =	sst s0;
	s0 =	simm.s32 @!p2 $0x0  }
0xd0: {  	s4 =	rddreg [dreg:$0xe];
	s0 =	simm.s32 @p2 $0x1  }
0xd1: {  	[smem:$0x7F3] =	sst s0  }
.LBB2_5:
0xd2: {  	s0 =	sld [smem:$0x7FD];
	_ =	sdelay $0x1  }
0xd3: {  	s7 =	sld [smem:$0x7F4]  }
0xd4: {  	p0 =	seq.s32 s0, $0x1;
	s0 =	simm.s32 @!p2 $0x0  }
0xd5: {  	p1 =	por @!p0 $0x0, $0x0;
	s0 =	simm.s32 @p2 $0x1;
	p2 =	por $0x0, $0x0  }
0xd6: {  	s8 =	sld [smem:$0x7F5];
	p2 =	por @!p0 p1, p1;
	p0 =	seq.s32 s7, $0x1  }
0xd7: {  	[smem:$0x7E4] =	sst s0;
	s0 =	simm.s32 @!p4 $0x0;
	p1 =	por @!p0 $0x0, $0x0  }
0xd8: {  	s0 =	simm.s32 @p4 $0x1;
	p4 =	por p2, p2;
	p6 =	por @!p0 $0x1, $0x1  }
0xd9: {  	p4 =	por @!p0 p1, p1;
	p1 =	por p0, p0;
	p0 =	seq.s32 s8, $0x1  }
0xda: {  	p3 =	por p4, p4;
	p2 =	por @!p1 p6, p6;
	p6 =	por @!p0 $0x0, $0x0  }
0xdb: {  	s10 =	sld [smem:$0x7F6];
	p3 =	por @!p0 p6, p6;
	p6 =	por @!p0 $0x1, $0x1  }
0xdc: {  	[smem:$0x7E3] =	sst s0;
	s0 =	simm.s32 @!p6 $0x0  }
0xdd: {  	s16 =	sld [smem:$0x7F5];
	s0 =	simm.s32 @p6 $0x1  }
0xde: {  	[smem:$0x7DF] =	sst s0;
	s0 =	simm.s32 @!p3 $0x0  }
0xdf: {  	s0 =	simm.s32 @p3 $0x1;
	s11 =	sld [smem:$0x7DF]  }
0xe0: {  	[smem:$0x7EC] =	sst s0  }
0xe1: {  	p6 =	por @!p0 $0x1, $0x1;
	s2 =	sld [smem:$0x7EC]  }
0xe2: {  	p1 =	seq.s32 s16, $0x1;
	p2 =	por @!p0 p6, p6  }
0xe3: {  	p0 =	seq.s32 s10, $0x1;
	s0 =	simm.s32 @!p5 $0x0;
	p6 =	seq.s32 s11, $0x1  }
0xe4: {  	p4 =	por @!p1 p6, p6;
	p1 =	por @!p0 $0x0, $0x0;
	p6 =	seq.s32 s2, $0x1  }
0xe5: {  	s0 =	simm.s32 @p5 $0x1;
	p6 =	por @!p0 p1, p1  }
0xe6: {  	[smem:$0x7E0] =	sst s0;
	p1 =	por @!p0 $0x1, $0x1;
	s0 =	simm.s32 @!p6 $0x0  }
0xe7: {  	p3 =	por @!p0 p1, p1;
	s0 =	simm.s32 @p6 $0x1  }
0xe8: {  	[smem:$0x7EC] =	sst s0;
	s0 =	simm.s32 @!p3 $0x0  }
0xe9: {  	s4 =	sld [smem:$0x7F7];
	s0 =	simm.s32 @p3 $0x1  }
0xea: {  	[smem:$0x7E9] =	sst s0  }
0xeb: {  	s6 =	sld [smem:$0x7E9]  }
0xec: {  	p2 =	por @!p0 p1, p1;
	p4 =	por @!p0 p1, p1  }
0xed: {  	p0 =	seq.s32 s4, $0x1;
	s5 =	sld [smem:$0x7EC];
	s0 =	simm.s32 @!p4 $0x0  }
0xee: {  	p6 =	por @!p0 $0x1, $0x1;
	s0 =	simm.s32 @p4 $0x1;
	p4 =	seq.s32 s6, $0x1  }
0xef: {  	s3 =	sld [smem:$0x7F8];
	p1 =	por @!p0 $0x0, $0x0;
	p4 =	por @!p0 p6, p6  }
0xf0: {  	[smem:$0x7EB] =	sst s0;
	p3 =	seq.s32 s5, $0x1;
	s0 =	simm.s32 @!p4 $0x0  }
0xf1: {  	p3 =	por @!p0 p1, p1;
	s7 =	sld [smem:$0x7EB];
	s0 =	simm.s32 @p4 $0x1  }
0xf2: {  	[smem:$0x7E9] =	sst s0;
	s0 =	simm.s32 @!p3 $0x0  }
0xf3: {  	s8 =	sld [smem:$0x7EC];
	s0 =	simm.s32 @p3 $0x1  }
0xf4: {  	[smem:$0x7ED] =	sst s0  }
0xf5: {  	p2 =	por @!p0 p6, p6;
	p4 =	seq.s32 s7, $0x1;
	s10 =	sld [smem:$0x7ED]  }
0xf6: {  	p1 =	por @!p0 $0x1, $0x1;
	p4 =	por @!p0 p6, p6;
	p6 =	seq.s32 s8, $0x1  }
0xf7: {  	p5 =	seq.s32 s3, $0x1;
	s2 =	sld [smem:$0x7F9];
	p6 =	por @!p0 p1, p1  }
0xf8: {  	p1 =	por @!p5 $0x0, $0x0;
	s0 =	simm.s32 @!p6 $0x0;
	p0 =	seq.s32 s10, $0x1  }
0xf9: {  	s11 =	sld [smem:$0x7E9];
	s0 =	simm.s32 @p6 $0x1;
	p0 =	por @!p5 p1, p1  }
0xfa: {  	p6 =	por @!p5 $0x1, $0x1;
	[smem:$0x7EC] =	sst s0;
	s0 =	simm.s32 @!p0 $0x0  }
0xfb: {  	p3 =	por @!p5 p6, p6;
	s16 =	sld [smem:$0x7EC];
	s0 =	simm.s32 @p0 $0x1  }
0xfc: {  	p0 =	seq.s32 s11, $0x1;
	[smem:$0x7ED] =	sst s0;
	s0 =	simm.s32 @!p3 $0x0  }
0xfd: {  	p2 =	por @!p5 p6, p6;
	p0 =	por @!p5 p6, p6;
	s0 =	simm.s32 @p3 $0x1  }
0xfe: {  	p4 =	por @!p5 p6, p6;
	[smem:$0x7E8] =	sst s0;
	s0 =	simm.s32 @!p0 $0x0  }
0xff: {  	s3 =	sld [smem:$0x7ED];
	s0 =	simm.s32 @p0 $0x1;
	p0 =	seq.s32 s16, $0x1  }
0x100: {  	s4 =	sld [smem:$0x7E8];
	p0 =	por @!p5 p6, p6;
	p6 =	seq.s32 s2, $0x1  }
0x101: {  	[smem:$0x7E9] =	sst s0;
	s0 =	simm.s32 @!p0 $0x0;
	p1 =	por @!p6 $0x0, $0x0  }
0x102: {  	p3 =	por @!p6 $0x1, $0x1;
	s0 =	simm.s32 @p0 $0x1;
	p0 =	seq.s32 s3, $0x1  }
0x103: {  	s5 =	sld [smem:$0x7E9];
	p0 =	por @!p6 p1, p1;
	p1 =	seq.s32 s4, $0x1  }
0x104: {  	p1 =	por @!p6 p3, p3  }
0x105: {  	[smem:$0x7EC] =	sst s0;
	s0 =	simm.s32 @!p1 $0x0  }
0x106: {  	p3 =	por @!p6 $0x1, $0x1;
	s0 =	simm.s32 @p1 $0x1;
	p1 =	seq.s32 s5, $0x1  }
0x107: {  	p1 =	por @!p6 p3, p3  }
0x108: {  	[smem:$0x7E8] =	sst s0;
	s0 =	simm.s32 @!p1 $0x0  }
0x109: {  	s0 =	simm.s32 @p1 $0x1;
	p1 =	por @!p6 $0x1, $0x1  }
0x10a: {  	s7 =	sld [smem:$0x7E0];
	p4 =	por @!p6 p1, p1  }
0x10b: {  	[smem:$0x7E9] =	sst s0;
	s0 =	simm.s32 @!p4 $0x0  }
0x10c: {  	s8 =	sld [smem:$0x7ED];
	p3 =	por @!p6 $0x1, $0x1;
	s0 =	simm.s32 @p4 $0x1  }
0x10d: {  	[smem:$0x7EB] =	sst s0;
	s0 =	simm.s32 @!p3 $0x0  }
0x10e: {  	s6 =	sld [smem:$0x7EC];
	s0 =	simm.s32 @p3 $0x1  }
0x10f: {  	[smem:$0x7E1] =	sst s0  }
0x110: {  	s0 =	simm.s32 @!p0 $0x0;
	s10 =	sld [smem:$0x7E1]  }
0x111: {  	p2 =	por @!p6 p1, p1;
	p1 =	seq.s32 s6, $0x1;
	s0 =	simm.s32 @p0 $0x1  }
0x112: {  	p1 =	por @!p6 p3, p3;
	p4 =	por p0, p0;
	[smem:$0x7EE] =	sst s0  }
0x113: {  	p0 =	seq.s32 s8, $0x1;
	s11 =	sld [smem:$0x7EE];
	p3 =	seq.s32 s10, $0x1  }
0x114: {  	p0 =	por @!p6 p3, p3  }
0x115: {  	p5 =	seq.s32 s7, $0x1;
	s16 =	sld [smem:$0x7E8];
	s0 =	simm.s32 @!p0 $0x0  }
0x116: {  	p6 =	por @!p5 $0x0, $0x0;
	s0 =	simm.s32 @p0 $0x1;
	p0 =	seq.s32 s11, $0x1  }
0x117: {  	s2 =	sld [smem:$0x7E9];
	p0 =	por @!p5 p6, p6  }
0x118: {  	[smem:$0x7ED] =	sst s0;
	s0 =	simm.s32 @!p0 $0x0  }
0x119: {  	p6 =	por @!p5 $0x1, $0x1;
	s0 =	simm.s32 @p0 $0x1;
	p0 =	seq.s32 s16, $0x1  }
0x11a: {  	s5 =	sld [smem:$0x7FA];
	p0 =	por @!p5 p6, p6  }
0x11b: {  	[smem:$0x7EE] =	sst s0;
	s0 =	simm.s32 @!p0 $0x0  }
0x11c: {  	s3 =	sld [smem:$0x7EB];
	s0 =	simm.s32 @p0 $0x1;
	p0 =	seq.s32 s2, $0x1  }
0x11d: {  	s4 =	sld [smem:$0x7ED];
	p0 =	por @!p5 p6, p6  }
0x11e: {  	[smem:$0x7E8] =	sst s0;
	s0 =	simm.s32 @!p0 $0x0  }
0x11f: {  	p4 =	por @!p5 p6, p6;
	p1 =	por @!p5 p6, p6;
	s0 =	simm.s32 @p0 $0x1  }
0x120: {  	p0 =	seq.s32 s4, $0x1;
	[smem:$0x7E9] =	sst s0;
	s0 =	simm.s32 @!p1 $0x0  }
0x121: {  	p2 =	por @!p5 p6, p6;
	p0 =	por @!p5 p6, p6;
	s0 =	simm.s32 @p1 $0x1  }
0x122: {  	p3 =	por p4, p4;
	[smem:$0x7EC] =	sst s0;
	s0 =	simm.s32 @!p0 $0x0  }
0x123: {  	p4 =	seq.s32 s3, $0x1;
	s0 =	simm.s32 @p0 $0x1;
	p0 =	seq.s32 s5, $0x1  }
0x124: {  	p4 =	por @!p5 p6, p6;
	s8 =	sld [smem:$0x7E9];
	p6 =	por @!p0 $0x1, $0x1  }
0x125: {  	p3 =	por @!p0 p6, p6  }
0x126: {  	[smem:$0x7ED] =	sst s0;
	s0 =	simm.s32 @!p3 $0x0  }
0x127: {  	s6 =	sld [smem:$0x7EE];
	s0 =	simm.s32 @p3 $0x1;
	p3 =	seq.s32 s8, $0x1  }
0x128: {  	s7 =	sld [smem:$0x7E8];
	p3 =	por @!p0 p6, p6  }
0x129: {  	[smem:$0x7E7] =	sst s0;
	s0 =	simm.s32 @!p3 $0x0  }
0x12a: {  	s10 =	sld [smem:$0x7EC];
	s0 =	simm.s32 @p3 $0x1;
	p3 =	por p4, p4  }
0x12b: {  	p5 =	seq.s32 s6, $0x1;
	p1 =	por @!p0 $0x0, $0x0;
	p3 =	por @!p0 p6, p6  }
0x12c: {  	p5 =	por @!p0 p1, p1;
	[smem:$0x7E9] =	sst s0;
	s0 =	simm.s32 @!p3 $0x0  }
0x12d: {  	s11 =	sld [smem:$0x7ED];
	s0 =	simm.s32 @p3 $0x1;
	p3 =	seq.s32 s10, $0x1  }
0x12e: {  	p1 =	seq.s32 s7, $0x1;
	p2 =	por @!p0 p6, p6;
	p3 =	por @!p0 p6, p6  }
0x12f: {  	p1 =	por @!p0 p6, p6;
	[smem:$0x7EB] =	sst s0;
	s0 =	simm.s32 @!p3 $0x0  }
0x130: {  	p6 =	seq.s32 s11, $0x1;
	s0 =	simm.s32 @p3 $0x1;
	p3 =	por @!p0 $0x1, $0x1  }
0x131: {  	p6 =	por @!p0 p3, p3  }
0x132: {  	[smem:$0x7EC] =	sst s0;
	s0 =	simm.s32 @!p6 $0x0  }
0x133: {  	s16 =	sld [smem:$0x7FB];
	s0 =	simm.s32 @p6 $0x1  }
0x134: {  	[smem:$0x7ED] =	sst s0;
	s0 =	simm.s32 @!p5 $0x0  }
0x135: {  	s2 =	sld [smem:$0x7EE];
	s0 =	simm.s32 @p5 $0x1  }
0x136: {  	[smem:$0x7EF] =	sst s0  }
0x137: {  	s3 =	sld [smem:$0x7EF]  }
0x138: {  	p4 =	por @!p0 $0x1, $0x1;
	p6 =	seq.s32 s2, $0x1  }
0x139: {  	s4 =	sld [smem:$0x7E7];
	p3 =	seq.s32 s16, $0x1;
	p6 =	por @!p0 p4, p4  }
0x13a: {  	p4 =	por @!p3 $0x0, $0x0;
	s0 =	simm.s32 @!p6 $0x0;
	p0 =	seq.s32 s3, $0x1  }
0x13b: {  	s0 =	simm.s32 @p6 $0x1;
	p0 =	por @!p3 p4, p4  }
0x13c: {  	[smem:$0x7EE] =	sst s0;
	s0 =	simm.s32 @!p0 $0x0  }
0x13d: {  	p6 =	por @!p3 $0x1, $0x1;
	s0 =	simm.s32 @p0 $0x1;
	p0 =	seq.s32 s4, $0x1  }
0x13e: {  	s5 =	sld [smem:$0x7E9];
	p0 =	por @!p3 p6, p6  }
0x13f: {  	[smem:$0x7EF] =	sst s0;
	s0 =	simm.s32 @!p0 $0x0  }
0x140: {  	s7 =	sld [smem:$0x7EC];
	p1 =	por @!p3 p6, p6;
	s0 =	simm.s32 @p0 $0x1  }
0x141: {  	p0 =	seq.s32 s5, $0x1;
	[smem:$0x7E7] =	sst s0;
	s0 =	simm.s32 @!p1 $0x0  }
0x142: {  	p0 =	por @!p3 p6, p6;
	s0 =	simm.s32 @p1 $0x1  }
0x143: {  	[smem:$0x7E8] =	sst s0;
	s0 =	simm.s32 @!p0 $0x0  }
0x144: {  	s8 =	sld [smem:$0x7ED];
	s0 =	simm.s32 @p0 $0x1;
	p0 =	seq.s32 s7, $0x1  }
0x145: {  	s11 =	sld [smem:$0x7FC];
	p0 =	por @!p3 p6, p6  }
0x146: {  	[smem:$0x7E9] =	sst s0;
	s0 =	simm.s32 @!p0 $0x0  }
0x147: {  	s10 =	sld [smem:$0x7EE];
	s0 =	simm.s32 @p0 $0x1;
	p0 =	seq.s32 s8, $0x1  }
0x148: {  	s6 =	sld [smem:$0x7EB];
	p0 =	por @!p3 p6, p6  }
0x149: {  	p5 =	por @!p3 p6, p6;
	[smem:$0x7EC] =	sst s0;
	s0 =	simm.s32 @!p0 $0x0  }
0x14a: {  	s16 =	sld [smem:$0x7EF];
	s0 =	simm.s32 @p0 $0x1;
	p0 =	seq.s32 s10, $0x1  }
0x14b: {  	p2 =	por @!p3 p6, p6;
	s2 =	sld [smem:$0x7E7];
	p0 =	por @!p3 p6, p6  }
0x14c: {  	p4 =	seq.s32 s6, $0x1;
	[smem:$0x7ED] =	sst s0;
	s0 =	simm.s32 @!p0 $0x0  }
0x14d: {  	p4 =	por @!p3 p6, p6;
	s0 =	simm.s32 @p0 $0x1;
	p0 =	seq.s32 s11, $0x1  }
0x14e: {  	p1 =	seq.s32 s16, $0x1;
	s3 =	sld [smem:$0x7E8];
	p3 =	por @!p0 $0x0, $0x0  }
0x14f: {  	p6 =	por @!p0 $0x1, $0x1;
	p1 =	por @!p0 p3, p3;
	p3 =	seq.s32 s2, $0x1  }
0x150: {  	p3 =	por @!p0 p6, p6  }
0x151: {  	[smem:$0x7EE] =	sst s0;
	s0 =	simm.s32 @!p3 $0x0  }
0x152: {  	s4 =	sld [smem:$0x7E9];
	s0 =	simm.s32 @p3 $0x1;
	p3 =	seq.s32 s3, $0x1  }
0x153: {  	p3 =	por @!p0 p6, p6  }
0x154: {  	[smem:$0x7E7] =	sst s0;
	s0 =	simm.s32 @!p3 $0x0  }
0x155: {  	s5 =	sld [smem:$0x7EC];
	s0 =	simm.s32 @p3 $0x1;
	p3 =	seq.s32 s4, $0x1  }
0x156: {  	p3 =	por @!p0 p6, p6  }
0x157: {  	[smem:$0x7E8] =	sst s0;
	s0 =	simm.s32 @!p3 $0x0  }
0x158: {  	s6 =	sld [smem:$0x7ED];
	s0 =	simm.s32 @p3 $0x1;
	p3 =	seq.s32 s5, $0x1  }
0x159: {  	p3 =	por @!p0 p6, p6  }
0x15a: {  	[smem:$0x7E9] =	sst s0;
	s0 =	simm.s32 @!p3 $0x0  }
0x15b: {  	s7 =	sld [smem:$0x7EE];
	s0 =	simm.s32 @p3 $0x1;
	p3 =	seq.s32 s6, $0x1  }
0x15c: {  	p3 =	por @!p0 p6, p6  }
0x15d: {  	[smem:$0x7EC] =	sst s0;
	s0 =	simm.s32 @!p3 $0x0  }
0x15e: {  	s8 =	sld [smem:$0x7E3];
	s0 =	simm.s32 @p3 $0x1;
	p3 =	seq.s32 s7, $0x1  }
0x15f: {  	p3 =	por @!p0 p6, p6  }
0x160: {  	[smem:$0x7ED] =	sst s0;
	s0 =	simm.s32 @!p3 $0x0  }
0x161: {  	s0 =	simm.s32 @p3 $0x1;
	p3 =	seq.s32 s8, $0x1  }
0x162: {  	s10 =	sld [smem:$0x7EF];
	p3 =	por @!p3 $0x0, $0x0  }
0x163: {  	[smem:$0x7EE] =	sst s0;
	s0 =	simm.s32 @!p3 $0x0  }
0x164: {  	s11 =	sld [smem:$0x7E3];
	s0 =	simm.s32 @p3 $0x1  }
0x165: {  	[smem:$0x7E2] =	sst s0;
	s0 =	simm.s32 @!p1 $0x0  }
0x166: {  	s0 =	simm.s32 @p1 $0x1;
	s2 =	sld [smem:$0x7E2]  }
0x167: {  	[smem:$0x7F3] =	sst s0  }
0x168: {  	p5 =	por @!p0 p6, p6;
	p3 =	seq.s32 s10, $0x1;
	s16 =	sld [smem:$0x7F3]  }
0x169: {  	p2 =	por @!p0 p6, p6;
	p4 =	por @!p0 p6, p6;
	p3 =	por @!p0 p6, p6  }
0x16a: {  	s3 =	sld [smem:$0x7E7];
	p0 =	seq.s32 s11, $0x1;
	s0 =	simm.s32 @!p3 $0x0  }
0x16b: {  	s0 =	simm.s32 @p3 $0x1;
	p6 =	seq.s32 s2, $0x1;
	p3 =	seq.s32 s16, $0x1  }
0x16c: {  	s4 =	sld [smem:$0x7E8];
	p3 =	por @!p0 p6, p6  }
0x16d: {  	[smem:$0x7EF] =	sst s0;
	s0 =	simm.s32 @!p3 $0x0  }
0x16e: {  	p6 =	seq.s32 s3, $0x1;
	s0 =	simm.s32 @p3 $0x1;
	p3 =	por @!p0 $0x1, $0x1  }
0x16f: {  	p6 =	por @!p0 p3, p3  }
0x170: {  	[smem:$0x7F3] =	sst s0;
	s0 =	simm.s32 @!p6 $0x0  }
0x171: {  	s5 =	sld [smem:$0x7E9];
	s0 =	simm.s32 @p6 $0x1;
	p6 =	seq.s32 s4, $0x1  }
0x172: {  	s6 =	sld [smem:$0x7EC];
	p6 =	por @!p0 p3, p3  }
0x173: {  	[smem:$0x7E7] =	sst s0;
	s0 =	simm.s32 @!p6 $0x0  }
0x174: {  	s7 =	sld [smem:$0x7ED];
	s0 =	simm.s32 @p6 $0x1;
	p6 =	seq.s32 s5, $0x1  }
0x175: {  	s8 =	sld [smem:$0x7EE];
	p6 =	por @!p0 p3, p3  }
0x176: {  	[smem:$0x7E8] =	sst s0;
	s0 =	simm.s32 @!p6 $0x0  }
0x177: {  	s10 =	sld [smem:$0x7E4];
	p4 =	por @!p0 p3, p3;
	s0 =	simm.s32 @p6 $0x1  }
0x178: {  	p6 =	seq.s32 s6, $0x1;
	[smem:$0x7E9] =	sst s0;
	s0 =	simm.s32 @!p4 $0x0  }
0x179: {  	s2 =	sld [smem:$0x7E4];
	p6 =	por @!p0 p3, p3;
	s0 =	simm.s32 @p4 $0x1  }
0x17a: {  	[smem:$0x7EB] =	sst s0;
	s0 =	simm.s32 @!p6 $0x0  }
0x17b: {  	s11 =	sld [smem:$0x7EF];
	s0 =	simm.s32 @p6 $0x1;
	p6 =	seq.s32 s7, $0x1  }
0x17c: {  	s16 =	sld [smem:$0x7E3];
	p6 =	por @!p0 p3, p3  }
0x17d: {  	p1 =	por @!p0 p3, p3;
	[smem:$0x7EC] =	sst s0;
	s0 =	simm.s32 @!p6 $0x0  }
0x17e: {  	p5 =	por @!p0 p3, p3;
	s0 =	simm.s32 @p6 $0x1;
	p6 =	seq.s32 s8, $0x1  }
0x17f: {  	p2 =	por @!p0 p3, p3;
	p4 =	seq.s32 s16, $0x1;
	p6 =	por @!p0 p3, p3  }
0x180: {  	[smem:$0x7ED] =	sst s0;
	p0 =	seq.s32 s10, $0x1;
	s0 =	simm.s32 @!p6 $0x0  }
0x181: {  	s0 =	simm.s32 @p6 $0x1;
	p6 =	por @!p0 $0x1, $0x1;
	p0 =	seq.s32 s11, $0x1  }
0x182: {  	p0 =	por @!p4 p3, p3  }
0x183: {  	[smem:$0x7EE] =	sst s0;
	p3 =	seq.s32 s2, $0x1;
	s0 =	simm.s32 @!p0 $0x0  }
0x184: {  	s3 =	sld [smem:$0x7E7];
	p1 =	por @!p3 p6, p6;
	s0 =	simm.s32 @p0 $0x1  }
0x185: {  	[smem:$0x7EF] =	sst s0;
	s0 =	simm.s32 @!p1 $0x0  }
0x186: {  	s4 =	sld [smem:$0x7E8];
	p5 =	por @!p3 p6, p6;
	s0 =	simm.s32 @p1 $0x1  }
0x187: {  	p0 =	seq.s32 s3, $0x1;
	[smem:$0x7E5] =	sst s0;
	s0 =	simm.s32 @!p5 $0x0  }
0x188: {  	p0 =	por @!p3 p6, p6;
	s0 =	simm.s32 @p5 $0x1  }
0x189: {  	[smem:$0x7E6] =	sst s0;
	s0 =	simm.s32 @!p0 $0x0  }
0x18a: {  	s5 =	sld [smem:$0x7E9];
	s0 =	simm.s32 @p0 $0x1;
	p0 =	seq.s32 s4, $0x1  }
0x18b: {  	p0 =	por @!p3 p6, p6  }
0x18c: {  	[smem:$0x7E7] =	sst s0;
	s0 =	simm.s32 @!p0 $0x0  }
0x18d: {  	s0 =	simm.s32 @p0 $0x1;
	p0 =	seq.s32 s5, $0x1  }
0x18e: {  	s6 =	sld [smem:$0x7EB];
	p0 =	por @!p3 p6, p6  }
0x18f: {  	[smem:$0x7E8] =	sst s0;
	s0 =	simm.s32 @!p0 $0x0  }
0x190: {  	s7 =	sld [smem:$0x7EC];
	p2 =	por @!p3 p6, p6;
	s0 =	simm.s32 @p0 $0x1  }
0x191: {  	p0 =	seq.s32 s6, $0x1;
	[smem:$0x7E9] =	sst s0;
	s0 =	simm.s32 @!p2 $0x0  }
0x192: {  	p0 =	por @!p3 p6, p6;
	s0 =	simm.s32 @p2 $0x1  }
0x193: {  	[smem:$0x7EA] =	sst s0;
	s0 =	simm.s32 @!p0 $0x0  }
0x194: {  	s8 =	sld [smem:$0x7ED];
	s0 =	simm.s32 @p0 $0x1;
	p0 =	seq.s32 s7, $0x1  }
0x195: {  	p0 =	por @!p3 p6, p6  }
0x196: {  	[smem:$0x7EB] =	sst s0;
	s0 =	simm.s32 @!p0 $0x0  }
0x197: {  	s10 =	sld [smem:$0x7EE];
	s0 =	simm.s32 @p0 $0x1;
	p0 =	seq.s32 s8, $0x1  }
0x198: {  	p0 =	por @!p3 p6, p6  }
0x199: {  	[smem:$0x7EC] =	sst s0;
	s0 =	simm.s32 @!p0 $0x0  }
0x19a: {  	s11 =	sld [smem:$0x7EF];
	s0 =	simm.s32 @p0 $0x1;
	p0 =	seq.s32 s10, $0x1  }
0x19b: {  	s16 =	sld [smem:$0x7F3];
	p0 =	por @!p3 p6, p6  }
0x19c: {  	[smem:$0x7ED] =	sst s0;
	s0 =	simm.s32 @!p0 $0x0  }
0x19d: {  	s0 =	simm.s32 @p0 $0x1;
	p0 =	seq.s32 s11, $0x1  }
0x19e: {  	p4 =	seq.s32 s16, $0x1;
	p0 =	por @!p3 p6, p6  }
0x19f: {  	p2 =	por p4, p4;
	[smem:$0x7EE] =	sst s0;
	s0 =	simm.s32 @!p0 $0x0  }
0x1a0: {  	p1 =	por p4, p4;
	p2 =	por @!p3 p6, p6;
	s0 =	simm.s32 @p0 $0x1  }
0x1a1: {  	p0 =	por @!p3 $0x0, $0x0;
	[smem:$0x7EF] =	sst s0;
	s0 =	simm.s32 @!p2 $0x0  }
0x1a2: {  	p1 =	por @!p3 p0, p0;
	s0 =	simm.s32 @p2 $0x1  }
0x1a3: {  	[smem:$0x7F0] =	sst s0;
	s0 =	simm.s32 @!p1 $0x0  }
0x1a4: {  	s0 =	simm.s32 @p1 $0x1;
	p1 =	por p4, p4  }
0x1a5: {  	p1 =	por @!p3 p0, p0  }
0x1a6: {  	[smem:$0x7F1] =	sst s0;
	s0 =	simm.s32 @!p1 $0x0  }
0x1a7: {  	p4 =	por @!p3 p0, p0;
	s0 =	simm.s32 @p1 $0x1  }
0x1a8: {  	[smem:$0x7F2] =	sst s0;
	s0 =	simm.s32 @!p4 $0x0  }
0x1a9: {  	s4 =	rddreg [dreg:$0xe];
	s0 =	simm.s32 @p4 $0x1  }
0x1aa: {  	[smem:$0x7F3] =	sst s0  }
.LBB2_7:
0x1ab: {  	p2 =	slt.s32 s31, $0x1  }
0x1ac: {  	s0 =	sshll.u32 @!p2 s1, $0x9  }
0x1ad: {  	s2 =	simm.s32 @!p2 $0x10;
	p0 =	slt.u32 @!p2 s31, $0x11;
	s0 =	sshra.s32 @!p2 s0, $0x2  }
0x1ae: {  	s3 =	simm.s32 @!p2 $0x1A80;
	p1 =	por p2, p0;
	s1 =	sadd.s32 @!p2 $0x2800, s0  }
0x1af: {  	[tilespmem:s1], [sflag:$0x1] =	stream.indirect.gather @!p2 [hbm4b:s17+s2], $0x80, s3, s2, $0xb8;
	[tilespmem:$0x18800] =	vst v63  }
0x1b0: {  	s1 =	sadd.s32 @!p1 $0x3000, s0;
	s2 =	simm.s32 @!p1 $0x10;
	s3 =	simm.s32 @!p1 $0x1A90  }
0x1b1: {  	[tilespmem:s1], [sflag:$0x1] =	stream.indirect.gather @!p1 [hbm4b:s17+s2], $0x80, s3, s2, $0xb8;
	[tilespmem:$0x18800] =	vst v63  }
0x1b2: {  	s1 =	simm.s32 @!p1 $0x0  }
0x1b3: {  	p0 =	slt.u32 @!p1 s31, $0x21;
	s1 =	simm.s32 @p1 $0x1  }
0x1b4: {  	p1 =	por p1, p0;
	[smem:$0x7D5] =	sst s1  }
0x1b5: {  	s1 =	sadd.s32 @!p1 $0x3800, s0;
	s2 =	simm.s32 @!p1 $0x10;
	s3 =	simm.s32 @!p1 $0x1AA0  }
0x1b6: {  	[tilespmem:s1], [sflag:$0x1] =	stream.indirect.gather @!p1 [hbm4b:s17+s2], $0x80, s3, s2, $0xb8;
	[tilespmem:$0x18800] =	vst v63  }
0x1b7: {  	s1 =	simm.s32 @!p1 $0x0  }
0x1b8: {  	p0 =	slt.u32 @!p1 s31, $0x31;
	s1 =	simm.s32 @p1 $0x1  }
0x1b9: {  	p1 =	por p1, p0;
	[smem:$0x7D6] =	sst s1  }
0x1ba: {  	s1 =	sadd.s32 @!p1 $0x4000, s0;
	s2 =	simm.s32 @!p1 $0x10;
	s3 =	simm.s32 @!p1 $0x1AB0  }
0x1bb: {  	[tilespmem:s1], [sflag:$0x1] =	stream.indirect.gather @!p1 [hbm4b:s17+s2], $0x80, s3, s2, $0xb8;
	[tilespmem:$0x18800] =	vst v63  }
0x1bc: {  	s1 =	simm.s32 @!p1 $0x0  }
0x1bd: {  	p0 =	slt.u32 @!p1 s31, $0x41;
	s1 =	simm.s32 @p1 $0x1  }
0x1be: {  	p1 =	por p1, p0;
	[smem:$0x7D7] =	sst s1  }
0x1bf: {  	s1 =	sadd.s32 @!p1 $0x4800, s0;
	s2 =	simm.s32 @!p1 $0x10;
	s3 =	simm.s32 @!p1 $0x1AC0  }
0x1c0: {  	[tilespmem:s1], [sflag:$0x1] =	stream.indirect.gather @!p1 [hbm4b:s17+s2], $0x80, s3, s2, $0xb8;
	[tilespmem:$0x18800] =	vst v63  }
0x1c1: {  	s1 =	simm.s32 @!p1 $0x0  }
0x1c2: {  	p0 =	slt.u32 @!p1 s31, $0x51;
	s1 =	simm.s32 @p1 $0x1  }
0x1c3: {  	p1 =	por p1, p0;
	[smem:$0x7D8] =	sst s1  }
0x1c4: {  	s1 =	sadd.s32 @!p1 $0x5000, s0;
	s2 =	simm.s32 @!p1 $0x10;
	s3 =	simm.s32 @!p1 $0x1AD0  }
0x1c5: {  	[tilespmem:s1], [sflag:$0x1] =	stream.indirect.gather @!p1 [hbm4b:s17+s2], $0x80, s3, s2, $0xb8;
	[tilespmem:$0x18800] =	vst v63  }
0x1c6: {  	p0 =	slt.u32 @!p1 s31, $0x61;
	s1 =	simm.s32 @!p1 $0x0  }
0x1c7: {  	p3 =	por p1, p0;
	s1 =	simm.s32 @p1 $0x1  }
0x1c8: {  	s2 =	simm.s32 @!p3 $0x10;
	s3 =	simm.s32 @!p3 $0x1AE0;
	p0 =	slt.u32 @!p3 s31, $0x71  }
0x1c9: {  	[smem:$0x7D9] =	sst s1;
	s1 =	sadd.s32 @!p3 $0x5800, s0;
	p5 =	por p3, p0  }
0x1ca: {  	[tilespmem:s1], [sflag:$0x1] =	stream.indirect.gather @!p3 [hbm4b:s17+s2], $0x80, s3, s2, $0xb8;
	[tilespmem:$0x18800] =	vst v63  }
0x1cb: {  	s1 =	simm.s32 @!p3 $0x0;
	s2 =	simm.s32 @!p5 $0x10  }
0x1cc: {  	s3 =	simm.s32 @!p5 $0x1AF0;
	p0 =	slt.u32 @!p5 s31, $0x81;
	s1 =	simm.s32 @p3 $0x1  }
0x1cd: {  	p3 =	por p5, p0;
	[smem:$0x7DA] =	sst s1;
	s1 =	sadd.s32 @!p5 $0x6000, s0  }
0x1ce: {  	[tilespmem:s1], [sflag:$0x1] =	stream.indirect.gather @!p5 [hbm4b:s17+s2], $0x80, s3, s2, $0xb8;
	[tilespmem:$0x18800] =	vst v63  }
0x1cf: {  	s1 =	sadd.s32 @!p3 $0x6800, s0;
	s2 =	simm.s32 @!p3 $0x10;
	s3 =	simm.s32 @!p3 $0x1B00  }
0x1d0: {  	[tilespmem:s1], [sflag:$0x1] =	stream.indirect.gather @!p3 [hbm4b:s17+s2], $0x80, s3, s2, $0xb8;
	[tilespmem:$0x18800] =	vst v63  }
0x1d1: {  	p0 =	slt.u32 @!p3 s31, $0x91;
	s1 =	simm.s32 @!p3 $0x0  }
0x1d2: {  	s1 =	simm.s32 @p3 $0x1;
	p3 =	por p3, p0  }
0x1d3: {  	[smem:$0x7DB] =	sst s1;
	s1 =	sadd.s32 @!p3 $0x7000, s0  }
0x1d4: {  	s2 =	simm.s32 @!p3 $0x10;
	s3 =	simm.s32 @!p3 $0x1B10;
	p0 =	slt.u32 @!p3 s31, $0xA1  }
0x1d5: {  	[tilespmem:s1], [sflag:$0x1] =	stream.indirect.gather @!p3 [hbm4b:s17+s2], $0x80, s3, s2, $0xb8;
	[tilespmem:$0x18800] =	vst v63  }
0x1d6: {  	p4 =	por p3, p0  }
0x1d7: {  	s1 =	sadd.s32 @!p4 $0x7800, s0;
	s2 =	simm.s32 @!p4 $0x10;
	s3 =	simm.s32 @!p4 $0x1B20  }
0x1d8: {  	[tilespmem:s1], [sflag:$0x1] =	stream.indirect.gather @!p4 [hbm4b:s17+s2], $0x80, s3, s2, $0xb8;
	[tilespmem:$0x18800] =	vst v63  }
0x1d9: {  	s1 =	simm.s32 @!p4 $0x0  }
0x1da: {  	p0 =	slt.u32 @!p4 s31, $0xB1;
	s1 =	simm.s32 @p4 $0x1  }
0x1db: {  	p4 =	por p4, p0;
	[smem:$0x7DC] =	sst s1  }
0x1dc: {  	s1 =	sadd.s32 @!p4 $0x8000, s0;
	s2 =	simm.s32 @!p4 $0x10;
	s3 =	simm.s32 @!p4 $0x1B30  }
0x1dd: {  	[tilespmem:s1], [sflag:$0x1] =	stream.indirect.gather @!p4 [hbm4b:s17+s2], $0x80, s3, s2, $0xb8;
	[tilespmem:$0x18800] =	vst v63  }
0x1de: {  	p0 =	slt.u32 @!p4 s31, $0xC1;
	s1 =	simm.s32 @!p4 $0x0  }
0x1df: {  	s1 =	simm.s32 @p4 $0x1;
	p4 =	por p4, p0  }
0x1e0: {  	p0 =	slt.u32 @!p4 s31, $0xD1  }
0x1e1: {  	[smem:$0x7DD] =	sst s1;
	s1 =	sadd.s32 @!p4 $0x8800, s0;
	p0 =	por p4, p0  }
.Ltmp3:
0x1e2: {  	s2 =	simm.s32 @!p4 $0x10;
	s3 =	simm.s32 @!p4 $0x1B40;
	(pc) =	sbr.rel @p0 .LBB2_8-.Ltmp3, $4  }
0x1e3: {  	[tilespmem:s1], [sflag:$0x1] =	stream.indirect.gather @!p4 [hbm4b:s17+s2], $0x80, s3, s2, $0xb8;
	[tilespmem:$0x18800] =	vst v63  }
0x1e4: {  	s1 =	simm.s32 @!p2 $0x0  }
0x1e5: {  	s1 =	simm.s32 @p2 $0x1  }
0x1e6: {  	[smem:$0x7DE] =	sst s1  }
0x1e7: {  	s1 =	sadd.s32 $0x9000, s0  }
0x1e8: {  	s2 =	simm.s32 $0x10;
	s3 =	simm.s32 $0x1B50;
	p0 =	slt.u32 s31, $0xE1  }
0x1e9: {  	[tilespmem:s1], [sflag:$0x1] =	stream.indirect.gather [hbm4b:s17+s2], $0x80, s3, s2, $0xb8;
	[tilespmem:$0x18800] =	vst v63  }
0x1ea: {  	s1 =	sadd.s32 @!p0 $0x9800, s0;
	p2 =	slt.u32 @!p0 s31, $0xF1  }
0x1eb: {  	s2 =	simm.s32 @!p0 $0x10;
	s3 =	simm.s32 @!p0 $0x1B60;
	p1 =	por p2, p0  }
0x1ec: {  	[tilespmem:s1], [sflag:$0x1] =	stream.indirect.gather @!p0 [hbm4b:s17+s2], $0x80, s3, s2, $0xb8;
	[tilespmem:$0x18800] =	vst v63  }
0x1ed: {  	s0 =	sadd.s32 @!p1 $0xA000, s0;
	s1 =	simm.s32 @!p1 $0x10;
	s2 =	simm.s32 @!p1 $0x1B70  }
0x1ee: {  	[tilespmem:s0], [sflag:$0x1] =	stream.indirect.gather @!p1 [hbm4b:s17+s1], $0x80, s2, s1, $0xb8;
	[tilespmem:$0x18800] =	vst v63  }
0x1ef: {  	p3 =	por @!p0 $0x1, $0x1;
	p1 =	por @!p1 $0x1, $0x1  }
0x1f0: {  	p4 =	por @!p0 $0x0, $0x0;
	p2 =	por !p2, p0;
	p5 =	por p1, p1  }
0x1f1: {  	p1 =	por @!p2 p3, p3;
	p5 =	por @!p2 p4, p4;
	p2 =	por $0x0, $0x0  }
0x1f2: {  	p2 =	por @!p0 p5, p5  }
0x1f3: {  	p3 =	por $0x1, $0x1;
	s0 =	simm.s32 @!p2 $0x0  }
0x1f4: {  	p3 =	por @!p0 p1, p1;
	s0 =	simm.s32 @p2 $0x1  }
0x1f5: {  	p2 =	por $0x1, $0x1;
	[smem:$0x7D2] =	sst s0;
	s0 =	simm.s32 @!p3 $0x0  }
0x1f6: {  	p2 =	por @!p0 p1, p1;
	s0 =	simm.s32 @p3 $0x1  }
0x1f7: {  	[smem:$0x7D3] =	sst s0;
	s0 =	simm.s32 @!p2 $0x0  }
0x1f8: {  	s0 =	simm.s32 @p2 $0x1;
	p2 =	por $0x1, $0x1  }
0x1f9: {  	p2 =	por @!p0 p1, p1  }
0x1fa: {  	p3 =	por $0x1, $0x1;
	[smem:$0x7C6] =	sst s0;
	s0 =	simm.s32 @!p2 $0x0  }
0x1fb: {  	p3 =	por @!p0 p1, p1;
	s0 =	simm.s32 @p2 $0x1  }
0x1fc: {  	p2 =	por $0x1, $0x1;
	[smem:$0x7C7] =	sst s0;
	s0 =	simm.s32 @!p3 $0x0  }
0x1fd: {  	p2 =	por @!p0 p1, p1;
	s0 =	simm.s32 @p3 $0x1  }
0x1fe: {  	[smem:$0x7C8] =	sst s0;
	s0 =	simm.s32 @!p2 $0x0  }
0x1ff: {  	s0 =	simm.s32 @p2 $0x1;
	p2 =	por $0x1, $0x1  }
0x200: {  	p2 =	por @!p0 p1, p1  }
0x201: {  	[smem:$0x7C9] =	sst s0;
	s0 =	simm.s32 @!p2 $0x0  }
0x202: {  	s0 =	simm.s32 @p2 $0x1;
	p2 =	por $0x1, $0x1  }
0x203: {  	p2 =	por @!p0 p1, p1  }
0x204: {  	p3 =	por $0x1, $0x1;
	[smem:$0x7CA] =	sst s0;
	s0 =	simm.s32 @!p2 $0x0  }
0x205: {  	p3 =	por @!p0 p1, p1;
	s0 =	simm.s32 @p2 $0x1  }
0x206: {  	p2 =	por $0x1, $0x1;
	[smem:$0x7CB] =	sst s0;
	s0 =	simm.s32 @!p3 $0x0  }
0x207: {  	p2 =	por @!p0 p1, p1;
	s0 =	simm.s32 @p3 $0x1  }
0x208: {  	[smem:$0x7CC] =	sst s0;
	s0 =	simm.s32 @!p2 $0x0  }
0x209: {  	s0 =	simm.s32 @p2 $0x1;
	p2 =	por $0x1, $0x1  }
0x20a: {  	p2 =	por @!p0 p1, p1  }
0x20b: {  	p3 =	por $0x1, $0x1;
	[smem:$0x7CD] =	sst s0;
	s0 =	simm.s32 @!p2 $0x0  }
0x20c: {  	p3 =	por @!p0 p1, p1;
	s0 =	simm.s32 @p2 $0x1  }
0x20d: {  	p2 =	por $0x1, $0x1;
	[smem:$0x7CE] =	sst s0;
	s0 =	simm.s32 @!p3 $0x0  }
0x20e: {  	p2 =	por @!p0 p1, p1;
	s0 =	simm.s32 @p3 $0x1  }
0x20f: {  	p3 =	por $0x1, $0x1;
	[smem:$0x7CF] =	sst s0;
	s0 =	simm.s32 @!p2 $0x0  }
0x210: {  	p3 =	por @!p0 p1, p1;
	s0 =	simm.s32 @p2 $0x1;
	p2 =	por $0x0, $0x0  }
.Ltmp4:
0x211: {  	[smem:$0x7D0] =	sst s0;
	s0 =	simm.s32 @!p3 $0x0;
	(pc) =	sbr.rel .LBB2_10-.Ltmp4, $4  }
0x212: {  	p2 =	por @!p0 p1, p1;
	s0 =	simm.s32 @p3 $0x1  }
0x213: {  	[smem:$0x7D1] =	sst s0;
	s0 =	simm.s32 @!p2 $0x0  }
0x214: {  	s5 =	rddreg [dreg:$0xf];
	s0 =	simm.s32 @p2 $0x1  }
0x215: {  	[smem:$0x7D4] =	sst s0  }
.LBB2_8:
0x216: {  	s2 =	sld [smem:$0x7D5];
	_ =	sdelay $0x1  }
0x217: {  	p0 =	por @!p2 $0x0, $0x0;
	s0 =	simm.s32 @!p4 $0x0;
	s3 =	sld [smem:$0x7D6]  }
0x218: {  	s0 =	simm.s32 @p4 $0x1;
	p4 =	por $0x0, $0x0;
	p6 =	seq.s32 s2, $0x1  }
0x219: {  	p4 =	por @!p2 p0, p0;
	p0 =	por @!p6 $0x1, $0x1  }
0x21a: {  	[smem:$0x7C4] =	sst s0;
	s0 =	simm.s32 @!p0 $0x0  }
0x21b: {  	s0 =	simm.s32 @p0 $0x1;
	p0 =	seq.s32 s3, $0x1  }
0x21c: {  	s6 =	sld [smem:$0x7D6];
	p2 =	por p4, p4;
	p0 =	por @!p0 $0x0, $0x0  }
0x21d: {  	p1 =	por @!p6 $0x0, $0x0;
	[smem:$0x7BF] =	sst s0;
	s0 =	simm.s32 @!p0 $0x0  }
0x21e: {  	p2 =	por @!p6 p1, p1;
	s5 =	sld [smem:$0x7BF];
	s0 =	simm.s32 @p0 $0x1  }
0x21f: {  	[smem:$0x7C0] =	sst s0;
	s0 =	simm.s32 @!p2 $0x0  }
0x220: {  	s0 =	simm.s32 @p2 $0x1;
	s7 =	sld [smem:$0x7C0]  }
0x221: {  	[smem:$0x7CA] =	sst s0  }
0x222: {  	s8 =	sld [smem:$0x7CA]  }
0x223: {  	p0 =	seq.s32 s5, $0x1  }
0x224: {  	p4 =	por @!p6 p0, p0  }
0x225: {  	p0 =	seq.s32 s6, $0x1;
	p6 =	seq.s32 s7, $0x1;
	p1 =	seq.s32 s8, $0x1  }
0x226: {  	s10 =	sld [smem:$0x7D6];
	p1 =	por @!p0 p6, p6  }
0x227: {  	s0 =	simm.s32 @!p1 $0x0  }
0x228: {  	s0 =	simm.s32 @p1 $0x1  }
0x229: {  	p1 =	seq.s32 s10, $0x1;
	[smem:$0x7CA] =	sst s0  }
0x22a: {  	p0 =	por @!p1 $0x1, $0x1;
	s16 =	sld [smem:$0x7CA]  }
0x22b: {  	s0 =	simm.s32 @!p0 $0x0  }
0x22c: {  	s31 =	sld [smem:$0x7D6];
	s0 =	simm.s32 @p0 $0x1  }
0x22d: {  	[smem:$0x7C1] =	sst s0;
	p6 =	seq.s32 s16, $0x1  }
0x22e: {  	s17 =	sld [smem:$0x7C1];
	s0 =	simm.s32 @!p6 $0x0  }
0x22f: {  	s11 =	sld [smem:$0x7D7];
	p0 =	por @!p1 $0x1, $0x1;
	s0 =	simm.s32 @p6 $0x1  }
0x230: {  	p4 =	por @!p1 p0, p0;
	[smem:$0x7CD] =	sst s0  }
0x231: {  	p1 =	seq.s32 s31, $0x1;
	p6 =	seq.s32 s17, $0x1;
	s1 =	sld [smem:$0x7CD]  }
0x232: {  	p2 =	por @!p1 p6, p6  }
0x233: {  	p0 =	seq.s32 s11, $0x1;
	s0 =	simm.s32 @!p2 $0x0  }
0x234: {  	p6 =	por @!p0 $0x0, $0x0;
	s0 =	simm.s32 @p2 $0x1;
	p2 =	seq.s32 s1, $0x1  }
0x235: {  	s2 =	sld [smem:$0x7CA];
	p2 =	por @!p0 p6, p6  }
0x236: {  	[smem:$0x7CC] =	sst s0;
	s0 =	simm.s32 @!p2 $0x0  }
0x237: {  	s3 =	sld [smem:$0x7CC];
	s0 =	simm.s32 @p2 $0x1  }
0x238: {  	p6 =	por @!p0 $0x1, $0x1;
	p2 =	seq.s32 s2, $0x1;
	[smem:$0x7CD] =	sst s0  }
0x239: {  	p2 =	por @!p0 p6, p6;
	s6 =	sld [smem:$0x7CD]  }
0x23a: {  	p4 =	por @!p0 p6, p6;
	s0 =	simm.s32 @!p2 $0x0  }
0x23b: {  	p6 =	seq.s32 s3, $0x1;
	s0 =	simm.s32 @p2 $0x1;
	p2 =	por @!p0 $0x1, $0x1  }
0x23c: {  	p6 =	por @!p0 p2, p2;
	p2 =	seq.s32 s6, $0x1  }
0x23d: {  	[smem:$0x7CA] =	sst s0;
	s0 =	simm.s32 @!p2 $0x0  }
0x23e: {  	s5 =	sld [smem:$0x7D8];
	s0 =	simm.s32 @p2 $0x1  }
0x23f: {  	[smem:$0x7C9] =	sst s0  }
0x240: {  	s7 =	sld [smem:$0x7C9];
	_ =	sdelay $0x1  }
0x241: {  	p0 =	seq.s32 s5, $0x1;
	s0 =	simm.s32 @!p3 $0x0  }
0x242: {  	p1 =	por @!p0 $0x0, $0x0;
	s0 =	simm.s32 @p3 $0x1;
	p3 =	seq.s32 s7, $0x1  }
0x243: {  	s8 =	sld [smem:$0x7CA];
	p3 =	por @!p0 p1, p1  }
0x244: {  	[smem:$0x7C3] =	sst s0;
	s0 =	simm.s32 @!p3 $0x0  }
0x245: {  	s0 =	simm.s32 @p3 $0x1  }
0x246: {  	[smem:$0x7C9] =	sst s0  }
0x247: {  	p2 =	seq.s32 s8, $0x1;
	p3 =	por @!p0 $0x1, $0x1;
	s10 =	sld [smem:$0x7C9]  }
0x248: {  	s17 =	sld [smem:$0x7D9];
	p2 =	por @!p0 p3, p3  }
0x249: {  	s11 =	sld [smem:$0x7CD];
	p4 =	por @!p0 p3, p3;
	s0 =	simm.s32 @!p2 $0x0  }
0x24a: {  	p6 =	por @!p0 p3, p3;
	s0 =	simm.s32 @p2 $0x1;
	p3 =	seq.s32 s10, $0x1  }
0x24b: {  	[smem:$0x7CA] =	sst s0;
	s0 =	simm.s32 @!p3 $0x0  }
0x24c: {  	s3 =	sld [smem:$0x7DA];
	s0 =	simm.s32 @p3 $0x1  }
0x24d: {  	[smem:$0x7CE] =	sst s0  }
0x24e: {  	p1 =	por @!p0 $0x1, $0x1;
	p2 =	seq.s32 s11, $0x1;
	s16 =	sld [smem:$0x7CE]  }
0x24f: {  	s31 =	sld [smem:$0x7C9];
	p2 =	por @!p0 p1, p1  }
0x250: {  	p1 =	seq.s32 s17, $0x1;
	s1 =	sld [smem:$0x7CA];
	s0 =	simm.s32 @!p2 $0x0  }
0x251: {  	s0 =	simm.s32 @p2 $0x1;
	p2 =	por @!p1 $0x0, $0x0;
	p0 =	seq.s32 s16, $0x1  }
0x252: {  	[smem:$0x7CD] =	sst s0;
	p0 =	por @!p1 p2, p2  }
0x253: {  	p3 =	seq.s32 s1, $0x1;
	s2 =	sld [smem:$0x7CD];
	s0 =	simm.s32 @!p0 $0x0  }
0x254: {  	p2 =	por @!p1 $0x1, $0x1;
	s0 =	simm.s32 @p0 $0x1;
	p0 =	seq.s32 s31, $0x1  }
0x255: {  	p3 =	por @!p1 p2, p2;
	p4 =	por @!p1 p2, p2;
	p0 =	por @!p1 p2, p2  }
0x256: {  	[smem:$0x7CE] =	sst s0;
	p2 =	por p6, p6;
	s0 =	simm.s32 @!p0 $0x0  }
0x257: {  	p6 =	por @!p1 $0x1, $0x1;
	s0 =	simm.s32 @p0 $0x1;
	p0 =	por @!p1 $0x1, $0x1  }
0x258: {  	s5 =	sld [smem:$0x7CE];
	p2 =	por @!p1 p0, p0;
	p0 =	seq.s32 s2, $0x1  }
0x259: {  	[smem:$0x7C9] =	sst s0;
	p0 =	por @!p1 p6, p6  }
0x25a: {  	p6 =	seq.s32 s3, $0x1;
	s6 =	sld [smem:$0x7C9];
	s0 =	simm.s32 @!p0 $0x0  }
0x25b: {  	p1 =	por @!p6 $0x0, $0x0;
	s0 =	simm.s32 @p0 $0x1;
	p0 =	seq.s32 s5, $0x1  }
0x25c: {  	p0 =	por @!p6 p1, p1  }
0x25d: {  	[smem:$0x7CD] =	sst s0;
	s0 =	simm.s32 @!p0 $0x0  }
0x25e: {  	p1 =	seq.s32 s6, $0x1;
	s0 =	simm.s32 @p0 $0x1;
	p0 =	por @!p6 $0x1, $0x1  }
0x25f: {  	p1 =	por @!p6 p0, p0  }
0x260: {  	[smem:$0x7C8] =	sst s0;
	s0 =	simm.s32 @!p1 $0x0  }
0x261: {  	s10 =	sld [smem:$0x7CE];
	s0 =	simm.s32 @p1 $0x1;
	p1 =	por @!p6 $0x1, $0x1  }
0x262: {  	s8 =	sld [smem:$0x7C8];
	p2 =	por @!p6 p1, p1  }
0x263: {  	[smem:$0x7C9] =	sst s0;
	p3 =	por @!p6 p1, p1;
	s0 =	simm.s32 @!p2 $0x0  }
0x264: {  	p4 =	por @!p6 p1, p1;
	p1 =	por @!p6 $0x1, $0x1;
	s0 =	simm.s32 @p2 $0x1  }
0x265: {  	[smem:$0x7CC] =	sst s0;
	s0 =	simm.s32 @!p1 $0x0  }
0x266: {  	s7 =	sld [smem:$0x7CD];
	s0 =	simm.s32 @p1 $0x1  }
0x267: {  	p0 =	seq.s32 s8, $0x1;
	[smem:$0x7C2] =	sst s0  }
0x268: {  	s0 =	simm.s32 @!p0 $0x0;
	s11 =	sld [smem:$0x7C2]  }
0x269: {  	p2 =	por @!p6 $0x1, $0x1;
	p1 =	seq.s32 s7, $0x1;
	s0 =	simm.s32 @p0 $0x1  }
0x26a: {  	p1 =	por @!p6 p2, p2;
	[smem:$0x7CF] =	sst s0  }
0x26b: {  	p0 =	seq.s32 s10, $0x1;
	s16 =	sld [smem:$0x7CF];
	p2 =	seq.s32 s11, $0x1  }
0x26c: {  	p0 =	por @!p6 p2, p2  }
0x26d: {  	s17 =	sld [smem:$0x7C8];
	s0 =	simm.s32 @!p0 $0x0  }
0x26e: {  	p2 =	por @!p5 $0x0, $0x0;
	s0 =	simm.s32 @p0 $0x1;
	p0 =	seq.s32 s16, $0x1  }
0x26f: {  	s31 =	sld [smem:$0x7C9];
	p0 =	por @!p5 p2, p2  }
0x270: {  	[smem:$0x7CE] =	sst s0;
	s0 =	simm.s32 @!p0 $0x0  }
0x271: {  	p6 =	por @!p5 $0x1, $0x1;
	s0 =	simm.s32 @p0 $0x1;
	p0 =	seq.s32 s17, $0x1  }
0x272: {  	s3 =	sld [smem:$0x7DB];
	p0 =	por @!p5 p6, p6  }
0x273: {  	[smem:$0x7CF] =	sst s0;
	s0 =	simm.s32 @!p0 $0x0  }
0x274: {  	s1 =	sld [smem:$0x7CC];
	s0 =	simm.s32 @p0 $0x1;
	p0 =	seq.s32 s31, $0x1  }
0x275: {  	p3 =	por @!p5 p6, p6;
	s2 =	sld [smem:$0x7CE];
	p0 =	por @!p5 p6, p6  }
0x276: {  	p4 =	por @!p5 p6, p6;
	[smem:$0x7C8] =	sst s0;
	s0 =	simm.s32 @!p0 $0x0  }
0x277: {  	p1 =	por @!p5 p6, p6;
	s5 =	sld [smem:$0x7CF];
	s0 =	simm.s32 @p0 $0x1  }
0x278: {  	p2 =	seq.s32 s1, $0x1;
	[smem:$0x7C9] =	sst s0;
	s0 =	simm.s32 @!p3 $0x0  }
0x279: {  	p2 =	por @!p5 p6, p6;
	s6 =	sld [smem:$0x7C8];
	s0 =	simm.s32 @p3 $0x1  }
0x27a: {  	p0 =	seq.s32 s2, $0x1;
	[smem:$0x7CA] =	sst s0;
	s0 =	simm.s32 @!p1 $0x0  }
0x27b: {  	p0 =	por @!p5 p6, p6;
	p6 =	seq.s32 s5, $0x1;
	s0 =	simm.s32 @p1 $0x1  }
0x27c: {  	p1 =	seq.s32 s3, $0x1;
	[smem:$0x7CD] =	sst s0;
	s0 =	simm.s32 @!p0 $0x0  }
0x27d: {  	s7 =	sld [smem:$0x7C9];
	s0 =	simm.s32 @p0 $0x1;
	p0 =	por @!p1 $0x0, $0x0  }
0x27e: {  	p3 =	por @!p1 $0x1, $0x1;
	p6 =	por @!p1 p0, p0;
	p0 =	seq.s32 s6, $0x1  }
0x27f: {  	p0 =	por @!p1 p3, p3  }
0x280: {  	[smem:$0x7CE] =	sst s0;
	s0 =	simm.s32 @!p0 $0x0  }
0x281: {  	s8 =	sld [smem:$0x7CA];
	s0 =	simm.s32 @p0 $0x1;
	p0 =	seq.s32 s7, $0x1  }
0x282: {  	p0 =	por @!p1 p3, p3  }
0x283: {  	[smem:$0x7C8] =	sst s0;
	s0 =	simm.s32 @!p0 $0x0  }
0x284: {  	s10 =	sld [smem:$0x7CD];
	s0 =	simm.s32 @p0 $0x1;
	p0 =	seq.s32 s8, $0x1  }
0x285: {  	p0 =	por @!p1 p3, p3  }
0x286: {  	[smem:$0x7C9] =	sst s0;
	s0 =	simm.s32 @!p0 $0x0  }
0x287: {  	s11 =	sld [smem:$0x7CE];
	s0 =	simm.s32 @p0 $0x1;
	p0 =	seq.s32 s10, $0x1  }
0x288: {  	p0 =	por @!p1 p3, p3  }
0x289: {  	[smem:$0x7CA] =	sst s0;
	s0 =	simm.s32 @!p0 $0x0  }
0x28a: {  	s0 =	simm.s32 @p0 $0x1;
	p0 =	seq.s32 s11, $0x1  }
0x28b: {  	p0 =	por @!p1 p3, p3  }
0x28c: {  	[smem:$0x7CD] =	sst s0;
	s0 =	simm.s32 @!p0 $0x0  }
0x28d: {  	s17 =	sld [smem:$0x7CF];
	s0 =	simm.s32 @p0 $0x1  }
0x28e: {  	[smem:$0x7CE] =	sst s0;
	s0 =	simm.s32 @!p6 $0x0  }
0x28f: {  	s16 =	sld [smem:$0x7C3];
	s0 =	simm.s32 @p6 $0x1  }
0x290: {  	[smem:$0x7D0] =	sst s0  }
0x291: {  	p5 =	por @!p1 $0x1, $0x1;
	p0 =	seq.s32 s17, $0x1;
	s31 =	sld [smem:$0x7D0]  }
0x292: {  	p4 =	por @!p1 p3, p3;
	p2 =	por @!p1 p3, p3;
	p0 =	por @!p1 p5, p5  }
0x293: {  	s1 =	sld [smem:$0x7C8];
	p3 =	seq.s32 s16, $0x1;
	s0 =	simm.s32 @!p0 $0x0  }
0x294: {  	p1 =	por @!p3 $0x0, $0x0;
	s0 =	simm.s32 @p0 $0x1;
	p0 =	seq.s32 s31, $0x1  }
0x295: {  	s2 =	sld [smem:$0x7C9];
	p0 =	por @!p3 p1, p1  }
0x296: {  	[smem:$0x7CF] =	sst s0;
	s0 =	simm.s32 @!p0 $0x0  }
0x297: {  	p1 =	seq.s32 s1, $0x1;
	s0 =	simm.s32 @p0 $0x1;
	p0 =	por @!p3 $0x1, $0x1  }
0x298: {  	p1 =	por @!p3 p0, p0  }
0x299: {  	[smem:$0x7D0] =	sst s0;
	s0 =	simm.s32 @!p1 $0x0  }
0x29a: {  	s3 =	sld [smem:$0x7CA];
	s0 =	simm.s32 @p1 $0x1;
	p1 =	seq.s32 s2, $0x1  }
0x29b: {  	p1 =	por @!p3 p0, p0  }
0x29c: {  	[smem:$0x7C8] =	sst s0;
	s0 =	simm.s32 @!p1 $0x0  }
0x29d: {  	s5 =	sld [smem:$0x7CD];
	s0 =	simm.s32 @p1 $0x1;
	p1 =	seq.s32 s3, $0x1  }
0x29e: {  	p1 =	por @!p3 p0, p0  }
0x29f: {  	[smem:$0x7C9] =	sst s0;
	s0 =	simm.s32 @!p1 $0x0  }
0x2a0: {  	s6 =	sld [smem:$0x7CE];
	s0 =	simm.s32 @p1 $0x1;
	p1 =	seq.s32 s5, $0x1  }
0x2a1: {  	p1 =	por @!p3 p0, p0  }
0x2a2: {  	[smem:$0x7CA] =	sst s0;
	s0 =	simm.s32 @!p1 $0x0  }
0x2a3: {  	s7 =	sld [smem:$0x7CF];
	s0 =	simm.s32 @p1 $0x1;
	p1 =	seq.s32 s6, $0x1  }
0x2a4: {  	s8 =	sld [smem:$0x7DC];
	p1 =	por @!p3 p0, p0  }
0x2a5: {  	[smem:$0x7CD] =	sst s0;
	s0 =	simm.s32 @!p1 $0x0  }
0x2a6: {  	s10 =	sld [smem:$0x7D0];
	s0 =	simm.s32 @p1 $0x1;
	p1 =	seq.s32 s7, $0x1  }
0x2a7: {  	p6 =	por @!p3 p0, p0;
	s11 =	sld [smem:$0x7C8];
	p1 =	por @!p3 p0, p0  }
0x2a8: {  	p4 =	por @!p3 p0, p0;
	[smem:$0x7CE] =	sst s0;
	s0 =	simm.s32 @!p1 $0x0  }
0x2a9: {  	p2 =	por @!p3 p0, p0;
	s0 =	simm.s32 @p1 $0x1;
	p1 =	seq.s32 s8, $0x1  }
0x2aa: {  	p5 =	seq.s32 s10, $0x1;
	s16 =	sld [smem:$0x7C9];
	p0 =	por @!p1 $0x0, $0x0  }
0x2ab: {  	p3 =	por @!p1 $0x1, $0x1;
	p5 =	por @!p1 p0, p0;
	p0 =	seq.s32 s11, $0x1  }
0x2ac: {  	p0 =	por @!p1 p3, p3  }
0x2ad: {  	[smem:$0x7CF] =	sst s0;
	s0 =	simm.s32 @!p0 $0x0  }
0x2ae: {  	s17 =	sld [smem:$0x7CA];
	s0 =	simm.s32 @p0 $0x1;
	p0 =	seq.s32 s16, $0x1  }
0x2af: {  	p0 =	por @!p1 p3, p3  }
0x2b0: {  	[smem:$0x7C8] =	sst s0;
	s0 =	simm.s32 @!p0 $0x0  }
0x2b1: {  	s0 =	simm.s32 @p0 $0x1;
	p0 =	seq.s32 s17, $0x1  }
0x2b2: {  	s31 =	sld [smem:$0x7CD];
	p0 =	por @!p1 p3, p3  }
0x2b3: {  	[smem:$0x7C9] =	sst s0;
	s0 =	simm.s32 @!p0 $0x0  }
0x2b4: {  	s1 =	sld [smem:$0x7CE];
	p2 =	por @!p1 p3, p3;
	s0 =	simm.s32 @p0 $0x1  }
0x2b5: {  	p0 =	seq.s32 s31, $0x1;
	[smem:$0x7CA] =	sst s0;
	s0 =	simm.s32 @!p2 $0x0  }
0x2b6: {  	p0 =	por @!p1 p3, p3;
	s0 =	simm.s32 @p2 $0x1  }
0x2b7: {  	[smem:$0x7CC] =	sst s0;
	s0 =	simm.s32 @!p0 $0x0  }
0x2b8: {  	s2 =	sld [smem:$0x7CF];
	s0 =	simm.s32 @p0 $0x1;
	p0 =	seq.s32 s1, $0x1  }
0x2b9: {  	p0 =	por @!p1 p3, p3  }
0x2ba: {  	[smem:$0x7CD] =	sst s0;
	s0 =	simm.s32 @!p0 $0x0  }
0x2bb: {  	s0 =	simm.s32 @p0 $0x1;
	p0 =	seq.s32 s2, $0x1  }
0x2bc: {  	p0 =	por @!p1 p3, p3  }
0x2bd: {  	[smem:$0x7CE] =	sst s0;
	s0 =	simm.s32 @!p0 $0x0  }
0x2be: {  	s5 =	sld [smem:$0x7D0];
	s0 =	simm.s32 @p0 $0x1  }
0x2bf: {  	[smem:$0x7CF] =	sst s0;
	s0 =	simm.s32 @!p5 $0x0  }
0x2c0: {  	s3 =	sld [smem:$0x7DD];
	s0 =	simm.s32 @p5 $0x1  }
0x2c1: {  	p6 =	por @!p1 p3, p3;
	p4 =	por @!p1 p3, p3;
	[smem:$0x7D4] =	sst s0  }
0x2c2: {  	p2 =	por @!p1 $0x1, $0x1;
	p3 =	seq.s32 s5, $0x1;
	s6 =	sld [smem:$0x7D4]  }
0x2c3: {  	p3 =	por @!p1 p2, p2  }
0x2c4: {  	s7 =	sld [smem:$0x7C8];
	p0 =	seq.s32 s3, $0x1;
	s0 =	simm.s32 @!p3 $0x0  }
0x2c5: {  	s0 =	simm.s32 @p3 $0x1;
	p3 =	por @!p0 $0x0, $0x0;
	p1 =	seq.s32 s6, $0x1  }
0x2c6: {  	s8 =	sld [smem:$0x7C9];
	p1 =	por @!p0 p3, p3  }
0x2c7: {  	[smem:$0x7D0] =	sst s0;
	s0 =	simm.s32 @!p1 $0x0  }
0x2c8: {  	p3 =	por @!p0 $0x1, $0x1;
	s0 =	simm.s32 @p1 $0x1;
	p1 =	seq.s32 s7, $0x1  }
0x2c9: {  	p1 =	por @!p0 p3, p3  }
0x2ca: {  	[smem:$0x7D4] =	sst s0;
	s0 =	simm.s32 @!p1 $0x0  }
0x2cb: {  	s10 =	sld [smem:$0x7CA];
	s0 =	simm.s32 @p1 $0x1;
	p1 =	seq.s32 s8, $0x1  }
0x2cc: {  	p1 =	por @!p0 p3, p3  }
0x2cd: {  	[smem:$0x7C8] =	sst s0;
	s0 =	simm.s32 @!p1 $0x0  }
0x2ce: {  	s16 =	sld [smem:$0x7CD];
	s0 =	simm.s32 @p1 $0x1;
	p1 =	seq.s32 s10, $0x1  }
0x2cf: {  	p1 =	por @!p0 p3, p3  }
0x2d0: {  	[smem:$0x7C9] =	sst s0;
	s0 =	simm.s32 @!p1 $0x0  }
0x2d1: {  	s17 =	sld [smem:$0x7CE];
	s0 =	simm.s32 @p1 $0x1;
	p1 =	seq.s32 s16, $0x1  }
0x2d2: {  	p1 =	por @!p0 p3, p3  }
0x2d3: {  	[smem:$0x7CA] =	sst s0;
	s0 =	simm.s32 @!p1 $0x0  }
0x2d4: {  	s31 =	sld [smem:$0x7CF];
	s0 =	simm.s32 @p1 $0x1;
	p1 =	seq.s32 s17, $0x1  }
0x2d5: {  	p1 =	por @!p0 p3, p3  }
0x2d6: {  	[smem:$0x7CD] =	sst s0;
	s0 =	simm.s32 @!p1 $0x0  }
0x2d7: {  	s1 =	sld [smem:$0x7C4];
	s0 =	simm.s32 @p1 $0x1;
	p1 =	seq.s32 s31, $0x1  }
0x2d8: {  	p1 =	por @!p0 p3, p3  }
0x2d9: {  	[smem:$0x7CE] =	sst s0;
	s0 =	simm.s32 @!p1 $0x0  }
0x2da: {  	s11 =	sld [smem:$0x7CC];
	s0 =	simm.s32 @p1 $0x1;
	p1 =	seq.s32 s1, $0x1  }
0x2db: {  	s2 =	sld [smem:$0x7D0];
	p1 =	por @!p1 $0x1, $0x1  }
0x2dc: {  	[smem:$0x7CF] =	sst s0;
	s0 =	simm.s32 @!p1 $0x0  }
0x2dd: {  	s3 =	sld [smem:$0x7C4];
	s0 =	simm.s32 @p1 $0x1  }
0x2de: {  	[smem:$0x7C5] =	sst s0  }
0x2df: {  	p2 =	seq.s32 s11, $0x1;
	p1 =	seq.s32 s2, $0x1;
	s5 =	sld [smem:$0x7C5]  }
0x2e0: {  	p5 =	por @!p0 p3, p3;
	p6 =	por @!p0 p3, p3;
	p1 =	por @!p0 p3, p3  }
0x2e1: {  	p4 =	por @!p0 p3, p3;
	p2 =	por @!p0 p3, p3;
	s0 =	simm.s32 @!p1 $0x0  }
0x2e2: {  	p3 =	seq.s32 s3, $0x1;
	s0 =	simm.s32 @p1 $0x1;
	p1 =	seq.s32 s5, $0x1  }
0x2e3: {  	s6 =	sld [smem:$0x7C8];
	p5 =	por @!p3 p1, p1  }
0x2e4: {  	[smem:$0x7D0] =	sst s0;
	s0 =	simm.s32 @!p5 $0x0  }
0x2e5: {  	s7 =	sld [smem:$0x7C9];
	p6 =	por @!p3 p1, p1;
	s0 =	simm.s32 @p5 $0x1  }
0x2e6: {  	p0 =	seq.s32 s6, $0x1;
	[smem:$0x7C6] =	sst s0;
	s0 =	simm.s32 @!p6 $0x0  }
0x2e7: {  	p0 =	por @!p3 p1, p1;
	s0 =	simm.s32 @p6 $0x1  }
0x2e8: {  	[smem:$0x7C7] =	sst s0;
	s0 =	simm.s32 @!p0 $0x0  }
0x2e9: {  	s8 =	sld [smem:$0x7CA];
	s0 =	simm.s32 @p0 $0x1;
	p0 =	seq.s32 s7, $0x1  }
0x2ea: {  	p0 =	por @!p3 p1, p1  }
0x2eb: {  	[smem:$0x7C8] =	sst s0;
	s0 =	simm.s32 @!p0 $0x0  }
0x2ec: {  	s0 =	simm.s32 @p0 $0x1;
	p0 =	seq.s32 s8, $0x1  }
0x2ed: {  	p0 =	por @!p3 p1, p1  }
0x2ee: {  	[smem:$0x7C9] =	sst s0;
	s0 =	simm.s32 @!p0 $0x0  }
0x2ef: {  	s10 =	sld [smem:$0x7CD];
	p4 =	por @!p3 p1, p1;
	s0 =	simm.s32 @p0 $0x1  }
0x2f0: {  	p0 =	por p2, p2;
	[smem:$0x7CA] =	sst s0;
	s0 =	simm.s32 @!p4 $0x0  }
0x2f1: {  	p0 =	por @!p3 p1, p1;
	s0 =	simm.s32 @p4 $0x1  }
0x2f2: {  	[smem:$0x7CB] =	sst s0;
	s0 =	simm.s32 @!p0 $0x0  }
0x2f3: {  	s11 =	sld [smem:$0x7CE];
	s0 =	simm.s32 @p0 $0x1;
	p0 =	seq.s32 s10, $0x1  }
0x2f4: {  	p0 =	por @!p3 p1, p1  }
0x2f5: {  	[smem:$0x7CC] =	sst s0;
	s0 =	simm.s32 @!p0 $0x0  }
0x2f6: {  	s16 =	sld [smem:$0x7CF];
	s0 =	simm.s32 @p0 $0x1;
	p0 =	seq.s32 s11, $0x1  }
0x2f7: {  	p0 =	por @!p3 p1, p1  }
0x2f8: {  	[smem:$0x7CD] =	sst s0;
	s0 =	simm.s32 @!p0 $0x0  }
0x2f9: {  	s17 =	sld [smem:$0x7D0];
	s0 =	simm.s32 @p0 $0x1;
	p0 =	seq.s32 s16, $0x1  }
0x2fa: {  	s31 =	sld [smem:$0x7D4];
	p0 =	por @!p3 p1, p1  }
0x2fb: {  	[smem:$0x7CE] =	sst s0;
	s0 =	simm.s32 @!p0 $0x0  }
0x2fc: {  	s0 =	simm.s32 @p0 $0x1;
	p0 =	seq.s32 s17, $0x1  }
0x2fd: {  	p5 =	seq.s32 s31, $0x1;
	p0 =	por @!p3 p1, p1  }
0x2fe: {  	p2 =	por p5, p5;
	[smem:$0x7CF] =	sst s0;
	s0 =	simm.s32 @!p0 $0x0  }
0x2ff: {  	p2 =	por @!p3 p1, p1;
	p4 =	por p5, p5;
	s0 =	simm.s32 @p0 $0x1  }
0x300: {  	p0 =	por @!p3 $0x0, $0x0;
	[smem:$0x7D0] =	sst s0;
	s0 =	simm.s32 @!p2 $0x0  }
0x301: {  	p4 =	por @!p3 p0, p0;
	s0 =	simm.s32 @p2 $0x1  }
0x302: {  	p1 =	por p5, p5;
	[smem:$0x7D1] =	sst s0;
	s0 =	simm.s32 @!p4 $0x0  }
0x303: {  	p1 =	por @!p3 p0, p0;
	s0 =	simm.s32 @p4 $0x1  }
0x304: {  	[smem:$0x7D2] =	sst s0;
	s0 =	simm.s32 @!p1 $0x0  }
0x305: {  	p5 =	por @!p3 p0, p0;
	s0 =	simm.s32 @p1 $0x1  }
0x306: {  	[smem:$0x7D3] =	sst s0;
	s0 =	simm.s32 @!p5 $0x0  }
0x307: {  	s5 =	rddreg [dreg:$0xf];
	s0 =	simm.s32 @p5 $0x1  }
0x308: {  	[smem:$0x7D4] =	sst s0  }
.LBB2_10:
0x309: {  	p3 =	slt.s32 s29, $0x1  }
0x30a: {  	s0 =	sshll.u32 @!p3 s30, $0x9  }
0x30b: {  	s2 =	simm.s32 @!p3 $0x10;
	p0 =	slt.u32 @!p3 s29, $0x11;
	s0 =	sshra.s32 @!p3 s0, $0x2  }
0x30c: {  	s3 =	simm.s32 @!p3 $0x1C00;
	p1 =	por p3, p0;
	s1 =	sadd.s32 @!p3 $0x2800, s0  }
0x30d: {  	[tilespmem:s1], [sflag:$0x1] =	stream.indirect.gather @!p3 [hbm4b:s18+s2], $0x80, s3, s2, $0xb8;
	[tilespmem:$0x18800] =	vst v63  }
0x30e: {  	s1 =	sadd.s32 @!p1 $0x3000, s0;
	s2 =	simm.s32 @!p1 $0x10;
	s3 =	simm.s32 @!p1 $0x1C10  }
0x30f: {  	[tilespmem:s1], [sflag:$0x1] =	stream.indirect.gather @!p1 [hbm4b:s18+s2], $0x80, s3, s2, $0xb8;
	[tilespmem:$0x18800] =	vst v63  }
0x310: {  	s1 =	simm.s32 @!p1 $0x0  }
0x311: {  	p0 =	slt.u32 @!p1 s29, $0x21;
	s1 =	simm.s32 @p1 $0x1  }
0x312: {  	p1 =	por p1, p0;
	[smem:$0x7B5] =	sst s1  }
0x313: {  	s1 =	sadd.s32 @!p1 $0x3800, s0;
	s2 =	simm.s32 @!p1 $0x10;
	s3 =	simm.s32 @!p1 $0x1C20  }
0x314: {  	[tilespmem:s1], [sflag:$0x1] =	stream.indirect.gather @!p1 [hbm4b:s18+s2], $0x80, s3, s2, $0xb8;
	[tilespmem:$0x18800] =	vst v63  }
0x315: {  	s1 =	simm.s32 @!p1 $0x0  }
0x316: {  	p0 =	slt.u32 @!p1 s29, $0x31;
	s1 =	simm.s32 @p1 $0x1  }
0x317: {  	p1 =	por p1, p0;
	[smem:$0x7B6] =	sst s1  }
0x318: {  	s1 =	sadd.s32 @!p1 $0x4000, s0;
	s2 =	simm.s32 @!p1 $0x10;
	s3 =	simm.s32 @!p1 $0x1C30  }
0x319: {  	[tilespmem:s1], [sflag:$0x1] =	stream.indirect.gather @!p1 [hbm4b:s18+s2], $0x80, s3, s2, $0xb8;
	[tilespmem:$0x18800] =	vst v63  }
0x31a: {  	s1 =	simm.s32 @!p1 $0x0  }
0x31b: {  	p0 =	slt.u32 @!p1 s29, $0x41;
	s1 =	simm.s32 @p1 $0x1  }
0x31c: {  	p1 =	por p1, p0;
	[smem:$0x7B7] =	sst s1  }
0x31d: {  	s1 =	sadd.s32 @!p1 $0x4800, s0;
	s2 =	simm.s32 @!p1 $0x10;
	s3 =	simm.s32 @!p1 $0x1C40  }
0x31e: {  	[tilespmem:s1], [sflag:$0x1] =	stream.indirect.gather @!p1 [hbm4b:s18+s2], $0x80, s3, s2, $0xb8;
	[tilespmem:$0x18800] =	vst v63  }
0x31f: {  	s1 =	simm.s32 @!p1 $0x0  }
0x320: {  	p0 =	slt.u32 @!p1 s29, $0x51;
	s1 =	simm.s32 @p1 $0x1  }
0x321: {  	p1 =	por p1, p0;
	[smem:$0x7B8] =	sst s1  }
0x322: {  	s1 =	sadd.s32 @!p1 $0x5000, s0;
	s2 =	simm.s32 @!p1 $0x10;
	s3 =	simm.s32 @!p1 $0x1C50  }
0x323: {  	[tilespmem:s1], [sflag:$0x1] =	stream.indirect.gather @!p1 [hbm4b:s18+s2], $0x80, s3, s2, $0xb8;
	[tilespmem:$0x18800] =	vst v63  }
0x324: {  	s1 =	simm.s32 @!p1 $0x0  }
0x325: {  	p0 =	slt.u32 @!p1 s29, $0x61;
	s1 =	simm.s32 @p1 $0x1  }
0x326: {  	p1 =	por p1, p0;
	[smem:$0x7B9] =	sst s1  }
0x327: {  	s1 =	sadd.s32 @!p1 $0x5800, s0;
	s2 =	simm.s32 @!p1 $0x10;
	s3 =	simm.s32 @!p1 $0x1C60  }
0x328: {  	[tilespmem:s1], [sflag:$0x1] =	stream.indirect.gather @!p1 [hbm4b:s18+s2], $0x80, s3, s2, $0xb8;
	[tilespmem:$0x18800] =	vst v63  }
0x329: {  	p0 =	slt.u32 @!p1 s29, $0x71;
	s1 =	simm.s32 @!p1 $0x0  }
0x32a: {  	p5 =	por p1, p0;
	s1 =	simm.s32 @p1 $0x1  }
0x32b: {  	s2 =	simm.s32 @!p5 $0x10;
	s3 =	simm.s32 @!p5 $0x1C70;
	p0 =	slt.u32 @!p5 s29, $0x81  }
0x32c: {  	[smem:$0x7BA] =	sst s1;
	s1 =	sadd.s32 @!p5 $0x6000, s0;
	p1 =	por p5, p0  }
0x32d: {  	[tilespmem:s1], [sflag:$0x1] =	stream.indirect.gather @!p5 [hbm4b:s18+s2], $0x80, s3, s2, $0xb8;
	[tilespmem:$0x18800] =	vst v63  }
0x32e: {  	s1 =	sadd.s32 @!p1 $0x6800, s0;
	s2 =	simm.s32 @!p1 $0x10;
	s3 =	simm.s32 @!p1 $0x1C80  }
0x32f: {  	[tilespmem:s1], [sflag:$0x1] =	stream.indirect.gather @!p1 [hbm4b:s18+s2], $0x80, s3, s2, $0xb8;
	[tilespmem:$0x18800] =	vst v63  }
0x330: {  	p0 =	slt.u32 @!p1 s29, $0x91;
	s1 =	simm.s32 @!p1 $0x0  }
0x331: {  	s1 =	simm.s32 @p1 $0x1;
	p1 =	por p1, p0  }
0x332: {  	[smem:$0x7BB] =	sst s1;
	s1 =	sadd.s32 @!p1 $0x7000, s0  }
0x333: {  	s2 =	simm.s32 @!p1 $0x10;
	s3 =	simm.s32 @!p1 $0x1C90;
	p0 =	slt.u32 @!p1 s29, $0xA1  }
0x334: {  	[tilespmem:s1], [sflag:$0x1] =	stream.indirect.gather @!p1 [hbm4b:s18+s2], $0x80, s3, s2, $0xb8;
	[tilespmem:$0x18800] =	vst v63  }
0x335: {  	p4 =	por p1, p0  }
0x336: {  	s1 =	sadd.s32 @!p4 $0x7800, s0;
	s2 =	simm.s32 @!p4 $0x10;
	s3 =	simm.s32 @!p4 $0x1CA0  }
0x337: {  	[tilespmem:s1], [sflag:$0x1] =	stream.indirect.gather @!p4 [hbm4b:s18+s2], $0x80, s3, s2, $0xb8;
	[tilespmem:$0x18800] =	vst v63  }
0x338: {  	s1 =	simm.s32 @!p4 $0x0  }
0x339: {  	p0 =	slt.u32 @!p4 s29, $0xB1;
	s1 =	simm.s32 @p4 $0x1  }
0x33a: {  	p4 =	por p4, p0;
	[smem:$0x7BC] =	sst s1  }
0x33b: {  	s1 =	sadd.s32 @!p4 $0x8000, s0;
	s2 =	simm.s32 @!p4 $0x10;
	s3 =	simm.s32 @!p4 $0x1CB0  }
0x33c: {  	[tilespmem:s1], [sflag:$0x1] =	stream.indirect.gather @!p4 [hbm4b:s18+s2], $0x80, s3, s2, $0xb8;
	[tilespmem:$0x18800] =	vst v63  }
0x33d: {  	p0 =	slt.u32 @!p4 s29, $0xC1;
	s1 =	simm.s32 @!p4 $0x0  }
0x33e: {  	s1 =	simm.s32 @p4 $0x1;
	p4 =	por p4, p0  }
0x33f: {  	p0 =	slt.u32 @!p4 s29, $0xD1  }
0x340: {  	[smem:$0x7BD] =	sst s1;
	s1 =	sadd.s32 @!p4 $0x8800, s0;
	p0 =	por p4, p0  }
.Ltmp5:
0x341: {  	s2 =	simm.s32 @!p4 $0x10;
	s3 =	simm.s32 @!p4 $0x1CC0;
	(pc) =	sbr.rel @p0 .LBB2_11-.Ltmp5, $4  }
0x342: {  	[tilespmem:s1], [sflag:$0x1] =	stream.indirect.gather @!p4 [hbm4b:s18+s2], $0x80, s3, s2, $0xb8;
	[tilespmem:$0x18800] =	vst v63  }
0x343: {  	s1 =	simm.s32 @!p3 $0x0  }
0x344: {  	s1 =	simm.s32 @p3 $0x1  }
0x345: {  	[smem:$0x7BE] =	sst s1  }
0x346: {  	s1 =	sadd.s32 $0x9000, s0  }
0x347: {  	s2 =	simm.s32 $0x10;
	s3 =	simm.s32 $0x1CD0;
	p0 =	slt.u32 s29, $0xE1  }
0x348: {  	[tilespmem:s1], [sflag:$0x1] =	stream.indirect.gather [hbm4b:s18+s2], $0x80, s3, s2, $0xb8;
	[tilespmem:$0x18800] =	vst v63  }
0x349: {  	s1 =	sadd.s32 @!p0 $0x9800, s0;
	p2 =	slt.u32 @!p0 s29, $0xF1  }
0x34a: {  	s2 =	simm.s32 @!p0 $0x10;
	s3 =	simm.s32 @!p0 $0x1CE0;
	p1 =	por p2, p0  }
0x34b: {  	[tilespmem:s1], [sflag:$0x1] =	stream.indirect.gather @!p0 [hbm4b:s18+s2], $0x80, s3, s2, $0xb8;
	[tilespmem:$0x18800] =	vst v63  }
0x34c: {  	s0 =	sadd.s32 @!p1 $0xA000, s0;
	s1 =	simm.s32 @!p1 $0x10;
	s2 =	simm.s32 @!p1 $0x1CF0  }
0x34d: {  	[tilespmem:s0], [sflag:$0x1] =	stream.indirect.gather @!p1 [hbm4b:s18+s1], $0x80, s2, s1, $0xb8;
	[tilespmem:$0x18800] =	vst v63  }
0x34e: {  	p3 =	por @!p0 $0x1, $0x1;
	p1 =	por @!p1 $0x1, $0x1  }
0x34f: {  	p4 =	por @!p0 $0x0, $0x0;
	p2 =	por !p2, p0;
	p5 =	por p1, p1  }
0x350: {  	p1 =	por @!p2 p3, p3;
	p5 =	por @!p2 p4, p4;
	p2 =	por $0x0, $0x0  }
0x351: {  	p2 =	por @!p0 p5, p5  }
0x352: {  	p3 =	por $0x1, $0x1;
	s0 =	simm.s32 @!p2 $0x0  }
0x353: {  	p3 =	por @!p0 p1, p1;
	s0 =	simm.s32 @p2 $0x1  }
0x354: {  	p2 =	por $0x1, $0x1;
	[smem:$0x7B2] =	sst s0;
	s0 =	simm.s32 @!p3 $0x0  }
0x355: {  	p2 =	por @!p0 p1, p1;
	s0 =	simm.s32 @p3 $0x1  }
0x356: {  	[smem:$0x7B3] =	sst s0;
	s0 =	simm.s32 @!p2 $0x0  }
0x357: {  	s0 =	simm.s32 @p2 $0x1;
	p2 =	por $0x1, $0x1  }
0x358: {  	p2 =	por @!p0 p1, p1  }
0x359: {  	p3 =	por $0x1, $0x1;
	[smem:$0x7A6] =	sst s0;
	s0 =	simm.s32 @!p2 $0x0  }
0x35a: {  	p3 =	por @!p0 p1, p1;
	s0 =	simm.s32 @p2 $0x1  }
0x35b: {  	p2 =	por $0x1, $0x1;
	[smem:$0x7A7] =	sst s0;
	s0 =	simm.s32 @!p3 $0x0  }
0x35c: {  	p2 =	por @!p0 p1, p1;
	s0 =	simm.s32 @p3 $0x1  }
0x35d: {  	[smem:$0x7A8] =	sst s0;
	s0 =	simm.s32 @!p2 $0x0  }
0x35e: {  	s0 =	simm.s32 @p2 $0x1;
	p2 =	por $0x1, $0x1  }
0x35f: {  	p2 =	por @!p0 p1, p1  }
0x360: {  	[smem:$0x7A9] =	sst s0;
	s0 =	simm.s32 @!p2 $0x0  }
0x361: {  	s0 =	simm.s32 @p2 $0x1;
	p2 =	por $0x1, $0x1  }
0x362: {  	p2 =	por @!p0 p1, p1  }
0x363: {  	p3 =	por $0x1, $0x1;
	[smem:$0x7AA] =	sst s0;
	s0 =	simm.s32 @!p2 $0x0  }
0x364: {  	p3 =	por @!p0 p1, p1;
	s0 =	simm.s32 @p2 $0x1  }
0x365: {  	p2 =	por $0x1, $0x1;
	[smem:$0x7AB] =	sst s0;
	s0 =	simm.s32 @!p3 $0x0  }
0x366: {  	p2 =	por @!p0 p1, p1;
	s0 =	simm.s32 @p3 $0x1  }
0x367: {  	[smem:$0x7AC] =	sst s0;
	s0 =	simm.s32 @!p2 $0x0  }
0x368: {  	s0 =	simm.s32 @p2 $0x1;
	p2 =	por $0x1, $0x1  }
0x369: {  	p2 =	por @!p0 p1, p1  }
0x36a: {  	p3 =	por $0x1, $0x1;
	[smem:$0x7AD] =	sst s0;
	s0 =	simm.s32 @!p2 $0x0  }
0x36b: {  	p3 =	por @!p0 p1, p1;
	s0 =	simm.s32 @p2 $0x1  }
0x36c: {  	p2 =	por $0x1, $0x1;
	[smem:$0x7AE] =	sst s0;
	s0 =	simm.s32 @!p3 $0x0  }
0x36d: {  	p2 =	por @!p0 p1, p1;
	s0 =	simm.s32 @p3 $0x1  }
0x36e: {  	p3 =	por $0x1, $0x1;
	[smem:$0x7AF] =	sst s0;
	s0 =	simm.s32 @!p2 $0x0  }
0x36f: {  	p3 =	por @!p0 p1, p1;
	s0 =	simm.s32 @p2 $0x1;
	p2 =	por $0x0, $0x0  }
.Ltmp6:
0x370: {  	[smem:$0x7B0] =	sst s0;
	s0 =	simm.s32 @!p3 $0x0;
	(pc) =	sbr.rel .LBB2_13-.Ltmp6, $4  }
0x371: {  	p2 =	por @!p0 p1, p1;
	s0 =	simm.s32 @p3 $0x1  }
0x372: {  	[smem:$0x7B1] =	sst s0;
	s0 =	simm.s32 @!p2 $0x0  }
0x373: {  	s0 =	simm.s32 @p2 $0x1  }
0x374: {  	[smem:$0x7B4] =	sst s0  }
.LBB2_11:
0x375: {  	s6 =	sld [smem:$0x7B5];
	_ =	sdelay $0x1  }
0x376: {  	p0 =	por @!p3 $0x0, $0x0;
	s0 =	simm.s32 @!p4 $0x0;
	s7 =	sld [smem:$0x7B6]  }
0x377: {  	s0 =	simm.s32 @p4 $0x1;
	p4 =	por $0x0, $0x0;
	p6 =	seq.s32 s6, $0x1  }
0x378: {  	p4 =	por @!p3 p0, p0;
	p0 =	por @!p6 $0x1, $0x1  }
0x379: {  	[smem:$0x7A4] =	sst s0;
	s0 =	simm.s32 @!p0 $0x0  }
0x37a: {  	s0 =	simm.s32 @p0 $0x1;
	p0 =	seq.s32 s7, $0x1  }
0x37b: {  	s10 =	sld [smem:$0x7B6];
	p3 =	por p4, p4;
	p0 =	por @!p0 $0x0, $0x0  }
0x37c: {  	p2 =	por @!p6 $0x0, $0x0;
	[smem:$0x7A0] =	sst s0;
	s0 =	simm.s32 @!p0 $0x0  }
0x37d: {  	p3 =	por @!p6 p2, p2;
	s8 =	sld [smem:$0x7A0];
	s0 =	simm.s32 @p0 $0x1  }
0x37e: {  	[smem:$0x7A1] =	sst s0;
	s0 =	simm.s32 @!p3 $0x0  }
0x37f: {  	s0 =	simm.s32 @p3 $0x1;
	s11 =	sld [smem:$0x7A1]  }
0x380: {  	[smem:$0x7AA] =	sst s0  }
0x381: {  	s16 =	sld [smem:$0x7AA]  }
0x382: {  	p0 =	seq.s32 s8, $0x1  }
0x383: {  	p4 =	por @!p6 p0, p0  }
0x384: {  	p0 =	seq.s32 s10, $0x1;
	p6 =	seq.s32 s11, $0x1;
	p2 =	seq.s32 s16, $0x1  }
0x385: {  	s17 =	sld [smem:$0x7B6];
	p2 =	por @!p0 p6, p6  }
0x386: {  	s0 =	simm.s32 @!p2 $0x0  }
0x387: {  	s0 =	simm.s32 @p2 $0x1  }
0x388: {  	p2 =	seq.s32 s17, $0x1;
	[smem:$0x7AA] =	sst s0  }
0x389: {  	p0 =	por @!p2 $0x1, $0x1;
	s29 =	sld [smem:$0x7AA]  }
0x38a: {  	s0 =	simm.s32 @!p0 $0x0  }
0x38b: {  	s31 =	sld [smem:$0x7B6];
	s0 =	simm.s32 @p0 $0x1  }
0x38c: {  	[smem:$0x7A2] =	sst s0;
	p6 =	seq.s32 s29, $0x1  }
0x38d: {  	s30 =	sld [smem:$0x7A2];
	s0 =	simm.s32 @!p6 $0x0  }
0x38e: {  	s18 =	sld [smem:$0x7B7];
	p0 =	por @!p2 $0x1, $0x1;
	s0 =	simm.s32 @p6 $0x1  }
0x38f: {  	p4 =	por @!p2 p0, p0;
	[smem:$0x7AD] =	sst s0  }
0x390: {  	p2 =	seq.s32 s31, $0x1;
	p6 =	seq.s32 s30, $0x1;
	s1 =	sld [smem:$0x7AD]  }
0x391: {  	p3 =	por @!p2 p6, p6  }
0x392: {  	p0 =	seq.s32 s18, $0x1;
	s0 =	simm.s32 @!p3 $0x0  }
0x393: {  	p6 =	por @!p0 $0x0, $0x0;
	s0 =	simm.s32 @p3 $0x1;
	p3 =	seq.s32 s1, $0x1  }
0x394: {  	s2 =	sld [smem:$0x7AA];
	p3 =	por @!p0 p6, p6  }
0x395: {  	[smem:$0x7AC] =	sst s0;
	s0 =	simm.s32 @!p3 $0x0  }
0x396: {  	s3 =	sld [smem:$0x7AC];
	s0 =	simm.s32 @p3 $0x1  }
0x397: {  	p6 =	por @!p0 $0x1, $0x1;
	p3 =	seq.s32 s2, $0x1;
	[smem:$0x7AD] =	sst s0  }
0x398: {  	p3 =	por @!p0 p6, p6;
	s7 =	sld [smem:$0x7AD]  }
0x399: {  	p4 =	por @!p0 p6, p6;
	s0 =	simm.s32 @!p3 $0x0  }
0x39a: {  	p6 =	seq.s32 s3, $0x1;
	s0 =	simm.s32 @p3 $0x1;
	p3 =	por @!p0 $0x1, $0x1  }
0x39b: {  	p6 =	por @!p0 p3, p3;
	p3 =	seq.s32 s7, $0x1  }
0x39c: {  	[smem:$0x7AA] =	sst s0;
	s0 =	simm.s32 @!p3 $0x0  }
0x39d: {  	s6 =	sld [smem:$0x7B8];
	s0 =	simm.s32 @p3 $0x1  }
0x39e: {  	[smem:$0x7A9] =	sst s0  }
0x39f: {  	s8 =	sld [smem:$0x7A9];
	_ =	sdelay $0x1  }
0x3a0: {  	p0 =	seq.s32 s6, $0x1;
	s0 =	simm.s32 @!p1 $0x0  }
0x3a1: {  	p2 =	por @!p0 $0x0, $0x0;
	s0 =	simm.s32 @p1 $0x1;
	p1 =	seq.s32 s8, $0x1  }
0x3a2: {  	s10 =	sld [smem:$0x7AA];
	p1 =	por @!p0 p2, p2  }
0x3a3: {  	[smem:$0x7A3] =	sst s0;
	s0 =	simm.s32 @!p1 $0x0  }
0x3a4: {  	s0 =	simm.s32 @p1 $0x1  }
0x3a5: {  	p3 =	por @!p0 $0x1, $0x1;
	p1 =	seq.s32 s10, $0x1;
	[smem:$0x7A9] =	sst s0  }
0x3a6: {  	p1 =	por @!p0 p3, p3;
	s11 =	sld [smem:$0x7A9]  }
0x3a7: {  	s16 =	sld [smem:$0x7AD];
	p4 =	por @!p0 p3, p3;
	s0 =	simm.s32 @!p1 $0x0  }
0x3a8: {  	p3 =	por p6, p6;
	s0 =	simm.s32 @p1 $0x1;
	p1 =	por @!p0 $0x1, $0x1  }
0x3a9: {  	p3 =	por @!p0 p1, p1;
	p6 =	por p1, p1;
	p1 =	seq.s32 s11, $0x1  }
0x3aa: {  	[smem:$0x7AA] =	sst s0;
	s0 =	simm.s32 @!p1 $0x0  }
0x3ab: {  	s18 =	sld [smem:$0x7B9];
	s0 =	simm.s32 @p1 $0x1  }
0x3ac: {  	[smem:$0x7AE] =	sst s0  }
0x3ad: {  	p1 =	seq.s32 s16, $0x1;
	s17 =	sld [smem:$0x7AE]  }
0x3ae: {  	s1 =	sld [smem:$0x7BA];
	p1 =	por @!p0 p6, p6  }
0x3af: {  	p2 =	seq.s32 s18, $0x1;
	s29 =	sld [smem:$0x7A9];
	s0 =	simm.s32 @!p1 $0x0  }
0x3b0: {  	s0 =	simm.s32 @p1 $0x1;
	p1 =	por @!p2 $0x0, $0x0;
	p0 =	seq.s32 s17, $0x1  }
0x3b1: {  	s30 =	sld [smem:$0x7AA];
	p0 =	por @!p2 p1, p1  }
0x3b2: {  	p6 =	por @!p2 $0x1, $0x1;
	[smem:$0x7AD] =	sst s0;
	s0 =	simm.s32 @!p0 $0x0  }
0x3b3: {  	s31 =	sld [smem:$0x7AD];
	s0 =	simm.s32 @p0 $0x1;
	p0 =	seq.s32 s29, $0x1  }
0x3b4: {  	p4 =	por @!p2 p6, p6;
	p3 =	por @!p2 p6, p6;
	p0 =	por @!p2 p6, p6  }
0x3b5: {  	p1 =	seq.s32 s30, $0x1;
	[smem:$0x7AE] =	sst s0;
	s0 =	simm.s32 @!p0 $0x0  }
0x3b6: {  	s2 =	sld [smem:$0x7AE];
	s0 =	simm.s32 @p0 $0x1;
	p0 =	seq.s32 s31, $0x1  }
0x3b7: {  	p1 =	por @!p2 p6, p6;
	p0 =	por @!p2 p6, p6;
	p6 =	seq.s32 s1, $0x1  }
0x3b8: {  	[smem:$0x7A9] =	sst s0;
	s0 =	simm.s32 @!p0 $0x0;
	p2 =	por @!p6 $0x0, $0x0  }
0x3b9: {  	s3 =	sld [smem:$0x7A9];
	s0 =	simm.s32 @p0 $0x1;
	p0 =	seq.s32 s2, $0x1  }
0x3ba: {  	s8 =	sld [smem:$0x7AE];
	p0 =	por @!p6 p2, p2  }
0x3bb: {  	[smem:$0x7AD] =	sst s0;
	s0 =	simm.s32 @!p0 $0x0  }
0x3bc: {  	p2 =	por @!p6 $0x1, $0x1;
	s0 =	simm.s32 @p0 $0x1;
	p0 =	seq.s32 s3, $0x1  }
0x3bd: {  	s6 =	sld [smem:$0x7AD];
	p0 =	por @!p6 p2, p2  }
0x3be: {  	[smem:$0x7A8] =	sst s0;
	s0 =	simm.s32 @!p0 $0x0  }
0x3bf: {  	s7 =	sld [smem:$0x7A8];
	s0 =	simm.s32 @p0 $0x1;
	p0 =	por @!p6 $0x1, $0x1  }
0x3c0: {  	p2 =	seq.s32 s6, $0x1;
	[smem:$0x7A9] =	sst s0;
	p1 =	por @!p6 p0, p0  }
0x3c1: {  	p4 =	por @!p6 p0, p0;
	p3 =	por @!p6 p0, p0;
	s0 =	simm.s32 @!p1 $0x0  }
0x3c2: {  	p2 =	por @!p6 p0, p0;
	p0 =	seq.s32 s7, $0x1;
	s0 =	simm.s32 @p1 $0x1  }
0x3c3: {  	[smem:$0x7AA] =	sst s0;
	s0 =	simm.s32 @!p0 $0x0  }
0x3c4: {  	s29 =	sld [smem:$0x7BB];
	s0 =	simm.s32 @p0 $0x1  }
0x3c5: {  	[smem:$0x7AF] =	sst s0  }
0x3c6: {  	p1 =	por @!p6 $0x1, $0x1;
	p0 =	seq.s32 s8, $0x1;
	s10 =	sld [smem:$0x7AF]  }
0x3c7: {  	s11 =	sld [smem:$0x7A8];
	p0 =	por @!p6 p1, p1  }
0x3c8: {  	s16 =	sld [smem:$0x7A9];
	s0 =	simm.s32 @!p0 $0x0  }
0x3c9: {  	s0 =	simm.s32 @p0 $0x1;
	p0 =	por @!p5 $0x0, $0x0;
	p6 =	seq.s32 s10, $0x1  }
0x3ca: {  	s17 =	sld [smem:$0x7AA];
	p6 =	por @!p5 p0, p0  }
0x3cb: {  	[smem:$0x7AE] =	sst s0;
	s0 =	simm.s32 @!p6 $0x0  }
0x3cc: {  	p0 =	por @!p5 $0x1, $0x1;
	s0 =	simm.s32 @p6 $0x1;
	p6 =	seq.s32 s11, $0x1  }
0x3cd: {  	s18 =	sld [smem:$0x7AE];
	p6 =	por @!p5 p0, p0  }
0x3ce: {  	p1 =	seq.s32 s16, $0x1;
	[smem:$0x7AF] =	sst s0;
	s0 =	simm.s32 @!p6 $0x0  }
0x3cf: {  	p1 =	por @!p5 p0, p0;
	p4 =	por @!p5 p0, p0;
	s0 =	simm.s32 @p6 $0x1  }
0x3d0: {  	p3 =	por @!p5 p0, p0;
	[smem:$0x7A8] =	sst s0;
	s0 =	simm.s32 @!p1 $0x0  }
0x3d1: {  	p2 =	por @!p5 p0, p0;
	s30 =	sld [smem:$0x7AF];
	s0 =	simm.s32 @p1 $0x1  }
0x3d2: {  	p6 =	seq.s32 s17, $0x1;
	[smem:$0x7A9] =	sst s0;
	s0 =	simm.s32 @!p2 $0x0  }
0x3d3: {  	s31 =	sld [smem:$0x7A8];
	s0 =	simm.s32 @p2 $0x1;
	p2 =	seq.s32 s18, $0x1  }
0x3d4: {  	p6 =	por @!p5 p0, p0;
	s1 =	sld [smem:$0x7A9];
	p2 =	por @!p5 p0, p0  }
0x3d5: {  	[smem:$0x7AD] =	sst s0;
	p0 =	seq.s32 s29, $0x1;
	s0 =	simm.s32 @!p2 $0x0  }
0x3d6: {  	p5 =	seq.s32 s30, $0x1;
	s0 =	simm.s32 @p2 $0x1;
	p2 =	por @!p0 $0x0, $0x0  }
0x3d7: {  	p1 =	por @!p0 $0x1, $0x1;
	p5 =	por @!p0 p2, p2;
	p2 =	seq.s32 s31, $0x1  }
0x3d8: {  	p2 =	por @!p0 p1, p1  }
0x3d9: {  	[smem:$0x7AE] =	sst s0;
	s0 =	simm.s32 @!p2 $0x0  }
0x3da: {  	s0 =	simm.s32 @p2 $0x1;
	p2 =	seq.s32 s1, $0x1  }
0x3db: {  	s2 =	sld [smem:$0x7AD];
	p2 =	por @!p0 p1, p1  }
0x3dc: {  	[smem:$0x7A8] =	sst s0;
	s0 =	simm.s32 @!p2 $0x0  }
0x3dd: {  	p6 =	por @!p0 p1, p1;
	s0 =	simm.s32 @p2 $0x1  }
0x3de: {  	[smem:$0x7A9] =	sst s0;
	s0 =	simm.s32 @!p6 $0x0  }
0x3df: {  	s3 =	sld [smem:$0x7AE];
	s0 =	simm.s32 @p6 $0x1;
	p6 =	seq.s32 s2, $0x1  }
0x3e0: {  	p6 =	por @!p0 p1, p1  }
0x3e1: {  	[smem:$0x7AA] =	sst s0;
	s0 =	simm.s32 @!p6 $0x0  }
0x3e2: {  	s0 =	simm.s32 @p6 $0x1;
	p6 =	seq.s32 s3, $0x1  }
0x3e3: {  	p6 =	por @!p0 p1, p1  }
0x3e4: {  	[smem:$0x7AD] =	sst s0;
	s0 =	simm.s32 @!p6 $0x0  }
0x3e5: {  	s7 =	sld [smem:$0x7AF];
	s0 =	simm.s32 @p6 $0x1  }
0x3e6: {  	[smem:$0x7AE] =	sst s0;
	s0 =	simm.s32 @!p5 $0x0  }
0x3e7: {  	s6 =	sld [smem:$0x7A3];
	s0 =	simm.s32 @p5 $0x1  }
0x3e8: {  	[smem:$0x7B0] =	sst s0  }
0x3e9: {  	p2 =	por @!p0 $0x1, $0x1;
	p6 =	seq.s32 s7, $0x1;
	s8 =	sld [smem:$0x7B0]  }
0x3ea: {  	p4 =	por @!p0 p1, p1;
	p3 =	por @!p0 p1, p1;
	p6 =	por @!p0 p2, p2  }
0x3eb: {  	s10 =	sld [smem:$0x7A8];
	p1 =	seq.s32 s6, $0x1;
	s0 =	simm.s32 @!p6 $0x0  }
0x3ec: {  	s0 =	simm.s32 @p6 $0x1;
	p6 =	por @!p1 $0x0, $0x0;
	p0 =	seq.s32 s8, $0x1  }
0x3ed: {  	s11 =	sld [smem:$0x7A9];
	p0 =	por @!p1 p6, p6  }
0x3ee: {  	[smem:$0x7AF] =	sst s0;
	s0 =	simm.s32 @!p0 $0x0  }
0x3ef: {  	p6 =	por @!p1 $0x1, $0x1;
	s0 =	simm.s32 @p0 $0x1;
	p0 =	seq.s32 s10, $0x1  }
0x3f0: {  	s30 =	sld [smem:$0x7BC];
	p0 =	por @!p1 p6, p6  }
0x3f1: {  	[smem:$0x7B0] =	sst s0;
	s0 =	simm.s32 @!p0 $0x0  }
0x3f2: {  	s16 =	sld [smem:$0x7AA];
	s0 =	simm.s32 @p0 $0x1;
	p0 =	seq.s32 s11, $0x1  }
0x3f3: {  	s17 =	sld [smem:$0x7AD];
	p0 =	por @!p1 p6, p6  }
0x3f4: {  	[smem:$0x7A8] =	sst s0;
	s0 =	simm.s32 @!p0 $0x0  }
0x3f5: {  	s18 =	sld [smem:$0x7AE];
	s0 =	simm.s32 @p0 $0x1;
	p0 =	seq.s32 s16, $0x1  }
0x3f6: {  	s29 =	sld [smem:$0x7AF];
	p0 =	por @!p1 p6, p6  }
0x3f7: {  	p5 =	por @!p1 p6, p6;
	[smem:$0x7A9] =	sst s0;
	s0 =	simm.s32 @!p0 $0x0  }
0x3f8: {  	p3 =	por @!p1 p6, p6;
	s31 =	sld [smem:$0x7B0];
	s0 =	simm.s32 @p0 $0x1  }
0x3f9: {  	p0 =	seq.s32 s17, $0x1;
	[smem:$0x7AA] =	sst s0;
	s0 =	simm.s32 @!p3 $0x0  }
0x3fa: {  	s1 =	sld [smem:$0x7A8];
	p0 =	por @!p1 p6, p6;
	s0 =	simm.s32 @p3 $0x1  }
0x3fb: {  	p4 =	por @!p1 p6, p6;
	[smem:$0x7AC] =	sst s0;
	s0 =	simm.s32 @!p0 $0x0  }
0x3fc: {  	p2 =	seq.s32 s29, $0x1;
	s2 =	sld [smem:$0x7A9];
	s0 =	simm.s32 @p0 $0x1  }
0x3fd: {  	p2 =	por @!p1 p6, p6;
	p0 =	seq.s32 s18, $0x1;
	[smem:$0x7AD] =	sst s0  }
0x3fe: {  	p0 =	por @!p1 p6, p6;
	s0 =	simm.s32 @!p2 $0x0;
	p1 =	seq.s32 s30, $0x1  }
0x3ff: {  	s0 =	simm.s32 @p2 $0x1;
	p3 =	por @!p1 $0x0, $0x0;
	p2 =	seq.s32 s31, $0x1  }
0x400: {  	p6 =	seq.s32 s1, $0x1;
	p2 =	por @!p1 p3, p3;
	p3 =	por @!p1 $0x1, $0x1  }
0x401: {  	p6 =	por @!p1 p3, p3  }
0x402: {  	[smem:$0x7AF] =	sst s0;
	s0 =	simm.s32 @!p6 $0x0  }
0x403: {  	s3 =	sld [smem:$0x7AA];
	s0 =	simm.s32 @p6 $0x1;
	p6 =	seq.s32 s2, $0x1  }
0x404: {  	p6 =	por @!p1 p3, p3  }
0x405: {  	[smem:$0x7A8] =	sst s0;
	s0 =	simm.s32 @!p6 $0x0  }
0x406: {  	s6 =	sld [smem:$0x7AC];
	s0 =	simm.s32 @p6 $0x1;
	p6 =	seq.s32 s3, $0x1  }
0x407: {  	p6 =	por @!p1 p3, p3  }
0x408: {  	[smem:$0x7A9] =	sst s0;
	s0 =	simm.s32 @!p6 $0x0  }
0x409: {  	s7 =	sld [smem:$0x7AD];
	s0 =	simm.s32 @p6 $0x1;
	p6 =	seq.s32 s6, $0x1  }
0x40a: {  	p6 =	por @!p1 p3, p3  }
0x40b: {  	[smem:$0x7AA] =	sst s0;
	s0 =	simm.s32 @!p6 $0x0  }
0x40c: {  	s0 =	simm.s32 @p6 $0x1;
	p6 =	seq.s32 s7, $0x1  }
0x40d: {  	s8 =	sld [smem:$0x7AF];
	p6 =	por @!p1 p3, p3  }
0x40e: {  	[smem:$0x7AC] =	sst s0;
	s0 =	simm.s32 @!p6 $0x0  }
0x40f: {  	p0 =	por @!p1 p3, p3;
	s0 =	simm.s32 @p6 $0x1  }
0x410: {  	[smem:$0x7AD] =	sst s0;
	s0 =	simm.s32 @!p0 $0x0  }
0x411: {  	s0 =	simm.s32 @p0 $0x1;
	p0 =	seq.s32 s8, $0x1  }
0x412: {  	p0 =	por @!p1 p3, p3  }
0x413: {  	[smem:$0x7AE] =	sst s0;
	s0 =	simm.s32 @!p0 $0x0  }
0x414: {  	s10 =	sld [smem:$0x7BD];
	s0 =	simm.s32 @p0 $0x1  }
0x415: {  	[smem:$0x7AF] =	sst s0;
	s0 =	simm.s32 @!p2 $0x0  }
0x416: {  	s11 =	sld [smem:$0x7B0];
	s0 =	simm.s32 @p2 $0x1  }
0x417: {  	[smem:$0x7B4] =	sst s0  }
0x418: {  	p5 =	por @!p1 p3, p3;
	s16 =	sld [smem:$0x7B4]  }
0x419: {  	p4 =	por @!p1 p3, p3;
	p6 =	seq.s32 s11, $0x1;
	p3 =	por @!p1 $0x1, $0x1  }
0x41a: {  	s17 =	sld [smem:$0x7A8];
	p6 =	por @!p1 p3, p3;
	p0 =	seq.s32 s10, $0x1  }
0x41b: {  	p3 =	por @!p0 $0x0, $0x0;
	s0 =	simm.s32 @!p6 $0x0;
	p1 =	seq.s32 s16, $0x1  }
0x41c: {  	s18 =	sld [smem:$0x7A9];
	s0 =	simm.s32 @p6 $0x1;
	p1 =	por @!p0 p3, p3  }
0x41d: {  	[smem:$0x7B0] =	sst s0;
	s0 =	simm.s32 @!p1 $0x0  }
0x41e: {  	p6 =	por @!p0 $0x1, $0x1;
	s0 =	simm.s32 @p1 $0x1;
	p1 =	seq.s32 s17, $0x1  }
0x41f: {  	p1 =	por @!p0 p6, p6  }
0x420: {  	[smem:$0x7B4] =	sst s0;
	s0 =	simm.s32 @!p1 $0x0  }
0x421: {  	s29 =	sld [smem:$0x7AA];
	s0 =	simm.s32 @p1 $0x1;
	p1 =	seq.s32 s18, $0x1  }
0x422: {  	p1 =	por @!p0 p6, p6  }
0x423: {  	[smem:$0x7A8] =	sst s0;
	s0 =	simm.s32 @!p1 $0x0  }
0x424: {  	s31 =	sld [smem:$0x7AD];
	s0 =	simm.s32 @p1 $0x1;
	p1 =	seq.s32 s29, $0x1  }
0x425: {  	p1 =	por @!p0 p6, p6  }
0x426: {  	[smem:$0x7A9] =	sst s0;
	s0 =	simm.s32 @!p1 $0x0  }
0x427: {  	s1 =	sld [smem:$0x7AE];
	s0 =	simm.s32 @p1 $0x1;
	p1 =	seq.s32 s31, $0x1  }
0x428: {  	p1 =	por @!p0 p6, p6  }
0x429: {  	[smem:$0x7AA] =	sst s0;
	s0 =	simm.s32 @!p1 $0x0  }
0x42a: {  	s2 =	sld [smem:$0x7AF];
	s0 =	simm.s32 @p1 $0x1;
	p1 =	seq.s32 s1, $0x1  }
0x42b: {  	p1 =	por @!p0 p6, p6  }
0x42c: {  	[smem:$0x7AD] =	sst s0;
	s0 =	simm.s32 @!p1 $0x0  }
0x42d: {  	s3 =	sld [smem:$0x7A4];
	s0 =	simm.s32 @p1 $0x1;
	p1 =	seq.s32 s2, $0x1  }
0x42e: {  	p1 =	por @!p0 p6, p6  }
0x42f: {  	[smem:$0x7AE] =	sst s0;
	s0 =	simm.s32 @!p1 $0x0  }
0x430: {  	s7 =	sld [smem:$0x7A4];
	s0 =	simm.s32 @p1 $0x1;
	p1 =	seq.s32 s3, $0x1  }
0x431: {  	s6 =	sld [smem:$0x7B0];
	p1 =	por @!p1 $0x1, $0x1  }
0x432: {  	[smem:$0x7AF] =	sst s0;
	s0 =	simm.s32 @!p1 $0x0  }
0x433: {  	s30 =	sld [smem:$0x7AC];
	s0 =	simm.s32 @p1 $0x1  }
0x434: {  	[smem:$0x7A5] =	sst s0  }
0x435: {  	p2 =	por @!p0 p6, p6;
	p1 =	seq.s32 s6, $0x1;
	s8 =	sld [smem:$0x7A5]  }
0x436: {  	p5 =	por @!p0 p6, p6;
	p3 =	seq.s32 s30, $0x1;
	p1 =	por @!p0 p6, p6  }
0x437: {  	p4 =	por @!p0 p6, p6;
	p3 =	por @!p0 p6, p6;
	s0 =	simm.s32 @!p1 $0x0  }
0x438: {  	p6 =	seq.s32 s7, $0x1;
	s0 =	simm.s32 @p1 $0x1;
	p1 =	seq.s32 s8, $0x1  }
0x439: {  	s10 =	sld [smem:$0x7A8];
	p2 =	por @!p6 p1, p1  }
0x43a: {  	[smem:$0x7B0] =	sst s0;
	s0 =	simm.s32 @!p2 $0x0  }
0x43b: {  	s11 =	sld [smem:$0x7A9];
	p5 =	por @!p6 p1, p1;
	s0 =	simm.s32 @p2 $0x1  }
0x43c: {  	p0 =	seq.s32 s10, $0x1;
	[smem:$0x7A6] =	sst s0;
	s0 =	simm.s32 @!p5 $0x0  }
0x43d: {  	p0 =	por @!p6 p1, p1;
	s0 =	simm.s32 @p5 $0x1  }
0x43e: {  	[smem:$0x7A7] =	sst s0;
	s0 =	simm.s32 @!p0 $0x0  }
0x43f: {  	s16 =	sld [smem:$0x7AA];
	s0 =	simm.s32 @p0 $0x1;
	p0 =	seq.s32 s11, $0x1  }
0x440: {  	p0 =	por @!p6 p1, p1  }
0x441: {  	[smem:$0x7A8] =	sst s0;
	s0 =	simm.s32 @!p0 $0x0  }
0x442: {  	s0 =	simm.s32 @p0 $0x1;
	p0 =	seq.s32 s16, $0x1  }
0x443: {  	p0 =	por @!p6 p1, p1  }
0x444: {  	[smem:$0x7A9] =	sst s0;
	s0 =	simm.s32 @!p0 $0x0  }
0x445: {  	s17 =	sld [smem:$0x7AD];
	p4 =	por @!p6 p1, p1;
	s0 =	simm.s32 @p0 $0x1  }
0x446: {  	p0 =	por p3, p3;
	[smem:$0x7AA] =	sst s0;
	s0 =	simm.s32 @!p4 $0x0  }
0x447: {  	p0 =	por @!p6 p1, p1;
	s0 =	simm.s32 @p4 $0x1  }
0x448: {  	[smem:$0x7AB] =	sst s0;
	s0 =	simm.s32 @!p0 $0x0  }
0x449: {  	s18 =	sld [smem:$0x7AE];
	s0 =	simm.s32 @p0 $0x1;
	p0 =	seq.s32 s17, $0x1  }
0x44a: {  	p0 =	por @!p6 p1, p1  }
0x44b: {  	[smem:$0x7AC] =	sst s0;
	s0 =	simm.s32 @!p0 $0x0  }
0x44c: {  	s29 =	sld [smem:$0x7AF];
	s0 =	simm.s32 @p0 $0x1;
	p0 =	seq.s32 s18, $0x1  }
0x44d: {  	s31 =	sld [smem:$0x7B4];
	p0 =	por @!p6 p1, p1  }
0x44e: {  	[smem:$0x7AD] =	sst s0;
	s0 =	simm.s32 @!p0 $0x0  }
0x44f: {  	s30 =	sld [smem:$0x7B0];
	s0 =	simm.s32 @p0 $0x1;
	p0 =	seq.s32 s29, $0x1  }
0x450: {  	p0 =	por @!p6 p1, p1  }
0x451: {  	[smem:$0x7AE] =	sst s0;
	s0 =	simm.s32 @!p0 $0x0  }
0x452: {  	p3 =	seq.s32 s31, $0x1;
	s0 =	simm.s32 @p0 $0x1;
	p0 =	seq.s32 s30, $0x1  }
0x453: {  	p2 =	por p3, p3;
	p0 =	por @!p6 p1, p1  }
0x454: {  	p4 =	por p1, p1;
	[smem:$0x7AF] =	sst s0;
	s0 =	simm.s32 @!p0 $0x0  }
0x455: {  	p2 =	por @!p6 p4, p4;
	p1 =	por p3, p3;
	s0 =	simm.s32 @p0 $0x1  }
0x456: {  	p0 =	por @!p6 $0x0, $0x0;
	[smem:$0x7B0] =	sst s0;
	s0 =	simm.s32 @!p2 $0x0  }
0x457: {  	p1 =	por @!p6 p0, p0;
	s0 =	simm.s32 @p2 $0x1  }
0x458: {  	[smem:$0x7B1] =	sst s0;
	s0 =	simm.s32 @!p1 $0x0  }
0x459: {  	s0 =	simm.s32 @p1 $0x1;
	p1 =	por p3, p3  }
0x45a: {  	p1 =	por @!p6 p0, p0  }
0x45b: {  	[smem:$0x7B2] =	sst s0;
	s0 =	simm.s32 @!p1 $0x0  }
0x45c: {  	p3 =	por @!p6 p0, p0;
	s0 =	simm.s32 @p1 $0x1  }
0x45d: {  	[smem:$0x7B3] =	sst s0;
	s0 =	simm.s32 @!p3 $0x0  }
0x45e: {  	s0 =	simm.s32 @p3 $0x1  }
0x45f: {  	[smem:$0x7B4] =	sst s0  }
.LBB2_13:
0x460: {  	p1 =	slt.s32 s21, $0x1  }
0x461: {  	s0 =	sshll.u32 @!p1 s28, $0x9  }
0x462: {  	s2 =	simm.s32 @!p1 $0x10;
	p0 =	slt.u32 @!p1 s21, $0x11;
	s0 =	sshra.s32 @!p1 s0, $0x2  }
0x463: {  	s3 =	simm.s32 @!p1 $0x1D80;
	p2 =	por p1, p0;
	s1 =	sadd.s32 @!p1 $0x2800, s0  }
0x464: {  	[tilespmem:s1], [sflag:$0x1] =	stream.indirect.gather @!p1 [hbm4b:s22+s2], $0x80, s3, s2, $0xb8;
	[tilespmem:$0x18800] =	vst v63  }
0x465: {  	s1 =	sadd.s32 @!p2 $0x3000, s0;
	s2 =	simm.s32 @!p2 $0x10;
	s3 =	simm.s32 @!p2 $0x1D90  }
0x466: {  	[tilespmem:s1], [sflag:$0x1] =	stream.indirect.gather @!p2 [hbm4b:s22+s2], $0x80, s3, s2, $0xb8;
	[tilespmem:$0x18800] =	vst v63  }
0x467: {  	s1 =	simm.s32 @!p2 $0x0  }
0x468: {  	p0 =	slt.u32 @!p2 s21, $0x21;
	s1 =	simm.s32 @p2 $0x1  }
0x469: {  	p2 =	por p2, p0;
	[smem:$0x796] =	sst s1  }
0x46a: {  	s1 =	sadd.s32 @!p2 $0x3800, s0;
	s2 =	simm.s32 @!p2 $0x10;
	s3 =	simm.s32 @!p2 $0x1DA0  }
0x46b: {  	[tilespmem:s1], [sflag:$0x1] =	stream.indirect.gather @!p2 [hbm4b:s22+s2], $0x80, s3, s2, $0xb8;
	[tilespmem:$0x18800] =	vst v63  }
0x46c: {  	s1 =	simm.s32 @!p2 $0x0  }
0x46d: {  	p0 =	slt.u32 @!p2 s21, $0x31;
	s1 =	simm.s32 @p2 $0x1  }
0x46e: {  	p2 =	por p2, p0;
	[smem:$0x797] =	sst s1  }
0x46f: {  	s1 =	sadd.s32 @!p2 $0x4000, s0;
	s2 =	simm.s32 @!p2 $0x10;
	s3 =	simm.s32 @!p2 $0x1DB0  }
0x470: {  	[tilespmem:s1], [sflag:$0x1] =	stream.indirect.gather @!p2 [hbm4b:s22+s2], $0x80, s3, s2, $0xb8;
	[tilespmem:$0x18800] =	vst v63  }
0x471: {  	s1 =	simm.s32 @!p2 $0x0  }
0x472: {  	p0 =	slt.u32 @!p2 s21, $0x41;
	s1 =	simm.s32 @p2 $0x1  }
0x473: {  	p2 =	por p2, p0;
	[smem:$0x798] =	sst s1  }
0x474: {  	s1 =	sadd.s32 @!p2 $0x4800, s0;
	s2 =	simm.s32 @!p2 $0x10;
	s3 =	simm.s32 @!p2 $0x1DC0  }
0x475: {  	[tilespmem:s1], [sflag:$0x1] =	stream.indirect.gather @!p2 [hbm4b:s22+s2], $0x80, s3, s2, $0xb8;
	[tilespmem:$0x18800] =	vst v63  }
0x476: {  	p0 =	slt.u32 @!p2 s21, $0x51;
	s1 =	simm.s32 @!p2 $0x0  }
0x477: {  	p3 =	por p2, p0;
	s1 =	simm.s32 @p2 $0x1  }
0x478: {  	s2 =	simm.s32 @!p3 $0x10;
	s3 =	simm.s32 @!p3 $0x1DD0;
	p0 =	slt.u32 @!p3 s21, $0x61  }
0x479: {  	[smem:$0x799] =	sst s1;
	s1 =	sadd.s32 @!p3 $0x5000, s0;
	p2 =	por p3, p0  }
0x47a: {  	[tilespmem:s1], [sflag:$0x1] =	stream.indirect.gather @!p3 [hbm4b:s22+s2], $0x80, s3, s2, $0xb8;
	[tilespmem:$0x18800] =	vst v63  }
0x47b: {  	s1 =	sadd.s32 @!p2 $0x5800, s0;
	p0 =	slt.u32 @!p2 s21, $0x71  }
0x47c: {  	s2 =	simm.s32 @!p2 $0x10;
	s3 =	simm.s32 @!p2 $0x1DE0;
	p4 =	por p2, p0  }
0x47d: {  	[tilespmem:s1], [sflag:$0x1] =	stream.indirect.gather @!p2 [hbm4b:s22+s2], $0x80, s3, s2, $0xb8;
	[tilespmem:$0x18800] =	vst v63  }
0x47e: {  	s1 =	simm.s32 @!p2 $0x0;
	s2 =	simm.s32 @!p4 $0x10;
	p0 =	slt.u32 @!p4 s21, $0x81  }
0x47f: {  	s3 =	simm.s32 @!p4 $0x1DF0;
	s1 =	simm.s32 @p2 $0x1;
	p5 =	por p4, p0  }
0x480: {  	[smem:$0x79A] =	sst s1;
	s1 =	sadd.s32 @!p4 $0x6000, s0;
	p0 =	slt.u32 @!p5 s21, $0x91  }
0x481: {  	[tilespmem:s1], [sflag:$0x1] =	stream.indirect.gather @!p4 [hbm4b:s22+s2], $0x80, s3, s2, $0xb8;
	[tilespmem:$0x18800] =	vst v63  }
0x482: {  	s1 =	sadd.s32 @!p5 $0x6800, s0;
	s2 =	simm.s32 @!p5 $0x10;
	s3 =	simm.s32 @!p5 $0x1E00  }
0x483: {  	[tilespmem:s1], [sflag:$0x1] =	stream.indirect.gather @!p5 [hbm4b:s22+s2], $0x80, s3, s2, $0xb8;
	[tilespmem:$0x18800] =	vst v63  }
0x484: {  	p0 =	por p5, p0;
	s1 =	simm.s32 @!p5 $0x0  }
0x485: {  	p6 =	slt.u32 @!p0 s21, $0xA1;
	s2 =	simm.s32 @!p0 $0x10;
	s1 =	simm.s32 @p5 $0x1  }
0x486: {  	s3 =	simm.s32 @!p0 $0x1E10;
	[smem:$0x79B] =	sst s1;
	s1 =	sadd.s32 @!p0 $0x7000, s0  }
0x487: {  	[tilespmem:s1], [sflag:$0x1] =	stream.indirect.gather @!p0 [hbm4b:s22+s2], $0x80, s3, s2, $0xb8;
	[tilespmem:$0x18800] =	vst v63  }
0x488: {  	p5 =	por p0, p6;
	s1 =	simm.s32 @!p0 $0x0  }
0x489: {  	s2 =	simm.s32 @!p5 $0x10;
	s1 =	simm.s32 @p0 $0x1  }
0x48a: {  	s3 =	simm.s32 @!p5 $0x1E20;
	[smem:$0x79C] =	sst s1;
	s1 =	sadd.s32 @!p5 $0x7800, s0  }
0x48b: {  	[tilespmem:s1], [sflag:$0x1] =	stream.indirect.gather @!p5 [hbm4b:s22+s2], $0x80, s3, s2, $0xb8;
	[tilespmem:$0x18800] =	vst v63  }
0x48c: {  	s1 =	simm.s32 @!p5 $0x0  }
0x48d: {  	p6 =	slt.u32 @!p5 s21, $0xB1;
	s1 =	simm.s32 @p5 $0x1  }
0x48e: {  	p5 =	por p5, p6;
	[smem:$0x79D] =	sst s1  }
0x48f: {  	s1 =	sadd.s32 @!p5 $0x8000, s0;
	s2 =	simm.s32 @!p5 $0x10;
	s3 =	simm.s32 @!p5 $0x1E30  }
0x490: {  	[tilespmem:s1], [sflag:$0x1] =	stream.indirect.gather @!p5 [hbm4b:s22+s2], $0x80, s3, s2, $0xb8;
	[tilespmem:$0x18800] =	vst v63  }
0x491: {  	p6 =	slt.u32 @!p5 s21, $0xC1;
	s1 =	simm.s32 @!p5 $0x0  }
0x492: {  	s1 =	simm.s32 @p5 $0x1;
	p5 =	por p5, p6  }
0x493: {  	p6 =	slt.u32 @!p5 s21, $0xD1  }
0x494: {  	[smem:$0x79E] =	sst s1;
	s1 =	sadd.s32 @!p5 $0x8800, s0;
	p6 =	por p5, p6  }
.Ltmp7:
0x495: {  	s2 =	simm.s32 @!p5 $0x10;
	s3 =	simm.s32 @!p5 $0x1E40;
	(pc) =	sbr.rel @p6 .LBB2_14-.Ltmp7, $4  }
0x496: {  	[tilespmem:s1], [sflag:$0x1] =	stream.indirect.gather @!p5 [hbm4b:s22+s2], $0x80, s3, s2, $0xb8;
	[tilespmem:$0x18800] =	vst v63  }
0x497: {  	s1 =	simm.s32 @!p1 $0x0  }
0x498: {  	s1 =	simm.s32 @p1 $0x1  }
0x499: {  	[smem:$0x79F] =	sst s1  }
0x49a: {  	s1 =	sadd.s32 $0x9000, s0  }
0x49b: {  	s2 =	simm.s32 $0x10;
	s3 =	simm.s32 $0x1E50;
	p0 =	slt.u32 s21, $0xE1  }
0x49c: {  	[tilespmem:s1], [sflag:$0x1] =	stream.indirect.gather [hbm4b:s22+s2], $0x80, s3, s2, $0xb8;
	[tilespmem:$0x18800] =	vst v63  }
0x49d: {  	s1 =	sadd.s32 @!p0 $0x9800, s0;
	p2 =	slt.u32 @!p0 s21, $0xF1  }
0x49e: {  	s2 =	simm.s32 @!p0 $0x10;
	s3 =	simm.s32 @!p0 $0x1E60;
	p1 =	por p2, p0  }
0x49f: {  	[tilespmem:s1], [sflag:$0x1] =	stream.indirect.gather @!p0 [hbm4b:s22+s2], $0x80, s3, s2, $0xb8;
	[tilespmem:$0x18800] =	vst v63  }
0x4a0: {  	s0 =	sadd.s32 @!p1 $0xA000, s0;
	s1 =	simm.s32 @!p1 $0x10;
	s2 =	simm.s32 @!p1 $0x1E70  }
0x4a1: {  	[tilespmem:s0], [sflag:$0x1] =	stream.indirect.gather @!p1 [hbm4b:s22+s1], $0x80, s2, s1, $0xb8;
	[tilespmem:$0x18800] =	vst v63  }
0x4a2: {  	p3 =	por @!p0 $0x1, $0x1;
	p1 =	por @!p1 $0x1, $0x1  }
0x4a3: {  	p4 =	por @!p0 $0x0, $0x0;
	p2 =	por !p2, p0;
	p5 =	por p1, p1  }
0x4a4: {  	p1 =	por @!p2 p3, p3;
	p5 =	por @!p2 p4, p4;
	p2 =	por $0x0, $0x0  }
0x4a5: {  	p2 =	por @!p0 p5, p5  }
0x4a6: {  	p3 =	por $0x1, $0x1;
	s0 =	simm.s32 @!p2 $0x0  }
0x4a7: {  	p3 =	por @!p0 p1, p1;
	s0 =	simm.s32 @p2 $0x1  }
0x4a8: {  	p2 =	por $0x1, $0x1;
	[smem:$0x793] =	sst s0;
	s0 =	simm.s32 @!p3 $0x0  }
0x4a9: {  	p2 =	por @!p0 p1, p1;
	s0 =	simm.s32 @p3 $0x1  }
0x4aa: {  	[smem:$0x794] =	sst s0;
	s0 =	simm.s32 @!p2 $0x0  }
0x4ab: {  	s0 =	simm.s32 @p2 $0x1;
	p2 =	por $0x1, $0x1  }
0x4ac: {  	p2 =	por @!p0 p1, p1  }
0x4ad: {  	p3 =	por $0x1, $0x1;
	[smem:$0x787] =	sst s0;
	s0 =	simm.s32 @!p2 $0x0  }
0x4ae: {  	p3 =	por @!p0 p1, p1;
	s0 =	simm.s32 @p2 $0x1  }
0x4af: {  	p2 =	por $0x1, $0x1;
	[smem:$0x788] =	sst s0;
	s0 =	simm.s32 @!p3 $0x0  }
0x4b0: {  	p2 =	por @!p0 p1, p1;
	s0 =	simm.s32 @p3 $0x1  }
0x4b1: {  	[smem:$0x789] =	sst s0;
	s0 =	simm.s32 @!p2 $0x0  }
0x4b2: {  	s0 =	simm.s32 @p2 $0x1;
	p2 =	por $0x1, $0x1  }
0x4b3: {  	p2 =	por @!p0 p1, p1  }
0x4b4: {  	[smem:$0x78A] =	sst s0;
	s0 =	simm.s32 @!p2 $0x0  }
0x4b5: {  	s0 =	simm.s32 @p2 $0x1;
	p2 =	por $0x1, $0x1  }
0x4b6: {  	p2 =	por @!p0 p1, p1  }
0x4b7: {  	p3 =	por $0x1, $0x1;
	[smem:$0x78B] =	sst s0;
	s0 =	simm.s32 @!p2 $0x0  }
0x4b8: {  	p3 =	por @!p0 p1, p1;
	s0 =	simm.s32 @p2 $0x1  }
0x4b9: {  	p2 =	por $0x1, $0x1;
	[smem:$0x78C] =	sst s0;
	s0 =	simm.s32 @!p3 $0x0  }
0x4ba: {  	p2 =	por @!p0 p1, p1;
	s0 =	simm.s32 @p3 $0x1  }
0x4bb: {  	[smem:$0x78D] =	sst s0;
	s0 =	simm.s32 @!p2 $0x0  }
0x4bc: {  	s0 =	simm.s32 @p2 $0x1;
	p2 =	por $0x1, $0x1  }
0x4bd: {  	p2 =	por @!p0 p1, p1  }
0x4be: {  	p3 =	por $0x1, $0x1;
	[smem:$0x78E] =	sst s0;
	s0 =	simm.s32 @!p2 $0x0  }
0x4bf: {  	p3 =	por @!p0 p1, p1;
	s0 =	simm.s32 @p2 $0x1  }
0x4c0: {  	p2 =	por $0x1, $0x1;
	[smem:$0x78F] =	sst s0;
	s0 =	simm.s32 @!p3 $0x0  }
0x4c1: {  	p2 =	por @!p0 p1, p1;
	s0 =	simm.s32 @p3 $0x1  }
0x4c2: {  	p3 =	por $0x1, $0x1;
	[smem:$0x790] =	sst s0;
	s0 =	simm.s32 @!p2 $0x0  }
0x4c3: {  	p3 =	por @!p0 p1, p1;
	s0 =	simm.s32 @p2 $0x1;
	p2 =	por $0x0, $0x0  }
.Ltmp8:
0x4c4: {  	[smem:$0x791] =	sst s0;
	s0 =	simm.s32 @!p3 $0x0;
	(pc) =	sbr.rel .LBB2_16-.Ltmp8, $4  }
0x4c5: {  	p2 =	por @!p0 p1, p1;
	s0 =	simm.s32 @p3 $0x1  }
0x4c6: {  	[smem:$0x792] =	sst s0;
	s0 =	simm.s32 @!p2 $0x0  }
0x4c7: {  	s1 =	rddreg [dreg:$0xd];
	s0 =	simm.s32 @p2 $0x1  }
0x4c8: {  	[smem:$0x795] =	sst s0  }
.LBB2_14:
0x4c9: {  	s28 =	sld [smem:$0x796]  }
0x4ca: {  	s0 =	simm.s32 @!p5 $0x0  }
0x4cb: {  	p6 =	por @!p1 $0x0, $0x0;
	s0 =	simm.s32 @p5 $0x1;
	p5 =	por $0x0, $0x0  }
0x4cc: {  	p5 =	por @!p1 p6, p6;
	p0 =	seq.s32 s28, $0x1  }
0x4cd: {  	p6 =	por p5, p5;
	p1 =	por @!p0 $0x0, $0x0  }
0x4ce: {  	p6 =	por @!p0 p1, p1  }
0x4cf: {  	[smem:$0x785] =	sst s0;
	s0 =	simm.s32 @!p6 $0x0  }
0x4d0: {  	s29 =	sld [smem:$0x797];
	s0 =	simm.s32 @p6 $0x1  }
0x4d1: {  	[smem:$0x78B] =	sst s0  }
0x4d2: {  	s0 =	sld [smem:$0x78B];
	_ =	sdelay $0x1  }
0x4d3: {  	p2 =	por @!p0 $0x1, $0x1;
	p1 =	seq.s32 s29, $0x1  }
0x4d4: {  	p5 =	por @!p0 p2, p2;
	p2 =	por @!p1 $0x0, $0x0;
	p0 =	seq.s32 s0, $0x1  }
0x4d5: {  	p0 =	por @!p1 p2, p2  }
0x4d6: {  	s0 =	simm.s32 @!p0 $0x0  }
0x4d7: {  	s0 =	simm.s32 @p0 $0x1  }
0x4d8: {  	[smem:$0x78B] =	sst s0  }
0x4d9: {  	p0 =	por @!p1 $0x1, $0x1;
	s31 =	sld [smem:$0x78B]  }
0x4da: {  	p5 =	por @!p1 p0, p0;
	p0 =	por @!p1 $0x1, $0x1  }
0x4db: {  	s30 =	sld [smem:$0x798];
	s0 =	simm.s32 @!p0 $0x0  }
0x4dc: {  	s2 =	sld [smem:$0x797];
	s0 =	simm.s32 @p0 $0x1;
	p1 =	seq.s32 s31, $0x1  }
0x4dd: {  	[smem:$0x782] =	sst s0;
	s0 =	simm.s32 @!p1 $0x0  }
0x4de: {  	s1 =	sld [smem:$0x782];
	s0 =	simm.s32 @p1 $0x1  }
0x4df: {  	[smem:$0x78E] =	sst s0  }
0x4e0: {  	s3 =	sld [smem:$0x78E]  }
0x4e1: {  	p2 =	seq.s32 s2, $0x1  }
0x4e2: {  	s6 =	sld [smem:$0x78B];
	p0 =	seq.s32 s30, $0x1;
	p1 =	seq.s32 s1, $0x1  }
0x4e3: {  	p6 =	por @!p2 p1, p1;
	p2 =	por @!p0 $0x0, $0x0;
	p1 =	seq.s32 s3, $0x1  }
0x4e4: {  	p1 =	por @!p0 p2, p2  }
0x4e5: {  	s0 =	simm.s32 @!p1 $0x0  }
0x4e6: {  	p2 =	por @!p0 $0x1, $0x1;
	s0 =	simm.s32 @p1 $0x1;
	p1 =	seq.s32 s6, $0x1  }
0x4e7: {  	s7 =	sld [smem:$0x799];
	p1 =	por @!p0 p2, p2  }
0x4e8: {  	[smem:$0x78E] =	sst s0;
	s0 =	simm.s32 @!p1 $0x0  }
0x4e9: {  	s8 =	sld [smem:$0x78E];
	s0 =	simm.s32 @p1 $0x1  }
0x4ea: {  	p5 =	por @!p0 p2, p2;
	p6 =	por @!p0 p2, p2;
	[smem:$0x78B] =	sst s0  }
0x4eb: {  	p0 =	seq.s32 s7, $0x1;
	s0 =	simm.s32 @!p6 $0x0;
	s10 =	sld [smem:$0x78B]  }
0x4ec: {  	p2 =	por @!p0 $0x0, $0x0;
	s0 =	simm.s32 @p6 $0x1;
	p1 =	seq.s32 s8, $0x1  }
0x4ed: {  	[smem:$0x78D] =	sst s0;
	p1 =	por @!p0 p2, p2;
	s0 =	simm.s32 @!p4 $0x0  }
0x4ee: {  	p2 =	por @!p0 $0x1, $0x1;
	s16 =	sld [smem:$0x78D];
	p6 =	seq.s32 s10, $0x1  }
0x4ef: {  	s0 =	simm.s32 @p4 $0x1;
	p6 =	por @!p0 p2, p2;
	p2 =	por @!p0 $0x1, $0x1  }
0x4f0: {  	[smem:$0x783] =	sst s0;
	s0 =	simm.s32 @!p6 $0x0;
	p5 =	por @!p0 p2, p2  }
0x4f1: {  	p2 =	por @!p0 $0x1, $0x1;
	s0 =	simm.s32 @p6 $0x1;
	p6 =	seq.s32 s16, $0x1  }
0x4f2: {  	p6 =	por @!p0 p2, p2  }
0x4f3: {  	[smem:$0x78B] =	sst s0;
	s0 =	simm.s32 @!p6 $0x0  }
0x4f4: {  	s0 =	simm.s32 @p6 $0x1  }
0x4f5: {  	[smem:$0x78D] =	sst s0;
	s0 =	simm.s32 @!p1 $0x0  }
0x4f6: {  	s17 =	sld [smem:$0x78E];
	s0 =	simm.s32 @p1 $0x1  }
0x4f7: {  	[smem:$0x78F] =	sst s0  }
0x4f8: {  	s18 =	sld [smem:$0x78F]  }
0x4f9: {  	p2 =	por @!p0 $0x1, $0x1;
	p6 =	seq.s32 s17, $0x1  }
0x4fa: {  	s21 =	sld [smem:$0x78B];
	p6 =	por @!p0 p2, p2;
	p2 =	por @!p3 $0x0, $0x0  }
0x4fb: {  	s22 =	sld [smem:$0x78D];
	s0 =	simm.s32 @!p6 $0x0;
	p0 =	seq.s32 s18, $0x1  }
0x4fc: {  	s0 =	simm.s32 @p6 $0x1;
	p0 =	por @!p3 p2, p2;
	p2 =	por @!p3 $0x1, $0x1  }
0x4fd: {  	[smem:$0x78E] =	sst s0;
	p1 =	por @!p3 p2, p2  }
0x4fe: {  	s0 =	simm.s32 @!p0 $0x0;
	p6 =	por p1, p1;
	p1 =	seq.s32 s21, $0x1  }
0x4ff: {  	s28 =	sld [smem:$0x78E];
	s0 =	simm.s32 @p0 $0x1;
	p1 =	por @!p3 p2, p2  }
0x500: {  	p0 =	seq.s32 s22, $0x1;
	[smem:$0x78F] =	sst s0;
	s0 =	simm.s32 @!p1 $0x0  }
0x501: {  	s11 =	sld [smem:$0x79A];
	p0 =	por @!p3 p2, p2;
	s0 =	simm.s32 @p1 $0x1  }
0x502: {  	[smem:$0x78B] =	sst s0;
	s0 =	simm.s32 @!p0 $0x0  }
0x503: {  	s2 =	sld [smem:$0x783];
	s0 =	simm.s32 @p0 $0x1;
	p0 =	seq.s32 s28, $0x1  }
0x504: {  	s29 =	sld [smem:$0x78F];
	p0 =	por @!p3 p2, p2  }
0x505: {  	p4 =	seq.s32 s11, $0x1;
	[smem:$0x78D] =	sst s0;
	s0 =	simm.s32 @!p0 $0x0  }
0x506: {  	s30 =	sld [smem:$0x78B];
	s0 =	simm.s32 @p0 $0x1;
	p0 =	por @!p4 $0x1, $0x1  }
0x507: {  	p5 =	por @!p3 p2, p2;
	p1 =	seq.s32 s29, $0x1;
	p6 =	por @!p4 p0, p0  }
0x508: {  	p3 =	por @!p4 $0x0, $0x0;
	[smem:$0x78E] =	sst s0;
	s0 =	simm.s32 @!p6 $0x0  }
0x509: {  	s31 =	sld [smem:$0x78D];
	s0 =	simm.s32 @p6 $0x1;
	p6 =	seq.s32 s30, $0x1  }
0x50a: {  	p2 =	por p1, p1;
	s1 =	sld [smem:$0x78E];
	p6 =	por @!p4 p0, p0  }
0x50b: {  	p2 =	por @!p4 p3, p3;
	[smem:$0x78A] =	sst s0;
	s0 =	simm.s32 @!p6 $0x0  }
0x50c: {  	p3 =	por @!p4 $0x1, $0x1;
	s0 =	simm.s32 @p6 $0x1;
	p6 =	seq.s32 s31, $0x1  }
0x50d: {  	p5 =	por @!p4 p0, p0;
	p6 =	por @!p4 p0, p0;
	p0 =	seq.s32 s1, $0x1  }
0x50e: {  	p0 =	por @!p4 p3, p3  }
0x50f: {  	[smem:$0x78B] =	sst s0;
	p3 =	seq.s32 s2, $0x1;
	s0 =	simm.s32 @!p0 $0x0  }
0x510: {  	s0 =	simm.s32 @p0 $0x1;
	p0 =	por @!p3 $0x0, $0x0  }
0x511: {  	[smem:$0x78E] =	sst s0;
	s0 =	simm.s32 @!p0 $0x0  }
0x512: {  	s0 =	simm.s32 @p0 $0x1  }
0x513: {  	[smem:$0x784] =	sst s0;
	s0 =	simm.s32 @!p2 $0x0  }
0x514: {  	s0 =	simm.s32 @p2 $0x1;
	s3 =	sld [smem:$0x784]  }
0x515: {  	[smem:$0x790] =	sst s0  }
0x516: {  	s0 =	sld [smem:$0x790]  }
0x517: {  	p0 =	por p2, p2;
	p2 =	por @!p4 $0x1, $0x1  }
0x518: {  	p1 =	por @!p4 p2, p2  }
0x519: {  	p4 =	por p3, p3;
	p3 =	seq.s32 s3, $0x1;
	p2 =	seq.s32 s0, $0x1  }
0x51a: {  	p2 =	por @!p4 p3, p3  }
0x51b: {  	s6 =	sld [smem:$0x78A];
	s0 =	simm.s32 @!p2 $0x0  }
0x51c: {  	s0 =	simm.s32 @p2 $0x1;
	p2 =	por @!p4 $0x1, $0x1  }
0x51d: {  	p0 =	por @!p4 p2, p2  }
0x51e: {  	s7 =	sld [smem:$0x78B];
	p3 =	por p0, p0;
	p0 =	seq.s32 s6, $0x1  }
0x51f: {  	p0 =	por @!p4 p2, p2  }
0x520: {  	[smem:$0x790] =	sst s0;
	s0 =	simm.s32 @!p0 $0x0  }
0x521: {  	s11 =	sld [smem:$0x79B];
	s0 =	simm.s32 @p0 $0x1;
	p0 =	seq.s32 s7, $0x1  }
0x522: {  	s8 =	sld [smem:$0x78E];
	p0 =	por @!p4 p2, p2  }
0x523: {  	[smem:$0x78A] =	sst s0;
	s0 =	simm.s32 @!p0 $0x0  }
0x524: {  	p6 =	por @!p4 p2, p2;
	s16 =	sld [smem:$0x790];
	s0 =	simm.s32 @p0 $0x1  }
0x525: {  	p0 =	seq.s32 s8, $0x1;
	[smem:$0x78B] =	sst s0;
	s0 =	simm.s32 @!p6 $0x0  }
0x526: {  	s17 =	sld [smem:$0x78A];
	p0 =	por @!p4 p2, p2;
	s0 =	simm.s32 @p6 $0x1  }
0x527: {  	p5 =	por @!p4 p2, p2;
	[smem:$0x78D] =	sst s0;
	s0 =	simm.s32 @!p0 $0x0  }
0x528: {  	p1 =	por @!p4 p2, p2;
	s18 =	sld [smem:$0x78B];
	s0 =	simm.s32 @p0 $0x1  }
0x529: {  	p6 =	seq.s32 s16, $0x1;
	p0 =	seq.s32 s11, $0x1;
	[smem:$0x78E] =	sst s0  }
0x52a: {  	s0 =	simm.s32 @!p1 $0x0;
	p2 =	por @!p0 $0x1, $0x1;
	p4 =	por @!p0 $0x0, $0x0  }
0x52b: {  	s0 =	simm.s32 @p1 $0x1;
	p6 =	por @!p0 p4, p4;
	p3 =	por @!p0 p2, p2  }
0x52c: {  	p4 =	seq.s32 s17, $0x1;
	[smem:$0x78F] =	sst s0;
	s0 =	simm.s32 @!p3 $0x0  }
0x52d: {  	s21 =	sld [smem:$0x78D];
	p4 =	por @!p0 p2, p2;
	s0 =	simm.s32 @p3 $0x1  }
0x52e: {  	p5 =	por @!p0 p2, p2;
	[smem:$0x789] =	sst s0;
	s0 =	simm.s32 @!p4 $0x0  }
0x52f: {  	s22 =	sld [smem:$0x78E];
	s0 =	simm.s32 @p4 $0x1;
	p4 =	seq.s32 s18, $0x1  }
0x530: {  	p3 =	por @!p0 $0x1, $0x1;
	p4 =	por @!p0 p2, p2;
	p2 =	seq.s32 s21, $0x1  }
0x531: {  	s28 =	sld [smem:$0x78F];
	p2 =	por @!p0 p3, p3  }
0x532: {  	[smem:$0x78A] =	sst s0;
	s0 =	simm.s32 @!p2 $0x0  }
0x533: {  	p3 =	por @!p0 $0x1, $0x1;
	s0 =	simm.s32 @p2 $0x1;
	p2 =	seq.s32 s22, $0x1  }
0x534: {  	p2 =	por @!p0 p3, p3  }
0x535: {  	[smem:$0x78D] =	sst s0;
	s0 =	simm.s32 @!p2 $0x0  }
0x536: {  	p3 =	por @!p0 $0x1, $0x1;
	s0 =	simm.s32 @p2 $0x1;
	p2 =	seq.s32 s28, $0x1  }
0x537: {  	p2 =	por @!p0 p3, p3  }
0x538: {  	[smem:$0x78E] =	sst s0;
	s0 =	simm.s32 @!p2 $0x0  }
0x539: {  	s29 =	sld [smem:$0x790];
	s0 =	simm.s32 @p2 $0x1  }
0x53a: {  	[smem:$0x78F] =	sst s0;
	s0 =	simm.s32 @!p6 $0x0  }
0x53b: {  	s10 =	sld [smem:$0x79C];
	s0 =	simm.s32 @p6 $0x1  }
0x53c: {  	[smem:$0x791] =	sst s0  }
0x53d: {  	p3 =	por @!p0 $0x1, $0x1;
	p2 =	seq.s32 s29, $0x1;
	s30 =	sld [smem:$0x791]  }
0x53e: {  	s8 =	sld [smem:$0x79D];
	p2 =	por @!p0 p3, p3  }
0x53f: {  	p1 =	seq.s32 s10, $0x1;
	s1 =	sld [smem:$0x78A];
	s0 =	simm.s32 @!p2 $0x0  }
0x540: {  	s0 =	simm.s32 @p2 $0x1;
	p2 =	por @!p1 $0x0, $0x0;
	p0 =	seq.s32 s30, $0x1  }
0x541: {  	s31 =	sld [smem:$0x789];
	p0 =	por @!p1 p2, p2  }
0x542: {  	[smem:$0x790] =	sst s0;
	s0 =	simm.s32 @!p0 $0x0  }
0x543: {  	p2 =	seq.s32 s1, $0x1;
	s0 =	simm.s32 @p0 $0x1;
	p0 =	por @!p1 $0x1, $0x1  }
0x544: {  	s2 =	sld [smem:$0x78D];
	p2 =	por @!p1 p0, p0  }
0x545: {  	[smem:$0x791] =	sst s0;
	s0 =	simm.s32 @!p2 $0x0  }
0x546: {  	s3 =	sld [smem:$0x78E];
	p4 =	por @!p1 p0, p0;
	s0 =	simm.s32 @p2 $0x1  }
0x547: {  	p2 =	seq.s32 s2, $0x1;
	[smem:$0x78A] =	sst s0;
	s0 =	simm.s32 @!p4 $0x0  }
0x548: {  	s6 =	sld [smem:$0x78F];
	p2 =	por @!p1 p0, p0;
	s0 =	simm.s32 @p4 $0x1  }
0x549: {  	p3 =	seq.s32 s31, $0x1;
	[smem:$0x78B] =	sst s0;
	s0 =	simm.s32 @!p2 $0x0  }
0x54a: {  	s7 =	sld [smem:$0x790];
	s0 =	simm.s32 @p2 $0x1;
	p2 =	seq.s32 s3, $0x1  }
0x54b: {  	p6 =	por @!p1 p0, p0;
	s10 =	sld [smem:$0x791];
	p2 =	por @!p1 p0, p0  }
0x54c: {  	p3 =	por @!p1 p0, p0;
	[smem:$0x78D] =	sst s0;
	s0 =	simm.s32 @!p2 $0x0  }
0x54d: {  	p4 =	seq.s32 s6, $0x1;
	s0 =	simm.s32 @p2 $0x1;
	p2 =	seq.s32 s7, $0x1  }
0x54e: {  	p5 =	por @!p1 p0, p0;
	p4 =	por @!p1 p0, p0;
	p2 =	por @!p1 p0, p0  }
0x54f: {  	[smem:$0x78E] =	sst s0;
	p1 =	seq.s32 s8, $0x1;
	s0 =	simm.s32 @!p2 $0x0  }
0x550: {  	p0 =	por @!p1 $0x0, $0x0;
	s0 =	simm.s32 @p2 $0x1;
	p2 =	seq.s32 s10, $0x1  }
0x551: {  	s11 =	sld [smem:$0x78A];
	p2 =	por @!p1 p0, p0;
	p0 =	por @!p1 $0x1, $0x1  }
0x552: {  	s16 =	sld [smem:$0x78B];
	p6 =	por @!p1 p0, p0  }
0x553: {  	[smem:$0x790] =	sst s0;
	p3 =	por @!p1 p0, p0;
	s0 =	simm.s32 @!p6 $0x0  }
0x554: {  	p0 =	seq.s32 s11, $0x1;
	s0 =	simm.s32 @p6 $0x1;
	p6 =	por @!p1 $0x1, $0x1  }
0x555: {  	p0 =	por @!p1 p6, p6  }
0x556: {  	[smem:$0x788] =	sst s0;
	s0 =	simm.s32 @!p0 $0x0  }
0x557: {  	p6 =	por @!p1 $0x1, $0x1;
	s0 =	simm.s32 @p0 $0x1;
	p0 =	seq.s32 s16, $0x1  }
0x558: {  	s17 =	sld [smem:$0x78D];
	p0 =	por @!p1 p6, p6  }
0x559: {  	[smem:$0x78A] =	sst s0;
	s0 =	simm.s32 @!p0 $0x0  }
0x55a: {  	s18 =	sld [smem:$0x78E];
	s0 =	simm.s32 @p0 $0x1;
	p0 =	por @!p1 $0x1, $0x1  }
0x55b: {  	p6 =	por @!p1 $0x1, $0x1;
	p5 =	por @!p1 p0, p0;
	p0 =	seq.s32 s17, $0x1  }
0x55c: {  	p0 =	por @!p1 p6, p6  }
0x55d: {  	[smem:$0x78B] =	sst s0;
	s0 =	simm.s32 @!p0 $0x0  }
0x55e: {  	p6 =	por @!p1 $0x1, $0x1;
	s0 =	simm.s32 @p0 $0x1;
	p0 =	seq.s32 s18, $0x1  }
0x55f: {  	p0 =	por @!p1 p6, p6  }
0x560: {  	[smem:$0x78D] =	sst s0;
	s0 =	simm.s32 @!p0 $0x0  }
0x561: {  	s21 =	sld [smem:$0x790];
	s0 =	simm.s32 @p0 $0x1;
	p0 =	por @!p1 $0x1, $0x1  }
0x562: {  	p4 =	por @!p1 p0, p0  }
0x563: {  	[smem:$0x78E] =	sst s0;
	s0 =	simm.s32 @!p4 $0x0  }
0x564: {  	p0 =	seq.s32 s21, $0x1;
	s0 =	simm.s32 @p4 $0x1;
	p4 =	por @!p1 $0x1, $0x1  }
0x565: {  	p0 =	por @!p1 p4, p4  }
0x566: {  	[smem:$0x78F] =	sst s0;
	s0 =	simm.s32 @!p0 $0x0  }
0x567: {  	s28 =	sld [smem:$0x791];
	s0 =	simm.s32 @p0 $0x1  }
0x568: {  	[smem:$0x790] =	sst s0;
	s0 =	simm.s32 @!p2 $0x0  }
0x569: {  	s22 =	sld [smem:$0x79E];
	s0 =	simm.s32 @p2 $0x1  }
0x56a: {  	[smem:$0x795] =	sst s0  }
0x56b: {  	p6 =	por @!p1 $0x1, $0x1;
	p4 =	seq.s32 s28, $0x1;
	s29 =	sld [smem:$0x795]  }
0x56c: {  	p4 =	por @!p1 p6, p6  }
0x56d: {  	s31 =	sld [smem:$0x78A];
	p0 =	seq.s32 s22, $0x1;
	s0 =	simm.s32 @!p4 $0x0  }
0x56e: {  	s0 =	simm.s32 @p4 $0x1;
	p4 =	por @!p0 $0x0, $0x0;
	p1 =	seq.s32 s29, $0x1  }
0x56f: {  	s1 =	sld [smem:$0x78B];
	p1 =	por @!p0 p4, p4  }
0x570: {  	[smem:$0x791] =	sst s0;
	s0 =	simm.s32 @!p1 $0x0  }
0x571: {  	p4 =	por @!p0 $0x1, $0x1;
	s0 =	simm.s32 @p1 $0x1;
	p1 =	seq.s32 s31, $0x1  }
0x572: {  	p1 =	por @!p0 p4, p4  }
0x573: {  	[smem:$0x795] =	sst s0;
	s0 =	simm.s32 @!p1 $0x0  }
0x574: {  	s2 =	sld [smem:$0x78D];
	s0 =	simm.s32 @p1 $0x1;
	p1 =	seq.s32 s1, $0x1  }
0x575: {  	p1 =	por @!p0 p4, p4  }
0x576: {  	[smem:$0x78A] =	sst s0;
	s0 =	simm.s32 @!p1 $0x0  }
0x577: {  	s3 =	sld [smem:$0x78E];
	s0 =	simm.s32 @p1 $0x1;
	p1 =	seq.s32 s2, $0x1  }
0x578: {  	p1 =	por @!p0 p4, p4  }
0x579: {  	[smem:$0x78B] =	sst s0;
	s0 =	simm.s32 @!p1 $0x0  }
0x57a: {  	s6 =	sld [smem:$0x78F];
	s0 =	simm.s32 @p1 $0x1;
	p1 =	seq.s32 s3, $0x1  }
0x57b: {  	p1 =	por @!p0 p4, p4  }
0x57c: {  	[smem:$0x78D] =	sst s0;
	s0 =	simm.s32 @!p1 $0x0  }
0x57d: {  	s7 =	sld [smem:$0x790];
	s0 =	simm.s32 @p1 $0x1;
	p1 =	seq.s32 s6, $0x1  }
0x57e: {  	p1 =	por @!p0 p4, p4  }
0x57f: {  	[smem:$0x78E] =	sst s0;
	s0 =	simm.s32 @!p1 $0x0  }
0x580: {  	s8 =	sld [smem:$0x785];
	s0 =	simm.s32 @p1 $0x1;
	p1 =	seq.s32 s7, $0x1  }
0x581: {  	p1 =	por @!p0 p4, p4  }
0x582: {  	[smem:$0x78F] =	sst s0;
	s0 =	simm.s32 @!p1 $0x0  }
0x583: {  	s30 =	sld [smem:$0x788];
	s0 =	simm.s32 @p1 $0x1;
	p1 =	seq.s32 s8, $0x1  }
0x584: {  	s10 =	sld [smem:$0x791];
	p1 =	por @!p1 $0x1, $0x1  }
0x585: {  	[smem:$0x790] =	sst s0;
	s0 =	simm.s32 @!p1 $0x0  }
0x586: {  	s11 =	sld [smem:$0x785];
	s0 =	simm.s32 @p1 $0x1  }
0x587: {  	[smem:$0x786] =	sst s0  }
0x588: {  	p6 =	seq.s32 s30, $0x1;
	p1 =	seq.s32 s10, $0x1;
	s16 =	sld [smem:$0x786]  }
0x589: {  	p2 =	por @!p0 p4, p4;
	p6 =	por @!p0 p4, p4;
	p1 =	por @!p0 p4, p4  }
0x58a: {  	p3 =	por @!p0 p4, p4;
	p5 =	por @!p0 p4, p4;
	s0 =	simm.s32 @!p1 $0x0  }
0x58b: {  	p4 =	seq.s32 s11, $0x1;
	s0 =	simm.s32 @p1 $0x1;
	p1 =	seq.s32 s16, $0x1  }
0x58c: {  	p2 =	por @!p4 p1, p1  }
0x58d: {  	[smem:$0x791] =	sst s0;
	s0 =	simm.s32 @!p2 $0x0  }
0x58e: {  	s17 =	sld [smem:$0x78A];
	p6 =	por @!p4 p1, p1;
	s0 =	simm.s32 @p2 $0x1  }
0x58f: {  	p0 =	por p3, p3;
	[smem:$0x787] =	sst s0;
	s0 =	simm.s32 @!p6 $0x0  }
0x590: {  	p0 =	por @!p4 p1, p1;
	s0 =	simm.s32 @p6 $0x1  }
0x591: {  	[smem:$0x788] =	sst s0;
	s0 =	simm.s32 @!p0 $0x0  }
0x592: {  	s18 =	sld [smem:$0x78B];
	s0 =	simm.s32 @p0 $0x1;
	p0 =	seq.s32 s17, $0x1  }
0x593: {  	p0 =	por @!p4 p1, p1  }
0x594: {  	[smem:$0x789] =	sst s0;
	s0 =	simm.s32 @!p0 $0x0  }
0x595: {  	s0 =	simm.s32 @p0 $0x1;
	p0 =	seq.s32 s18, $0x1  }
0x596: {  	s21 =	sld [smem:$0x78D];
	p0 =	por @!p4 p1, p1  }
0x597: {  	[smem:$0x78A] =	sst s0;
	s0 =	simm.s32 @!p0 $0x0  }
0x598: {  	s22 =	sld [smem:$0x78E];
	p5 =	por @!p4 p1, p1;
	s0 =	simm.s32 @p0 $0x1  }
0x599: {  	p0 =	seq.s32 s21, $0x1;
	[smem:$0x78B] =	sst s0;
	s0 =	simm.s32 @!p5 $0x0  }
0x59a: {  	p0 =	por @!p4 p1, p1;
	s0 =	simm.s32 @p5 $0x1  }
0x59b: {  	[smem:$0x78C] =	sst s0;
	s0 =	simm.s32 @!p0 $0x0  }
0x59c: {  	s28 =	sld [smem:$0x78F];
	s0 =	simm.s32 @p0 $0x1;
	p0 =	seq.s32 s22, $0x1  }
0x59d: {  	p0 =	por @!p4 p1, p1  }
0x59e: {  	[smem:$0x78D] =	sst s0;
	s0 =	simm.s32 @!p0 $0x0  }
0x59f: {  	s29 =	sld [smem:$0x790];
	s0 =	simm.s32 @p0 $0x1;
	p0 =	seq.s32 s28, $0x1  }
0x5a0: {  	s31 =	sld [smem:$0x795];
	p0 =	por @!p4 p1, p1  }
0x5a1: {  	[smem:$0x78E] =	sst s0;
	s0 =	simm.s32 @!p0 $0x0  }
0x5a2: {  	s30 =	sld [smem:$0x791];
	s0 =	simm.s32 @p0 $0x1;
	p0 =	seq.s32 s29, $0x1  }
0x5a3: {  	p0 =	por @!p4 p1, p1  }
0x5a4: {  	[smem:$0x78F] =	sst s0;
	s0 =	simm.s32 @!p0 $0x0  }
0x5a5: {  	p3 =	seq.s32 s31, $0x1;
	s0 =	simm.s32 @p0 $0x1;
	p0 =	seq.s32 s30, $0x1  }
0x5a6: {  	p2 =	por p3, p3;
	p0 =	por @!p4 p1, p1  }
0x5a7: {  	p5 =	por p1, p1;
	[smem:$0x790] =	sst s0;
	s0 =	simm.s32 @!p0 $0x0  }
0x5a8: {  	p2 =	por @!p4 p5, p5;
	p1 =	por @!p4 $0x0, $0x0;
	s0 =	simm.s32 @p0 $0x1  }
0x5a9: {  	p0 =	por p3, p3;
	[smem:$0x791] =	sst s0;
	s0 =	simm.s32 @!p2 $0x0  }
0x5aa: {  	p0 =	por @!p4 p1, p1;
	s0 =	simm.s32 @p2 $0x1  }
0x5ab: {  	[smem:$0x792] =	sst s0;
	s0 =	simm.s32 @!p0 $0x0  }
0x5ac: {  	s0 =	simm.s32 @p0 $0x1;
	p0 =	por p3, p3  }
0x5ad: {  	p0 =	por @!p4 p1, p1  }
0x5ae: {  	[smem:$0x793] =	sst s0;
	s0 =	simm.s32 @!p0 $0x0  }
0x5af: {  	p3 =	por @!p4 p1, p1;
	s0 =	simm.s32 @p0 $0x1  }
0x5b0: {  	[smem:$0x794] =	sst s0;
	s0 =	simm.s32 @!p3 $0x0  }
0x5b1: {  	s1 =	rddreg [dreg:$0xd];
	s0 =	simm.s32 @p3 $0x1  }
0x5b2: {  	[smem:$0x795] =	sst s0  }
.LBB2_16:
0x5b3: {  	p0 =	slt.s32 s20, $0x1  }
0x5b4: {  	s0 =	simm.s32 @!p0 $0x2  }
0x5b5: {  	p1 =	slt.u32 @!p0 s20, $0x11;
	_ =	swait.ge @!p0 [sflag:s0], $0x800  }
0x5b6: {  	p1 =	por p0, p1;
	[sflag:s0] =	ssyncset.done @!p0 $0x0  }
0x5b7: {  	[sflag:s0] =	ssyncadd.s32 @!p0 $0xFFFFF800;
	s0 =	simm.s32 @!p1 $0x2  }
0x5b8: {  	p0 =	slt.u32 @!p1 s20, $0x21;
	_ =	swait.ge @!p1 [sflag:s0], $0x800  }
0x5b9: {  	p0 =	por p1, p0;
	[sflag:s0] =	ssyncset.done @!p1 $0x0  }
0x5ba: {  	[sflag:s0] =	ssyncadd.s32 @!p1 $0xFFFFF800;
	s0 =	simm.s32 @!p0 $0x2  }
0x5bb: {  	p1 =	slt.u32 @!p0 s20, $0x31;
	_ =	swait.ge @!p0 [sflag:s0], $0x800  }
0x5bc: {  	p1 =	por p0, p1;
	[sflag:s0] =	ssyncset.done @!p0 $0x0  }
0x5bd: {  	[sflag:s0] =	ssyncadd.s32 @!p0 $0xFFFFF800;
	s0 =	simm.s32 @!p1 $0x2  }
0x5be: {  	p0 =	slt.u32 @!p1 s20, $0x41;
	_ =	swait.ge @!p1 [sflag:s0], $0x800  }
0x5bf: {  	p0 =	por p1, p0;
	[sflag:s0] =	ssyncset.done @!p1 $0x0  }
0x5c0: {  	[sflag:s0] =	ssyncadd.s32 @!p1 $0xFFFFF800;
	s0 =	simm.s32 @!p0 $0x2  }
0x5c1: {  	p1 =	slt.u32 @!p0 s20, $0x51;
	_ =	swait.ge @!p0 [sflag:s0], $0x800  }
0x5c2: {  	p1 =	por p0, p1;
	[sflag:s0] =	ssyncset.done @!p0 $0x0  }
0x5c3: {  	[sflag:s0] =	ssyncadd.s32 @!p0 $0xFFFFF800;
	s0 =	simm.s32 @!p1 $0x2  }
0x5c4: {  	p0 =	slt.u32 @!p1 s20, $0x61;
	_ =	swait.ge @!p1 [sflag:s0], $0x800  }
0x5c5: {  	p0 =	por p1, p0;
	[sflag:s0] =	ssyncset.done @!p1 $0x0  }
0x5c6: {  	[sflag:s0] =	ssyncadd.s32 @!p1 $0xFFFFF800;
	s0 =	simm.s32 @!p0 $0x2  }
0x5c7: {  	p1 =	slt.u32 @!p0 s20, $0x71;
	_ =	swait.ge @!p0 [sflag:s0], $0x800  }
0x5c8: {  	p1 =	por p0, p1;
	[sflag:s0] =	ssyncset.done @!p0 $0x0  }
0x5c9: {  	[sflag:s0] =	ssyncadd.s32 @!p0 $0xFFFFF800;
	s0 =	simm.s32 @!p1 $0x2  }
0x5ca: {  	p0 =	slt.u32 @!p1 s20, $0x81;
	_ =	swait.ge @!p1 [sflag:s0], $0x800  }
0x5cb: {  	p0 =	por p1, p0;
	[sflag:s0] =	ssyncset.done @!p1 $0x0  }
0x5cc: {  	[sflag:s0] =	ssyncadd.s32 @!p1 $0xFFFFF800;
	s0 =	simm.s32 @!p0 $0x2  }
0x5cd: {  	p1 =	slt.u32 @!p0 s20, $0x91;
	_ =	swait.ge @!p0 [sflag:s0], $0x800  }
0x5ce: {  	p1 =	por p0, p1;
	[sflag:s0] =	ssyncset.done @!p0 $0x0  }
0x5cf: {  	[sflag:s0] =	ssyncadd.s32 @!p0 $0xFFFFF800;
	p0 =	slt.u32 @!p1 s20, $0xA1  }
0x5d0: {  	p0 =	por p1, p0  }
.Ltmp9:
0x5d1: {  	_ = 	snop;
	(pc) =	sbr.rel @p0 .LBB2_18-.Ltmp9, $4  }
0x5d2: {  	s0 =	simm.s32 @!p1 $0x2  }
0x5d3: {  	_ =	swait.ge @!p1 [sflag:s0], $0x800  }
0x5d4: {  	[sflag:s0] =	ssyncset.done @!p1 $0x0  }
0x5d5: {  	[sflag:s0] =	ssyncadd.s32 @!p1 $0xFFFFF800  }
0x5d6: {  	p0 =	slt.u32 s20, $0xB1  }
0x5d7: {  	p1 =	slt.u32 @!p0 s20, $0xC1  }
0x5d8: {  	s0 =	simm.s32 $0x2;
	p2 =	por p1, p0  }
0x5d9: {  	_ =	swait.ge [sflag:s0], $0x800;
	p3 =	slt.u32 @!p2 s20, $0xD1  }
0x5da: {  	[sflag:s0] =	ssyncset.done $0x0;
	s2 =	simm.s32 @!p3 $0x0;
	p4 =	por @!p0 p3, p1  }
0x5db: {  	[sflag:s0] =	ssyncadd.s32 $0xFFFFF800;
	s2 =	simm.s32 @p3 $0x1;
	p4 =	por p4, p0  }
0x5dc: {  	s0 =	simm.s32 @!p0 $0x2;
	[smem:$0x781] =	sst s2;
	p5 =	slt.u32 @!p4 s20, $0xE1  }
0x5dd: {  	_ =	swait.ge @!p0 [sflag:s0], $0x800;
	s2 =	simm.s32 @!p5 $0x0  }
0x5de: {  	[sflag:s0] =	ssyncset.done @!p0 $0x0;
	s2 =	simm.s32 @p5 $0x1  }
0x5df: {  	[sflag:s0] =	ssyncadd.s32 @!p0 $0xFFFFF800;
	s0 =	simm.s32 @!p2 $0x2;
	[smem:$0x780] =	sst s2  }
0x5e0: {  	_ =	swait.ge @!p2 [sflag:s0], $0x800  }
0x5e1: {  	[sflag:s0] =	ssyncset.done @!p2 $0x0  }
0x5e2: {  	[sflag:s0] =	ssyncadd.s32 @!p2 $0xFFFFF800;
	s0 =	simm.s32 @!p4 $0x2  }
0x5e3: {  	_ =	swait.ge @!p4 [sflag:s0], $0x800  }
0x5e4: {  	p6 =	por @!p2 p5, p3;
	s30 =	sld [smem:$0x780]  }
0x5e5: {  	p6 =	por @!p0 p6, p1;
	s31 =	sld [smem:$0x781]  }
0x5e6: {  	p6 =	por p6, p0  }
0x5e7: {  	p5 =	slt.u32 @!p6 s20, $0xF1;
	p3 =	seq.s32 s30, $0x1  }
0x5e8: {  	[sflag:s0] =	ssyncset.done @!p4 $0x0;
	p5 =	por @!p4 p5, p3;
	p3 =	seq.s32 s31, $0x1  }
0x5e9: {  	[sflag:s0] =	ssyncadd.s32 @!p4 $0xFFFFF800;
	s0 =	simm.s32 @!p6 $0x2;
	p2 =	por @!p2 p5, p3  }
0x5ea: {  	_ =	swait.ge @!p6 [sflag:s0], $0x800;
	p1 =	por @!p0 p2, p1  }
0x5eb: {  	[sflag:s0] =	ssyncset.done @!p6 $0x0;
	p0 =	por p1, p0  }
0x5ec: {  	[sflag:s0] =	ssyncadd.s32 @!p6 $0xFFFFF800;
	s0 =	simm.s32 @!p0 $0x2  }
0x5ed: {  	_ =	swait.ge @!p0 [sflag:s0], $0x800  }
0x5ee: {  	[sflag:s0] =	ssyncset.done @!p0 $0x0  }
0x5ef: {  	[sflag:s0] =	ssyncadd.s32 @!p0 $0xFFFFF800  }
.LBB2_18:
0x5f0: {  	p0 =	slt.s32 s19, $0x1  }
0x5f1: {  	s0 =	simm.s32 @!p0 $0x2  }
0x5f2: {  	p1 =	slt.u32 @!p0 s19, $0x11;
	_ =	swait.ge @!p0 [sflag:s0], $0x800  }
0x5f3: {  	p1 =	por p0, p1;
	[sflag:s0] =	ssyncset.done @!p0 $0x0  }
0x5f4: {  	[sflag:s0] =	ssyncadd.s32 @!p0 $0xFFFFF800;
	s0 =	simm.s32 @!p1 $0x2  }
0x5f5: {  	p0 =	slt.u32 @!p1 s19, $0x21;
	_ =	swait.ge @!p1 [sflag:s0], $0x800  }
0x5f6: {  	p0 =	por p1, p0;
	[sflag:s0] =	ssyncset.done @!p1 $0x0  }
0x5f7: {  	[sflag:s0] =	ssyncadd.s32 @!p1 $0xFFFFF800;
	s0 =	simm.s32 @!p0 $0x2  }
0x5f8: {  	p1 =	slt.u32 @!p0 s19, $0x31;
	_ =	swait.ge @!p0 [sflag:s0], $0x800  }
0x5f9: {  	p1 =	por p0, p1;
	[sflag:s0] =	ssyncset.done @!p0 $0x0  }
0x5fa: {  	[sflag:s0] =	ssyncadd.s32 @!p0 $0xFFFFF800;
	s0 =	simm.s32 @!p1 $0x2  }
0x5fb: {  	p0 =	slt.u32 @!p1 s19, $0x41;
	_ =	swait.ge @!p1 [sflag:s0], $0x800  }
0x5fc: {  	p0 =	por p1, p0;
	[sflag:s0] =	ssyncset.done @!p1 $0x0  }
0x5fd: {  	[sflag:s0] =	ssyncadd.s32 @!p1 $0xFFFFF800;
	s0 =	simm.s32 @!p0 $0x2  }
0x5fe: {  	p1 =	slt.u32 @!p0 s19, $0x51;
	_ =	swait.ge @!p0 [sflag:s0], $0x800  }
0x5ff: {  	p1 =	por p0, p1;
	[sflag:s0] =	ssyncset.done @!p0 $0x0  }
0x600: {  	[sflag:s0] =	ssyncadd.s32 @!p0 $0xFFFFF800;
	s0 =	simm.s32 @!p1 $0x2  }
0x601: {  	p0 =	slt.u32 @!p1 s19, $0x61;
	_ =	swait.ge @!p1 [sflag:s0], $0x800  }
0x602: {  	p0 =	por p1, p0;
	[sflag:s0] =	ssyncset.done @!p1 $0x0  }
0x603: {  	[sflag:s0] =	ssyncadd.s32 @!p1 $0xFFFFF800;
	s0 =	simm.s32 @!p0 $0x2  }
0x604: {  	p1 =	slt.u32 @!p0 s19, $0x71;
	_ =	swait.ge @!p0 [sflag:s0], $0x800  }
0x605: {  	p1 =	por p0, p1;
	[sflag:s0] =	ssyncset.done @!p0 $0x0  }
0x606: {  	[sflag:s0] =	ssyncadd.s32 @!p0 $0xFFFFF800;
	s0 =	simm.s32 @!p1 $0x2  }
0x607: {  	p0 =	slt.u32 @!p1 s19, $0x81;
	_ =	swait.ge @!p1 [sflag:s0], $0x800  }
0x608: {  	p0 =	por p1, p0;
	[sflag:s0] =	ssyncset.done @!p1 $0x0  }
0x609: {  	[sflag:s0] =	ssyncadd.s32 @!p1 $0xFFFFF800;
	s0 =	simm.s32 @!p0 $0x2  }
0x60a: {  	p1 =	slt.u32 @!p0 s19, $0x91;
	_ =	swait.ge @!p0 [sflag:s0], $0x800  }
0x60b: {  	p1 =	por p0, p1;
	[sflag:s0] =	ssyncset.done @!p0 $0x0  }
0x60c: {  	[sflag:s0] =	ssyncadd.s32 @!p0 $0xFFFFF800;
	p0 =	slt.u32 @!p1 s19, $0xA1  }
0x60d: {  	p0 =	por p1, p0  }
.Ltmp10:
0x60e: {  	_ = 	snop;
	(pc) =	sbr.rel @p0 .LBB2_20-.Ltmp10, $4  }
0x60f: {  	s0 =	simm.s32 @!p1 $0x2  }
0x610: {  	_ =	swait.ge @!p1 [sflag:s0], $0x800  }
0x611: {  	[sflag:s0] =	ssyncset.done @!p1 $0x0  }
0x612: {  	[sflag:s0] =	ssyncadd.s32 @!p1 $0xFFFFF800  }
0x613: {  	p0 =	slt.u32 s19, $0xB1  }
0x614: {  	p1 =	slt.u32 @!p0 s19, $0xC1  }
0x615: {  	s0 =	simm.s32 $0x2;
	p2 =	por p1, p0  }
0x616: {  	_ =	swait.ge [sflag:s0], $0x800;
	p3 =	slt.u32 @!p2 s19, $0xD1  }
0x617: {  	[sflag:s0] =	ssyncset.done $0x0;
	s2 =	simm.s32 @!p3 $0x0;
	p4 =	por @!p0 p3, p1  }
0x618: {  	[sflag:s0] =	ssyncadd.s32 $0xFFFFF800;
	s2 =	simm.s32 @p3 $0x1;
	p4 =	por p4, p0  }
0x619: {  	s0 =	simm.s32 @!p0 $0x2;
	[smem:$0x77F] =	sst s2;
	p5 =	slt.u32 @!p4 s19, $0xE1  }
0x61a: {  	_ =	swait.ge @!p0 [sflag:s0], $0x800;
	s2 =	simm.s32 @!p5 $0x0  }
0x61b: {  	[sflag:s0] =	ssyncset.done @!p0 $0x0;
	s2 =	simm.s32 @p5 $0x1  }
0x61c: {  	[sflag:s0] =	ssyncadd.s32 @!p0 $0xFFFFF800;
	s0 =	simm.s32 @!p2 $0x2;
	[smem:$0x77E] =	sst s2  }
0x61d: {  	_ =	swait.ge @!p2 [sflag:s0], $0x800  }
0x61e: {  	[sflag:s0] =	ssyncset.done @!p2 $0x0  }
0x61f: {  	[sflag:s0] =	ssyncadd.s32 @!p2 $0xFFFFF800;
	s0 =	simm.s32 @!p4 $0x2  }
0x620: {  	_ =	swait.ge @!p4 [sflag:s0], $0x800  }
0x621: {  	p6 =	por @!p2 p5, p3;
	s30 =	sld [smem:$0x77E]  }
0x622: {  	p6 =	por @!p0 p6, p1;
	s31 =	sld [smem:$0x77F]  }
0x623: {  	p6 =	por p6, p0  }
0x624: {  	p5 =	slt.u32 @!p6 s19, $0xF1;
	p3 =	seq.s32 s30, $0x1  }
0x625: {  	[sflag:s0] =	ssyncset.done @!p4 $0x0;
	p5 =	por @!p4 p5, p3;
	p3 =	seq.s32 s31, $0x1  }
0x626: {  	[sflag:s0] =	ssyncadd.s32 @!p4 $0xFFFFF800;
	s0 =	simm.s32 @!p6 $0x2;
	p2 =	por @!p2 p5, p3  }
0x627: {  	_ =	swait.ge @!p6 [sflag:s0], $0x800;
	p1 =	por @!p0 p2, p1  }
0x628: {  	[sflag:s0] =	ssyncset.done @!p6 $0x0;
	p0 =	por p1, p0  }
0x629: {  	[sflag:s0] =	ssyncadd.s32 @!p6 $0xFFFFF800;
	s0 =	simm.s32 @!p0 $0x2  }
0x62a: {  	_ =	swait.ge @!p0 [sflag:s0], $0x800  }
0x62b: {  	[sflag:s0] =	ssyncset.done @!p0 $0x0  }
0x62c: {  	[sflag:s0] =	ssyncadd.s32 @!p0 $0xFFFFF800  }
.LBB2_20:
0x62d: {  	p0 =	slt.s32 s5, $0x1  }
0x62e: {  	s0 =	simm.s32 @!p0 $0x2  }
0x62f: {  	p1 =	slt.u32 @!p0 s5, $0x11;
	_ =	swait.ge @!p0 [sflag:s0], $0x800  }
0x630: {  	p1 =	por p0, p1;
	[sflag:s0] =	ssyncset.done @!p0 $0x0  }
0x631: {  	[sflag:s0] =	ssyncadd.s32 @!p0 $0xFFFFF800;
	s0 =	simm.s32 @!p1 $0x2  }
0x632: {  	p0 =	slt.u32 @!p1 s5, $0x21;
	_ =	swait.ge @!p1 [sflag:s0], $0x800  }
0x633: {  	p0 =	por p1, p0;
	[sflag:s0] =	ssyncset.done @!p1 $0x0  }
0x634: {  	[sflag:s0] =	ssyncadd.s32 @!p1 $0xFFFFF800;
	s0 =	simm.s32 @!p0 $0x2  }
0x635: {  	p1 =	slt.u32 @!p0 s5, $0x31;
	_ =	swait.ge @!p0 [sflag:s0], $0x800  }
0x636: {  	p1 =	por p0, p1;
	[sflag:s0] =	ssyncset.done @!p0 $0x0  }
0x637: {  	[sflag:s0] =	ssyncadd.s32 @!p0 $0xFFFFF800;
	s0 =	simm.s32 @!p1 $0x2  }
0x638: {  	p0 =	slt.u32 @!p1 s5, $0x41;
	_ =	swait.ge @!p1 [sflag:s0], $0x800  }
0x639: {  	p0 =	por p1, p0;
	[sflag:s0] =	ssyncset.done @!p1 $0x0  }
0x63a: {  	[sflag:s0] =	ssyncadd.s32 @!p1 $0xFFFFF800;
	s0 =	simm.s32 @!p0 $0x2  }
0x63b: {  	p1 =	slt.u32 @!p0 s5, $0x51;
	_ =	swait.ge @!p0 [sflag:s0], $0x800  }
0x63c: {  	p1 =	por p0, p1;
	[sflag:s0] =	ssyncset.done @!p0 $0x0  }
0x63d: {  	[sflag:s0] =	ssyncadd.s32 @!p0 $0xFFFFF800;
	s0 =	simm.s32 @!p1 $0x2  }
0x63e: {  	p0 =	slt.u32 @!p1 s5, $0x61;
	_ =	swait.ge @!p1 [sflag:s0], $0x800  }
0x63f: {  	p0 =	por p1, p0;
	[sflag:s0] =	ssyncset.done @!p1 $0x0  }
0x640: {  	[sflag:s0] =	ssyncadd.s32 @!p1 $0xFFFFF800;
	s0 =	simm.s32 @!p0 $0x2  }
0x641: {  	p1 =	slt.u32 @!p0 s5, $0x71;
	_ =	swait.ge @!p0 [sflag:s0], $0x800  }
0x642: {  	p1 =	por p0, p1;
	[sflag:s0] =	ssyncset.done @!p0 $0x0  }
0x643: {  	[sflag:s0] =	ssyncadd.s32 @!p0 $0xFFFFF800;
	s0 =	simm.s32 @!p1 $0x2  }
0x644: {  	p0 =	slt.u32 @!p1 s5, $0x81;
	_ =	swait.ge @!p1 [sflag:s0], $0x800  }
0x645: {  	p0 =	por p1, p0;
	[sflag:s0] =	ssyncset.done @!p1 $0x0  }
0x646: {  	[sflag:s0] =	ssyncadd.s32 @!p1 $0xFFFFF800;
	s0 =	simm.s32 @!p0 $0x2  }
0x647: {  	p1 =	slt.u32 @!p0 s5, $0x91;
	_ =	swait.ge @!p0 [sflag:s0], $0x800  }
0x648: {  	p1 =	por p0, p1;
	[sflag:s0] =	ssyncset.done @!p0 $0x0  }
0x649: {  	[sflag:s0] =	ssyncadd.s32 @!p0 $0xFFFFF800;
	p0 =	slt.u32 @!p1 s5, $0xA1  }
0x64a: {  	p0 =	por p1, p0  }
.Ltmp11:
0x64b: {  	_ = 	snop;
	(pc) =	sbr.rel @p0 .LBB2_22-.Ltmp11, $4  }
0x64c: {  	s0 =	simm.s32 @!p1 $0x2  }
0x64d: {  	_ =	swait.ge @!p1 [sflag:s0], $0x800  }
0x64e: {  	[sflag:s0] =	ssyncset.done @!p1 $0x0  }
0x64f: {  	[sflag:s0] =	ssyncadd.s32 @!p1 $0xFFFFF800  }
0x650: {  	p0 =	slt.u32 s5, $0xB1  }
0x651: {  	p1 =	slt.u32 @!p0 s5, $0xC1  }
0x652: {  	s0 =	simm.s32 $0x2;
	p2 =	por p1, p0  }
0x653: {  	_ =	swait.ge [sflag:s0], $0x800;
	p3 =	slt.u32 @!p2 s5, $0xD1  }
0x654: {  	[sflag:s0] =	ssyncset.done $0x0;
	s2 =	simm.s32 @!p3 $0x0;
	p4 =	por @!p0 p3, p1  }
0x655: {  	[sflag:s0] =	ssyncadd.s32 $0xFFFFF800;
	s2 =	simm.s32 @p3 $0x1;
	p4 =	por p4, p0  }
0x656: {  	s0 =	simm.s32 @!p0 $0x2;
	[smem:$0x77D] =	sst s2;
	p5 =	slt.u32 @!p4 s5, $0xE1  }
0x657: {  	_ =	swait.ge @!p0 [sflag:s0], $0x800;
	s2 =	simm.s32 @!p5 $0x0  }
0x658: {  	[sflag:s0] =	ssyncset.done @!p0 $0x0;
	s2 =	simm.s32 @p5 $0x1  }
0x659: {  	[sflag:s0] =	ssyncadd.s32 @!p0 $0xFFFFF800;
	s0 =	simm.s32 @!p2 $0x2;
	[smem:$0x77C] =	sst s2  }
0x65a: {  	_ =	swait.ge @!p2 [sflag:s0], $0x800  }
0x65b: {  	[sflag:s0] =	ssyncset.done @!p2 $0x0  }
0x65c: {  	[sflag:s0] =	ssyncadd.s32 @!p2 $0xFFFFF800;
	s0 =	simm.s32 @!p4 $0x2  }
0x65d: {  	_ =	swait.ge @!p4 [sflag:s0], $0x800  }
0x65e: {  	p6 =	por @!p2 p5, p3;
	s30 =	sld [smem:$0x77C]  }
0x65f: {  	p6 =	por @!p0 p6, p1;
	s31 =	sld [smem:$0x77D]  }
0x660: {  	p6 =	por p6, p0  }
0x661: {  	p5 =	slt.u32 @!p6 s5, $0xF1;
	p3 =	seq.s32 s30, $0x1  }
0x662: {  	[sflag:s0] =	ssyncset.done @!p4 $0x0;
	p5 =	por @!p4 p5, p3;
	p3 =	seq.s32 s31, $0x1  }
0x663: {  	[sflag:s0] =	ssyncadd.s32 @!p4 $0xFFFFF800;
	s0 =	simm.s32 @!p6 $0x2;
	p2 =	por @!p2 p5, p3  }
0x664: {  	_ =	swait.ge @!p6 [sflag:s0], $0x800;
	p1 =	por @!p0 p2, p1  }
0x665: {  	[sflag:s0] =	ssyncset.done @!p6 $0x0;
	p0 =	por p1, p0  }
0x666: {  	[sflag:s0] =	ssyncadd.s32 @!p6 $0xFFFFF800;
	s0 =	simm.s32 @!p0 $0x2  }
0x667: {  	_ =	swait.ge @!p0 [sflag:s0], $0x800  }
0x668: {  	[sflag:s0] =	ssyncset.done @!p0 $0x0  }
0x669: {  	[sflag:s0] =	ssyncadd.s32 @!p0 $0xFFFFF800  }
.LBB2_22:
0x66a: {  	p0 =	slt.s32 s4, $0x1  }
0x66b: {  	s0 =	simm.s32 @!p0 $0x2  }
0x66c: {  	p1 =	slt.u32 @!p0 s4, $0x11;
	_ =	swait.ge @!p0 [sflag:s0], $0x800  }
0x66d: {  	p1 =	por p0, p1;
	[sflag:s0] =	ssyncset.done @!p0 $0x0  }
0x66e: {  	[sflag:s0] =	ssyncadd.s32 @!p0 $0xFFFFF800;
	s0 =	simm.s32 @!p1 $0x2  }
0x66f: {  	p0 =	slt.u32 @!p1 s4, $0x21;
	_ =	swait.ge @!p1 [sflag:s0], $0x800  }
0x670: {  	p0 =	por p1, p0;
	[sflag:s0] =	ssyncset.done @!p1 $0x0  }
0x671: {  	[sflag:s0] =	ssyncadd.s32 @!p1 $0xFFFFF800;
	s0 =	simm.s32 @!p0 $0x2  }
0x672: {  	p1 =	slt.u32 @!p0 s4, $0x31;
	_ =	swait.ge @!p0 [sflag:s0], $0x800  }
0x673: {  	p1 =	por p0, p1;
	[sflag:s0] =	ssyncset.done @!p0 $0x0  }
0x674: {  	[sflag:s0] =	ssyncadd.s32 @!p0 $0xFFFFF800;
	s0 =	simm.s32 @!p1 $0x2  }
0x675: {  	p0 =	slt.u32 @!p1 s4, $0x41;
	_ =	swait.ge @!p1 [sflag:s0], $0x800  }
0x676: {  	p0 =	por p1, p0;
	[sflag:s0] =	ssyncset.done @!p1 $0x0  }
0x677: {  	[sflag:s0] =	ssyncadd.s32 @!p1 $0xFFFFF800;
	s0 =	simm.s32 @!p0 $0x2  }
0x678: {  	p1 =	slt.u32 @!p0 s4, $0x51;
	_ =	swait.ge @!p0 [sflag:s0], $0x800  }
0x679: {  	p1 =	por p0, p1;
	[sflag:s0] =	ssyncset.done @!p0 $0x0  }
0x67a: {  	[sflag:s0] =	ssyncadd.s32 @!p0 $0xFFFFF800;
	s0 =	simm.s32 @!p1 $0x2  }
0x67b: {  	p0 =	slt.u32 @!p1 s4, $0x61;
	_ =	swait.ge @!p1 [sflag:s0], $0x800  }
0x67c: {  	p0 =	por p1, p0;
	[sflag:s0] =	ssyncset.done @!p1 $0x0  }
0x67d: {  	[sflag:s0] =	ssyncadd.s32 @!p1 $0xFFFFF800;
	s0 =	simm.s32 @!p0 $0x2  }
0x67e: {  	p1 =	slt.u32 @!p0 s4, $0x71;
	_ =	swait.ge @!p0 [sflag:s0], $0x800  }
0x67f: {  	p1 =	por p0, p1;
	[sflag:s0] =	ssyncset.done @!p0 $0x0  }
0x680: {  	[sflag:s0] =	ssyncadd.s32 @!p0 $0xFFFFF800;
	s0 =	simm.s32 @!p1 $0x2  }
0x681: {  	p0 =	slt.u32 @!p1 s4, $0x81;
	_ =	swait.ge @!p1 [sflag:s0], $0x800  }
0x682: {  	p0 =	por p1, p0;
	[sflag:s0] =	ssyncset.done @!p1 $0x0  }
0x683: {  	[sflag:s0] =	ssyncadd.s32 @!p1 $0xFFFFF800;
	s0 =	simm.s32 @!p0 $0x2  }
0x684: {  	p1 =	slt.u32 @!p0 s4, $0x91;
	_ =	swait.ge @!p0 [sflag:s0], $0x800  }
0x685: {  	p1 =	por p0, p1;
	[sflag:s0] =	ssyncset.done @!p0 $0x0  }
0x686: {  	[sflag:s0] =	ssyncadd.s32 @!p0 $0xFFFFF800;
	p0 =	slt.u32 @!p1 s4, $0xA1  }
0x687: {  	p0 =	por p1, p0  }
.Ltmp12:
0x688: {  	_ = 	snop;
	(pc) =	sbr.rel @p0 .LBB2_24-.Ltmp12, $4  }
0x689: {  	s0 =	simm.s32 @!p1 $0x2  }
0x68a: {  	_ =	swait.ge @!p1 [sflag:s0], $0x800  }
0x68b: {  	[sflag:s0] =	ssyncset.done @!p1 $0x0  }
0x68c: {  	[sflag:s0] =	ssyncadd.s32 @!p1 $0xFFFFF800  }
0x68d: {  	p0 =	slt.u32 s4, $0xB1  }
0x68e: {  	p1 =	slt.u32 @!p0 s4, $0xC1  }
0x68f: {  	s0 =	simm.s32 $0x2;
	p2 =	por p1, p0  }
0x690: {  	_ =	swait.ge [sflag:s0], $0x800;
	p3 =	slt.u32 @!p2 s4, $0xD1  }
0x691: {  	[sflag:s0] =	ssyncset.done $0x0;
	s2 =	simm.s32 @!p3 $0x0;
	p4 =	por @!p0 p3, p1  }
0x692: {  	[sflag:s0] =	ssyncadd.s32 $0xFFFFF800;
	s2 =	simm.s32 @p3 $0x1;
	p4 =	por p4, p0  }
0x693: {  	s0 =	simm.s32 @!p0 $0x2;
	[smem:$0x77B] =	sst s2;
	p5 =	slt.u32 @!p4 s4, $0xE1  }
0x694: {  	_ =	swait.ge @!p0 [sflag:s0], $0x800;
	s2 =	simm.s32 @!p5 $0x0  }
0x695: {  	[sflag:s0] =	ssyncset.done @!p0 $0x0;
	s2 =	simm.s32 @p5 $0x1  }
0x696: {  	[sflag:s0] =	ssyncadd.s32 @!p0 $0xFFFFF800;
	s0 =	simm.s32 @!p2 $0x2;
	[smem:$0x77A] =	sst s2  }
0x697: {  	_ =	swait.ge @!p2 [sflag:s0], $0x800  }
0x698: {  	[sflag:s0] =	ssyncset.done @!p2 $0x0  }
0x699: {  	[sflag:s0] =	ssyncadd.s32 @!p2 $0xFFFFF800;
	s0 =	simm.s32 @!p4 $0x2  }
0x69a: {  	_ =	swait.ge @!p4 [sflag:s0], $0x800  }
0x69b: {  	p6 =	por @!p2 p5, p3;
	s30 =	sld [smem:$0x77A]  }
0x69c: {  	p6 =	por @!p0 p6, p1;
	s31 =	sld [smem:$0x77B]  }
0x69d: {  	p6 =	por p6, p0  }
0x69e: {  	p5 =	slt.u32 @!p6 s4, $0xF1;
	p3 =	seq.s32 s30, $0x1  }
0x69f: {  	[sflag:s0] =	ssyncset.done @!p4 $0x0;
	p5 =	por @!p4 p5, p3;
	p3 =	seq.s32 s31, $0x1  }
0x6a0: {  	[sflag:s0] =	ssyncadd.s32 @!p4 $0xFFFFF800;
	s0 =	simm.s32 @!p6 $0x2;
	p2 =	por @!p2 p5, p3  }
0x6a1: {  	_ =	swait.ge @!p6 [sflag:s0], $0x800;
	p1 =	por @!p0 p2, p1  }
0x6a2: {  	[sflag:s0] =	ssyncset.done @!p6 $0x0;
	p0 =	por p1, p0  }
0x6a3: {  	[sflag:s0] =	ssyncadd.s32 @!p6 $0xFFFFF800;
	s0 =	simm.s32 @!p0 $0x2  }
0x6a4: {  	_ =	swait.ge @!p0 [sflag:s0], $0x800  }
0x6a5: {  	[sflag:s0] =	ssyncset.done @!p0 $0x0  }
0x6a6: {  	[sflag:s0] =	ssyncadd.s32 @!p0 $0xFFFFF800  }
.LBB2_24:
0x6a7: {  	s17 =	sshll.u32 s1, $0x1  }
0x6a8: {  	s0 =	smax.u32 s17, $0x1  }
0x6a9: {  	s19 =	simm.s32 $0x0;
	s0 =	sshll.u32 s0, $0x8  }
0x6aa: {  	s20 =	sand.u32 $0x80, s19;
	s18 =	sadd.s32 $0xFFFFFF00, s0  }
0x6ab: {  	s1 =	sand.u32 $0x70, s19;
	s0 =	sadd.s32 s20, s18  }
0x6ac: {  	s0 =	sadd.s32 s1, s0  }
0x6ad: {  	v2 =	vld [tilespmem:s0+$0x0];
	_ =	sdelay $0x4  }
0x6ae: {  	v3 =	vand.u32 $0x3, v2;
	_ =	sdelay $0x2  }
0x6af: {  	s19 =	simm.s32 $0x2600  }
0x6b0: {  	s21 =	rddreg [dreg:$0x3];
	v4 =	vld [tilespmem:s19+$0x0]  }
0x6b1: {  	v3 =	vld.idx.msk [tilespmem:v3+s21+$0x0], $0xffff;
	_ =	sdelay $0x4  }
0x6b2: {  	v3 =	vadd.s32 v4, v3  }
0x6b3: {  	vm3 =	vgt.s32 v3, $0x0  }
0x6b4: {  	v2 =	vshll.u32 v2, $0x3;
	v3 =	vnsel vm3, $0x0, v3  }
0x6b5: {  	v2 =	vand.u32 $0x60, v2;
	v3 =	vmin.u32 v3, $0x13F  }
0x6b6: {  	(v2sf) =	vpush v2, $0x0;
	v3 =	vshll.u32 v3, $0x7  }
0x6b7: {  	(v2sf) =	vpush v3, $0x0  }
0x6b8: {  	(v2sf) =	vpush v3, $0x1  }
0x6b9: {  	(v2sf) =	vpush v3, $0x2  }
0x6ba: {  	(v2sf) =	vpush v3, $0x3  }
0x6bb: {  	(v2sf) =	vpush v3, $0x4  }
0x6bc: {  	(v2sf) =	vpush v3, $0x5  }
0x6bd: {  	(v2sf) =	vpush v3, $0x6  }
0x6be: {  	(v2sf) =	vpush v3, $0x7  }
0x6bf: {  	(v2sf) =	vpush v3, $0x8  }
0x6c0: {  	(v2sf) =	vpush v3, $0x9  }
0x6c1: {  	(v2sf) =	vpush v3, $0xA  }
0x6c2: {  	(v2sf) =	vpush v3, $0xB  }
0x6c3: {  	(v2sf) =	vpush v2, $0x1;
	_ =	sdelay $0x1  }
0x6c4: {  	s22 =	spop (v2sf)  }
0x6c5: {  	s28 =	spop (v2sf)  }
0x6c6: {  	s0 =	sor.u32 s22, s28;
	s29 =	spop (v2sf)  }
0x6c7: {  	v63 =	vld [tilespmem:s0+$0xC800];
	s7 =	spop (v2sf)  }
0x6c8: {  	s8 =	spop (v2sf)  }
0x6c9: {  	s10 =	spop (v2sf)  }
0x6ca: {  	(v2sf) =	vpush v3, $0xC;
	s11 =	spop (v2sf)  }
0x6cb: {  	s21 =	simm.s32 $0x16900;
	(v2sf) =	vpush v3, $0xD;
	s16 =	spop (v2sf)  }
0x6cc: {  	(v2sf) =	vpush v3, $0xE;
	[tilespmem:s21+$0xFFFFFF00] =	vst v63;
	s20 =	spop (v2sf)  }
0x6cd: {  	(v2sf) =	vpush v3, $0xF;
	v3 =	vld [tilespmem:s0+$0xC810];
	s22 =	spop (v2sf)  }
0x6ce: {  	(v2sf) =	vpush v2, $0x2;
	s6 =	spop (v2sf)  }
0x6cf: {  	s5 =	spop (v2sf)  }
0x6d0: {  	s4 =	spop (v2sf)  }
0x6d1: {  	s30 =	spop (v2sf)  }
0x6d2: {  	[tilespmem:s21+$0xFFFFFF10] =	vst v3;
	s0 =	sor.u32 s30, s29  }
0x6d3: {  	v3 =	vld [tilespmem:s0+$0xC800];
	_ =	sdelay $0x4  }
0x6d4: {  	[tilespmem:s21+$0xFFFFFF20] =	vst v3  }
0x6d5: {  	s3 =	spop (v2sf);
	v3 =	vld [tilespmem:s0+$0xC810]  }
0x6d6: {  	(v2sf) =	vpush v2, $0x3;
	s2 =	spop (v2sf)  }
0x6d7: {  	s1 =	spop (v2sf)  }
0x6d8: {  	s0 =	spop (v2sf)  }
0x6d9: {  	s28 =	spop (v2sf)  }
0x6da: {  	s7 =	sor.u32 s28, s7;
	[tilespmem:s21+$0xFFFFFF30] =	vst v3  }
0x6db: {  	v3 =	vld [tilespmem:s7+$0xC800];
	_ =	sdelay $0x4  }
0x6dc: {  	[tilespmem:s21+$0xFFFFFF40] =	vst v3  }
0x6dd: {  	v3 =	vld [tilespmem:s7+$0xC810]  }
0x6de: {  	(v2sf) =	vpush v2, $0x4;
	_ =	sdelay $0x2  }
0x6df: {  	s31 =	spop (v2sf)  }
0x6e0: {  	s7 =	sor.u32 s31, s8;
	[tilespmem:s21+$0xFFFFFF50] =	vst v3  }
0x6e1: {  	v3 =	vld [tilespmem:s7+$0xC800];
	_ =	sdelay $0x4  }
0x6e2: {  	[tilespmem:s21+$0xFFFFFF60] =	vst v3  }
0x6e3: {  	v3 =	vld [tilespmem:s7+$0xC810]  }
0x6e4: {  	(v2sf) =	vpush v2, $0x5;
	_ =	sdelay $0x2  }
0x6e5: {  	s8 =	spop (v2sf)  }
0x6e6: {  	s7 =	sor.u32 s8, s10;
	[tilespmem:s21+$0xFFFFFF70] =	vst v3  }
0x6e7: {  	v3 =	vld [tilespmem:s7+$0xC800];
	_ =	sdelay $0x4  }
0x6e8: {  	[tilespmem:s21+$0xFFFFFF80] =	vst v3  }
0x6e9: {  	v3 =	vld [tilespmem:s7+$0xC810]  }
0x6ea: {  	(v2sf) =	vpush v2, $0x6;
	_ =	sdelay $0x2  }
0x6eb: {  	s10 =	spop (v2sf)  }
0x6ec: {  	s7 =	sor.u32 s10, s11;
	[tilespmem:s21+$0xFFFFFF90] =	vst v3  }
0x6ed: {  	v3 =	vld [tilespmem:s7+$0xC800];
	_ =	sdelay $0x4  }
0x6ee: {  	[tilespmem:s21+$0xFFFFFFA0] =	vst v3  }
0x6ef: {  	v3 =	vld [tilespmem:s7+$0xC810]  }
0x6f0: {  	(v2sf) =	vpush v2, $0x7;
	_ =	sdelay $0x2  }
0x6f1: {  	s11 =	spop (v2sf)  }
0x6f2: {  	s7 =	sor.u32 s11, s16;
	[tilespmem:s21+$0xFFFFFFB0] =	vst v3  }
0x6f3: {  	v3 =	vld [tilespmem:s7+$0xC800];
	_ =	sdelay $0x4  }
0x6f4: {  	[tilespmem:s21+$0xFFFFFFC0] =	vst v3  }
0x6f5: {  	v3 =	vld [tilespmem:s7+$0xC810]  }
0x6f6: {  	(v2sf) =	vpush v2, $0x8;
	_ =	sdelay $0x2  }
0x6f7: {  	s28 =	spop (v2sf)  }
0x6f8: {  	s7 =	sor.u32 s28, s20;
	[tilespmem:s21+$0xFFFFFFD0] =	vst v3  }
0x6f9: {  	v3 =	vld [tilespmem:s7+$0xC800];
	_ =	sdelay $0x4  }
0x6fa: {  	[tilespmem:s21+$0xFFFFFFE0] =	vst v3  }
0x6fb: {  	v3 =	vld [tilespmem:s7+$0xC810]  }
0x6fc: {  	(v2sf) =	vpush v2, $0x9;
	_ =	sdelay $0x2  }
0x6fd: {  	s29 =	spop (v2sf)  }
0x6fe: {  	s7 =	sor.u32 s29, s22;
	[tilespmem:s21+$0xFFFFFFF0] =	vst v3  }
0x6ff: {  	v3 =	vld [tilespmem:s7+$0xC800];
	_ =	sdelay $0x4  }
0x700: {  	[tilespmem:s21+$0x0] =	vst v3  }
0x701: {  	v3 =	vld [tilespmem:s7+$0xC810]  }
0x702: {  	(v2sf) =	vpush v2, $0xA;
	_ =	sdelay $0x2  }
0x703: {  	s30 =	spop (v2sf)  }
0x704: {  	s6 =	sor.u32 s30, s6;
	[tilespmem:s21+$0x10] =	vst v3  }
0x705: {  	v3 =	vld [tilespmem:s6+$0xC800];
	_ =	sdelay $0x4  }
0x706: {  	[tilespmem:s21+$0x20] =	vst v3  }
0x707: {  	v3 =	vld [tilespmem:s6+$0xC810]  }
0x708: {  	(v2sf) =	vpush v2, $0xB;
	_ =	sdelay $0x2  }
0x709: {  	s31 =	spop (v2sf)  }
0x70a: {  	s5 =	sor.u32 s31, s5;
	[tilespmem:s21+$0x30] =	vst v3  }
0x70b: {  	v3 =	vld [tilespmem:s5+$0xC800];
	_ =	sdelay $0x4  }
0x70c: {  	[tilespmem:s21+$0x40] =	vst v3  }
0x70d: {  	v3 =	vld [tilespmem:s5+$0xC810]  }
0x70e: {  	(v2sf) =	vpush v2, $0xC;
	_ =	sdelay $0x2  }
0x70f: {  	s7 =	spop (v2sf)  }
0x710: {  	s4 =	sor.u32 s7, s4;
	[tilespmem:s21+$0x50] =	vst v3  }
0x711: {  	v3 =	vld [tilespmem:s4+$0xC800];
	_ =	sdelay $0x4  }
0x712: {  	[tilespmem:s21+$0x60] =	vst v3  }
0x713: {  	v3 =	vld [tilespmem:s4+$0xC810]  }
0x714: {  	(v2sf) =	vpush v2, $0xD;
	_ =	sdelay $0x2  }
0x715: {  	s8 =	spop (v2sf)  }
0x716: {  	s3 =	sor.u32 s8, s3;
	[tilespmem:s21+$0x70] =	vst v3  }
0x717: {  	v3 =	vld [tilespmem:s3+$0xC800];
	_ =	sdelay $0x4  }
0x718: {  	[tilespmem:s21+$0x80] =	vst v3  }
0x719: {  	v3 =	vld [tilespmem:s3+$0xC810]  }
0x71a: {  	(v2sf) =	vpush v2, $0xE;
	_ =	sdelay $0x2  }
0x71b: {  	s10 =	spop (v2sf)  }
0x71c: {  	s2 =	sor.u32 s10, s2;
	[tilespmem:s21+$0x90] =	vst v3  }
0x71d: {  	v3 =	vld [tilespmem:s2+$0xC800];
	_ =	sdelay $0x4  }
0x71e: {  	[tilespmem:s21+$0xA0] =	vst v3  }
0x71f: {  	v3 =	vld [tilespmem:s2+$0xC810]  }
0x720: {  	(v2sf) =	vpush v2, $0xF;
	_ =	sdelay $0x2  }
0x721: {  	s11 =	spop (v2sf)  }
0x722: {  	s1 =	sor.u32 s11, s1;
	[tilespmem:s21+$0xB0] =	vst v3  }
0x723: {  	v2 =	vld [tilespmem:s1+$0xC800];
	_ =	sdelay $0x4  }
0x724: {  	[tilespmem:s21+$0xC0] =	vst v2  }
0x725: {  	v2 =	vld [tilespmem:s1+$0xC810];
	_ =	sdelay $0x3  }
0x726: {  	s16 =	spop (v2sf)  }
0x727: {  	s30 =	sld [smem:$0x7BE];
	s1 =	sor.u32 s16, s0;
	[tilespmem:s21+$0xD0] =	vst v2  }
0x728: {  	s28 =	sld [smem:$0x7FD];
	v2 =	vld [tilespmem:s1+$0xC800]  }
0x729: {  	s31 =	sld [smem:$0x79F]  }
0x72a: {  	s29 =	sld [smem:$0x7DE]  }
0x72b: {  	s20 =	simm.s32 $0x10  }
0x72c: {  	p4 =	seq.s32 s30, $0x1;
	p2 =	seq.s32 s28, $0x1;
	s22 =	sand.u32 $0x80, s20  }
0x72d: {  	p5 =	seq.s32 s31, $0x1;
	p3 =	seq.s32 s29, $0x1;
	s2 =	sadd.s32 s22, s18;
	[tilespmem:s21+$0xE0] =	vst v2  }
0x72e: {  	s0 =	simm.s32 $0x20;
	v2 =	vld [tilespmem:s1+$0xC810];
	s1 =	sand.u32 $0x70, s20;
	s20 =	simm.s32 $0x16B00  }
.LBB2_25:
0x72f: {  	_ =	sdelay $0x3  }
0x730: {  	s1 =	sadd.s32 s1, s2;
	[tilespmem:s21+$0xF0] =	vst v2  }
0x731: {  	v2 =	vld [tilespmem:s1+$0x0];
	_ =	sdelay $0x4  }
0x732: {  	v3 =	vand.u32 $0x3, v2;
	_ =	sdelay $0x2  }
0x733: {  	s19 =	sadd.s32 $0x10, s19  }
0x734: {  	s31 =	rddreg [dreg:$0x3];
	v4 =	vld [tilespmem:s19+$0x0]  }
0x735: {  	v3 =	vld.idx.msk [tilespmem:v3+s31+$0x0], $0xffff;
	_ =	sdelay $0x4  }
0x736: {  	v3 =	vadd.s32 v4, v3  }
0x737: {  	vm3 =	vgt.s32 v3, $0x0  }
0x738: {  	v2 =	vshll.u32 v2, $0x3;
	v3 =	vnsel vm3, $0x0, v3  }
0x739: {  	v2 =	vand.u32 $0x60, v2;
	v3 =	vmin.u32 v3, $0x13F  }
0x73a: {  	(v2sf) =	vpush v2, $0x0;
	v3 =	vshll.u32 v3, $0x7  }
0x73b: {  	(v2sf) =	vpush v3, $0x0  }
0x73c: {  	(v2sf) =	vpush v3, $0x1  }
0x73d: {  	(v2sf) =	vpush v3, $0x2  }
0x73e: {  	(v2sf) =	vpush v3, $0x3  }
0x73f: {  	(v2sf) =	vpush v3, $0x4  }
0x740: {  	(v2sf) =	vpush v3, $0x5  }
0x741: {  	(v2sf) =	vpush v3, $0x6  }
0x742: {  	(v2sf) =	vpush v3, $0x7  }
0x743: {  	(v2sf) =	vpush v3, $0x8  }
0x744: {  	(v2sf) =	vpush v3, $0x9  }
0x745: {  	(v2sf) =	vpush v3, $0xA  }
0x746: {  	(v2sf) =	vpush v3, $0xB  }
0x747: {  	(v2sf) =	vpush v2, $0x1;
	_ =	sdelay $0x1  }
0x748: {  	s1 =	spop (v2sf);
	(v2sf) =	vpush v3, $0xC  }
0x749: {  	s29 =	smov.u32 s0;
	s28 =	sadd.s32 $0x10, s0;
	(v2sf) =	vpush v3, $0xD;
	s2 =	spop (v2sf)  }
0x74a: {  	p6 =	sne.s32 s0, $0xF0;
	(v2sf) =	vpush v3, $0xE;
	s0 =	sor.u32 s1, s2;
	s3 =	spop (v2sf)  }
0x74b: {  	(v2sf) =	vpush v3, $0xF;
	v3 =	vld [tilespmem:s0+$0xC800];
	s8 =	spop (v2sf)  }
0x74c: {  	s7 =	spop (v2sf)  }
0x74d: {  	s6 =	spop (v2sf)  }
0x74e: {  	s5 =	spop (v2sf)  }
0x74f: {  	s10 =	spop (v2sf)  }
0x750: {  	[tilespmem:s20+$0xFFFFFF00] =	vst v3;
	s22 =	spop (v2sf)  }
0x751: {  	v3 =	vld [tilespmem:s0+$0xC810];
	s16 =	spop (v2sf)  }
0x752: {  	(v2sf) =	vpush v2, $0x2;
	s4 =	spop (v2sf)  }
0x753: {  	s11 =	spop (v2sf)  }
0x754: {  	s2 =	spop (v2sf)  }
0x755: {  	s30 =	spop (v2sf)  }
0x756: {  	[tilespmem:s20+$0xFFFFFF10] =	vst v3;
	s31 =	sor.u32 s30, s3  }
0x757: {  	v3 =	vld [tilespmem:s31+$0xC800];
	_ =	sdelay $0x3  }
0x758: {  	s3 =	spop (v2sf)  }
0x759: {  	s0 =	spop (v2sf);
	[tilespmem:s20+$0xFFFFFF20] =	vst v3  }
0x75a: {  	s30 =	spop (v2sf);
	v3 =	vld [tilespmem:s31+$0xC810]  }
0x75b: {  	s1 =	spop (v2sf);
	(v2sf) =	vpush v2, $0x3;
	_ =	sdelay $0x2  }
0x75c: {  	s31 =	spop (v2sf)  }
0x75d: {  	s8 =	sor.u32 s31, s8;
	[tilespmem:s20+$0xFFFFFF30] =	vst v3  }
0x75e: {  	v3 =	vld [tilespmem:s8+$0xC800];
	_ =	sdelay $0x4  }
0x75f: {  	[tilespmem:s20+$0xFFFFFF40] =	vst v3  }
0x760: {  	v3 =	vld [tilespmem:s8+$0xC810]  }
0x761: {  	(v2sf) =	vpush v2, $0x4;
	_ =	sdelay $0x2  }
0x762: {  	s31 =	spop (v2sf)  }
0x763: {  	s7 =	sor.u32 s31, s7;
	[tilespmem:s20+$0xFFFFFF50] =	vst v3  }
0x764: {  	v3 =	vld [tilespmem:s7+$0xC800];
	_ =	sdelay $0x4  }
0x765: {  	[tilespmem:s20+$0xFFFFFF60] =	vst v3  }
0x766: {  	v3 =	vld [tilespmem:s7+$0xC810]  }
0x767: {  	(v2sf) =	vpush v2, $0x5;
	_ =	sdelay $0x2  }
0x768: {  	s31 =	spop (v2sf)  }
0x769: {  	s6 =	sor.u32 s31, s6;
	[tilespmem:s20+$0xFFFFFF70] =	vst v3  }
0x76a: {  	v3 =	vld [tilespmem:s6+$0xC800];
	_ =	sdelay $0x4  }
0x76b: {  	[tilespmem:s20+$0xFFFFFF80] =	vst v3  }
0x76c: {  	v3 =	vld [tilespmem:s6+$0xC810]  }
0x76d: {  	(v2sf) =	vpush v2, $0x6;
	_ =	sdelay $0x2  }
0x76e: {  	s7 =	spop (v2sf)  }
0x76f: {  	s5 =	sor.u32 s7, s5;
	[tilespmem:s20+$0xFFFFFF90] =	vst v3  }
0x770: {  	v3 =	vld [tilespmem:s5+$0xC800];
	_ =	sdelay $0x4  }
0x771: {  	[tilespmem:s20+$0xFFFFFFA0] =	vst v3  }
0x772: {  	v3 =	vld [tilespmem:s5+$0xC810]  }
0x773: {  	(v2sf) =	vpush v2, $0x7;
	_ =	sdelay $0x2  }
0x774: {  	s8 =	spop (v2sf)  }
0x775: {  	s5 =	sor.u32 s8, s10;
	[tilespmem:s20+$0xFFFFFFB0] =	vst v3  }
0x776: {  	v3 =	vld [tilespmem:s5+$0xC800];
	_ =	sdelay $0x4  }
0x777: {  	[tilespmem:s20+$0xFFFFFFC0] =	vst v3  }
0x778: {  	v3 =	vld [tilespmem:s5+$0xC810]  }
0x779: {  	(v2sf) =	vpush v2, $0x8;
	_ =	sdelay $0x2  }
0x77a: {  	s31 =	spop (v2sf)  }
0x77b: {  	s5 =	sor.u32 s31, s22;
	[tilespmem:s20+$0xFFFFFFD0] =	vst v3  }
0x77c: {  	v3 =	vld [tilespmem:s5+$0xC800];
	_ =	sdelay $0x4  }
0x77d: {  	[tilespmem:s20+$0xFFFFFFE0] =	vst v3  }
0x77e: {  	v3 =	vld [tilespmem:s5+$0xC810]  }
0x77f: {  	(v2sf) =	vpush v2, $0x9;
	_ =	sdelay $0x2  }
0x780: {  	s6 =	spop (v2sf)  }
0x781: {  	s5 =	sor.u32 s6, s16;
	[tilespmem:s20+$0xFFFFFFF0] =	vst v3  }
0x782: {  	v3 =	vld [tilespmem:s5+$0xC800];
	_ =	sdelay $0x4  }
0x783: {  	[tilespmem:s20+$0x0] =	vst v3  }
0x784: {  	v3 =	vld [tilespmem:s5+$0xC810]  }
0x785: {  	(v2sf) =	vpush v2, $0xA;
	_ =	sdelay $0x2  }
0x786: {  	s7 =	spop (v2sf)  }
0x787: {  	s4 =	sor.u32 s7, s4;
	[tilespmem:s20+$0x10] =	vst v3  }
0x788: {  	v3 =	vld [tilespmem:s4+$0xC800];
	_ =	sdelay $0x4  }
0x789: {  	[tilespmem:s20+$0x20] =	vst v3  }
0x78a: {  	v3 =	vld [tilespmem:s4+$0xC810]  }
0x78b: {  	(v2sf) =	vpush v2, $0xB;
	_ =	sdelay $0x2  }
0x78c: {  	s8 =	spop (v2sf)  }
0x78d: {  	s4 =	sor.u32 s8, s11;
	[tilespmem:s20+$0x30] =	vst v3  }
0x78e: {  	v3 =	vld [tilespmem:s4+$0xC800];
	_ =	sdelay $0x4  }
0x78f: {  	[tilespmem:s20+$0x40] =	vst v3  }
0x790: {  	v3 =	vld [tilespmem:s4+$0xC810]  }
0x791: {  	(v2sf) =	vpush v2, $0xC;
	_ =	sdelay $0x2  }
0x792: {  	s10 =	spop (v2sf)  }
0x793: {  	s2 =	sor.u32 s10, s2;
	[tilespmem:s20+$0x50] =	vst v3  }
0x794: {  	v3 =	vld [tilespmem:s2+$0xC800];
	_ =	sdelay $0x4  }
0x795: {  	[tilespmem:s20+$0x60] =	vst v3  }
0x796: {  	v3 =	vld [tilespmem:s2+$0xC810]  }
0x797: {  	(v2sf) =	vpush v2, $0xD;
	_ =	sdelay $0x2  }
0x798: {  	s11 =	spop (v2sf)  }
0x799: {  	s2 =	sor.u32 s11, s3;
	[tilespmem:s20+$0x70] =	vst v3  }
0x79a: {  	v3 =	vld [tilespmem:s2+$0xC800];
	_ =	sdelay $0x4  }
0x79b: {  	[tilespmem:s20+$0x80] =	vst v3  }
0x79c: {  	v3 =	vld [tilespmem:s2+$0xC810]  }
0x79d: {  	(v2sf) =	vpush v2, $0xE;
	_ =	sdelay $0x2  }
0x79e: {  	s16 =	spop (v2sf)  }
0x79f: {  	s0 =	sor.u32 s16, s0;
	[tilespmem:s20+$0x90] =	vst v3  }
0x7a0: {  	v3 =	vld [tilespmem:s0+$0xC800];
	_ =	sdelay $0x4  }
0x7a1: {  	[tilespmem:s20+$0xA0] =	vst v3  }
0x7a2: {  	v3 =	vld [tilespmem:s0+$0xC810]  }
0x7a3: {  	(v2sf) =	vpush v2, $0xF;
	_ =	sdelay $0x2  }
0x7a4: {  	s22 =	spop (v2sf)  }
0x7a5: {  	s0 =	sor.u32 s22, s30;
	[tilespmem:s20+$0xB0] =	vst v3  }
0x7a6: {  	v2 =	vld [tilespmem:s0+$0xC800];
	_ =	sdelay $0x4  }
0x7a7: {  	[tilespmem:s20+$0xC0] =	vst v2  }
0x7a8: {  	v2 =	vld [tilespmem:s0+$0xC810];
	_ =	sdelay $0x3  }
0x7a9: {  	s30 =	spop (v2sf)  }
0x7aa: {  	s0 =	sor.u32 s30, s1;
	[tilespmem:s20+$0xD0] =	vst v2  }
0x7ab: {  	v2 =	vld [tilespmem:s0+$0xC800];
	_ =	sdelay $0x1  }
.Ltmp13:
0x7ac: {  	_ = 	snop;
	(pc) =	sbr.rel @p6 .LBB2_25-.Ltmp13, $4  }
0x7ad: {  	_ = 	snop  }
0x7ae: {  	s31 =	sand.u32 $0x80, s29  }
0x7af: {  	s21 =	smov.u32 s20;
	s2 =	sadd.s32 s31, s18;
	[tilespmem:s20+$0xE0] =	vst v2  }
0x7b0: {  	s1 =	sand.u32 $0x70, s29;
	s20 =	sadd.s32 $0x200, s20;
	v2 =	vld [tilespmem:s0+$0xC810];
	s0 =	smov.u32 s28  }
0x7b1: {  	_ =	sdelay $0x3  }
0x7b2: {  	s0 =	sadd.s32 s1, s2;
	[tilespmem:s21+$0xF0] =	vst v2  }
0x7b3: {  	v2 =	vld [tilespmem:s0+$0x0];
	_ =	sdelay $0x4  }
0x7b4: {  	v3 =	vand.u32 $0x3, v2;
	_ =	sdelay $0x2  }
0x7b5: {  	s19 =	sadd.s32 $0x10, s19  }
0x7b6: {  	s16 =	rddreg [dreg:$0x3];
	v4 =	vld [tilespmem:s19+$0x0]  }
0x7b7: {  	v3 =	vld.idx.msk [tilespmem:v3+s16+$0x0], $0xffff;
	_ =	sdelay $0x4  }
0x7b8: {  	v3 =	vadd.s32 v4, v3  }
0x7b9: {  	vm3 =	vgt.s32 v3, $0x0  }
0x7ba: {  	v2 =	vshll.u32 v2, $0x3;
	v3 =	vnsel vm3, $0x0, v3  }
0x7bb: {  	v2 =	vand.u32 $0x60, v2;
	v3 =	vmin.u32 v3, $0x13F  }
0x7bc: {  	(v2sf) =	vpush v2, $0x0;
	v3 =	vshll.u32 v3, $0x7  }
0x7bd: {  	(v2sf) =	vpush v3, $0x0  }
0x7be: {  	(v2sf) =	vpush v3, $0x1  }
0x7bf: {  	(v2sf) =	vpush v3, $0x2  }
0x7c0: {  	(v2sf) =	vpush v3, $0x3  }
0x7c1: {  	(v2sf) =	vpush v3, $0x4  }
0x7c2: {  	(v2sf) =	vpush v3, $0x5  }
0x7c3: {  	(v2sf) =	vpush v3, $0x6  }
0x7c4: {  	(v2sf) =	vpush v3, $0x7  }
0x7c5: {  	(v2sf) =	vpush v3, $0x8  }
0x7c6: {  	(v2sf) =	vpush v3, $0x9  }
0x7c7: {  	(v2sf) =	vpush v3, $0xA  }
0x7c8: {  	(v2sf) =	vpush v3, $0xB  }
0x7c9: {  	(v2sf) =	vpush v2, $0x1;
	_ =	sdelay $0x1  }
0x7ca: {  	s21 =	spop (v2sf)  }
0x7cb: {  	s22 =	spop (v2sf)  }
0x7cc: {  	s0 =	sor.u32 s21, s22;
	s28 =	spop (v2sf)  }
0x7cd: {  	v4 =	vld [tilespmem:s0+$0xC800];
	s7 =	spop (v2sf)  }
0x7ce: {  	s8 =	spop (v2sf)  }
0x7cf: {  	s10 =	spop (v2sf)  }
0x7d0: {  	(v2sf) =	vpush v3, $0xC;
	s11 =	spop (v2sf)  }
0x7d1: {  	(v2sf) =	vpush v3, $0xD;
	s16 =	spop (v2sf)  }
0x7d2: {  	(v2sf) =	vpush v3, $0xE;
	[tilespmem:s20+$0xFFFFFF00] =	vst v4;
	s29 =	spop (v2sf)  }
0x7d3: {  	(v2sf) =	vpush v3, $0xF;
	v3 =	vld [tilespmem:s0+$0xC810];
	s21 =	spop (v2sf)  }
0x7d4: {  	(v2sf) =	vpush v2, $0x2;
	s6 =	spop (v2sf)  }
0x7d5: {  	s5 =	spop (v2sf)  }
0x7d6: {  	s4 =	spop (v2sf)  }
0x7d7: {  	s30 =	spop (v2sf)  }
0x7d8: {  	[tilespmem:s20+$0xFFFFFF10] =	vst v3;
	s0 =	sor.u32 s30, s28  }
0x7d9: {  	v3 =	vld [tilespmem:s0+$0xC800];
	_ =	sdelay $0x4  }
0x7da: {  	[tilespmem:s20+$0xFFFFFF20] =	vst v3  }
0x7db: {  	s3 =	spop (v2sf);
	v3 =	vld [tilespmem:s0+$0xC810]  }
0x7dc: {  	(v2sf) =	vpush v2, $0x3;
	s2 =	spop (v2sf)  }
0x7dd: {  	s1 =	spop (v2sf)  }
0x7de: {  	s0 =	spop (v2sf)  }
0x7df: {  	s22 =	spop (v2sf)  }
0x7e0: {  	s7 =	sor.u32 s22, s7;
	[tilespmem:s20+$0xFFFFFF30] =	vst v3  }
0x7e1: {  	v3 =	vld [tilespmem:s7+$0xC800];
	_ =	sdelay $0x4  }
0x7e2: {  	[tilespmem:s20+$0xFFFFFF40] =	vst v3  }
0x7e3: {  	v3 =	vld [tilespmem:s7+$0xC810]  }
0x7e4: {  	(v2sf) =	vpush v2, $0x4;
	_ =	sdelay $0x2  }
0x7e5: {  	s31 =	spop (v2sf)  }
0x7e6: {  	s7 =	sor.u32 s31, s8;
	[tilespmem:s20+$0xFFFFFF50] =	vst v3  }
0x7e7: {  	v3 =	vld [tilespmem:s7+$0xC800];
	_ =	sdelay $0x4  }
0x7e8: {  	[tilespmem:s20+$0xFFFFFF60] =	vst v3  }
0x7e9: {  	v3 =	vld [tilespmem:s7+$0xC810]  }
0x7ea: {  	(v2sf) =	vpush v2, $0x5;
	_ =	sdelay $0x2  }
0x7eb: {  	s8 =	spop (v2sf)  }
0x7ec: {  	s7 =	sor.u32 s8, s10;
	[tilespmem:s20+$0xFFFFFF70] =	vst v3  }
0x7ed: {  	v3 =	vld [tilespmem:s7+$0xC800];
	_ =	sdelay $0x4  }
0x7ee: {  	[tilespmem:s20+$0xFFFFFF80] =	vst v3  }
0x7ef: {  	v3 =	vld [tilespmem:s7+$0xC810]  }
0x7f0: {  	(v2sf) =	vpush v2, $0x6;
	_ =	sdelay $0x2  }
0x7f1: {  	s10 =	spop (v2sf)  }
0x7f2: {  	s7 =	sor.u32 s10, s11;
	[tilespmem:s20+$0xFFFFFF90] =	vst v3  }
0x7f3: {  	v3 =	vld [tilespmem:s7+$0xC800];
	_ =	sdelay $0x4  }
0x7f4: {  	[tilespmem:s20+$0xFFFFFFA0] =	vst v3  }
0x7f5: {  	v3 =	vld [tilespmem:s7+$0xC810]  }
0x7f6: {  	(v2sf) =	vpush v2, $0x7;
	_ =	sdelay $0x2  }
0x7f7: {  	s22 =	spop (v2sf)  }
0x7f8: {  	s7 =	sor.u32 s22, s16;
	[tilespmem:s20+$0xFFFFFFB0] =	vst v3  }
0x7f9: {  	v3 =	vld [tilespmem:s7+$0xC800];
	_ =	sdelay $0x4  }
0x7fa: {  	[tilespmem:s20+$0xFFFFFFC0] =	vst v3  }
0x7fb: {  	v3 =	vld [tilespmem:s7+$0xC810]  }
0x7fc: {  	(v2sf) =	vpush v2, $0x8;
	_ =	sdelay $0x2  }
0x7fd: {  	s28 =	spop (v2sf)  }
0x7fe: {  	s7 =	sor.u32 s28, s29;
	[tilespmem:s20+$0xFFFFFFD0] =	vst v3  }
0x7ff: {  	v3 =	vld [tilespmem:s7+$0xC800];
	_ =	sdelay $0x4  }
0x800: {  	[tilespmem:s20+$0xFFFFFFE0] =	vst v3  }
0x801: {  	v3 =	vld [tilespmem:s7+$0xC810]  }
0x802: {  	(v2sf) =	vpush v2, $0x9;
	_ =	sdelay $0x2  }
0x803: {  	s29 =	spop (v2sf)  }
0x804: {  	s7 =	sor.u32 s29, s21;
	[tilespmem:s20+$0xFFFFFFF0] =	vst v3  }
0x805: {  	v3 =	vld [tilespmem:s7+$0xC800];
	_ =	sdelay $0x4  }
0x806: {  	[tilespmem:s20+$0x0] =	vst v3  }
0x807: {  	v3 =	vld [tilespmem:s7+$0xC810]  }
0x808: {  	(v2sf) =	vpush v2, $0xA;
	_ =	sdelay $0x2  }
0x809: {  	s30 =	spop (v2sf)  }
0x80a: {  	s6 =	sor.u32 s30, s6;
	[tilespmem:s20+$0x10] =	vst v3  }
0x80b: {  	v3 =	vld [tilespmem:s6+$0xC800];
	_ =	sdelay $0x4  }
0x80c: {  	[tilespmem:s20+$0x20] =	vst v3  }
0x80d: {  	v3 =	vld [tilespmem:s6+$0xC810]  }
0x80e: {  	(v2sf) =	vpush v2, $0xB;
	_ =	sdelay $0x2  }
0x80f: {  	s31 =	spop (v2sf)  }
0x810: {  	s5 =	sor.u32 s31, s5;
	[tilespmem:s20+$0x30] =	vst v3  }
0x811: {  	v3 =	vld [tilespmem:s5+$0xC800];
	_ =	sdelay $0x4  }
0x812: {  	[tilespmem:s20+$0x40] =	vst v3  }
0x813: {  	v3 =	vld [tilespmem:s5+$0xC810]  }
0x814: {  	(v2sf) =	vpush v2, $0xC;
	_ =	sdelay $0x2  }
0x815: {  	s7 =	spop (v2sf)  }
0x816: {  	s4 =	sor.u32 s7, s4;
	[tilespmem:s20+$0x50] =	vst v3  }
0x817: {  	v3 =	vld [tilespmem:s4+$0xC800];
	_ =	sdelay $0x4  }
0x818: {  	[tilespmem:s20+$0x60] =	vst v3  }
0x819: {  	v3 =	vld [tilespmem:s4+$0xC810]  }
0x81a: {  	(v2sf) =	vpush v2, $0xD;
	_ =	sdelay $0x2  }
0x81b: {  	s8 =	spop (v2sf)  }
0x81c: {  	s3 =	sor.u32 s8, s3;
	[tilespmem:s20+$0x70] =	vst v3  }
0x81d: {  	v3 =	vld [tilespmem:s3+$0xC800];
	_ =	sdelay $0x4  }
0x81e: {  	[tilespmem:s20+$0x80] =	vst v3  }
0x81f: {  	v3 =	vld [tilespmem:s3+$0xC810]  }
0x820: {  	(v2sf) =	vpush v2, $0xE;
	_ =	sdelay $0x2  }
0x821: {  	s10 =	spop (v2sf)  }
0x822: {  	s2 =	sor.u32 s10, s2;
	[tilespmem:s20+$0x90] =	vst v3  }
0x823: {  	v3 =	vld [tilespmem:s2+$0xC800];
	_ =	sdelay $0x4  }
0x824: {  	[tilespmem:s20+$0xA0] =	vst v3  }
0x825: {  	v3 =	vld [tilespmem:s2+$0xC810]  }
0x826: {  	(v2sf) =	vpush v2, $0xF;
	_ =	sdelay $0x2  }
0x827: {  	s11 =	spop (v2sf)  }
0x828: {  	s1 =	sor.u32 s11, s1;
	[tilespmem:s20+$0xB0] =	vst v3  }
0x829: {  	v2 =	vld [tilespmem:s1+$0xC800];
	_ =	sdelay $0x4  }
0x82a: {  	[tilespmem:s20+$0xC0] =	vst v2  }
0x82b: {  	v2 =	vld [tilespmem:s1+$0xC810];
	_ =	sdelay $0x3  }
0x82c: {  	s16 =	spop (v2sf)  }
0x82d: {  	s0 =	sor.u32 s16, s0;
	[tilespmem:s20+$0xD0] =	vst v2  }
0x82e: {  	v2 =	vld [tilespmem:s0+$0xC800];
	_ =	sdelay $0x4  }
0x82f: {  	[tilespmem:s20+$0xE0] =	vst v2  }
0x830: {  	s19 =	rddreg [dreg:$0xd];
	v2 =	vld [tilespmem:s0+$0xC810]  }
0x831: {  	p0 =	seq.s32 s19, $0x0;
	s0 =	rddreg [dreg:$0x5]  }
0x832: {  	s0 =	sadd.s32 @!p0 s0, s18  }
0x833: {  	s0 =	sshll.u32 @!p0 s0, $0x2  }
0x834: {  	s1 =	rddreg [dreg:$0x1];
	s0 =	sand.u32 @!p0 $0x1FFFFC00, s0  }
0x835: {  	s2 =	simm.s32 @!p0 $0x16800;
	s0 =	sadd.s32 @!p0 s1, s0;
	s1 =	simm.s32 @!p0 $0x0;
	[tilespmem:s20+$0xF0] =	vst v2  }
0x836: {  	[hbm4b:s0+s1] =	stream.linear.scatter @!p0 [tilespmem:s2], [sflag:$0x4], $0x2000, $0x38;
	[tilespmem:$0x18800] =	vst v63  }
0x837: {  	s0 =	sor.u32 $0x1, s17  }
0x838: {  	s2 =	simm.s32 @!p0 $0x4;
	s1 =	simm.s32 $0x0;
	s21 =	smin.u32 s0, $0x18  }
0x839: {  	_ =	swait.ge @!p0 [sflag:s2], $0x2000;
	s22 =	sand.u32 $0x80, s1;
	s3 =	sshll.u32 s21, $0x8  }
0x83a: {  	s28 =	sand.u32 $0x70, s1;
	[sflag:s2] =	ssyncset.done @!p0 $0x0;
	s4 =	sadd.s32 s22, s3  }
0x83b: {  	[sflag:s2] =	ssyncadd.s32 @!p0 $0xFFFFE000;
	s29 =	sadd.s32 s28, s4  }
0x83c: {  	v2 =	vld [tilespmem:s29+$0x0];
	_ =	sdelay $0x4  }
0x83d: {  	v3 =	vand.u32 $0x3, v2  }
0x83e: {  	vm3 =	veq.s32 v3, $0x0  }
0x83f: {  	v4 =	vsel vm3, $0x1, v0  }
0x840: {  	(xrf0) =	vadd.scan.msk.s32 $0xffff, v4  }
0x841: {  	vm4 =	veq.s32 v3, $0x1  }
0x842: {  	vm6 =	veq.s32 v3, $0x3;
	v4 =	vsel vm4, $0x1, v0  }
0x843: {  	vm5 =	veq.s32 v3, $0x2;
	(xrf0) =	vadd.scan.msk.s32 $0xffff, v4;
	v4 =	vsel vm6, $0x1, v0  }
0x844: {  	v3 =	vsel vm5, $0x1, v0  }
0x845: {  	(xrf0) =	vadd.scan.msk.s32 $0xffff, v3  }
0x846: {  	(xrf0) =	vadd.scan.msk.s32 $0xffff, v4;
	v4, _, _ =	vpop (xrf0)  }
0x847: {  	(v2sf) =	vpush v4, $0xF;
	_ =	sdelay $0x6  }
0x848: {  	v3 =	vmov s1  }
0x849: {  	v3 =	vadd.s32 $0xFFFFFFFF, v3  }
0x84a: {  	v3 =	vbroadcast v3, $0x0;
	_ =	sdelay $0x1  }
0x84b: {  	v4 =	vadd.s32 v4, v3;
	v5, _, _ =	vpop (xrf0)  }
0x84c: {  	v6 =	vadd.s32 v5, v3;
	v7, _, _ =	vpop (xrf0)  }
0x84d: {  	(v2sf) =	vpush v5, $0xF;
	v8 =	vadd.s32 v7, v3;
	v9, _, _ =	vpop (xrf0)  }
0x84e: {  	(v2sf) =	vpush v7, $0xF;
	v3 =	vadd.s32 v9, v3  }
0x84f: {  	v2 =	vshrl.u32 v2, $0x4;
	s7 =	spop (v2sf);
	(v2sf) =	vpush v9, $0xF  }
0x850: {  	[tilespmem:v4+s23+$0x0] =	vst.idx.msk vm3, v2;
	v4 =	vnsel vm3, $0x0, v4  }
0x851: {  	s30 =	simm.s32 $0x10;
	v4 =	vsel vm4, v6, v4;
	[tilespmem:v6+s24+$0x0] =	vst.idx.msk vm4, v2  }
0x852: {  	s31 =	sand.u32 $0x80, s30;
	v4 =	vsel vm5, v8, v4;
	[tilespmem:v8+s25+$0x0] =	vst.idx.msk vm5, v2  }
0x853: {  	s2 =	simm.s32 $0x2600;
	s5 =	sadd.s32 s31, s3;
	s4 =	sand.u32 $0x70, s30;
	v4 =	vsel vm6, v3, v4;
	[tilespmem:v3+s26+$0x0] =	vst.idx.msk vm6, v2  }
0x854: {  	s4 =	sadd.s32 s4, s5;
	[tilespmem:s2+$0x0] =	vst v4  }
0x855: {  	v2 =	vld [tilespmem:s4+$0x0];
	_ =	sdelay $0x3  }
0x856: {  	s8 =	simm.s32 $0x20  }
0x857: {  	s10 =	simm.s32 $0x0;
	s11 =	simm.s32 $0x0;
	s4 =	simm.s32 $0x0;
	v3 =	vand.u32 $0x3, v2  }
.LBB2_27:
0x858: {  	s2 =	sadd.s32 $0x10, s2  }
0x859: {  	vm5 =	veq.s32 v3, $0x0;
	vm4 =	veq.s32 v3, $0x1;
	vm3 =	veq.s32 v3, $0x2;
	s16 =	spop (v2sf);
	s6 =	smov.u32 s8;
	s5 =	sadd.s32 $0x10, s8  }
0x85a: {  	p0 =	sne.s32 s8, $0xF0;
	vm6 =	veq.s32 v3, $0x3;
	v4 =	vsel vm5, $0x1, v0;
	v5 =	vsel vm4, $0x1, v0;
	s1 =	sadd.s32 s1, s16;
	s8 =	spop (v2sf)  }
0x85b: {  	s11 =	sadd.s32 s11, s7;
	v6 =	vsel vm3, $0x1, v0;
	v7 =	vsel vm6, $0x1, v0;
	v3 =	vmov s1;
	(xrf0) =	vadd.scan.msk.s32 $0xffff, v4;
	s10 =	sadd.s32 s10, s8;
	s7 =	spop (v2sf)  }
0x85c: {  	v4 =	vmov s11;
	v3 =	vadd.s32 $0xFFFFFFFF, v3;
	v8 =	vmov s10;
	(xrf0) =	vadd.scan.msk.s32 $0xffff, v5;
	s4 =	sadd.s32 s4, s7  }
0x85d: {  	v4 =	vadd.s32 $0xFFFFFFFF, v4;
	v5 =	vadd.s32 $0xFFFFFFFF, v8;
	v8 =	vmov s4;
	(xrf0) =	vadd.scan.msk.s32 $0xffff, v6  }
0x85e: {  	v6 =	vadd.s32 $0xFFFFFFFF, v8;
	(xrf0) =	vadd.scan.msk.s32 $0xffff, v7;
	_ =	sdelay $0x1  }
0x85f: {  	v4 =	vbroadcast v4, $0x0  }
0x860: {  	v3 =	vbroadcast v3, $0x0;
	v7, _, _ =	vpop (xrf0)  }
0x861: {  	v5 =	vbroadcast v5, $0x0;
	v4 =	vadd.s32 v7, v4;
	(v2sf) =	vpush v7, $0xF;
	v7, _, _ =	vpop (xrf0)  }
0x862: {  	v6 =	vbroadcast v6, $0x0;
	v3 =	vadd.s32 v7, v3;
	(v2sf) =	vpush v7, $0xF;
	v7, _, _ =	vpop (xrf0)  }
0x863: {  	v8 =	vnsel vm5, $0x0, v4;
	v5 =	vadd.s32 v7, v5;
	(v2sf) =	vpush v7, $0xF;
	v7, _, _ =	vpop (xrf0)  }
0x864: {  	v8 =	vsel vm4, v3, v8;
	v6 =	vadd.s32 v7, v6;
	(v2sf) =	vpush v7, $0xF  }
0x865: {  	v2 =	vshrl.u32 v2, $0x4;
	v7 =	vsel vm3, v5, v8  }
0x866: {  	[tilespmem:v4+s23+$0x0] =	vst.idx.msk vm5, v2;
	v4 =	vsel vm6, v6, v7  }
0x867: {  	[tilespmem:v3+s24+$0x0] =	vst.idx.msk vm4, v2  }
0x868: {  	s7 =	sand.u32 $0x80, s6;
	[tilespmem:v5+s25+$0x0] =	vst.idx.msk vm3, v2  }
0x869: {  	s6 =	sand.u32 $0x70, s6;
	s7 =	sadd.s32 s7, s3;
	[tilespmem:v6+s26+$0x0] =	vst.idx.msk vm6, v2  }
0x86a: {  	s6 =	sadd.s32 s6, s7;
	[tilespmem:s2+$0x0] =	vst v4  }
0x86b: {  	v2 =	vld [tilespmem:s6+$0x0]  }
.Ltmp14:
0x86c: {  	(pc) =	sbr.rel @p0 .LBB2_27-.Ltmp14, $2  }
0x86d: {  	_ =	sdelay $0x2  }
0x86e: {  	s8 =	smov.u32 s5;
	v3 =	vand.u32 $0x3, v2;
	s7 =	spop (v2sf)  }
0x86f: {  	vm6 =	veq.s32 v3, $0x0  }
0x870: {  	vm5 =	veq.s32 v3, $0x1;
	v4 =	vsel vm6, $0x1, v0  }
0x871: {  	vm4 =	veq.s32 v3, $0x2;
	v5 =	vsel vm5, $0x1, v0;
	(xrf0) =	vadd.scan.msk.s32 $0xffff, v4  }
0x872: {  	vm3 =	veq.s32 v3, $0x3;
	v3 =	vsel vm4, $0x1, v0;
	(xrf0) =	vadd.scan.msk.s32 $0xffff, v5  }
0x873: {  	v57 =	vsel vm3, $0x1, v0;
	(xrf0) =	vadd.scan.msk.s32 $0xffff, v3  }
0x874: {  	(xrf0) =	vadd.scan.msk.s32 $0xffff, v57;
	_ =	sdelay $0x2  }
0x875: {  	v3, _, _ =	vpop (xrf0)  }
0x876: {  	(v2sf) =	vpush v3, $0xF;
	v58, _, _ =	vpop (xrf0)  }
0x877: {  	(v2sf) =	vpush v58, $0xF;
	v59, _, _ =	vpop (xrf0)  }
0x878: {  	(v2sf) =	vpush v59, $0xF;
	v6, _, _ =	vpop (xrf0)  }
0x879: {  	(v2sf) =	vpush v6, $0xF;
	_ =	sdelay $0x3  }
0x87a: {  	s3 =	spop (v2sf);
	s5 =	sadd.s32 s11, s7  }
0x87b: {  	s6 =	spop (v2sf);
	s1 =	sadd.s32 s1, s3;
	v7 =	vmov s5  }
0x87c: {  	s17 =	spop (v2sf);
	v8 =	vmov s1;
	s6 =	sadd.s32 s10, s6;
	v7 =	vadd.s32 $0xFFFFFFFF, v7  }
0x87d: {  	v8 =	vadd.s32 $0xFFFFFFFF, v8;
	v9 =	vmov s6;
	s3 =	sadd.s32 s4, s17;
	v7 =	vbroadcast v7, $0x0  }
0x87e: {  	v9 =	vadd.s32 $0xFFFFFFFF, v9;
	v10 =	vmov s3;
	v8 =	vbroadcast v8, $0x0  }
0x87f: {  	v60 =	vadd.s32 $0xFFFFFFFF, v10;
	v9 =	vbroadcast v9, $0x0;
	v3 =	vadd.s32 v3, v7  }
0x880: {  	v7 =	vbroadcast v60, $0x0;
	v4 =	vadd.s32 v58, v8  }
0x881: {  	v5 =	vadd.s32 v59, v9  }
0x882: {  	v6 =	vadd.s32 v6, v7;
	s18 =	spop (v2sf)  }
0x883: {  	v2 =	vshrl.u32 v2, $0x4;
	s19 =	spop (v2sf);
	s20 =	sadd.s32 s5, s18  }
0x884: {  	v61 =	vnsel vm6, $0x0, v3;
	[tilespmem:v3+s23+$0x0] =	vst.idx.msk vm6, v2;
	s19 =	sadd.s32 s1, s19;
	s21 =	spop (v2sf);
	v3 =	vadd.s32 s20, v1  }
0x885: {  	v7 =	vsel vm5, v4, v61;
	[tilespmem:v4+s24+$0x0] =	vst.idx.msk vm5, v2;
	s11 =	sadd.s32 s6, s21;
	s22 =	spop (v2sf);
	v62 =	vadd.s32 s19, v1  }
0x886: {  	v7 =	vsel vm4, v5, v7;
	[tilespmem:v5+s25+$0x0] =	vst.idx.msk vm4, v2;
	s10 =	sadd.s32 s3, s22;
	v63 =	vadd.s32 s11, v1  }
0x887: {  	s28 =	sadd.s32 $0x10, s2;
	v7 =	vsel vm3, v6, v7;
	[tilespmem:v6+s26+$0x0] =	vst.idx.msk vm3, v2;
	s29 =	sadd.s32 $0xF, s20;
	v2 =	vadd.s32 s10, v1  }
0x888: {  	[tilespmem:s28+$0x0] =	vst v7;
	s2 =	sand.u32 $0xFFFFFFF0, s29;
	s30 =	sadd.s32 $0xF, s19  }
0x889: {  	p6 =	slt.u32 s0, $0x19;
	s1 =	sand.u32 $0xFFFFFFF0, s30;
	s31 =	sadd.s32 $0xF, s11;
	[tilespmem:v3+s23+$0x0] =	vst.idx.msk $0xffff, v0;
	v3 =	vmov s2  }
0x88a: {  	s20 =	simm.s32 @!p6 $0x0;
	s1 =	sadd.s32 s2, s1;
	s3 =	sand.u32 $0xFFFFFFF0, s31;
	[tilespmem:v62+s24+$0x0] =	vst.idx.msk $0xffff, v0;
	v3 =	vnsel vm0, $0x0, v3  }
0x88b: {  	p0 =	slt.s32 s20, $0x1;
	s21 =	sadd.s32 s3, s1;
	[tilespmem:v63+s25+$0x0] =	vst.idx.msk $0xffff, v0;
	v3 =	vsel vm1, s1, v3  }
0x88c: {  	s5 =	rddreg [dreg:$0x6];
	s0 =	simm.s32 @!p0 $0x10;
	[tilespmem:v2+s26+$0x0] =	vst.idx.msk $0xffff, v0;
	v2 =	vsel vm2, s21, v3  }
0x88d: {  	s4 =	simm.s32 @!p0 $0xC800;
	p1 =	slt.u32 @!p0 s20, $0x11;
	s3 =	simm.s32 @!p0 $0x1F00;
	[tilespmem:$0x2780] =	vst v2  }
0x88e: {  	[tilespmem:s4], [sflag:$0x2] =	stream.indirect.gather @!p0 [hbm4b:s5+s0], $0x80, s3, s0, $0xb8;
	[tilespmem:$0x18800] =	vst v63  }
0x88f: {  	p0 =	por p0, p1  }
0x890: {  	s0 =	simm.s32 @!p0 $0x10  }
0x891: {  	s3 =	simm.s32 @!p0 $0x1F10;
	s4 =	simm.s32 @!p0 $0xD000;
	p1 =	slt.u32 @!p0 s20, $0x21  }
0x892: {  	[tilespmem:s4], [sflag:$0x2] =	stream.indirect.gather @!p0 [hbm4b:s5+s0], $0x80, s3, s0, $0xb8;
	[tilespmem:$0x18800] =	vst v63  }
0x893: {  	p0 =	por p0, p1  }
0x894: {  	s0 =	simm.s32 @!p0 $0x10  }
0x895: {  	s3 =	simm.s32 @!p0 $0x1F20;
	s4 =	simm.s32 @!p0 $0xD800;
	p1 =	slt.u32 @!p0 s20, $0x31  }
0x896: {  	[tilespmem:s4], [sflag:$0x2] =	stream.indirect.gather @!p0 [hbm4b:s5+s0], $0x80, s3, s0, $0xb8;
	[tilespmem:$0x18800] =	vst v63  }
0x897: {  	p0 =	por p0, p1  }
0x898: {  	s0 =	simm.s32 @!p0 $0x10  }
0x899: {  	s3 =	simm.s32 @!p0 $0x1F30;
	s4 =	simm.s32 @!p0 $0xE000;
	p1 =	slt.u32 @!p0 s20, $0x41  }
0x89a: {  	[tilespmem:s4], [sflag:$0x2] =	stream.indirect.gather @!p0 [hbm4b:s5+s0], $0x80, s3, s0, $0xb8;
	[tilespmem:$0x18800] =	vst v63  }
0x89b: {  	p0 =	por p0, p1  }
0x89c: {  	s0 =	simm.s32 @!p0 $0x10  }
0x89d: {  	s3 =	simm.s32 @!p0 $0x1F40;
	s4 =	simm.s32 @!p0 $0xE800;
	p1 =	slt.u32 @!p0 s20, $0x51  }
0x89e: {  	[tilespmem:s4], [sflag:$0x2] =	stream.indirect.gather @!p0 [hbm4b:s5+s0], $0x80, s3, s0, $0xb8;
	[tilespmem:$0x18800] =	vst v63  }
0x89f: {  	p0 =	por p0, p1  }
0x8a0: {  	s0 =	simm.s32 @!p0 $0x10  }
0x8a1: {  	s3 =	simm.s32 @!p0 $0x1F50;
	s4 =	simm.s32 @!p0 $0xF000;
	p1 =	slt.u32 @!p0 s20, $0x61  }
0x8a2: {  	[tilespmem:s4], [sflag:$0x2] =	stream.indirect.gather @!p0 [hbm4b:s5+s0], $0x80, s3, s0, $0xb8;
	[tilespmem:$0x18800] =	vst v63  }
0x8a3: {  	p0 =	por p0, p1  }
0x8a4: {  	s0 =	simm.s32 @!p0 $0x10  }
0x8a5: {  	s3 =	simm.s32 @!p0 $0x1F60;
	s4 =	simm.s32 @!p0 $0xF800;
	p1 =	slt.u32 @!p0 s20, $0x71  }
0x8a6: {  	[tilespmem:s4], [sflag:$0x2] =	stream.indirect.gather @!p0 [hbm4b:s5+s0], $0x80, s3, s0, $0xb8;
	[tilespmem:$0x18800] =	vst v63  }
0x8a7: {  	p0 =	por p0, p1  }
0x8a8: {  	s0 =	simm.s32 @!p0 $0x10  }
0x8a9: {  	s3 =	simm.s32 @!p0 $0x1F70;
	s4 =	simm.s32 @!p0 $0x10000;
	p1 =	slt.u32 @!p0 s20, $0x81  }
0x8aa: {  	[tilespmem:s4], [sflag:$0x2] =	stream.indirect.gather @!p0 [hbm4b:s5+s0], $0x80, s3, s0, $0xb8;
	[tilespmem:$0x18800] =	vst v63  }
0x8ab: {  	p0 =	por p0, p1  }
0x8ac: {  	s0 =	simm.s32 @!p0 $0x10  }
0x8ad: {  	s3 =	simm.s32 @!p0 $0x1F80;
	s4 =	simm.s32 @!p0 $0x10800;
	p1 =	slt.u32 @!p0 s20, $0x91  }
0x8ae: {  	[tilespmem:s4], [sflag:$0x2] =	stream.indirect.gather @!p0 [hbm4b:s5+s0], $0x80, s3, s0, $0xb8;
	[tilespmem:$0x18800] =	vst v63  }
0x8af: {  	p0 =	por p0, p1  }
0x8b0: {  	s0 =	simm.s32 @!p0 $0x10  }
0x8b1: {  	s3 =	simm.s32 @!p0 $0x1F90;
	s4 =	simm.s32 @!p0 $0x11000;
	p1 =	slt.u32 @!p0 s20, $0xA1  }
0x8b2: {  	[tilespmem:s4], [sflag:$0x2] =	stream.indirect.gather @!p0 [hbm4b:s5+s0], $0x80, s3, s0, $0xb8;
	[tilespmem:$0x18800] =	vst v63  }
0x8b3: {  	p0 =	por p0, p1  }
.Ltmp15:
0x8b4: {  	_ = 	snop;
	(pc) =	sbr.rel @p0 .LBB2_30-.Ltmp15, $4  }
0x8b5: {  	s7 =	rddreg [dreg:$0x8]  }
0x8b6: {  	s8 =	rddreg [dreg:$0x9];
	s0 =	simm.s32 @!p6 $0x0  }
0x8b7: {  	s6 =	rddreg [dreg:$0x7];
	s0 =	simm.s32 @p6 $0x1  }
0x8b8: {  	[smem:$0x779] =	sst s0  }
0x8b9: {  	s0 =	simm.s32 $0x10  }
0x8ba: {  	s3 =	simm.s32 $0x1FA0;
	s4 =	simm.s32 $0x11800;
	p0 =	slt.u32 s20, $0xB1  }
0x8bb: {  	[tilespmem:s4], [sflag:$0x2] =	stream.indirect.gather [hbm4b:s5+s0], $0x80, s3, s0, $0xb8;
	[tilespmem:$0x18800] =	vst v63  }
0x8bc: {  	s0 =	simm.s32 @!p0 $0x10;
	p1 =	slt.u32 @!p0 s20, $0xC1  }
0x8bd: {  	s3 =	simm.s32 @!p0 $0x1FB0;
	s4 =	simm.s32 @!p0 $0x12000;
	p2 =	por p1, p0  }
0x8be: {  	[tilespmem:s4], [sflag:$0x2] =	stream.indirect.gather @!p0 [hbm4b:s5+s0], $0x80, s3, s0, $0xb8;
	[tilespmem:$0x18800] =	vst v63  }
0x8bf: {  	s0 =	simm.s32 @!p2 $0x10;
	p3 =	slt.u32 @!p2 s20, $0xD1  }
0x8c0: {  	s3 =	simm.s32 @!p2 $0x1FC0;
	s4 =	simm.s32 @!p2 $0x12800;
	p4 =	por @!p0 p3, p1  }
0x8c1: {  	[tilespmem:s4], [sflag:$0x2] =	stream.indirect.gather @!p2 [hbm4b:s5+s0], $0x80, s3, s0, $0xb8;
	[tilespmem:$0x18800] =	vst v63  }
0x8c2: {  	p4 =	por p4, p0  }
0x8c3: {  	s0 =	simm.s32 @!p4 $0x10  }
0x8c4: {  	s3 =	simm.s32 @!p4 $0x1FD0;
	s4 =	simm.s32 @!p4 $0x13000;
	p5 =	slt.u32 @!p4 s20, $0xE1  }
0x8c5: {  	[tilespmem:s4], [sflag:$0x2] =	stream.indirect.gather @!p4 [hbm4b:s5+s0], $0x80, s3, s0, $0xb8;
	[tilespmem:$0x18800] =	vst v63  }
0x8c6: {  	s22 =	sld [smem:$0x779];
	p6 =	por @!p2 p5, p3  }
0x8c7: {  	s28 =	sld [smem:$0x79F];
	p6 =	por @!p0 p6, p1  }
0x8c8: {  	s29 =	sld [smem:$0x7BE];
	p6 =	por p6, p0  }
0x8c9: {  	s0 =	simm.s32 @!p6 $0x10;
	s3 =	simm.s32 @!p6 $0x1FE0;
	s4 =	simm.s32 @!p6 $0x13800  }
0x8ca: {  	[tilespmem:s4], [sflag:$0x2] =	stream.indirect.gather @!p6 [hbm4b:s5+s0], $0x80, s3, s0, $0xb8;
	[tilespmem:$0x18800] =	vst v63  }
0x8cb: {  	s30 =	sld [smem:$0x7DE];
	p6 =	slt.u32 @!p6 s20, $0xF1  }
0x8cc: {  	s31 =	sld [smem:$0x7FD];
	p4 =	por @!p4 p6, p5  }
0x8cd: {  	p6 =	seq.s32 s22, $0x1;
	p2 =	por @!p2 p4, p3  }
0x8ce: {  	p5 =	seq.s32 s28, $0x1;
	p4 =	seq.s32 s29, $0x1;
	p1 =	por @!p0 p2, p1  }
0x8cf: {  	p3 =	seq.s32 s30, $0x1;
	p2 =	seq.s32 s31, $0x1;
	p0 =	por p1, p0  }
0x8d0: {  	s0 =	simm.s32 @!p0 $0x10;
	s3 =	simm.s32 @!p0 $0x1FF0;
	s4 =	simm.s32 @!p0 $0x14000  }
0x8d1: {  	[tilespmem:s4], [sflag:$0x2] =	stream.indirect.gather @!p0 [hbm4b:s5+s0], $0x80, s3, s0, $0xb8;
	[tilespmem:$0x18800] =	vst v63  }
.LBB2_30:
0x8d2: {  	s19 =	simm.s32 @!p6 $0x0  }
0x8d3: {  	p0 =	slt.s32 s19, $0x1  }
0x8d4: {  	s0 =	sshll.u32 @!p0 s2, $0x9  }
0x8d5: {  	s3 =	simm.s32 @!p0 $0x10;
	s0 =	sshra.s32 @!p0 s0, $0x2  }
0x8d6: {  	s4 =	simm.s32 @!p0 $0x2080;
	p1 =	slt.u32 @!p0 s19, $0x11;
	s2 =	sadd.s32 @!p0 $0xC800, s0  }
0x8d7: {  	[tilespmem:s2], [sflag:$0x2] =	stream.indirect.gather @!p0 [hbm4b:s6+s3], $0x80, s4, s3, $0xb8;
	[tilespmem:$0x18800] =	vst v63  }
0x8d8: {  	p0 =	por p0, p1  }
0x8d9: {  	s2 =	sadd.s32 @!p0 $0xD000, s0  }
0x8da: {  	s3 =	simm.s32 @!p0 $0x10;
	s4 =	simm.s32 @!p0 $0x2090;
	p1 =	slt.u32 @!p0 s19, $0x21  }
0x8db: {  	[tilespmem:s2], [sflag:$0x2] =	stream.indirect.gather @!p0 [hbm4b:s6+s3], $0x80, s4, s3, $0xb8;
	[tilespmem:$0x18800] =	vst v63  }
0x8dc: {  	p0 =	por p0, p1  }
0x8dd: {  	s2 =	sadd.s32 @!p0 $0xD800, s0  }
0x8de: {  	s3 =	simm.s32 @!p0 $0x10;
	s4 =	simm.s32 @!p0 $0x20A0;
	p1 =	slt.u32 @!p0 s19, $0x31  }
0x8df: {  	[tilespmem:s2], [sflag:$0x2] =	stream.indirect.gather @!p0 [hbm4b:s6+s3], $0x80, s4, s3, $0xb8;
	[tilespmem:$0x18800] =	vst v63  }
0x8e0: {  	p0 =	por p0, p1  }
0x8e1: {  	s2 =	sadd.s32 @!p0 $0xE000, s0  }
0x8e2: {  	s3 =	simm.s32 @!p0 $0x10;
	s4 =	simm.s32 @!p0 $0x20B0;
	p1 =	slt.u32 @!p0 s19, $0x41  }
0x8e3: {  	[tilespmem:s2], [sflag:$0x2] =	stream.indirect.gather @!p0 [hbm4b:s6+s3], $0x80, s4, s3, $0xb8;
	[tilespmem:$0x18800] =	vst v63  }
0x8e4: {  	p0 =	por p0, p1  }
0x8e5: {  	s2 =	sadd.s32 @!p0 $0xE800, s0  }
0x8e6: {  	s3 =	simm.s32 @!p0 $0x10;
	s4 =	simm.s32 @!p0 $0x20C0;
	p1 =	slt.u32 @!p0 s19, $0x51  }
0x8e7: {  	[tilespmem:s2], [sflag:$0x2] =	stream.indirect.gather @!p0 [hbm4b:s6+s3], $0x80, s4, s3, $0xb8;
	[tilespmem:$0x18800] =	vst v63  }
0x8e8: {  	p0 =	por p0, p1  }
0x8e9: {  	s2 =	sadd.s32 @!p0 $0xF000, s0  }
0x8ea: {  	s3 =	simm.s32 @!p0 $0x10;
	s4 =	simm.s32 @!p0 $0x20D0;
	p1 =	slt.u32 @!p0 s19, $0x61  }
0x8eb: {  	[tilespmem:s2], [sflag:$0x2] =	stream.indirect.gather @!p0 [hbm4b:s6+s3], $0x80, s4, s3, $0xb8;
	[tilespmem:$0x18800] =	vst v63  }
0x8ec: {  	p0 =	por p0, p1  }
0x8ed: {  	s2 =	sadd.s32 @!p0 $0xF800, s0  }
0x8ee: {  	s3 =	simm.s32 @!p0 $0x10;
	s4 =	simm.s32 @!p0 $0x20E0;
	p1 =	slt.u32 @!p0 s19, $0x71  }
0x8ef: {  	[tilespmem:s2], [sflag:$0x2] =	stream.indirect.gather @!p0 [hbm4b:s6+s3], $0x80, s4, s3, $0xb8;
	[tilespmem:$0x18800] =	vst v63  }
0x8f0: {  	p0 =	por p0, p1  }
0x8f1: {  	s2 =	sadd.s32 @!p0 $0x10000, s0  }
0x8f2: {  	s3 =	simm.s32 @!p0 $0x10;
	s4 =	simm.s32 @!p0 $0x20F0;
	p1 =	slt.u32 @!p0 s19, $0x81  }
0x8f3: {  	[tilespmem:s2], [sflag:$0x2] =	stream.indirect.gather @!p0 [hbm4b:s6+s3], $0x80, s4, s3, $0xb8;
	[tilespmem:$0x18800] =	vst v63  }
0x8f4: {  	p0 =	por p0, p1  }
0x8f5: {  	s2 =	sadd.s32 @!p0 $0x10800, s0  }
0x8f6: {  	s3 =	simm.s32 @!p0 $0x10;
	s4 =	simm.s32 @!p0 $0x2100;
	p1 =	slt.u32 @!p0 s19, $0x91  }
0x8f7: {  	[tilespmem:s2], [sflag:$0x2] =	stream.indirect.gather @!p0 [hbm4b:s6+s3], $0x80, s4, s3, $0xb8;
	[tilespmem:$0x18800] =	vst v63  }
0x8f8: {  	p0 =	por p0, p1  }
0x8f9: {  	s2 =	sadd.s32 @!p0 $0x11000, s0  }
0x8fa: {  	s3 =	simm.s32 @!p0 $0x10;
	s4 =	simm.s32 @!p0 $0x2110;
	p1 =	slt.u32 @!p0 s19, $0xA1  }
0x8fb: {  	[tilespmem:s2], [sflag:$0x2] =	stream.indirect.gather @!p0 [hbm4b:s6+s3], $0x80, s4, s3, $0xb8;
	[tilespmem:$0x18800] =	vst v63  }
0x8fc: {  	p0 =	por p0, p1  }
.Ltmp16:
0x8fd: {  	_ = 	snop;
	(pc) =	sbr.rel @p0 .LBB2_32-.Ltmp16, $1  }
0x8fe: {  	_ =	sdelay $0x3  }
0x8ff: {  	s2 =	sadd.s32 $0x11800, s0  }
0x900: {  	s3 =	simm.s32 $0x10;
	s4 =	simm.s32 $0x2120;
	p0 =	slt.u32 s19, $0xB1  }
0x901: {  	[tilespmem:s2], [sflag:$0x2] =	stream.indirect.gather [hbm4b:s6+s3], $0x80, s4, s3, $0xb8;
	[tilespmem:$0x18800] =	vst v63  }
0x902: {  	s2 =	sadd.s32 @!p0 $0x12000, s0;
	p1 =	slt.u32 @!p0 s19, $0xC1  }
0x903: {  	s3 =	simm.s32 @!p0 $0x10;
	s4 =	simm.s32 @!p0 $0x2130;
	p2 =	por p1, p0  }
0x904: {  	[tilespmem:s2], [sflag:$0x2] =	stream.indirect.gather @!p0 [hbm4b:s6+s3], $0x80, s4, s3, $0xb8;
	[tilespmem:$0x18800] =	vst v63  }
0x905: {  	s2 =	sadd.s32 @!p2 $0x12800, s0;
	p3 =	slt.u32 @!p2 s19, $0xD1  }
0x906: {  	s3 =	simm.s32 @!p2 $0x10;
	s4 =	simm.s32 @!p2 $0x2140;
	p4 =	por @!p0 p3, p1  }
0x907: {  	[tilespmem:s2], [sflag:$0x2] =	stream.indirect.gather @!p2 [hbm4b:s6+s3], $0x80, s4, s3, $0xb8;
	[tilespmem:$0x18800] =	vst v63  }
0x908: {  	p4 =	por p4, p0  }
0x909: {  	s2 =	sadd.s32 @!p4 $0x13000, s0  }
0x90a: {  	s3 =	simm.s32 @!p4 $0x10;
	s4 =	simm.s32 @!p4 $0x2150;
	p5 =	slt.u32 @!p4 s19, $0xE1  }
0x90b: {  	[tilespmem:s2], [sflag:$0x2] =	stream.indirect.gather @!p4 [hbm4b:s6+s3], $0x80, s4, s3, $0xb8;
	[tilespmem:$0x18800] =	vst v63  }
0x90c: {  	s22 =	sld [smem:$0x779];
	p6 =	por @!p2 p5, p3  }
0x90d: {  	s28 =	sld [smem:$0x79F];
	p6 =	por @!p0 p6, p1  }
0x90e: {  	s29 =	sld [smem:$0x7BE];
	p6 =	por p6, p0  }
0x90f: {  	s2 =	sadd.s32 @!p6 $0x13800, s0;
	s3 =	simm.s32 @!p6 $0x10;
	s4 =	simm.s32 @!p6 $0x2160  }
0x910: {  	[tilespmem:s2], [sflag:$0x2] =	stream.indirect.gather @!p6 [hbm4b:s6+s3], $0x80, s4, s3, $0xb8;
	[tilespmem:$0x18800] =	vst v63  }
0x911: {  	s30 =	sld [smem:$0x7DE];
	p6 =	slt.u32 @!p6 s19, $0xF1  }
0x912: {  	s31 =	sld [smem:$0x7FD];
	p4 =	por @!p4 p6, p5  }
0x913: {  	p6 =	seq.s32 s22, $0x1;
	p2 =	por @!p2 p4, p3  }
0x914: {  	p5 =	seq.s32 s28, $0x1;
	p4 =	seq.s32 s29, $0x1;
	p1 =	por @!p0 p2, p1  }
0x915: {  	p3 =	seq.s32 s30, $0x1;
	p2 =	seq.s32 s31, $0x1;
	p0 =	por p1, p0  }
0x916: {  	s0 =	sadd.s32 @!p0 $0x14000, s0;
	s2 =	simm.s32 @!p0 $0x10;
	s3 =	simm.s32 @!p0 $0x2170  }
0x917: {  	[tilespmem:s0], [sflag:$0x2] =	stream.indirect.gather @!p0 [hbm4b:s6+s2], $0x80, s3, s2, $0xb8;
	[tilespmem:$0x18800] =	vst v63  }
.LBB2_32:
0x918: {  	s11 =	simm.s32 @!p6 $0x0  }
0x919: {  	p0 =	slt.s32 s11, $0x1  }
0x91a: {  	s0 =	sshll.u32 @!p0 s1, $0x9  }
0x91b: {  	s2 =	simm.s32 @!p0 $0x10;
	s0 =	sshra.s32 @!p0 s0, $0x2  }
0x91c: {  	s3 =	simm.s32 @!p0 $0x2200;
	p1 =	slt.u32 @!p0 s11, $0x11;
	s1 =	sadd.s32 @!p0 $0xC800, s0  }
0x91d: {  	[tilespmem:s1], [sflag:$0x2] =	stream.indirect.gather @!p0 [hbm4b:s7+s2], $0x80, s3, s2, $0xb8;
	[tilespmem:$0x18800] =	vst v63  }
0x91e: {  	p0 =	por p0, p1  }
0x91f: {  	s1 =	sadd.s32 @!p0 $0xD000, s0  }
0x920: {  	s2 =	simm.s32 @!p0 $0x10;
	s3 =	simm.s32 @!p0 $0x2210;
	p1 =	slt.u32 @!p0 s11, $0x21  }
0x921: {  	[tilespmem:s1], [sflag:$0x2] =	stream.indirect.gather @!p0 [hbm4b:s7+s2], $0x80, s3, s2, $0xb8;
	[tilespmem:$0x18800] =	vst v63  }
0x922: {  	p0 =	por p0, p1  }
0x923: {  	s1 =	sadd.s32 @!p0 $0xD800, s0  }
0x924: {  	s2 =	simm.s32 @!p0 $0x10;
	s3 =	simm.s32 @!p0 $0x2220;
	p1 =	slt.u32 @!p0 s11, $0x31  }
0x925: {  	[tilespmem:s1], [sflag:$0x2] =	stream.indirect.gather @!p0 [hbm4b:s7+s2], $0x80, s3, s2, $0xb8;
	[tilespmem:$0x18800] =	vst v63  }
0x926: {  	p0 =	por p0, p1  }
0x927: {  	s1 =	sadd.s32 @!p0 $0xE000, s0  }
0x928: {  	s2 =	simm.s32 @!p0 $0x10;
	s3 =	simm.s32 @!p0 $0x2230;
	p1 =	slt.u32 @!p0 s11, $0x41  }
0x929: {  	[tilespmem:s1], [sflag:$0x2] =	stream.indirect.gather @!p0 [hbm4b:s7+s2], $0x80, s3, s2, $0xb8;
	[tilespmem:$0x18800] =	vst v63  }
0x92a: {  	p0 =	por p0, p1  }
0x92b: {  	s1 =	sadd.s32 @!p0 $0xE800, s0  }
0x92c: {  	s2 =	simm.s32 @!p0 $0x10;
	s3 =	simm.s32 @!p0 $0x2240;
	p1 =	slt.u32 @!p0 s11, $0x51  }
0x92d: {  	[tilespmem:s1], [sflag:$0x2] =	stream.indirect.gather @!p0 [hbm4b:s7+s2], $0x80, s3, s2, $0xb8;
	[tilespmem:$0x18800] =	vst v63  }
0x92e: {  	p0 =	por p0, p1  }
0x92f: {  	s1 =	sadd.s32 @!p0 $0xF000, s0  }
0x930: {  	s2 =	simm.s32 @!p0 $0x10;
	s3 =	simm.s32 @!p0 $0x2250;
	p1 =	slt.u32 @!p0 s11, $0x61  }
0x931: {  	[tilespmem:s1], [sflag:$0x2] =	stream.indirect.gather @!p0 [hbm4b:s7+s2], $0x80, s3, s2, $0xb8;
	[tilespmem:$0x18800] =	vst v63  }
0x932: {  	p0 =	por p0, p1  }
0x933: {  	s1 =	sadd.s32 @!p0 $0xF800, s0  }
0x934: {  	s2 =	simm.s32 @!p0 $0x10;
	s3 =	simm.s32 @!p0 $0x2260;
	p1 =	slt.u32 @!p0 s11, $0x71  }
0x935: {  	[tilespmem:s1], [sflag:$0x2] =	stream.indirect.gather @!p0 [hbm4b:s7+s2], $0x80, s3, s2, $0xb8;
	[tilespmem:$0x18800] =	vst v63  }
0x936: {  	p0 =	por p0, p1  }
0x937: {  	s1 =	sadd.s32 @!p0 $0x10000, s0  }
0x938: {  	s2 =	simm.s32 @!p0 $0x10;
	s3 =	simm.s32 @!p0 $0x2270;
	p1 =	slt.u32 @!p0 s11, $0x81  }
0x939: {  	[tilespmem:s1], [sflag:$0x2] =	stream.indirect.gather @!p0 [hbm4b:s7+s2], $0x80, s3, s2, $0xb8;
	[tilespmem:$0x18800] =	vst v63  }
0x93a: {  	p0 =	por p0, p1  }
0x93b: {  	s1 =	sadd.s32 @!p0 $0x10800, s0  }
0x93c: {  	s2 =	simm.s32 @!p0 $0x10;
	s3 =	simm.s32 @!p0 $0x2280;
	p1 =	slt.u32 @!p0 s11, $0x91  }
0x93d: {  	[tilespmem:s1], [sflag:$0x2] =	stream.indirect.gather @!p0 [hbm4b:s7+s2], $0x80, s3, s2, $0xb8;
	[tilespmem:$0x18800] =	vst v63  }
0x93e: {  	p0 =	por p0, p1  }
0x93f: {  	s1 =	sadd.s32 @!p0 $0x11000, s0  }
0x940: {  	s2 =	simm.s32 @!p0 $0x10;
	s3 =	simm.s32 @!p0 $0x2290;
	p1 =	slt.u32 @!p0 s11, $0xA1  }
0x941: {  	[tilespmem:s1], [sflag:$0x2] =	stream.indirect.gather @!p0 [hbm4b:s7+s2], $0x80, s3, s2, $0xb8;
	[tilespmem:$0x18800] =	vst v63  }
0x942: {  	p0 =	por p0, p1  }
.Ltmp17:
0x943: {  	_ = 	snop;
	(pc) =	sbr.rel @p0 .LBB2_34-.Ltmp17, $1  }
0x944: {  	_ =	sdelay $0x3  }
0x945: {  	s1 =	sadd.s32 $0x11800, s0  }
0x946: {  	s2 =	simm.s32 $0x10;
	s3 =	simm.s32 $0x22A0;
	p0 =	slt.u32 s11, $0xB1  }
0x947: {  	[tilespmem:s1], [sflag:$0x2] =	stream.indirect.gather [hbm4b:s7+s2], $0x80, s3, s2, $0xb8;
	[tilespmem:$0x18800] =	vst v63  }
0x948: {  	s1 =	sadd.s32 @!p0 $0x12000, s0;
	p1 =	slt.u32 @!p0 s11, $0xC1  }
0x949: {  	s2 =	simm.s32 @!p0 $0x10;
	s3 =	simm.s32 @!p0 $0x22B0;
	p2 =	por p1, p0  }
0x94a: {  	[tilespmem:s1], [sflag:$0x2] =	stream.indirect.gather @!p0 [hbm4b:s7+s2], $0x80, s3, s2, $0xb8;
	[tilespmem:$0x18800] =	vst v63  }
0x94b: {  	s1 =	sadd.s32 @!p2 $0x12800, s0;
	p3 =	slt.u32 @!p2 s11, $0xD1  }
0x94c: {  	s2 =	simm.s32 @!p2 $0x10;
	s3 =	simm.s32 @!p2 $0x22C0;
	p4 =	por @!p0 p3, p1  }
0x94d: {  	[tilespmem:s1], [sflag:$0x2] =	stream.indirect.gather @!p2 [hbm4b:s7+s2], $0x80, s3, s2, $0xb8;
	[tilespmem:$0x18800] =	vst v63  }
0x94e: {  	p4 =	por p4, p0  }
0x94f: {  	s1 =	sadd.s32 @!p4 $0x13000, s0  }
0x950: {  	s2 =	simm.s32 @!p4 $0x10;
	s3 =	simm.s32 @!p4 $0x22D0;
	p5 =	slt.u32 @!p4 s11, $0xE1  }
0x951: {  	[tilespmem:s1], [sflag:$0x2] =	stream.indirect.gather @!p4 [hbm4b:s7+s2], $0x80, s3, s2, $0xb8;
	[tilespmem:$0x18800] =	vst v63  }
0x952: {  	s22 =	sld [smem:$0x779];
	p6 =	por @!p2 p5, p3  }
0x953: {  	s28 =	sld [smem:$0x79F];
	p6 =	por @!p0 p6, p1  }
0x954: {  	s29 =	sld [smem:$0x7BE];
	p6 =	por p6, p0  }
0x955: {  	s1 =	sadd.s32 @!p6 $0x13800, s0;
	s2 =	simm.s32 @!p6 $0x10;
	s3 =	simm.s32 @!p6 $0x22E0  }
0x956: {  	[tilespmem:s1], [sflag:$0x2] =	stream.indirect.gather @!p6 [hbm4b:s7+s2], $0x80, s3, s2, $0xb8;
	[tilespmem:$0x18800] =	vst v63  }
0x957: {  	s30 =	sld [smem:$0x7DE];
	p6 =	slt.u32 @!p6 s11, $0xF1  }
0x958: {  	s31 =	sld [smem:$0x7FD];
	p4 =	por @!p4 p6, p5  }
0x959: {  	p6 =	seq.s32 s22, $0x1;
	p2 =	por @!p2 p4, p3  }
0x95a: {  	p5 =	seq.s32 s28, $0x1;
	p4 =	seq.s32 s29, $0x1;
	p1 =	por @!p0 p2, p1  }
0x95b: {  	p3 =	seq.s32 s30, $0x1;
	p2 =	seq.s32 s31, $0x1;
	p0 =	por p1, p0  }
0x95c: {  	s0 =	sadd.s32 @!p0 $0x14000, s0;
	s1 =	simm.s32 @!p0 $0x10;
	s2 =	simm.s32 @!p0 $0x22F0  }
0x95d: {  	[tilespmem:s0], [sflag:$0x2] =	stream.indirect.gather @!p0 [hbm4b:s7+s1], $0x80, s2, s1, $0xb8;
	[tilespmem:$0x18800] =	vst v63  }
.LBB2_34:
0x95e: {  	s10 =	simm.s32 @!p6 $0x0  }
0x95f: {  	p0 =	slt.s32 s10, $0x1  }
0x960: {  	s0 =	sshll.u32 @!p0 s21, $0x9  }
0x961: {  	s2 =	simm.s32 @!p0 $0x10;
	s0 =	sshra.s32 @!p0 s0, $0x2  }
0x962: {  	s3 =	simm.s32 @!p0 $0x2380;
	p1 =	slt.u32 @!p0 s10, $0x11;
	s1 =	sadd.s32 @!p0 $0xC800, s0  }
0x963: {  	[tilespmem:s1], [sflag:$0x2] =	stream.indirect.gather @!p0 [hbm4b:s8+s2], $0x80, s3, s2, $0xb8;
	[tilespmem:$0x18800] =	vst v63  }
0x964: {  	p0 =	por p0, p1  }
0x965: {  	s1 =	sadd.s32 @!p0 $0xD000, s0  }
0x966: {  	s2 =	simm.s32 @!p0 $0x10;
	s3 =	simm.s32 @!p0 $0x2390;
	p1 =	slt.u32 @!p0 s10, $0x21  }
0x967: {  	[tilespmem:s1], [sflag:$0x2] =	stream.indirect.gather @!p0 [hbm4b:s8+s2], $0x80, s3, s2, $0xb8;
	[tilespmem:$0x18800] =	vst v63  }
0x968: {  	p0 =	por p0, p1  }
0x969: {  	s1 =	sadd.s32 @!p0 $0xD800, s0  }
0x96a: {  	s2 =	simm.s32 @!p0 $0x10;
	s3 =	simm.s32 @!p0 $0x23A0;
	p1 =	slt.u32 @!p0 s10, $0x31  }
0x96b: {  	[tilespmem:s1], [sflag:$0x2] =	stream.indirect.gather @!p0 [hbm4b:s8+s2], $0x80, s3, s2, $0xb8;
	[tilespmem:$0x18800] =	vst v63  }
0x96c: {  	p0 =	por p0, p1  }
0x96d: {  	s1 =	sadd.s32 @!p0 $0xE000, s0  }
0x96e: {  	s2 =	simm.s32 @!p0 $0x10;
	s3 =	simm.s32 @!p0 $0x23B0;
	p1 =	slt.u32 @!p0 s10, $0x41  }
0x96f: {  	[tilespmem:s1], [sflag:$0x2] =	stream.indirect.gather @!p0 [hbm4b:s8+s2], $0x80, s3, s2, $0xb8;
	[tilespmem:$0x18800] =	vst v63  }
0x970: {  	p0 =	por p0, p1  }
0x971: {  	s1 =	sadd.s32 @!p0 $0xE800, s0  }
0x972: {  	s2 =	simm.s32 @!p0 $0x10;
	s3 =	simm.s32 @!p0 $0x23C0;
	p1 =	slt.u32 @!p0 s10, $0x51  }
0x973: {  	[tilespmem:s1], [sflag:$0x2] =	stream.indirect.gather @!p0 [hbm4b:s8+s2], $0x80, s3, s2, $0xb8;
	[tilespmem:$0x18800] =	vst v63  }
0x974: {  	p0 =	por p0, p1  }
0x975: {  	s1 =	sadd.s32 @!p0 $0xF000, s0  }
0x976: {  	s2 =	simm.s32 @!p0 $0x10;
	s3 =	simm.s32 @!p0 $0x23D0;
	p1 =	slt.u32 @!p0 s10, $0x61  }
0x977: {  	[tilespmem:s1], [sflag:$0x2] =	stream.indirect.gather @!p0 [hbm4b:s8+s2], $0x80, s3, s2, $0xb8;
	[tilespmem:$0x18800] =	vst v63  }
0x978: {  	p0 =	por p0, p1  }
0x979: {  	s1 =	sadd.s32 @!p0 $0xF800, s0  }
0x97a: {  	s2 =	simm.s32 @!p0 $0x10;
	s3 =	simm.s32 @!p0 $0x23E0;
	p1 =	slt.u32 @!p0 s10, $0x71  }
0x97b: {  	[tilespmem:s1], [sflag:$0x2] =	stream.indirect.gather @!p0 [hbm4b:s8+s2], $0x80, s3, s2, $0xb8;
	[tilespmem:$0x18800] =	vst v63  }
0x97c: {  	p0 =	por p0, p1  }
0x97d: {  	s1 =	sadd.s32 @!p0 $0x10000, s0  }
0x97e: {  	s2 =	simm.s32 @!p0 $0x10;
	s3 =	simm.s32 @!p0 $0x23F0;
	p1 =	slt.u32 @!p0 s10, $0x81  }
0x97f: {  	[tilespmem:s1], [sflag:$0x2] =	stream.indirect.gather @!p0 [hbm4b:s8+s2], $0x80, s3, s2, $0xb8;
	[tilespmem:$0x18800] =	vst v63  }
0x980: {  	p0 =	por p0, p1  }
0x981: {  	s1 =	sadd.s32 @!p0 $0x10800, s0  }
0x982: {  	s2 =	simm.s32 @!p0 $0x10;
	s3 =	simm.s32 @!p0 $0x2400;
	p1 =	slt.u32 @!p0 s10, $0x91  }
0x983: {  	[tilespmem:s1], [sflag:$0x2] =	stream.indirect.gather @!p0 [hbm4b:s8+s2], $0x80, s3, s2, $0xb8;
	[tilespmem:$0x18800] =	vst v63  }
0x984: {  	p0 =	por p0, p1  }
0x985: {  	s1 =	sadd.s32 @!p0 $0x11000, s0  }
0x986: {  	s2 =	simm.s32 @!p0 $0x10;
	s3 =	simm.s32 @!p0 $0x2410;
	p1 =	slt.u32 @!p0 s10, $0xA1  }
0x987: {  	[tilespmem:s1], [sflag:$0x2] =	stream.indirect.gather @!p0 [hbm4b:s8+s2], $0x80, s3, s2, $0xb8;
	[tilespmem:$0x18800] =	vst v63  }
0x988: {  	p0 =	por p0, p1  }
.Ltmp18:
0x989: {  	_ = 	snop;
	(pc) =	sbr.rel @p0 .LBB2_36-.Ltmp18, $2  }
0x98a: {  	_ =	sdelay $0x2  }
0x98b: {  	[dreg:$0xf] =	wrdreg s11  }
0x98c: {  	s1 =	sadd.s32 $0x11800, s0  }
0x98d: {  	s2 =	simm.s32 $0x10;
	s3 =	simm.s32 $0x2420;
	p0 =	slt.u32 s10, $0xB1  }
0x98e: {  	[tilespmem:s1], [sflag:$0x2] =	stream.indirect.gather [hbm4b:s8+s2], $0x80, s3, s2, $0xb8;
	[tilespmem:$0x18800] =	vst v63  }
0x98f: {  	s1 =	sadd.s32 @!p0 $0x12000, s0;
	p1 =	slt.u32 @!p0 s10, $0xC1  }
0x990: {  	s2 =	simm.s32 @!p0 $0x10;
	s3 =	simm.s32 @!p0 $0x2430;
	p2 =	por p1, p0  }
0x991: {  	[tilespmem:s1], [sflag:$0x2] =	stream.indirect.gather @!p0 [hbm4b:s8+s2], $0x80, s3, s2, $0xb8;
	[tilespmem:$0x18800] =	vst v63  }
0x992: {  	s1 =	sadd.s32 @!p2 $0x12800, s0;
	p3 =	slt.u32 @!p2 s10, $0xD1  }
0x993: {  	s2 =	simm.s32 @!p2 $0x10;
	s3 =	simm.s32 @!p2 $0x2440;
	p4 =	por @!p0 p3, p1  }
0x994: {  	[tilespmem:s1], [sflag:$0x2] =	stream.indirect.gather @!p2 [hbm4b:s8+s2], $0x80, s3, s2, $0xb8;
	[tilespmem:$0x18800] =	vst v63  }
0x995: {  	p4 =	por p4, p0  }
0x996: {  	s1 =	sadd.s32 @!p4 $0x13000, s0  }
0x997: {  	s2 =	simm.s32 @!p4 $0x10;
	s3 =	simm.s32 @!p4 $0x2450;
	p5 =	slt.u32 @!p4 s10, $0xE1  }
0x998: {  	[tilespmem:s1], [sflag:$0x2] =	stream.indirect.gather @!p4 [hbm4b:s8+s2], $0x80, s3, s2, $0xb8;
	[tilespmem:$0x18800] =	vst v63  }
0x999: {  	p6 =	por @!p2 p5, p3  }
0x99a: {  	s28 =	sld [smem:$0x79F];
	p6 =	por @!p0 p6, p1  }
0x99b: {  	s29 =	sld [smem:$0x7BE];
	p6 =	por p6, p0  }
0x99c: {  	s1 =	sadd.s32 @!p6 $0x13800, s0;
	s2 =	simm.s32 @!p6 $0x10;
	s3 =	simm.s32 @!p6 $0x2460  }
0x99d: {  	[tilespmem:s1], [sflag:$0x2] =	stream.indirect.gather @!p6 [hbm4b:s8+s2], $0x80, s3, s2, $0xb8;
	[tilespmem:$0x18800] =	vst v63  }
0x99e: {  	s30 =	sld [smem:$0x7DE];
	p6 =	slt.u32 @!p6 s10, $0xF1  }
0x99f: {  	s31 =	sld [smem:$0x7FD];
	p4 =	por @!p4 p6, p5  }
0x9a0: {  	p2 =	por @!p2 p4, p3  }
0x9a1: {  	p5 =	seq.s32 s28, $0x1;
	p4 =	seq.s32 s29, $0x1;
	p1 =	por @!p0 p2, p1  }
0x9a2: {  	p3 =	seq.s32 s30, $0x1;
	p2 =	seq.s32 s31, $0x1;
	p0 =	por p1, p0  }
0x9a3: {  	s0 =	sadd.s32 @!p0 $0x14000, s0;
	s1 =	simm.s32 @!p0 $0x10;
	s2 =	simm.s32 @!p0 $0x2470  }
0x9a4: {  	[tilespmem:s0], [sflag:$0x2] =	stream.indirect.gather @!p0 [hbm4b:s8+s1], $0x80, s2, s1, $0xb8;
	[tilespmem:$0x18800] =	vst v63  }
.LBB2_36:
0x9a5: {  	[dreg:$0xe] =	wrdreg s10;
	s0 =	simm.s32 @!p2 $0x1  }
0x9a6: {  	_ =	swait.ge @!p2 [sflag:s0], $0x800  }
0x9a7: {  	s30 =	sld [smem:$0x7EA];
	_ =	sdelay $0x2  }
0x9a8: {  	[sflag:s0] =	ssyncset.done @!p2 $0x0;
	p0 =	seq.s32 s30, $0x1  }
0x9a9: {  	[sflag:s0] =	ssyncadd.s32 @!p2 $0xFFFFF800;
	s0 =	simm.s32 @p0 $0x1  }
0x9aa: {  	_ =	swait.ge @p0 [sflag:s0], $0x800  }
0x9ab: {  	s31 =	sld [smem:$0x7EB];
	_ =	sdelay $0x1  }
0x9ac: {  	[sflag:s0] =	ssyncset.done @p0 $0x0  }
0x9ad: {  	[sflag:s0] =	ssyncadd.s32 @p0 $0xFFFFF800;
	p0 =	seq.s32 s31, $0x1  }
0x9ae: {  	s0 =	simm.s32 @p0 $0x1  }
0x9af: {  	_ =	swait.ge @p0 [sflag:s0], $0x800  }
0x9b0: {  	s1 =	sld [smem:$0x7E9];
	_ =	sdelay $0x1  }
0x9b1: {  	[sflag:s0] =	ssyncset.done @p0 $0x0  }
0x9b2: {  	[sflag:s0] =	ssyncadd.s32 @p0 $0xFFFFF800;
	p0 =	seq.s32 s1, $0x1  }
0x9b3: {  	s0 =	simm.s32 @p0 $0x1  }
0x9b4: {  	_ =	swait.ge @p0 [sflag:s0], $0x800  }
0x9b5: {  	s2 =	sld [smem:$0x7EC];
	_ =	sdelay $0x1  }
0x9b6: {  	[sflag:s0] =	ssyncset.done @p0 $0x0  }
0x9b7: {  	[sflag:s0] =	ssyncadd.s32 @p0 $0xFFFFF800;
	p0 =	seq.s32 s2, $0x1  }
0x9b8: {  	s0 =	simm.s32 @p0 $0x1  }
0x9b9: {  	_ =	swait.ge @p0 [sflag:s0], $0x800  }
0x9ba: {  	s3 =	sld [smem:$0x7E8];
	_ =	sdelay $0x1  }
0x9bb: {  	[sflag:s0] =	ssyncset.done @p0 $0x0  }
0x9bc: {  	[sflag:s0] =	ssyncadd.s32 @p0 $0xFFFFF800;
	p0 =	seq.s32 s3, $0x1  }
0x9bd: {  	s0 =	simm.s32 @p0 $0x1  }
0x9be: {  	_ =	swait.ge @p0 [sflag:s0], $0x800  }
0x9bf: {  	s4 =	sld [smem:$0x7ED];
	_ =	sdelay $0x1  }
0x9c0: {  	[sflag:s0] =	ssyncset.done @p0 $0x0  }
0x9c1: {  	[sflag:s0] =	ssyncadd.s32 @p0 $0xFFFFF800;
	p0 =	seq.s32 s4, $0x1  }
0x9c2: {  	s0 =	simm.s32 @p0 $0x1  }
0x9c3: {  	_ =	swait.ge @p0 [sflag:s0], $0x800  }
0x9c4: {  	s5 =	sld [smem:$0x7E7];
	_ =	sdelay $0x1  }
0x9c5: {  	[sflag:s0] =	ssyncset.done @p0 $0x0  }
0x9c6: {  	[sflag:s0] =	ssyncadd.s32 @p0 $0xFFFFF800;
	p0 =	seq.s32 s5, $0x1  }
0x9c7: {  	s0 =	simm.s32 @p0 $0x1  }
0x9c8: {  	_ =	swait.ge @p0 [sflag:s0], $0x800  }
0x9c9: {  	s6 =	sld [smem:$0x7EE];
	_ =	sdelay $0x1  }
0x9ca: {  	[sflag:s0] =	ssyncset.done @p0 $0x0  }
0x9cb: {  	[sflag:s0] =	ssyncadd.s32 @p0 $0xFFFFF800;
	p0 =	seq.s32 s6, $0x1  }
0x9cc: {  	s0 =	simm.s32 @p0 $0x1  }
0x9cd: {  	_ =	swait.ge @p0 [sflag:s0], $0x800  }
0x9ce: {  	s7 =	sld [smem:$0x7E6];
	_ =	sdelay $0x1  }
0x9cf: {  	[sflag:s0] =	ssyncset.done @p0 $0x0  }
0x9d0: {  	[sflag:s0] =	ssyncadd.s32 @p0 $0xFFFFF800;
	p0 =	seq.s32 s7, $0x1  }
0x9d1: {  	s0 =	simm.s32 @p0 $0x1  }
0x9d2: {  	_ =	swait.ge @p0 [sflag:s0], $0x800  }
0x9d3: {  	s8 =	sld [smem:$0x7EF];
	_ =	sdelay $0x1  }
0x9d4: {  	[sflag:s0] =	ssyncset.done @p0 $0x0  }
0x9d5: {  	[sflag:s0] =	ssyncadd.s32 @p0 $0xFFFFF800;
	p0 =	seq.s32 s8, $0x1  }
0x9d6: {  	s0 =	simm.s32 @p0 $0x1  }
0x9d7: {  	_ =	swait.ge @p0 [sflag:s0], $0x800  }
0x9d8: {  	s10 =	sld [smem:$0x7E5];
	_ =	sdelay $0x1  }
0x9d9: {  	[sflag:s0] =	ssyncset.done @p0 $0x0  }
0x9da: {  	[sflag:s0] =	ssyncadd.s32 @p0 $0xFFFFF800;
	p0 =	seq.s32 s10, $0x1  }
0x9db: {  	s0 =	simm.s32 @p0 $0x1  }
0x9dc: {  	_ =	swait.ge @p0 [sflag:s0], $0x800  }
0x9dd: {  	s11 =	sld [smem:$0x7F0];
	_ =	sdelay $0x1  }
0x9de: {  	[sflag:s0] =	ssyncset.done @p0 $0x0  }
0x9df: {  	[sflag:s0] =	ssyncadd.s32 @p0 $0xFFFFF800;
	p0 =	seq.s32 s11, $0x1  }
0x9e0: {  	s0 =	simm.s32 @p0 $0x1  }
0x9e1: {  	_ =	swait.ge @p0 [sflag:s0], $0x800  }
0x9e2: {  	s16 =	sld [smem:$0x7F2];
	_ =	sdelay $0x1  }
0x9e3: {  	[sflag:s0] =	ssyncset.done @p0 $0x0  }
0x9e4: {  	[sflag:s0] =	ssyncadd.s32 @p0 $0xFFFFF800;
	p0 =	seq.s32 s16, $0x1  }
0x9e5: {  	s0 =	simm.s32 @p0 $0x1  }
0x9e6: {  	_ =	swait.ge @p0 [sflag:s0], $0x800  }
0x9e7: {  	s17 =	sld [smem:$0x7F3];
	_ =	sdelay $0x1  }
0x9e8: {  	[sflag:s0] =	ssyncset.done @p0 $0x0  }
0x9e9: {  	[sflag:s0] =	ssyncadd.s32 @p0 $0xFFFFF800;
	p0 =	seq.s32 s17, $0x1  }
0x9ea: {  	s0 =	simm.s32 @p0 $0x1  }
0x9eb: {  	_ =	swait.ge @p0 [sflag:s0], $0x800  }
0x9ec: {  	s18 =	sld [smem:$0x7F1];
	_ =	sdelay $0x1  }
0x9ed: {  	[sflag:s0] =	ssyncset.done @p0 $0x0  }
0x9ee: {  	[sflag:s0] =	ssyncadd.s32 @p0 $0xFFFFF800;
	p0 =	seq.s32 s18, $0x1  }
0x9ef: {  	s0 =	simm.s32 @p0 $0x1  }
0x9f0: {  	_ =	swait.ge @p0 [sflag:s0], $0x800  }
0x9f1: {  	[sflag:s0] =	ssyncset.done @p0 $0x0  }
0x9f2: {  	[sflag:s0] =	ssyncadd.s32 @p0 $0xFFFFF800;
	s0 =	simm.s32 @!p3 $0x1  }
0x9f3: {  	_ =	swait.ge @!p3 [sflag:s0], $0x800  }
0x9f4: {  	s21 =	sld [smem:$0x7CB];
	_ =	sdelay $0x2  }
0x9f5: {  	[sflag:s0] =	ssyncset.done @!p3 $0x0;
	p0 =	seq.s32 s21, $0x1  }
0x9f6: {  	[sflag:s0] =	ssyncadd.s32 @!p3 $0xFFFFF800;
	s0 =	simm.s32 @p0 $0x1  }
0x9f7: {  	_ =	swait.ge @p0 [sflag:s0], $0x800  }
0x9f8: {  	s22 =	sld [smem:$0x7CC];
	_ =	sdelay $0x1  }
0x9f9: {  	[sflag:s0] =	ssyncset.done @p0 $0x0  }
0x9fa: {  	[sflag:s0] =	ssyncadd.s32 @p0 $0xFFFFF800;
	p0 =	seq.s32 s22, $0x1  }
0x9fb: {  	s0 =	simm.s32 @p0 $0x1  }
0x9fc: {  	_ =	swait.ge @p0 [sflag:s0], $0x800  }
0x9fd: {  	s30 =	sld [smem:$0x7CA];
	_ =	sdelay $0x1  }
0x9fe: {  	[sflag:s0] =	ssyncset.done @p0 $0x0  }
0x9ff: {  	[sflag:s0] =	ssyncadd.s32 @p0 $0xFFFFF800;
	p0 =	seq.s32 s30, $0x1  }
0xa00: {  	s0 =	simm.s32 @p0 $0x1  }
0xa01: {  	_ =	swait.ge @p0 [sflag:s0], $0x800  }
0xa02: {  	s31 =	sld [smem:$0x7CD];
	_ =	sdelay $0x1  }
0xa03: {  	[sflag:s0] =	ssyncset.done @p0 $0x0  }
0xa04: {  	[sflag:s0] =	ssyncadd.s32 @p0 $0xFFFFF800;
	p0 =	seq.s32 s31, $0x1  }
0xa05: {  	s0 =	simm.s32 @p0 $0x1  }
0xa06: {  	_ =	swait.ge @p0 [sflag:s0], $0x800  }
0xa07: {  	s1 =	sld [smem:$0x7C9];
	_ =	sdelay $0x1  }
0xa08: {  	[sflag:s0] =	ssyncset.done @p0 $0x0  }
0xa09: {  	[sflag:s0] =	ssyncadd.s32 @p0 $0xFFFFF800;
	p0 =	seq.s32 s1, $0x1  }
0xa0a: {  	s0 =	simm.s32 @p0 $0x1  }
0xa0b: {  	_ =	swait.ge @p0 [sflag:s0], $0x800  }
0xa0c: {  	s2 =	sld [smem:$0x7CE];
	_ =	sdelay $0x1  }
0xa0d: {  	[sflag:s0] =	ssyncset.done @p0 $0x0  }
0xa0e: {  	[sflag:s0] =	ssyncadd.s32 @p0 $0xFFFFF800;
	p0 =	seq.s32 s2, $0x1  }
0xa0f: {  	s0 =	simm.s32 @p0 $0x1  }
0xa10: {  	_ =	swait.ge @p0 [sflag:s0], $0x800  }
0xa11: {  	s3 =	sld [smem:$0x7C8];
	_ =	sdelay $0x1  }
0xa12: {  	[sflag:s0] =	ssyncset.done @p0 $0x0  }
0xa13: {  	[sflag:s0] =	ssyncadd.s32 @p0 $0xFFFFF800;
	p0 =	seq.s32 s3, $0x1  }
0xa14: {  	s0 =	simm.s32 @p0 $0x1  }
0xa15: {  	_ =	swait.ge @p0 [sflag:s0], $0x800  }
0xa16: {  	s4 =	sld [smem:$0x7CF];
	_ =	sdelay $0x1  }
0xa17: {  	[sflag:s0] =	ssyncset.done @p0 $0x0  }
0xa18: {  	[sflag:s0] =	ssyncadd.s32 @p0 $0xFFFFF800;
	p0 =	seq.s32 s4, $0x1  }
0xa19: {  	s0 =	simm.s32 @p0 $0x1  }
0xa1a: {  	_ =	swait.ge @p0 [sflag:s0], $0x800  }
0xa1b: {  	s5 =	sld [smem:$0x7C7];
	_ =	sdelay $0x1  }
0xa1c: {  	[sflag:s0] =	ssyncset.done @p0 $0x0  }
0xa1d: {  	[sflag:s0] =	ssyncadd.s32 @p0 $0xFFFFF800;
	p0 =	seq.s32 s5, $0x1  }
0xa1e: {  	s0 =	simm.s32 @p0 $0x1  }
0xa1f: {  	_ =	swait.ge @p0 [sflag:s0], $0x800  }
0xa20: {  	s6 =	sld [smem:$0x7D0];
	_ =	sdelay $0x1  }
0xa21: {  	[sflag:s0] =	ssyncset.done @p0 $0x0  }
0xa22: {  	[sflag:s0] =	ssyncadd.s32 @p0 $0xFFFFF800;
	p0 =	seq.s32 s6, $0x1  }
0xa23: {  	s0 =	simm.s32 @p0 $0x1  }
0xa24: {  	_ =	swait.ge @p0 [sflag:s0], $0x800  }
0xa25: {  	s7 =	sld [smem:$0x7C6];
	_ =	sdelay $0x1  }
0xa26: {  	[sflag:s0] =	ssyncset.done @p0 $0x0  }
0xa27: {  	[sflag:s0] =	ssyncadd.s32 @p0 $0xFFFFF800;
	p0 =	seq.s32 s7, $0x1  }
0xa28: {  	s0 =	simm.s32 @p0 $0x1  }
0xa29: {  	_ =	swait.ge @p0 [sflag:s0], $0x800  }
0xa2a: {  	s8 =	sld [smem:$0x7D1];
	_ =	sdelay $0x1  }
0xa2b: {  	[sflag:s0] =	ssyncset.done @p0 $0x0  }
0xa2c: {  	[sflag:s0] =	ssyncadd.s32 @p0 $0xFFFFF800;
	p0 =	seq.s32 s8, $0x1  }
0xa2d: {  	s0 =	simm.s32 @p0 $0x1  }
0xa2e: {  	_ =	swait.ge @p0 [sflag:s0], $0x800  }
0xa2f: {  	s10 =	sld [smem:$0x7D3];
	_ =	sdelay $0x1  }
0xa30: {  	[sflag:s0] =	ssyncset.done @p0 $0x0  }
0xa31: {  	[sflag:s0] =	ssyncadd.s32 @p0 $0xFFFFF800;
	p0 =	seq.s32 s10, $0x1  }
0xa32: {  	s0 =	simm.s32 @p0 $0x1  }
0xa33: {  	_ =	swait.ge @p0 [sflag:s0], $0x800  }
0xa34: {  	s11 =	sld [smem:$0x7D4];
	_ =	sdelay $0x1  }
0xa35: {  	[sflag:s0] =	ssyncset.done @p0 $0x0  }
0xa36: {  	[sflag:s0] =	ssyncadd.s32 @p0 $0xFFFFF800;
	p0 =	seq.s32 s11, $0x1  }
0xa37: {  	s0 =	simm.s32 @p0 $0x1  }
0xa38: {  	_ =	swait.ge @p0 [sflag:s0], $0x800  }
0xa39: {  	s16 =	sld [smem:$0x7D2];
	_ =	sdelay $0x1  }
0xa3a: {  	[sflag:s0] =	ssyncset.done @p0 $0x0  }
0xa3b: {  	[sflag:s0] =	ssyncadd.s32 @p0 $0xFFFFF800;
	p0 =	seq.s32 s16, $0x1  }
0xa3c: {  	s0 =	simm.s32 @p0 $0x1  }
0xa3d: {  	_ =	swait.ge @p0 [sflag:s0], $0x800  }
0xa3e: {  	[sflag:s0] =	ssyncset.done @p0 $0x0  }
0xa3f: {  	[sflag:s0] =	ssyncadd.s32 @p0 $0xFFFFF800;
	s0 =	simm.s32 @!p4 $0x1  }
0xa40: {  	_ =	swait.ge @!p4 [sflag:s0], $0x800  }
0xa41: {  	s17 =	sld [smem:$0x7AB];
	_ =	sdelay $0x2  }
0xa42: {  	[sflag:s0] =	ssyncset.done @!p4 $0x0;
	p0 =	seq.s32 s17, $0x1  }
0xa43: {  	[sflag:s0] =	ssyncadd.s32 @!p4 $0xFFFFF800;
	s0 =	simm.s32 @p0 $0x1  }
0xa44: {  	_ =	swait.ge @p0 [sflag:s0], $0x800  }
0xa45: {  	s18 =	sld [smem:$0x7AC];
	_ =	sdelay $0x1  }
0xa46: {  	[sflag:s0] =	ssyncset.done @p0 $0x0  }
0xa47: {  	[sflag:s0] =	ssyncadd.s32 @p0 $0xFFFFF800;
	p0 =	seq.s32 s18, $0x1  }
0xa48: {  	s0 =	simm.s32 @p0 $0x1  }
0xa49: {  	_ =	swait.ge @p0 [sflag:s0], $0x800  }
0xa4a: {  	s21 =	sld [smem:$0x7AA];
	_ =	sdelay $0x1  }
0xa4b: {  	[sflag:s0] =	ssyncset.done @p0 $0x0  }
0xa4c: {  	[sflag:s0] =	ssyncadd.s32 @p0 $0xFFFFF800;
	p0 =	seq.s32 s21, $0x1  }
0xa4d: {  	s0 =	simm.s32 @p0 $0x1  }
0xa4e: {  	_ =	swait.ge @p0 [sflag:s0], $0x800  }
0xa4f: {  	s22 =	sld [smem:$0x7AD];
	_ =	sdelay $0x1  }
0xa50: {  	[sflag:s0] =	ssyncset.done @p0 $0x0  }
0xa51: {  	[sflag:s0] =	ssyncadd.s32 @p0 $0xFFFFF800;
	p0 =	seq.s32 s22, $0x1  }
0xa52: {  	s0 =	simm.s32 @p0 $0x1  }
0xa53: {  	_ =	swait.ge @p0 [sflag:s0], $0x800  }
0xa54: {  	s30 =	sld [smem:$0x7A9];
	_ =	sdelay $0x1  }
0xa55: {  	[sflag:s0] =	ssyncset.done @p0 $0x0  }
0xa56: {  	[sflag:s0] =	ssyncadd.s32 @p0 $0xFFFFF800;
	p0 =	seq.s32 s30, $0x1  }
0xa57: {  	s0 =	simm.s32 @p0 $0x1  }
0xa58: {  	_ =	swait.ge @p0 [sflag:s0], $0x800  }
0xa59: {  	s31 =	sld [smem:$0x7AE];
	_ =	sdelay $0x1  }
0xa5a: {  	[sflag:s0] =	ssyncset.done @p0 $0x0  }
0xa5b: {  	[sflag:s0] =	ssyncadd.s32 @p0 $0xFFFFF800;
	p0 =	seq.s32 s31, $0x1  }
0xa5c: {  	s0 =	simm.s32 @p0 $0x1  }
0xa5d: {  	_ =	swait.ge @p0 [sflag:s0], $0x800  }
0xa5e: {  	s1 =	sld [smem:$0x7A8];
	_ =	sdelay $0x1  }
0xa5f: {  	[sflag:s0] =	ssyncset.done @p0 $0x0  }
0xa60: {  	[sflag:s0] =	ssyncadd.s32 @p0 $0xFFFFF800;
	p0 =	seq.s32 s1, $0x1  }
0xa61: {  	s0 =	simm.s32 @p0 $0x1  }
0xa62: {  	_ =	swait.ge @p0 [sflag:s0], $0x800  }
0xa63: {  	s2 =	sld [smem:$0x7AF];
	_ =	sdelay $0x1  }
0xa64: {  	[sflag:s0] =	ssyncset.done @p0 $0x0  }
0xa65: {  	[sflag:s0] =	ssyncadd.s32 @p0 $0xFFFFF800;
	p0 =	seq.s32 s2, $0x1  }
0xa66: {  	s0 =	simm.s32 @p0 $0x1  }
0xa67: {  	_ =	swait.ge @p0 [sflag:s0], $0x800  }
0xa68: {  	s3 =	sld [smem:$0x7A7];
	_ =	sdelay $0x1  }
0xa69: {  	[sflag:s0] =	ssyncset.done @p0 $0x0  }
0xa6a: {  	[sflag:s0] =	ssyncadd.s32 @p0 $0xFFFFF800;
	p0 =	seq.s32 s3, $0x1  }
0xa6b: {  	s0 =	simm.s32 @p0 $0x1  }
0xa6c: {  	_ =	swait.ge @p0 [sflag:s0], $0x800  }
0xa6d: {  	s4 =	sld [smem:$0x7B0];
	_ =	sdelay $0x1  }
0xa6e: {  	[sflag:s0] =	ssyncset.done @p0 $0x0  }
0xa6f: {  	[sflag:s0] =	ssyncadd.s32 @p0 $0xFFFFF800;
	p0 =	seq.s32 s4, $0x1  }
0xa70: {  	s0 =	simm.s32 @p0 $0x1  }
0xa71: {  	_ =	swait.ge @p0 [sflag:s0], $0x800  }
0xa72: {  	s5 =	sld [smem:$0x7A6];
	_ =	sdelay $0x1  }
0xa73: {  	[sflag:s0] =	ssyncset.done @p0 $0x0  }
0xa74: {  	[sflag:s0] =	ssyncadd.s32 @p0 $0xFFFFF800;
	p0 =	seq.s32 s5, $0x1  }
0xa75: {  	s0 =	simm.s32 @p0 $0x1  }
0xa76: {  	_ =	swait.ge @p0 [sflag:s0], $0x800  }
0xa77: {  	s6 =	sld [smem:$0x7B1];
	_ =	sdelay $0x1  }
0xa78: {  	[sflag:s0] =	ssyncset.done @p0 $0x0  }
0xa79: {  	[sflag:s0] =	ssyncadd.s32 @p0 $0xFFFFF800;
	p0 =	seq.s32 s6, $0x1  }
0xa7a: {  	s0 =	simm.s32 @p0 $0x1  }
0xa7b: {  	_ =	swait.ge @p0 [sflag:s0], $0x800  }
0xa7c: {  	s7 =	sld [smem:$0x7B3];
	_ =	sdelay $0x1  }
0xa7d: {  	[sflag:s0] =	ssyncset.done @p0 $0x0  }
0xa7e: {  	[sflag:s0] =	ssyncadd.s32 @p0 $0xFFFFF800;
	p0 =	seq.s32 s7, $0x1  }
0xa7f: {  	s0 =	simm.s32 @p0 $0x1  }
0xa80: {  	_ =	swait.ge @p0 [sflag:s0], $0x800  }
0xa81: {  	s8 =	sld [smem:$0x7B4];
	_ =	sdelay $0x1  }
0xa82: {  	[sflag:s0] =	ssyncset.done @p0 $0x0  }
0xa83: {  	[sflag:s0] =	ssyncadd.s32 @p0 $0xFFFFF800;
	p0 =	seq.s32 s8, $0x1  }
0xa84: {  	s0 =	simm.s32 @p0 $0x1  }
0xa85: {  	_ =	swait.ge @p0 [sflag:s0], $0x800  }
0xa86: {  	s10 =	sld [smem:$0x7B2];
	_ =	sdelay $0x1  }
0xa87: {  	[sflag:s0] =	ssyncset.done @p0 $0x0  }
0xa88: {  	[sflag:s0] =	ssyncadd.s32 @p0 $0xFFFFF800;
	p0 =	seq.s32 s10, $0x1  }
0xa89: {  	s0 =	simm.s32 @p0 $0x1  }
0xa8a: {  	_ =	swait.ge @p0 [sflag:s0], $0x800  }
0xa8b: {  	[sflag:s0] =	ssyncset.done @p0 $0x0  }
0xa8c: {  	[sflag:s0] =	ssyncadd.s32 @p0 $0xFFFFF800;
	s0 =	simm.s32 @!p5 $0x1  }
0xa8d: {  	_ =	swait.ge @!p5 [sflag:s0], $0x800  }
0xa8e: {  	s11 =	sld [smem:$0x78C];
	_ =	sdelay $0x2  }
0xa8f: {  	[sflag:s0] =	ssyncset.done @!p5 $0x0;
	p0 =	seq.s32 s11, $0x1  }
0xa90: {  	[sflag:s0] =	ssyncadd.s32 @!p5 $0xFFFFF800;
	s0 =	simm.s32 @p0 $0x1  }
0xa91: {  	_ =	swait.ge @p0 [sflag:s0], $0x800  }
0xa92: {  	s16 =	sld [smem:$0x78D];
	_ =	sdelay $0x1  }
0xa93: {  	[sflag:s0] =	ssyncset.done @p0 $0x0  }
0xa94: {  	[sflag:s0] =	ssyncadd.s32 @p0 $0xFFFFF800;
	p0 =	seq.s32 s16, $0x1  }
0xa95: {  	s0 =	simm.s32 @p0 $0x1  }
0xa96: {  	_ =	swait.ge @p0 [sflag:s0], $0x800  }
0xa97: {  	s17 =	sld [smem:$0x78B];
	_ =	sdelay $0x1  }
0xa98: {  	[sflag:s0] =	ssyncset.done @p0 $0x0  }
0xa99: {  	[sflag:s0] =	ssyncadd.s32 @p0 $0xFFFFF800;
	p0 =	seq.s32 s17, $0x1  }
0xa9a: {  	s0 =	simm.s32 @p0 $0x1  }
0xa9b: {  	_ =	swait.ge @p0 [sflag:s0], $0x800  }
0xa9c: {  	s18 =	sld [smem:$0x78E];
	_ =	sdelay $0x1  }
0xa9d: {  	[sflag:s0] =	ssyncset.done @p0 $0x0  }
0xa9e: {  	[sflag:s0] =	ssyncadd.s32 @p0 $0xFFFFF800;
	p0 =	seq.s32 s18, $0x1  }
0xa9f: {  	s0 =	simm.s32 @p0 $0x1  }
0xaa0: {  	_ =	swait.ge @p0 [sflag:s0], $0x800  }
0xaa1: {  	s21 =	sld [smem:$0x78A];
	_ =	sdelay $0x1  }
0xaa2: {  	[sflag:s0] =	ssyncset.done @p0 $0x0  }
0xaa3: {  	[sflag:s0] =	ssyncadd.s32 @p0 $0xFFFFF800;
	p0 =	seq.s32 s21, $0x1  }
0xaa4: {  	s0 =	simm.s32 @p0 $0x1  }
0xaa5: {  	_ =	swait.ge @p0 [sflag:s0], $0x800  }
0xaa6: {  	s22 =	sld [smem:$0x78F];
	_ =	sdelay $0x1  }
0xaa7: {  	[sflag:s0] =	ssyncset.done @p0 $0x0  }
0xaa8: {  	[sflag:s0] =	ssyncadd.s32 @p0 $0xFFFFF800;
	p0 =	seq.s32 s22, $0x1  }
0xaa9: {  	s0 =	simm.s32 @p0 $0x1  }
0xaaa: {  	_ =	swait.ge @p0 [sflag:s0], $0x800  }
0xaab: {  	s30 =	sld [smem:$0x789];
	_ =	sdelay $0x1  }
0xaac: {  	[sflag:s0] =	ssyncset.done @p0 $0x0  }
0xaad: {  	[sflag:s0] =	ssyncadd.s32 @p0 $0xFFFFF800;
	p0 =	seq.s32 s30, $0x1  }
0xaae: {  	s0 =	simm.s32 @p0 $0x1  }
0xaaf: {  	_ =	swait.ge @p0 [sflag:s0], $0x800  }
0xab0: {  	s31 =	sld [smem:$0x790];
	_ =	sdelay $0x1  }
0xab1: {  	[sflag:s0] =	ssyncset.done @p0 $0x0  }
0xab2: {  	[sflag:s0] =	ssyncadd.s32 @p0 $0xFFFFF800;
	p0 =	seq.s32 s31, $0x1  }
0xab3: {  	s0 =	simm.s32 @p0 $0x1  }
0xab4: {  	_ =	swait.ge @p0 [sflag:s0], $0x800  }
0xab5: {  	s1 =	sld [smem:$0x788];
	_ =	sdelay $0x1  }
0xab6: {  	[sflag:s0] =	ssyncset.done @p0 $0x0  }
0xab7: {  	[sflag:s0] =	ssyncadd.s32 @p0 $0xFFFFF800;
	p0 =	seq.s32 s1, $0x1  }
0xab8: {  	s0 =	simm.s32 @p0 $0x1  }
0xab9: {  	_ =	swait.ge @p0 [sflag:s0], $0x800  }
0xaba: {  	s2 =	sld [smem:$0x791];
	_ =	sdelay $0x1  }
0xabb: {  	[sflag:s0] =	ssyncset.done @p0 $0x0  }
0xabc: {  	[sflag:s0] =	ssyncadd.s32 @p0 $0xFFFFF800;
	p0 =	seq.s32 s2, $0x1  }
0xabd: {  	s0 =	simm.s32 @p0 $0x1  }
0xabe: {  	_ =	swait.ge @p0 [sflag:s0], $0x800  }
0xabf: {  	s3 =	sld [smem:$0x787];
	_ =	sdelay $0x1  }
0xac0: {  	[sflag:s0] =	ssyncset.done @p0 $0x0  }
0xac1: {  	[sflag:s0] =	ssyncadd.s32 @p0 $0xFFFFF800;
	p0 =	seq.s32 s3, $0x1  }
0xac2: {  	s0 =	simm.s32 @p0 $0x1  }
0xac3: {  	_ =	swait.ge @p0 [sflag:s0], $0x800  }
0xac4: {  	s4 =	sld [smem:$0x792];
	_ =	sdelay $0x1  }
0xac5: {  	[sflag:s0] =	ssyncset.done @p0 $0x0  }
0xac6: {  	[sflag:s0] =	ssyncadd.s32 @p0 $0xFFFFF800;
	p0 =	seq.s32 s4, $0x1  }
0xac7: {  	s0 =	simm.s32 @p0 $0x1  }
0xac8: {  	_ =	swait.ge @p0 [sflag:s0], $0x800  }
0xac9: {  	s5 =	sld [smem:$0x794];
	_ =	sdelay $0x1  }
0xaca: {  	[sflag:s0] =	ssyncset.done @p0 $0x0  }
0xacb: {  	[sflag:s0] =	ssyncadd.s32 @p0 $0xFFFFF800;
	p0 =	seq.s32 s5, $0x1  }
0xacc: {  	s0 =	simm.s32 @p0 $0x1  }
0xacd: {  	_ =	swait.ge @p0 [sflag:s0], $0x800  }
0xace: {  	s6 =	sld [smem:$0x795];
	_ =	sdelay $0x1  }
0xacf: {  	[sflag:s0] =	ssyncset.done @p0 $0x0  }
0xad0: {  	[sflag:s0] =	ssyncadd.s32 @p0 $0xFFFFF800;
	p0 =	seq.s32 s6, $0x1  }
0xad1: {  	s0 =	simm.s32 @p0 $0x1  }
0xad2: {  	_ =	swait.ge @p0 [sflag:s0], $0x800  }
0xad3: {  	s7 =	sld [smem:$0x793];
	_ =	sdelay $0x1  }
0xad4: {  	[sflag:s0] =	ssyncset.done @p0 $0x0  }
0xad5: {  	[sflag:s0] =	ssyncadd.s32 @p0 $0xFFFFF800;
	p0 =	seq.s32 s7, $0x1  }
0xad6: {  	s1 =	simm.s32 $0x0;
	s0 =	simm.s32 @p0 $0x1  }
0xad7: {  	s2 =	sand.u32 $0x80, s1;
	_ =	swait.ge @p0 [sflag:s0], $0x800  }
0xad8: {  	s1 =	sand.u32 $0x70, s1;
	s2 =	sadd.s32 s2, s9;
	[sflag:s0] =	ssyncset.done @p0 $0x0  }
0xad9: {  	s8 =	sadd.s32 s1, s2;
	[sflag:s0] =	ssyncadd.s32 @p0 $0xFFFFF800  }
0xada: {  	v2 =	vld [tilespmem:s8+$0x0];
	_ =	sdelay $0x4  }
0xadb: {  	v3 =	vand.u32 $0x3, v2;
	_ =	sdelay $0x2  }
0xadc: {  	s21 =	simm.s32 $0x2500  }
0xadd: {  	s10 =	rddreg [dreg:$0x4];
	v4 =	vld [tilespmem:s21+$0x0]  }
0xade: {  	v3 =	vld.idx.msk [tilespmem:v3+s10+$0x0], $0xffff;
	_ =	sdelay $0x4  }
0xadf: {  	v3 =	vadd.s32 v4, v3  }
0xae0: {  	vm3 =	vgt.s32 v3, $0x0  }
0xae1: {  	v2 =	vshll.u32 v2, $0x3;
	v3 =	vnsel vm3, $0x0, v3  }
0xae2: {  	v2 =	vand.u32 $0x60, v2;
	v3 =	vmin.u32 v3, $0x13F  }
0xae3: {  	(v2sf) =	vpush v2, $0x0;
	v3 =	vshll.u32 v3, $0x7  }
0xae4: {  	(v2sf) =	vpush v3, $0x0  }
0xae5: {  	(v2sf) =	vpush v3, $0x1  }
0xae6: {  	(v2sf) =	vpush v3, $0x2  }
0xae7: {  	(v2sf) =	vpush v3, $0x3  }
0xae8: {  	(v2sf) =	vpush v3, $0x4  }
0xae9: {  	(v2sf) =	vpush v3, $0x5  }
0xaea: {  	(v2sf) =	vpush v3, $0x6  }
0xaeb: {  	(v2sf) =	vpush v3, $0x7  }
0xaec: {  	(v2sf) =	vpush v3, $0x8  }
0xaed: {  	(v2sf) =	vpush v3, $0x9  }
0xaee: {  	(v2sf) =	vpush v3, $0xA  }
0xaef: {  	(v2sf) =	vpush v3, $0xB  }
0xaf0: {  	(v2sf) =	vpush v2, $0x1;
	_ =	sdelay $0x1  }
0xaf1: {  	s11 =	spop (v2sf)  }
0xaf2: {  	s16 =	spop (v2sf)  }
0xaf3: {  	s0 =	sor.u32 s11, s16;
	s17 =	spop (v2sf)  }
0xaf4: {  	v63 =	vld [tilespmem:s0+$0x2800];
	s7 =	spop (v2sf)  }
0xaf5: {  	s8 =	spop (v2sf)  }
0xaf6: {  	s18 =	spop (v2sf)  }
0xaf7: {  	(v2sf) =	vpush v3, $0xC;
	s11 =	spop (v2sf)  }
0xaf8: {  	s29 =	simm.s32 $0x16900;
	(v2sf) =	vpush v3, $0xD;
	s16 =	spop (v2sf)  }
0xaf9: {  	(v2sf) =	vpush v3, $0xE;
	[tilespmem:s29+$0xFFFFFF00] =	vst v63;
	s22 =	spop (v2sf)  }
0xafa: {  	(v2sf) =	vpush v3, $0xF;
	v3 =	vld [tilespmem:s0+$0x2810];
	s28 =	spop (v2sf)  }
0xafb: {  	(v2sf) =	vpush v2, $0x2;
	s6 =	spop (v2sf)  }
0xafc: {  	s5 =	spop (v2sf)  }
0xafd: {  	s4 =	spop (v2sf)  }
0xafe: {  	s30 =	spop (v2sf)  }
0xaff: {  	[tilespmem:s29+$0xFFFFFF10] =	vst v3;
	s0 =	sor.u32 s30, s17  }
0xb00: {  	v3 =	vld [tilespmem:s0+$0x2800];
	_ =	sdelay $0x4  }
0xb01: {  	[tilespmem:s29+$0xFFFFFF20] =	vst v3  }
0xb02: {  	s3 =	spop (v2sf);
	v3 =	vld [tilespmem:s0+$0x2810]  }
0xb03: {  	(v2sf) =	vpush v2, $0x3;
	s2 =	spop (v2sf)  }
0xb04: {  	s1 =	spop (v2sf)  }
0xb05: {  	s0 =	spop (v2sf)  }
0xb06: {  	s30 =	spop (v2sf)  }
0xb07: {  	s7 =	sor.u32 s30, s7;
	[tilespmem:s29+$0xFFFFFF30] =	vst v3  }
0xb08: {  	v3 =	vld [tilespmem:s7+$0x2800];
	_ =	sdelay $0x4  }
0xb09: {  	[tilespmem:s29+$0xFFFFFF40] =	vst v3  }
0xb0a: {  	v3 =	vld [tilespmem:s7+$0x2810]  }
0xb0b: {  	(v2sf) =	vpush v2, $0x4;
	_ =	sdelay $0x2  }
0xb0c: {  	s31 =	spop (v2sf)  }
0xb0d: {  	s7 =	sor.u32 s31, s8;
	[tilespmem:s29+$0xFFFFFF50] =	vst v3  }
0xb0e: {  	v3 =	vld [tilespmem:s7+$0x2800];
	_ =	sdelay $0x4  }
0xb0f: {  	[tilespmem:s29+$0xFFFFFF60] =	vst v3  }
0xb10: {  	v3 =	vld [tilespmem:s7+$0x2810]  }
0xb11: {  	(v2sf) =	vpush v2, $0x5;
	_ =	sdelay $0x2  }
0xb12: {  	s8 =	spop (v2sf)  }
0xb13: {  	s7 =	sor.u32 s8, s18;
	[tilespmem:s29+$0xFFFFFF70] =	vst v3  }
0xb14: {  	v3 =	vld [tilespmem:s7+$0x2800];
	_ =	sdelay $0x4  }
0xb15: {  	[tilespmem:s29+$0xFFFFFF80] =	vst v3  }
0xb16: {  	v3 =	vld [tilespmem:s7+$0x2810]  }
0xb17: {  	(v2sf) =	vpush v2, $0x6;
	_ =	sdelay $0x2  }
0xb18: {  	s17 =	spop (v2sf)  }
0xb19: {  	s7 =	sor.u32 s17, s11;
	[tilespmem:s29+$0xFFFFFF90] =	vst v3  }
0xb1a: {  	v3 =	vld [tilespmem:s7+$0x2800];
	_ =	sdelay $0x4  }
0xb1b: {  	[tilespmem:s29+$0xFFFFFFA0] =	vst v3  }
0xb1c: {  	v3 =	vld [tilespmem:s7+$0x2810]  }
0xb1d: {  	(v2sf) =	vpush v2, $0x7;
	_ =	sdelay $0x2  }
0xb1e: {  	s18 =	spop (v2sf)  }
0xb1f: {  	s7 =	sor.u32 s18, s16;
	[tilespmem:s29+$0xFFFFFFB0] =	vst v3  }
0xb20: {  	v3 =	vld [tilespmem:s7+$0x2800];
	_ =	sdelay $0x4  }
0xb21: {  	[tilespmem:s29+$0xFFFFFFC0] =	vst v3  }
0xb22: {  	v3 =	vld [tilespmem:s7+$0x2810]  }
0xb23: {  	(v2sf) =	vpush v2, $0x8;
	_ =	sdelay $0x2  }
0xb24: {  	s30 =	spop (v2sf)  }
0xb25: {  	s7 =	sor.u32 s30, s22;
	[tilespmem:s29+$0xFFFFFFD0] =	vst v3  }
0xb26: {  	v3 =	vld [tilespmem:s7+$0x2800];
	_ =	sdelay $0x4  }
0xb27: {  	[tilespmem:s29+$0xFFFFFFE0] =	vst v3  }
0xb28: {  	v3 =	vld [tilespmem:s7+$0x2810]  }
0xb29: {  	(v2sf) =	vpush v2, $0x9;
	_ =	sdelay $0x2  }
0xb2a: {  	s31 =	spop (v2sf)  }
0xb2b: {  	s7 =	sor.u32 s31, s28;
	[tilespmem:s29+$0xFFFFFFF0] =	vst v3  }
0xb2c: {  	v3 =	vld [tilespmem:s7+$0x2800];
	_ =	sdelay $0x4  }
0xb2d: {  	[tilespmem:s29+$0x0] =	vst v3  }
0xb2e: {  	v3 =	vld [tilespmem:s7+$0x2810]  }
0xb2f: {  	(v2sf) =	vpush v2, $0xA;
	_ =	sdelay $0x2  }
0xb30: {  	s8 =	spop (v2sf)  }
0xb31: {  	s6 =	sor.u32 s8, s6;
	[tilespmem:s29+$0x10] =	vst v3  }
0xb32: {  	v3 =	vld [tilespmem:s6+$0x2800];
	_ =	sdelay $0x4  }
0xb33: {  	[tilespmem:s29+$0x20] =	vst v3  }
0xb34: {  	v3 =	vld [tilespmem:s6+$0x2810]  }
0xb35: {  	(v2sf) =	vpush v2, $0xB;
	_ =	sdelay $0x2  }
0xb36: {  	s10 =	spop (v2sf)  }
0xb37: {  	s5 =	sor.u32 s10, s5;
	[tilespmem:s29+$0x30] =	vst v3  }
0xb38: {  	v3 =	vld [tilespmem:s5+$0x2800];
	_ =	sdelay $0x4  }
0xb39: {  	[tilespmem:s29+$0x40] =	vst v3  }
0xb3a: {  	v3 =	vld [tilespmem:s5+$0x2810]  }
0xb3b: {  	(v2sf) =	vpush v2, $0xC;
	_ =	sdelay $0x2  }
0xb3c: {  	s11 =	spop (v2sf)  }
0xb3d: {  	s4 =	sor.u32 s11, s4;
	[tilespmem:s29+$0x50] =	vst v3  }
0xb3e: {  	v3 =	vld [tilespmem:s4+$0x2800];
	_ =	sdelay $0x4  }
0xb3f: {  	[tilespmem:s29+$0x60] =	vst v3  }
0xb40: {  	v3 =	vld [tilespmem:s4+$0x2810]  }
0xb41: {  	(v2sf) =	vpush v2, $0xD;
	_ =	sdelay $0x2  }
0xb42: {  	s16 =	spop (v2sf)  }
0xb43: {  	s3 =	sor.u32 s16, s3;
	[tilespmem:s29+$0x70] =	vst v3  }
0xb44: {  	v3 =	vld [tilespmem:s3+$0x2800];
	_ =	sdelay $0x4  }
0xb45: {  	[tilespmem:s29+$0x80] =	vst v3  }
0xb46: {  	v3 =	vld [tilespmem:s3+$0x2810]  }
0xb47: {  	(v2sf) =	vpush v2, $0xE;
	_ =	sdelay $0x2  }
0xb48: {  	s17 =	spop (v2sf)  }
0xb49: {  	s2 =	sor.u32 s17, s2;
	[tilespmem:s29+$0x90] =	vst v3  }
0xb4a: {  	v3 =	vld [tilespmem:s2+$0x2800];
	_ =	sdelay $0x4  }
0xb4b: {  	[tilespmem:s29+$0xA0] =	vst v3  }
0xb4c: {  	v3 =	vld [tilespmem:s2+$0x2810]  }
0xb4d: {  	(v2sf) =	vpush v2, $0xF;
	_ =	sdelay $0x2  }
0xb4e: {  	s18 =	spop (v2sf)  }
0xb4f: {  	s1 =	sor.u32 s18, s1;
	[tilespmem:s29+$0xB0] =	vst v3  }
0xb50: {  	v2 =	vld [tilespmem:s1+$0x2800];
	_ =	sdelay $0x4  }
0xb51: {  	[tilespmem:s29+$0xC0] =	vst v2  }
0xb52: {  	v2 =	vld [tilespmem:s1+$0x2810];
	_ =	sdelay $0x3  }
0xb53: {  	s22 =	spop (v2sf)  }
0xb54: {  	s1 =	sor.u32 s22, s0;
	[tilespmem:s29+$0xD0] =	vst v2  }
0xb55: {  	v2 =	vld [tilespmem:s1+$0x2800];
	_ =	sdelay $0x3  }
0xb56: {  	s30 =	simm.s32 $0x10  }
0xb57: {  	s31 =	sand.u32 $0x80, s30;
	s28 =	simm.s32 $0x16B00;
	[tilespmem:s29+$0xE0] =	vst v2  }
0xb58: {  	s2 =	sadd.s32 s31, s9;
	s0 =	simm.s32 $0x20;
	v2 =	vld [tilespmem:s1+$0x2810];
	s1 =	sand.u32 $0x70, s30  }
.LBB2_37:
0xb59: {  	_ =	sdelay $0x3  }
0xb5a: {  	s1 =	sadd.s32 s1, s2;
	[tilespmem:s29+$0xF0] =	vst v2  }
0xb5b: {  	v2 =	vld [tilespmem:s1+$0x0];
	_ =	sdelay $0x4  }
0xb5c: {  	v3 =	vand.u32 $0x3, v2;
	_ =	sdelay $0x2  }
0xb5d: {  	s21 =	sadd.s32 $0x10, s21  }
0xb5e: {  	s17 =	rddreg [dreg:$0x4];
	v4 =	vld [tilespmem:s21+$0x0]  }
0xb5f: {  	v3 =	vld.idx.msk [tilespmem:v3+s17+$0x0], $0xffff;
	_ =	sdelay $0x4  }
0xb60: {  	v3 =	vadd.s32 v4, v3  }
0xb61: {  	vm3 =	vgt.s32 v3, $0x0  }
0xb62: {  	v2 =	vshll.u32 v2, $0x3;
	v3 =	vnsel vm3, $0x0, v3  }
0xb63: {  	v2 =	vand.u32 $0x60, v2;
	v3 =	vmin.u32 v3, $0x13F  }
0xb64: {  	(v2sf) =	vpush v2, $0x0;
	v3 =	vshll.u32 v3, $0x7  }
0xb65: {  	(v2sf) =	vpush v3, $0x0  }
0xb66: {  	(v2sf) =	vpush v3, $0x1  }
0xb67: {  	(v2sf) =	vpush v3, $0x2  }
0xb68: {  	(v2sf) =	vpush v3, $0x3  }
0xb69: {  	(v2sf) =	vpush v3, $0x4  }
0xb6a: {  	(v2sf) =	vpush v3, $0x5  }
0xb6b: {  	(v2sf) =	vpush v3, $0x6  }
0xb6c: {  	(v2sf) =	vpush v3, $0x7  }
0xb6d: {  	(v2sf) =	vpush v3, $0x8  }
0xb6e: {  	(v2sf) =	vpush v3, $0x9  }
0xb6f: {  	(v2sf) =	vpush v3, $0xA  }
0xb70: {  	(v2sf) =	vpush v3, $0xB  }
0xb71: {  	(v2sf) =	vpush v2, $0x1;
	_ =	sdelay $0x1  }
0xb72: {  	s18 =	spop (v2sf);
	(v2sf) =	vpush v3, $0xC  }
0xb73: {  	s31 =	smov.u32 s0;
	s30 =	sadd.s32 $0x10, s0;
	(v2sf) =	vpush v3, $0xD;
	s22 =	spop (v2sf)  }
0xb74: {  	p0 =	sne.s32 s0, $0xF0;
	(v2sf) =	vpush v3, $0xE;
	s0 =	sor.u32 s18, s22;
	s2 =	spop (v2sf)  }
0xb75: {  	(v2sf) =	vpush v3, $0xF;
	v3 =	vld [tilespmem:s0+$0x2800];
	s17 =	spop (v2sf)  }
0xb76: {  	s8 =	spop (v2sf)  }
0xb77: {  	s7 =	spop (v2sf)  }
0xb78: {  	s6 =	spop (v2sf)  }
0xb79: {  	s5 =	spop (v2sf)  }
0xb7a: {  	[tilespmem:s28+$0xFFFFFF00] =	vst v3;
	s10 =	spop (v2sf)  }
0xb7b: {  	v3 =	vld [tilespmem:s0+$0x2810];
	s22 =	spop (v2sf)  }
0xb7c: {  	(v2sf) =	vpush v2, $0x2;
	s16 =	spop (v2sf)  }
0xb7d: {  	s4 =	spop (v2sf)  }
0xb7e: {  	s11 =	spop (v2sf)  }
0xb7f: {  	s3 =	spop (v2sf)  }
0xb80: {  	[tilespmem:s28+$0xFFFFFF10] =	vst v3;
	s18 =	sor.u32 s3, s2  }
0xb81: {  	v3 =	vld [tilespmem:s18+$0x2800];
	_ =	sdelay $0x3  }
0xb82: {  	s2 =	spop (v2sf)  }
0xb83: {  	s3 =	spop (v2sf);
	[tilespmem:s28+$0xFFFFFF20] =	vst v3  }
0xb84: {  	s0 =	spop (v2sf);
	v3 =	vld [tilespmem:s18+$0x2810]  }
0xb85: {  	s1 =	spop (v2sf);
	(v2sf) =	vpush v2, $0x3;
	_ =	sdelay $0x2  }
0xb86: {  	s18 =	spop (v2sf)  }
0xb87: {  	s17 =	sor.u32 s18, s17;
	[tilespmem:s28+$0xFFFFFF30] =	vst v3  }
0xb88: {  	v3 =	vld [tilespmem:s17+$0x2800];
	_ =	sdelay $0x4  }
0xb89: {  	[tilespmem:s28+$0xFFFFFF40] =	vst v3  }
0xb8a: {  	v3 =	vld [tilespmem:s17+$0x2810]  }
0xb8b: {  	(v2sf) =	vpush v2, $0x4;
	_ =	sdelay $0x2  }
0xb8c: {  	s18 =	spop (v2sf)  }
0xb8d: {  	s8 =	sor.u32 s18, s8;
	[tilespmem:s28+$0xFFFFFF50] =	vst v3  }
0xb8e: {  	v3 =	vld [tilespmem:s8+$0x2800];
	_ =	sdelay $0x4  }
0xb8f: {  	[tilespmem:s28+$0xFFFFFF60] =	vst v3  }
0xb90: {  	v3 =	vld [tilespmem:s8+$0x2810]  }
0xb91: {  	(v2sf) =	vpush v2, $0x5;
	_ =	sdelay $0x2  }
0xb92: {  	s18 =	spop (v2sf)  }
0xb93: {  	s7 =	sor.u32 s18, s7;
	[tilespmem:s28+$0xFFFFFF70] =	vst v3  }
0xb94: {  	v3 =	vld [tilespmem:s7+$0x2800];
	_ =	sdelay $0x4  }
0xb95: {  	[tilespmem:s28+$0xFFFFFF80] =	vst v3  }
0xb96: {  	v3 =	vld [tilespmem:s7+$0x2810]  }
0xb97: {  	(v2sf) =	vpush v2, $0x6;
	_ =	sdelay $0x2  }
0xb98: {  	s8 =	spop (v2sf)  }
0xb99: {  	s6 =	sor.u32 s8, s6;
	[tilespmem:s28+$0xFFFFFF90] =	vst v3  }
0xb9a: {  	v3 =	vld [tilespmem:s6+$0x2800];
	_ =	sdelay $0x4  }
0xb9b: {  	[tilespmem:s28+$0xFFFFFFA0] =	vst v3  }
0xb9c: {  	v3 =	vld [tilespmem:s6+$0x2810]  }
0xb9d: {  	(v2sf) =	vpush v2, $0x7;
	_ =	sdelay $0x2  }
0xb9e: {  	s17 =	spop (v2sf)  }
0xb9f: {  	s5 =	sor.u32 s17, s5;
	[tilespmem:s28+$0xFFFFFFB0] =	vst v3  }
0xba0: {  	v3 =	vld [tilespmem:s5+$0x2800];
	_ =	sdelay $0x4  }
0xba1: {  	[tilespmem:s28+$0xFFFFFFC0] =	vst v3  }
0xba2: {  	v3 =	vld [tilespmem:s5+$0x2810]  }
0xba3: {  	(v2sf) =	vpush v2, $0x8;
	_ =	sdelay $0x2  }
0xba4: {  	s18 =	spop (v2sf)  }
0xba5: {  	s5 =	sor.u32 s18, s10;
	[tilespmem:s28+$0xFFFFFFD0] =	vst v3  }
0xba6: {  	v3 =	vld [tilespmem:s5+$0x2800];
	_ =	sdelay $0x4  }
0xba7: {  	[tilespmem:s28+$0xFFFFFFE0] =	vst v3  }
0xba8: {  	v3 =	vld [tilespmem:s5+$0x2810]  }
0xba9: {  	(v2sf) =	vpush v2, $0x9;
	_ =	sdelay $0x2  }
0xbaa: {  	s6 =	spop (v2sf)  }
0xbab: {  	s5 =	sor.u32 s6, s22;
	[tilespmem:s28+$0xFFFFFFF0] =	vst v3  }
0xbac: {  	v3 =	vld [tilespmem:s5+$0x2800];
	_ =	sdelay $0x4  }
0xbad: {  	[tilespmem:s28+$0x0] =	vst v3  }
0xbae: {  	v3 =	vld [tilespmem:s5+$0x2810]  }
0xbaf: {  	(v2sf) =	vpush v2, $0xA;
	_ =	sdelay $0x2  }
0xbb0: {  	s7 =	spop (v2sf)  }
0xbb1: {  	s5 =	sor.u32 s7, s16;
	[tilespmem:s28+$0x10] =	vst v3  }
0xbb2: {  	v3 =	vld [tilespmem:s5+$0x2800];
	_ =	sdelay $0x4  }
0xbb3: {  	[tilespmem:s28+$0x20] =	vst v3  }
0xbb4: {  	v3 =	vld [tilespmem:s5+$0x2810]  }
0xbb5: {  	(v2sf) =	vpush v2, $0xB;
	_ =	sdelay $0x2  }
0xbb6: {  	s8 =	spop (v2sf)  }
0xbb7: {  	s4 =	sor.u32 s8, s4;
	[tilespmem:s28+$0x30] =	vst v3  }
0xbb8: {  	v3 =	vld [tilespmem:s4+$0x2800];
	_ =	sdelay $0x4  }
0xbb9: {  	[tilespmem:s28+$0x40] =	vst v3  }
0xbba: {  	v3 =	vld [tilespmem:s4+$0x2810]  }
0xbbb: {  	(v2sf) =	vpush v2, $0xC;
	_ =	sdelay $0x2  }
0xbbc: {  	s10 =	spop (v2sf)  }
0xbbd: {  	s4 =	sor.u32 s10, s11;
	[tilespmem:s28+$0x50] =	vst v3  }
0xbbe: {  	v3 =	vld [tilespmem:s4+$0x2800];
	_ =	sdelay $0x4  }
0xbbf: {  	[tilespmem:s28+$0x60] =	vst v3  }
0xbc0: {  	v3 =	vld [tilespmem:s4+$0x2810]  }
0xbc1: {  	(v2sf) =	vpush v2, $0xD;
	_ =	sdelay $0x2  }
0xbc2: {  	s11 =	spop (v2sf)  }
0xbc3: {  	s2 =	sor.u32 s11, s2;
	[tilespmem:s28+$0x70] =	vst v3  }
0xbc4: {  	v3 =	vld [tilespmem:s2+$0x2800];
	_ =	sdelay $0x4  }
0xbc5: {  	[tilespmem:s28+$0x80] =	vst v3  }
0xbc6: {  	v3 =	vld [tilespmem:s2+$0x2810]  }
0xbc7: {  	(v2sf) =	vpush v2, $0xE;
	_ =	sdelay $0x2  }
0xbc8: {  	s16 =	spop (v2sf)  }
0xbc9: {  	s2 =	sor.u32 s16, s3;
	[tilespmem:s28+$0x90] =	vst v3  }
0xbca: {  	v3 =	vld [tilespmem:s2+$0x2800];
	_ =	sdelay $0x4  }
0xbcb: {  	[tilespmem:s28+$0xA0] =	vst v3  }
0xbcc: {  	v3 =	vld [tilespmem:s2+$0x2810]  }
0xbcd: {  	(v2sf) =	vpush v2, $0xF;
	_ =	sdelay $0x2  }
0xbce: {  	s17 =	spop (v2sf)  }
0xbcf: {  	s0 =	sor.u32 s17, s0;
	[tilespmem:s28+$0xB0] =	vst v3  }
0xbd0: {  	v2 =	vld [tilespmem:s0+$0x2800];
	_ =	sdelay $0x4  }
0xbd1: {  	[tilespmem:s28+$0xC0] =	vst v2  }
0xbd2: {  	v2 =	vld [tilespmem:s0+$0x2810];
	_ =	sdelay $0x3  }
0xbd3: {  	s18 =	spop (v2sf)  }
0xbd4: {  	s0 =	sor.u32 s18, s1;
	[tilespmem:s28+$0xD0] =	vst v2  }
0xbd5: {  	v2 =	vld [tilespmem:s0+$0x2800];
	_ =	sdelay $0x1  }
.Ltmp19:
0xbd6: {  	_ = 	snop;
	(pc) =	sbr.rel @p0 .LBB2_37-.Ltmp19, $4  }
0xbd7: {  	_ = 	snop  }
0xbd8: {  	s22 =	sand.u32 $0x80, s31  }
0xbd9: {  	s29 =	smov.u32 s28;
	s2 =	sadd.s32 s22, s9;
	[tilespmem:s28+$0xE0] =	vst v2  }
0xbda: {  	s1 =	sand.u32 $0x70, s31;
	s28 =	sadd.s32 $0x200, s28;
	v2 =	vld [tilespmem:s0+$0x2810];
	s0 =	smov.u32 s30  }
0xbdb: {  	_ =	sdelay $0x3  }
0xbdc: {  	s0 =	sadd.s32 s1, s2;
	[tilespmem:s29+$0xF0] =	vst v2  }
0xbdd: {  	v2 =	vld [tilespmem:s0+$0x0];
	_ =	sdelay $0x4  }
0xbde: {  	v3 =	vand.u32 $0x3, v2;
	_ =	sdelay $0x2  }
0xbdf: {  	s17 =	sadd.s32 $0x10, s21  }
0xbe0: {  	s16 =	rddreg [dreg:$0x4];
	v4 =	vld [tilespmem:s17+$0x0]  }
0xbe1: {  	v3 =	vld.idx.msk [tilespmem:v3+s16+$0x0], $0xffff;
	_ =	sdelay $0x4  }
0xbe2: {  	v3 =	vadd.s32 v4, v3  }
0xbe3: {  	vm3 =	vgt.s32 v3, $0x0  }
0xbe4: {  	v2 =	vshll.u32 v2, $0x3;
	v3 =	vnsel vm3, $0x0, v3  }
0xbe5: {  	v2 =	vand.u32 $0x60, v2;
	v3 =	vmin.u32 v3, $0x13F  }
0xbe6: {  	(v2sf) =	vpush v2, $0x0;
	v3 =	vshll.u32 v3, $0x7  }
0xbe7: {  	(v2sf) =	vpush v3, $0x0  }
0xbe8: {  	(v2sf) =	vpush v3, $0x1  }
0xbe9: {  	(v2sf) =	vpush v3, $0x2  }
0xbea: {  	(v2sf) =	vpush v3, $0x3  }
0xbeb: {  	(v2sf) =	vpush v3, $0x4  }
0xbec: {  	(v2sf) =	vpush v3, $0x5  }
0xbed: {  	(v2sf) =	vpush v3, $0x6  }
0xbee: {  	(v2sf) =	vpush v3, $0x7  }
0xbef: {  	(v2sf) =	vpush v3, $0x8  }
0xbf0: {  	(v2sf) =	vpush v3, $0x9  }
0xbf1: {  	(v2sf) =	vpush v3, $0xA  }
0xbf2: {  	(v2sf) =	vpush v3, $0xB  }
0xbf3: {  	(v2sf) =	vpush v2, $0x1;
	_ =	sdelay $0x1  }
0xbf4: {  	s18 =	spop (v2sf)  }
0xbf5: {  	s21 =	spop (v2sf)  }
0xbf6: {  	s0 =	sor.u32 s18, s21;
	s22 =	spop (v2sf)  }
0xbf7: {  	v63 =	vld [tilespmem:s0+$0x2800];
	s7 =	spop (v2sf)  }
0xbf8: {  	s8 =	spop (v2sf)  }
0xbf9: {  	s10 =	spop (v2sf)  }
0xbfa: {  	(v2sf) =	vpush v3, $0xC;
	s11 =	spop (v2sf)  }
0xbfb: {  	(v2sf) =	vpush v3, $0xD;
	s16 =	spop (v2sf)  }
0xbfc: {  	(v2sf) =	vpush v3, $0xE;
	[tilespmem:s28+$0xFFFFFF00] =	vst v63;
	s17 =	spop (v2sf)  }
0xbfd: {  	(v2sf) =	vpush v3, $0xF;
	v3 =	vld [tilespmem:s0+$0x2810];
	s18 =	spop (v2sf)  }
0xbfe: {  	(v2sf) =	vpush v2, $0x2;
	s6 =	spop (v2sf)  }
0xbff: {  	s5 =	spop (v2sf)  }
0xc00: {  	s4 =	spop (v2sf)  }
0xc01: {  	s29 =	spop (v2sf)  }
0xc02: {  	[tilespmem:s28+$0xFFFFFF10] =	vst v3;
	s0 =	sor.u32 s29, s22  }
0xc03: {  	v3 =	vld [tilespmem:s0+$0x2800];
	_ =	sdelay $0x4  }
0xc04: {  	[tilespmem:s28+$0xFFFFFF20] =	vst v3  }
0xc05: {  	s3 =	spop (v2sf);
	v3 =	vld [tilespmem:s0+$0x2810]  }
0xc06: {  	(v2sf) =	vpush v2, $0x3;
	s2 =	spop (v2sf)  }
0xc07: {  	s1 =	spop (v2sf)  }
0xc08: {  	s0 =	spop (v2sf)  }
0xc09: {  	s30 =	spop (v2sf)  }
0xc0a: {  	s7 =	sor.u32 s30, s7;
	[tilespmem:s28+$0xFFFFFF30] =	vst v3  }
0xc0b: {  	v3 =	vld [tilespmem:s7+$0x2800];
	_ =	sdelay $0x4  }
0xc0c: {  	[tilespmem:s28+$0xFFFFFF40] =	vst v3  }
0xc0d: {  	v3 =	vld [tilespmem:s7+$0x2810]  }
0xc0e: {  	(v2sf) =	vpush v2, $0x4;
	_ =	sdelay $0x2  }
0xc0f: {  	s31 =	spop (v2sf)  }
0xc10: {  	s7 =	sor.u32 s31, s8;
	[tilespmem:s28+$0xFFFFFF50] =	vst v3  }
0xc11: {  	v3 =	vld [tilespmem:s7+$0x2800];
	_ =	sdelay $0x4  }
0xc12: {  	[tilespmem:s28+$0xFFFFFF60] =	vst v3  }
0xc13: {  	v3 =	vld [tilespmem:s7+$0x2810]  }
0xc14: {  	(v2sf) =	vpush v2, $0x5;
	_ =	sdelay $0x2  }
0xc15: {  	s8 =	spop (v2sf)  }
0xc16: {  	s7 =	sor.u32 s8, s10;
	[tilespmem:s28+$0xFFFFFF70] =	vst v3  }
0xc17: {  	v3 =	vld [tilespmem:s7+$0x2800];
	_ =	sdelay $0x4  }
0xc18: {  	[tilespmem:s28+$0xFFFFFF80] =	vst v3  }
0xc19: {  	v3 =	vld [tilespmem:s7+$0x2810]  }
0xc1a: {  	(v2sf) =	vpush v2, $0x6;
	_ =	sdelay $0x2  }
0xc1b: {  	s21 =	spop (v2sf)  }
0xc1c: {  	s7 =	sor.u32 s21, s11;
	[tilespmem:s28+$0xFFFFFF90] =	vst v3  }
0xc1d: {  	v3 =	vld [tilespmem:s7+$0x2800];
	_ =	sdelay $0x4  }
0xc1e: {  	[tilespmem:s28+$0xFFFFFFA0] =	vst v3  }
0xc1f: {  	v3 =	vld [tilespmem:s7+$0x2810]  }
0xc20: {  	(v2sf) =	vpush v2, $0x7;
	_ =	sdelay $0x2  }
0xc21: {  	s22 =	spop (v2sf)  }
0xc22: {  	s7 =	sor.u32 s22, s16;
	[tilespmem:s28+$0xFFFFFFB0] =	vst v3  }
0xc23: {  	v3 =	vld [tilespmem:s7+$0x2800];
	_ =	sdelay $0x4  }
0xc24: {  	[tilespmem:s28+$0xFFFFFFC0] =	vst v3  }
0xc25: {  	v3 =	vld [tilespmem:s7+$0x2810]  }
0xc26: {  	(v2sf) =	vpush v2, $0x8;
	_ =	sdelay $0x2  }
0xc27: {  	s29 =	spop (v2sf)  }
0xc28: {  	s7 =	sor.u32 s29, s17;
	[tilespmem:s28+$0xFFFFFFD0] =	vst v3  }
0xc29: {  	v3 =	vld [tilespmem:s7+$0x2800];
	_ =	sdelay $0x4  }
0xc2a: {  	[tilespmem:s28+$0xFFFFFFE0] =	vst v3  }
0xc2b: {  	v3 =	vld [tilespmem:s7+$0x2810]  }
0xc2c: {  	(v2sf) =	vpush v2, $0x9;
	_ =	sdelay $0x2  }
0xc2d: {  	s30 =	spop (v2sf)  }
0xc2e: {  	s7 =	sor.u32 s30, s18;
	[tilespmem:s28+$0xFFFFFFF0] =	vst v3  }
0xc2f: {  	v3 =	vld [tilespmem:s7+$0x2800];
	_ =	sdelay $0x4  }
0xc30: {  	[tilespmem:s28+$0x0] =	vst v3  }
0xc31: {  	v3 =	vld [tilespmem:s7+$0x2810]  }
0xc32: {  	(v2sf) =	vpush v2, $0xA;
	_ =	sdelay $0x2  }
0xc33: {  	s31 =	spop (v2sf)  }
0xc34: {  	s6 =	sor.u32 s31, s6;
	[tilespmem:s28+$0x10] =	vst v3  }
0xc35: {  	v3 =	vld [tilespmem:s6+$0x2800];
	_ =	sdelay $0x4  }
0xc36: {  	[tilespmem:s28+$0x20] =	vst v3  }
0xc37: {  	v3 =	vld [tilespmem:s6+$0x2810]  }
0xc38: {  	(v2sf) =	vpush v2, $0xB;
	_ =	sdelay $0x2  }
0xc39: {  	s8 =	spop (v2sf)  }
0xc3a: {  	s5 =	sor.u32 s8, s5;
	[tilespmem:s28+$0x30] =	vst v3  }
0xc3b: {  	v3 =	vld [tilespmem:s5+$0x2800];
	_ =	sdelay $0x4  }
0xc3c: {  	[tilespmem:s28+$0x40] =	vst v3  }
0xc3d: {  	v3 =	vld [tilespmem:s5+$0x2810]  }
0xc3e: {  	(v2sf) =	vpush v2, $0xC;
	_ =	sdelay $0x2  }
0xc3f: {  	s10 =	spop (v2sf)  }
0xc40: {  	s4 =	sor.u32 s10, s4;
	[tilespmem:s28+$0x50] =	vst v3  }
0xc41: {  	v3 =	vld [tilespmem:s4+$0x2800];
	_ =	sdelay $0x4  }
0xc42: {  	[tilespmem:s28+$0x60] =	vst v3  }
0xc43: {  	v3 =	vld [tilespmem:s4+$0x2810]  }
0xc44: {  	(v2sf) =	vpush v2, $0xD;
	_ =	sdelay $0x2  }
0xc45: {  	s11 =	spop (v2sf)  }
0xc46: {  	s3 =	sor.u32 s11, s3;
	[tilespmem:s28+$0x70] =	vst v3  }
0xc47: {  	v3 =	vld [tilespmem:s3+$0x2800];
	_ =	sdelay $0x4  }
0xc48: {  	[tilespmem:s28+$0x80] =	vst v3  }
0xc49: {  	v3 =	vld [tilespmem:s3+$0x2810]  }
0xc4a: {  	(v2sf) =	vpush v2, $0xE;
	_ =	sdelay $0x2  }
0xc4b: {  	s16 =	spop (v2sf)  }
0xc4c: {  	s2 =	sor.u32 s16, s2;
	[tilespmem:s28+$0x90] =	vst v3  }
0xc4d: {  	v3 =	vld [tilespmem:s2+$0x2800];
	_ =	sdelay $0x4  }
0xc4e: {  	[tilespmem:s28+$0xA0] =	vst v3  }
0xc4f: {  	v3 =	vld [tilespmem:s2+$0x2810]  }
0xc50: {  	(v2sf) =	vpush v2, $0xF;
	_ =	sdelay $0x2  }
0xc51: {  	s17 =	spop (v2sf)  }
0xc52: {  	s1 =	sor.u32 s17, s1;
	[tilespmem:s28+$0xB0] =	vst v3  }
0xc53: {  	v2 =	vld [tilespmem:s1+$0x2800];
	_ =	sdelay $0x4  }
0xc54: {  	[tilespmem:s28+$0xC0] =	vst v2  }
0xc55: {  	v2 =	vld [tilespmem:s1+$0x2810];
	_ =	sdelay $0x3  }
0xc56: {  	s18 =	spop (v2sf)  }
0xc57: {  	s0 =	sor.u32 s18, s0;
	[tilespmem:s28+$0xD0] =	vst v2  }
0xc58: {  	v2 =	vld [tilespmem:s0+$0x2800];
	_ =	sdelay $0x4  }
0xc59: {  	[tilespmem:s28+$0xE0] =	vst v2  }
0xc5a: {  	v2 =	vld [tilespmem:s0+$0x2810];
	_ =	sdelay $0x1  }
0xc5b: {  	s21 =	rddreg [dreg:$0x5]  }
0xc5c: {  	s0 =	sadd.s32 s21, s9  }
0xc5d: {  	s22 =	rddreg [dreg:$0x1];
	s29 =	simm.s32 $0x16800;
	s0 =	sshll.u32 s0, $0x2  }
0xc5e: {  	s30 =	simm.s32 $0x3;
	s0 =	sadd.s32 s22, s0;
	[tilespmem:s28+$0xF0] =	vst v2;
	s28 =	simm.s32 $0x0  }
0xc5f: {  	[hbm4b:s0+s28] =	stream.linear.scatter [tilespmem:s29], [sflag:$0x3], $0x2000, $0x38;
	[tilespmem:$0x18800] =	vst v63  }
0xc60: {  	_ =	swait.ge [sflag:s30], $0x2000  }
0xc61: {  	s31 =	rddreg [dreg:$0xd]  }
0xc62: {  	s1 =	sadd.s32 $0x1, s31  }
0xc63: {  	p0 =	sne.s32 s1, $0xD  }
.Ltmp20:
0xc64: {  	_ = 	snop;
	(pc) =	sbr.rel @p0 .LBB2_2-.Ltmp20, $4  }
0xc65: {  	s16 =	rddreg [dreg:$0x6]  }
0xc66: {  	s17 =	rddreg [dreg:$0x7]  }
0xc67: {  	[sflag:s30] =	ssyncset.done $0x0;
	s18 =	rddreg [dreg:$0x8]  }
0xc68: {  	s22 =	rddreg [dreg:$0x9];
	[sflag:s30] =	ssyncadd.s32 $0xFFFFE000  }
0xc69: {  	s1 =	rddreg [dreg:$0xc]  }
0xc6a: {  	s0 =	rddreg [dreg:$0xb];
	s1 =	sadd.s32 $0x1, s1  }
0xc6b: {  	p0 =	sne.s32 s1, s0  }
.Ltmp21:
0xc6c: {  	_ = 	snop;
	(pc) =	sbr.rel @p0 .LBB2_1-.Ltmp21, $1  }
0xc6d: {  	_ =	sdelay $0x3  }
0xc6e: {  	_ =	sfence.sel $0x180000  }
0xc6f: {  	[bflag:$0x0] =	sbarrier.arrive $0xFFFF  }
0xc70: {  	_ =	strace $0x90000047  }
0xc71: {  	s0 =	stileid.u32;
	[bflag:$0x2] =	sbarrier.arrive $0xFFFF  }
0xc72: {  	p0 =	sne.s32 s0, $0x0;
	s0 =	rddreg [dreg:$0x2]  }
0xc73: {  	s0 =	sadd.s32 @!p0 $0x100000, s0  }
0xc74: {  	[sflag:s0] =	ssyncadd.tile.s32 @!p0 $0x1;
	_ =	shalt  }
.Lfunc_end2:
_tile_overlayer_lowered:
.L_overlay_start_2:
0xc75: {  	(tag) =	ssettag $0x2  }
0xc76: {  	s0 =	rddreg [dreg:$0x0];
	s2 =	stileid.u32  }
0xc77: {  	s1 =	rddreg [dreg:$0x1];
	p0 =	sne.s32 s2, $0x0  }
0xc78: {  	s3 =	rddreg [dreg:$0x2];
	[bflag:$0x3] =	sbarrier.arrive $0xFFFF;
	s2 =	simm.s32 @!p0 $0x1C03  }
0xc79: {  	[timem:s3], [sflag:s2] =	dma.local @!p0 [hbm:s0], s1  }
0xc7a: {  	s0 =	simm.s32 @!p0 $0x3  }
0xc7b: {  	_ =	swait.ge @!p0 [sflag:s0], s1  }
0xc7c: {  	s1 =	ssub.s32 @!p0 $0x0, s1;
	[sflag:s0] =	ssyncset.done @!p0 $0x0  }
0xc7d: {  	[sflag:s0] =	ssyncadd.s32 @!p0 s1  }
0xc7e: {  	[bflag:$0x3] =	sbarrier.arrive $0xFFFF  }
0xc7f: {  	_ =	shalt  }

</sc_bundles>
